<compile_context>
chip_gen: v7x
topology: tpu7x:2x2x1
jax: 0.10.2.dev20260603
libtpu: 0.0.44.dev20260713+nightly
codegen_flags: <defaults>
</compile_context>

<pallas_src>
import functools

import jax
import jax.numpy as jnp
from jax import lax
from jax.experimental import pallas as pl
from jax.experimental.pallas import tpu as pltpu
from jax.experimental.pallas import tpu_sc as plsc

_EMBED = 64
_B = 128


@functools.cache
def _make_lookup(seq: int, nb: int):
  info = plsc.get_sparse_core_info()
  nw = info.num_cores * info.num_subcores
  n_items = seq * nb
  items_per_w = n_items // nw
  assert n_items % nw == 0 and items_per_w % 2 == 0

  mesh = plsc.VectorSubcoreMesh(core_axis_name="c", subcore_axis_name="s")

  @functools.partial(
      pl.kernel,
      out_type=jax.ShapeDtypeStruct((seq, 8, nb, 8, _B), jnp.float32),
      mesh=mesh,
      scratch_types=[
          pltpu.VMEM((_B,), jnp.int32),
          pltpu.VMEM((_B,), jnp.int32),
          pltpu.VMEM((_B, _EMBED), jnp.float32),
          pltpu.VMEM((_B, _EMBED), jnp.float32),
          pltpu.VMEM((8, 8, _B), jnp.float32),
          pltpu.VMEM((8, 8, _B), jnp.float32),
          pltpu.SemaphoreType.DMA,
          pltpu.SemaphoreType.DMA,
          pltpu.SemaphoreType.DMA,
          pltpu.SemaphoreType.DMA,
          pltpu.SemaphoreType.DMA,
          pltpu.SemaphoreType.DMA,
      ],
      compiler_params=pltpu.CompilerParams(
          use_tc_tiling_on_sc=False, needs_layout_passes=False),
  )
  def lookup(idx_hbm, table_hbm, out_hbm,
             idx0, idx1, rows0, rows1, t0, t1,
             si0, si1, sg0, sg1, so0, so1):
    wid = lax.axis_index("s") * info.num_cores + lax.axis_index("c")
    base = wid * items_per_w
    last = base + items_per_w - 1

    iotas = [lax.iota(jnp.int32, 16) + 16 * j for j in range(8)]

    def item_sb(t):
      return t // nb, lax.rem(t, nb)

    def load_idx(t, idx_v, sem):
      s, b = item_sb(t)
      pltpu.async_copy(idx_hbm.at[s, b], idx_v, sem)

    def wait_idx(idx_v, sem):
      pltpu.make_async_copy(idx_hbm.at[0, 0], idx_v, sem).wait()

    def fire_gather(idx_v, rows_v, sem):
      pltpu.async_copy(table_hbm.at[idx_v], rows_v, sem)

    def wait_gather(rows_v, sem):
      pltpu.make_async_copy(table_hbm.at[pl.ds(0, _B)], rows_v, sem).wait()

    def transpose(rows_v, t_v):
      @plsc.parallel_loop(0, 16, step=1, unroll=4)
      def _body(d):
        tmp = iotas[0] + d
        emod = jnp.where(tmp < 16, tmp, tmp - 16)
        emodh = emod // 8
        emodl = lax.rem(emod, 8)
        for eb in range(4):
          ehvec = emodh + 2 * eb
          for j in range(8):
            bvec = iotas[j]
            evec = emod + 16 * eb
            v = plsc.load_gather(rows_v, [bvec, evec])
            plsc.store_scatter(t_v, [ehvec, emodl, bvec], v)

    def fire_out(t, t_v, sem):
      s, b = item_sb(t)
      for eh in range(8):
        pltpu.async_copy(t_v.at[eh], out_hbm.at[s, eh, b], sem)

    def wait_out(t_v, sem):
      pltpu.make_async_copy(t_v, out_hbm.at[0, :, 0], sem).wait()

    pltpu.sync_copy(idx_hbm.at[base // nb, lax.rem(base, nb)], idx0)
    fire_gather(idx0, rows0, sg0)
    pltpu.sync_copy(idx_hbm.at[(base + 1) // nb, lax.rem(base + 1, nb)], idx1)
    fire_gather(idx1, rows1, sg1)
    fire_out(base, t0, so0)
    fire_out(base + 1, t1, so1)

    def slot(t, idx_v, rows_v, t_v, si, sg, so):
      wait_gather(rows_v, sg)
      load_idx(jnp.minimum(t + 2, last), idx_v, si)
      wait_out(t_v, so)
      transpose(rows_v, t_v)
      fire_out(t, t_v, so)
      wait_idx(idx_v, si)
      fire_gather(idx_v, rows_v, sg)

    def body(g, carry):
      t = base + 2 * g
      slot(t, idx0, rows0, t0, si0, sg0, so0)
      slot(t + 1, idx1, rows1, t1, si1, sg1, so1)
      return carry

    lax.fori_loop(0, items_per_w // 2, body, 0)

    wait_gather(rows0, sg0)
    wait_gather(rows1, sg1)
    wait_out(t0, so0)
    wait_out(t1, so1)

  return lookup


def kernel(x, table):
  b, seq = x.shape
  nb = b // _B
  idx = x.astype(jnp.int32).T.reshape(seq, nb, _B)
  out5 = _make_lookup(seq, nb)(idx, table)
  return out5.transpose((2, 4, 0, 1, 3)).reshape(b, seq, _EMBED)

# --- scband reference (transcript-rebuilt; emitter-appended) ---
"""Pipeline reference for scband-embedin-29326036697590 (READ-ONLY COPY).

The authoritative reference and input builder live on the scoring server;
editing this copy changes nothing except your own understanding.
"""

import jax, jax.numpy as jnp
import numpy as np

VOCAB = 1000000
EMBED = 64

def setup_inputs(seed: int = 0) -> dict:
    key = jax.random.key(seed)
    k1, k2 = jax.random.split(key)
    x = jax.random.randint(k1, (16384, 50), 0, VOCAB, dtype=jnp.int64)
    table = jax.random.normal(k2, (VOCAB, EMBED), dtype=jnp.float32) * 0.02
    return {"x": x, "table": table}

def reference(x, table):
    # nn.Embedding forward: gather rows of the table by index
    out = jnp.take(table, x, axis=0)
    return out

if __name__ == "__main__":
    import jax
    _d = setup_inputs()
    print(jax.jit(kernel)(*tuple(_d.values())))

</pallas_src>

<mosaic_0001>
#map = affine_map<(d0, d1) -> (0, 0, 0)>
#map1 = affine_map<(d0, d1) -> (0, 0)>
#map2 = affine_map<(d0, d1) -> (0, 0, 0, 0, 0)>
module attributes {stable_mosaic.version = 14 : i64} {
  func.func @lookup(%arg0: i32, %arg1: i32, %arg2: memref<50x128x128xi32, #tpu.memory_space<hbm>>, %arg3: memref<1000000x64xf32, #tpu.memory_space<hbm>>, %arg4: memref<50x8x128x8x128xf32, #tpu.memory_space<hbm>>, %arg5: memref<128xi32, #tpu.memory_space<vmem>>, %arg6: memref<128xi32, #tpu.memory_space<vmem>>, %arg7: memref<128x64xf32, #tpu.memory_space<vmem>>, %arg8: memref<128x64xf32, #tpu.memory_space<vmem>>, %arg9: memref<8x8x128xf32, #tpu.memory_space<vmem>>, %arg10: memref<8x8x128xf32, #tpu.memory_space<vmem>>, %arg11: memref<!tpu.dma_semaphore, #tpu.memory_space<semaphore_mem>>, %arg12: memref<!tpu.dma_semaphore, #tpu.memory_space<semaphore_mem>>, %arg13: memref<!tpu.dma_semaphore, #tpu.memory_space<semaphore_mem>>, %arg14: memref<!tpu.dma_semaphore, #tpu.memory_space<semaphore_mem>>, %arg15: memref<!tpu.dma_semaphore, #tpu.memory_space<semaphore_mem>>, %arg16: memref<!tpu.dma_semaphore, #tpu.memory_space<semaphore_mem>>) attributes {dimension_semantics = [#tpu.dimension_semantics<core_parallel>, #tpu.dimension_semantics<subcore_parallel>], iteration_bounds = array<i64: 2, 16>, scalar_prefetch = 0 : i64, scratch_operands = 12 : i64, tpu.core_type = #tpu.core_type<sc_vector_subcore>, window_params = [{transform_indices = #map}, {transform_indices = #map1}, {transform_indices = #map2}]} {
    %mul3A = arith.constant 2 : i32
    %mul3A_0 = arith.muli %arg1, %mul3A : i32
    %add3A = arith.addi %mul3A_0, %arg0 : i32
    %mul3A_1 = arith.constant 200 : i32
    %mul3A_2 = arith.muli %add3A, %mul3A_1 : i32
    %add3A_3 = arith.constant 200 : i32
    %add3A_4 = arith.addi %mul3A_2, %add3A_3 : i32
    %sub3A = arith.constant 1 : i32
    %sub3A_5 = arith.subi %add3A_4, %sub3A : i32
    %iota3A = tpu.iota {dimensions = array<i32: 0>} : vector<16xi32>
    %add3A_6 = arith.constant 0 : i32
    %add3A_7 = vector.broadcast %add3A_6 : i32 to vector<16xi32>
    %add3A_8 = arith.addi %iota3A, %add3A_7 : vector<16xi32>
    %iota3A_9 = tpu.iota {dimensions = array<i32: 0>} : vector<16xi32>
    %add3A_10 = arith.constant 16 : i32
    %add3A_11 = vector.broadcast %add3A_10 : i32 to vector<16xi32>
    %add3A_12 = arith.addi %iota3A_9, %add3A_11 : vector<16xi32>
    %iota3A_13 = tpu.iota {dimensions = array<i32: 0>} : vector<16xi32>
    %add3A_14 = arith.constant 32 : i32
    %add3A_15 = vector.broadcast %add3A_14 : i32 to vector<16xi32>
    %add3A_16 = arith.addi %iota3A_13, %add3A_15 : vector<16xi32>
    %iota3A_17 = tpu.iota {dimensions = array<i32: 0>} : vector<16xi32>
    %add3A_18 = arith.constant 48 : i32
    %add3A_19 = vector.broadcast %add3A_18 : i32 to vector<16xi32>
    %add3A_20 = arith.addi %iota3A_17, %add3A_19 : vector<16xi32>
    %iota3A_21 = tpu.iota {dimensions = array<i32: 0>} : vector<16xi32>
    %add3A_22 = arith.constant 64 : i32
    %add3A_23 = vector.broadcast %add3A_22 : i32 to vector<16xi32>
    %add3A_24 = arith.addi %iota3A_21, %add3A_23 : vector<16xi32>
    %iota3A_25 = tpu.iota {dimensions = array<i32: 0>} : vector<16xi32>
    %add3A_26 = arith.constant 80 : i32
    %add3A_27 = vector.broadcast %add3A_26 : i32 to vector<16xi32>
    %add3A_28 = arith.addi %iota3A_25, %add3A_27 : vector<16xi32>
    %iota3A_29 = tpu.iota {dimensions = array<i32: 0>} : vector<16xi32>
    %add3A_30 = arith.constant 96 : i32
    %add3A_31 = vector.broadcast %add3A_30 : i32 to vector<16xi32>
    %add3A_32 = arith.addi %iota3A_29, %add3A_31 : vector<16xi32>
    %iota3A_33 = tpu.iota {dimensions = array<i32: 0>} : vector<16xi32>
    %add3A_34 = arith.constant 112 : i32
    %add3A_35 = vector.broadcast %add3A_34 : i32 to vector<16xi32>
    %add3A_36 = arith.addi %iota3A_33, %add3A_35 : vector<16xi32>
    %jit3A = arith.constant 128 : i32
    %div3A = arith.divsi %mul3A_2, %jit3A : i32
    %sign3A = arith.constant 0 : i32
    %sign3A_37 = arith.cmpi sgt, %mul3A_2, %sign3A : i32
    %sign3A_38 = arith.extui %sign3A_37 : i1 to i32
    %sign3A_39 = arith.constant 0 : i32
    %sign3A_40 = arith.cmpi slt, %mul3A_2, %sign3A_39 : i32
    %sign3A_41 = arith.extui %sign3A_40 : i1 to i32
    %sign3A_42 = arith.subi %sign3A_38, %sign3A_41 : i32
    %sign3A_43 = arith.constant 0 : i32
    %sign3A_44 = arith.cmpi sgt, %jit3A, %sign3A_43 : i32
    %sign3A_45 = arith.extui %sign3A_44 : i1 to i32
    %sign3A_46 = arith.constant 0 : i32
    %sign3A_47 = arith.cmpi slt, %jit3A, %sign3A_46 : i32
    %sign3A_48 = arith.extui %sign3A_47 : i1 to i32
    %sign3A_49 = arith.subi %sign3A_45, %sign3A_48 : i32
    %ne3A = arith.cmpi ne, %sign3A_42, %sign3A_49 : i32
    %rem3A = arith.remsi %mul3A_2, %jit3A : i32
    %ne3A_50 = arith.constant 0 : i32
    %ne3A_51 = arith.cmpi ne, %rem3A, %ne3A_50 : i32
    %and3A = arith.andi %ne3A, %ne3A_51 : i1
    %sub3A_52 = arith.constant 1 : i32
    %sub3A_53 = arith.subi %div3A, %sub3A_52 : i32
    %select_n3A = arith.select %and3A, %sub3A_53, %div3A : i32
    %rem3A_54 = arith.constant 128 : i32
    %rem3A_55 = arith.remsi %mul3A_2, %rem3A_54 : i32
    "tpu.region"() ({
      %run_scoped3A = tpu.sem_alloc : memref<!tpu.dma_semaphore, #tpu.memory_space<semaphore_mem>>
      %dma_start3A_473 = arith.constant 0 : i32
      %dma_start3A_474 = tpu.memref_slice %arg2[%select_n3A, %rem3A_55, %dma_start3A_473] : memref<50x128x128xi32, #tpu.memory_space<hbm>> -> memref<1x1x128xi32, #tpu.memory_space<hbm>>
      %dma_start3A_475 = tpu.memref_squeeze %dma_start3A_474 : memref<1x1x128xi32, #tpu.memory_space<hbm>> -> memref<128xi32, #tpu.memory_space<hbm>>
      %dma_start3A_476 = arith.constant 0 : i32
      %dma_start3A_477 = tpu.memref_slice %arg2[%select_n3A, %rem3A_55, %dma_start3A_476] : memref<50x128x128xi32, #tpu.memory_space<hbm>> -> memref<1x1x128xi32, #tpu.memory_space<hbm>>
      %dma_start3A_478 = tpu.memref_squeeze %dma_start3A_477 : memref<1x1x128xi32, #tpu.memory_space<hbm>> -> memref<128xi32, #tpu.memory_space<hbm>>
      tpu.enqueue_dma source(%dma_start3A_478 : memref<128xi32, #tpu.memory_space<hbm>>) target(%arg5 : memref<128xi32, #tpu.memory_space<vmem>>) target_semaphore(%run_scoped3A : memref<!tpu.dma_semaphore, #tpu.memory_space<semaphore_mem>>)
      %dma_wait3A_479 = arith.constant 0 : i32
      %dma_wait3A_480 = tpu.memref_slice %arg2[%select_n3A, %rem3A_55, %dma_wait3A_479] : memref<50x128x128xi32, #tpu.memory_space<hbm>> -> memref<1x1x128xi32, #tpu.memory_space<hbm>>
      %dma_wait3A_481 = tpu.memref_squeeze %dma_wait3A_480 : memref<1x1x128xi32, #tpu.memory_space<hbm>> -> memref<128xi32, #tpu.memory_space<hbm>>
      %dma_wait3A_482 = arith.constant 0 : i32
      %dma_wait3A_483 = tpu.memref_slice %arg2[%select_n3A, %rem3A_55, %dma_wait3A_482] : memref<50x128x128xi32, #tpu.memory_space<hbm>> -> memref<1x1x128xi32, #tpu.memory_space<hbm>>
      %dma_wait3A_484 = tpu.memref_squeeze %dma_wait3A_483 : memref<1x1x128xi32, #tpu.memory_space<hbm>> -> memref<128xi32, #tpu.memory_space<hbm>>
      tpu.wait_dma2 semaphore(%run_scoped3A : memref<!tpu.dma_semaphore, #tpu.memory_space<semaphore_mem>>) src(%dma_wait3A_484 : memref<128xi32, #tpu.memory_space<hbm>>) dst(%arg5 : memref<128xi32, #tpu.memory_space<vmem>>)
      tpu.yield
    }) : () -> ()
    %dma_start3A = arith.constant 0 : i32
    %dma_start3A_56 = arith.constant 0 : i32
    %dma_start3A_57 = tpu.memref_slice %arg3[%dma_start3A, %dma_start3A_56] : memref<1000000x64xf32, #tpu.memory_space<hbm>> -> memref<1000000x64xf32, #tpu.memory_space<hbm>>
    tpu.enqueue_indirect_dma source(%dma_start3A_57 : memref<1000000x64xf32, #tpu.memory_space<hbm>>) target(%arg7 : memref<128x64xf32, #tpu.memory_space<vmem>>) offsets(%arg5 : memref<128xi32, #tpu.memory_space<vmem>>) semaphore(%arg13 : memref<!tpu.dma_semaphore, #tpu.memory_space<semaphore_mem>>)
    %add3A_58 = arith.constant 1 : i32
    %add3A_59 = arith.addi %mul3A_2, %add3A_58 : i32
    %jit3A_60 = arith.constant 128 : i32
    %div3A_61 = arith.divsi %add3A_59, %jit3A_60 : i32
    %sign3A_62 = arith.constant 0 : i32
    %sign3A_63 = arith.cmpi sgt, %add3A_59, %sign3A_62 : i32
    %sign3A_64 = arith.extui %sign3A_63 : i1 to i32
    %sign3A_65 = arith.constant 0 : i32
    %sign3A_66 = arith.cmpi slt, %add3A_59, %sign3A_65 : i32
    %sign3A_67 = arith.extui %sign3A_66 : i1 to i32
    %sign3A_68 = arith.subi %sign3A_64, %sign3A_67 : i32
    %sign3A_69 = arith.constant 0 : i32
    %sign3A_70 = arith.cmpi sgt, %jit3A_60, %sign3A_69 : i32
    %sign3A_71 = arith.extui %sign3A_70 : i1 to i32
    %sign3A_72 = arith.constant 0 : i32
    %sign3A_73 = arith.cmpi slt, %jit3A_60, %sign3A_72 : i32
    %sign3A_74 = arith.extui %sign3A_73 : i1 to i32
    %sign3A_75 = arith.subi %sign3A_71, %sign3A_74 : i32
    %ne3A_76 = arith.cmpi ne, %sign3A_68, %sign3A_75 : i32
    %rem3A_77 = arith.remsi %add3A_59, %jit3A_60 : i32
    %ne3A_78 = arith.constant 0 : i32
    %ne3A_79 = arith.cmpi ne, %rem3A_77, %ne3A_78 : i32
    %and3A_80 = arith.andi %ne3A_76, %ne3A_79 : i1
    %sub3A_81 = arith.constant 1 : i32
    %sub3A_82 = arith.subi %div3A_61, %sub3A_81 : i32
    %select_n3A_83 = arith.select %and3A_80, %sub3A_82, %div3A_61 : i32
    %add3A_84 = arith.constant 1 : i32
    %add3A_85 = arith.addi %mul3A_2, %add3A_84 : i32
    %rem3A_86 = arith.constant 128 : i32
    %rem3A_87 = arith.remsi %add3A_85, %rem3A_86 : i32
    "tpu.region"() ({
      %run_scoped3A = tpu.sem_alloc : memref<!tpu.dma_semaphore, #tpu.memory_space<semaphore_mem>>
      %dma_start3A_473 = arith.constant 0 : i32
      %dma_start3A_474 = tpu.memref_slice %arg2[%select_n3A_83, %rem3A_87, %dma_start3A_473] : memref<50x128x128xi32, #tpu.memory_space<hbm>> -> memref<1x1x128xi32, #tpu.memory_space<hbm>>
      %dma_start3A_475 = tpu.memref_squeeze %dma_start3A_474 : memref<1x1x128xi32, #tpu.memory_space<hbm>> -> memref<128xi32, #tpu.memory_space<hbm>>
      %dma_start3A_476 = arith.constant 0 : i32
      %dma_start3A_477 = tpu.memref_slice %arg2[%select_n3A_83, %rem3A_87, %dma_start3A_476] : memref<50x128x128xi32, #tpu.memory_space<hbm>> -> memref<1x1x128xi32, #tpu.memory_space<hbm>>
      %dma_start3A_478 = tpu.memref_squeeze %dma_start3A_477 : memref<1x1x128xi32, #tpu.memory_space<hbm>> -> memref<128xi32, #tpu.memory_space<hbm>>
      tpu.enqueue_dma source(%dma_start3A_478 : memref<128xi32, #tpu.memory_space<hbm>>) target(%arg6 : memref<128xi32, #tpu.memory_space<vmem>>) target_semaphore(%run_scoped3A : memref<!tpu.dma_semaphore, #tpu.memory_space<semaphore_mem>>)
      %dma_wait3A_479 = arith.constant 0 : i32
      %dma_wait3A_480 = tpu.memref_slice %arg2[%select_n3A_83, %rem3A_87, %dma_wait3A_479] : memref<50x128x128xi32, #tpu.memory_space<hbm>> -> memref<1x1x128xi32, #tpu.memory_space<hbm>>
      %dma_wait3A_481 = tpu.memref_squeeze %dma_wait3A_480 : memref<1x1x128xi32, #tpu.memory_space<hbm>> -> memref<128xi32, #tpu.memory_space<hbm>>
      %dma_wait3A_482 = arith.constant 0 : i32
      %dma_wait3A_483 = tpu.memref_slice %arg2[%select_n3A_83, %rem3A_87, %dma_wait3A_482] : memref<50x128x128xi32, #tpu.memory_space<hbm>> -> memref<1x1x128xi32, #tpu.memory_space<hbm>>
      %dma_wait3A_484 = tpu.memref_squeeze %dma_wait3A_483 : memref<1x1x128xi32, #tpu.memory_space<hbm>> -> memref<128xi32, #tpu.memory_space<hbm>>
      tpu.wait_dma2 semaphore(%run_scoped3A : memref<!tpu.dma_semaphore, #tpu.memory_space<semaphore_mem>>) src(%dma_wait3A_484 : memref<128xi32, #tpu.memory_space<hbm>>) dst(%arg6 : memref<128xi32, #tpu.memory_space<vmem>>)
      tpu.yield
    }) : () -> ()
    %dma_start3A_88 = arith.constant 0 : i32
    %dma_start3A_89 = arith.constant 0 : i32
    %dma_start3A_90 = tpu.memref_slice %arg3[%dma_start3A_88, %dma_start3A_89] : memref<1000000x64xf32, #tpu.memory_space<hbm>> -> memref<1000000x64xf32, #tpu.memory_space<hbm>>
    tpu.enqueue_indirect_dma source(%dma_start3A_90 : memref<1000000x64xf32, #tpu.memory_space<hbm>>) target(%arg8 : memref<128x64xf32, #tpu.memory_space<vmem>>) offsets(%arg6 : memref<128xi32, #tpu.memory_space<vmem>>) semaphore(%arg14 : memref<!tpu.dma_semaphore, #tpu.memory_space<semaphore_mem>>)
    %jit3A_91 = arith.constant 128 : i32
    %div3A_92 = arith.divsi %mul3A_2, %jit3A_91 : i32
    %sign3A_93 = arith.constant 0 : i32
    %sign3A_94 = arith.cmpi sgt, %mul3A_2, %sign3A_93 : i32
    %sign3A_95 = arith.extui %sign3A_94 : i1 to i32
    %sign3A_96 = arith.constant 0 : i32
    %sign3A_97 = arith.cmpi slt, %mul3A_2, %sign3A_96 : i32
    %sign3A_98 = arith.extui %sign3A_97 : i1 to i32
    %sign3A_99 = arith.subi %sign3A_95, %sign3A_98 : i32
    %sign3A_100 = arith.constant 0 : i32
    %sign3A_101 = arith.cmpi sgt, %jit3A_91, %sign3A_100 : i32
    %sign3A_102 = arith.extui %sign3A_101 : i1 to i32
    %sign3A_103 = arith.constant 0 : i32
    %sign3A_104 = arith.cmpi slt, %jit3A_91, %sign3A_103 : i32
    %sign3A_105 = arith.extui %sign3A_104 : i1 to i32
    %sign3A_106 = arith.subi %sign3A_102, %sign3A_105 : i32
    %ne3A_107 = arith.cmpi ne, %sign3A_99, %sign3A_106 : i32
    %rem3A_108 = arith.remsi %mul3A_2, %jit3A_91 : i32
    %ne3A_109 = arith.constant 0 : i32
    %ne3A_110 = arith.cmpi ne, %rem3A_108, %ne3A_109 : i32
    %and3A_111 = arith.andi %ne3A_107, %ne3A_110 : i1
    %sub3A_112 = arith.constant 1 : i32
    %sub3A_113 = arith.subi %div3A_92, %sub3A_112 : i32
    %select_n3A_114 = arith.select %and3A_111, %sub3A_113, %div3A_92 : i32
    %rem3A_115 = arith.constant 128 : i32
    %rem3A_116 = arith.remsi %mul3A_2, %rem3A_115 : i32
    %dma_start3A_117 = arith.constant 0 : i32
    %dma_start3A_118 = arith.constant 0 : i32
    %dma_start3A_119 = arith.constant 0 : i32
    %dma_start3A_120 = arith.constant 0 : i32
    %dma_start3A_121 = tpu.memref_slice %arg9[%dma_start3A_117, %dma_start3A_119, %dma_start3A_120] : memref<8x8x128xf32, #tpu.memory_space<vmem>> -> memref<1x8x128xf32, #tpu.memory_space<vmem>>
    %dma_start3A_122 = tpu.memref_squeeze %dma_start3A_121 : memref<1x8x128xf32, #tpu.memory_space<vmem>> -> memref<8x128xf32, #tpu.memory_space<vmem>>
    %dma_start3A_123 = arith.constant 0 : i32
    %dma_start3A_124 = arith.constant 0 : i32
    %dma_start3A_125 = tpu.memref_slice %arg4[%select_n3A_114, %dma_start3A_118, %rem3A_116, %dma_start3A_123, %dma_start3A_124] : memref<50x8x128x8x128xf32, #tpu.memory_space<hbm>> -> memref<1x1x1x8x128xf32, #tpu.memory_space<hbm>>
    %dma_start3A_126 = tpu.memref_squeeze %dma_start3A_125 : memref<1x1x1x8x128xf32, #tpu.memory_space<hbm>> -> memref<8x128xf32, #tpu.memory_space<hbm>>
    %dma_start3A_127 = arith.constant 0 : i32
    %dma_start3A_128 = arith.constant 0 : i32
    %dma_start3A_129 = tpu.memref_slice %arg4[%select_n3A_114, %dma_start3A_118, %rem3A_116, %dma_start3A_127, %dma_start3A_128] : memref<50x8x128x8x128xf32, #tpu.memory_space<hbm>> -> memref<1x1x1x8x128xf32, #tpu.memory_space<hbm>>
    %dma_start3A_130 = tpu.memref_squeeze %dma_start3A_129 : memref<1x1x1x8x128xf32, #tpu.memory_space<hbm>> -> memref<8x128xf32, #tpu.memory_space<hbm>>
    %dma_start3A_131 = arith.constant 0 : i32
    %dma_start3A_132 = arith.constant 0 : i32
    %dma_start3A_133 = tpu.memref_slice %arg9[%dma_start3A_117, %dma_start3A_131, %dma_start3A_132] : memref<8x8x128xf32, #tpu.memory_space<vmem>> -> memref<1x8x128xf32, #tpu.memory_space<vmem>>
    %dma_start3A_134 = tpu.memref_squeeze %dma_start3A_133 : memref<1x8x128xf32, #tpu.memory_space<vmem>> -> memref<8x128xf32, #tpu.memory_space<vmem>>
    tpu.enqueue_dma source(%dma_start3A_134 : memref<8x128xf32, #tpu.memory_space<vmem>>) target(%dma_start3A_130 : memref<8x128xf32, #tpu.memory_space<hbm>>) target_semaphore(%arg15 : memref<!tpu.dma_semaphore, #tpu.memory_space<semaphore_mem>>)
    %dma_start3A_135 = arith.constant 1 : i32
    %dma_start3A_136 = arith.constant 1 : i32
    %dma_start3A_137 = arith.constant 0 : i32
    %dma_start3A_138 = arith.constant 0 : i32
    %dma_start3A_139 = tpu.memref_slice %arg9[%dma_start3A_135, %dma_start3A_137, %dma_start3A_138] : memref<8x8x128xf32, #tpu.memory_space<vmem>> -> memref<1x8x128xf32, #tpu.memory_space<vmem>>
    %dma_start3A_140 = tpu.memref_squeeze %dma_start3A_139 : memref<1x8x128xf32, #tpu.memory_space<vmem>> -> memref<8x128xf32, #tpu.memory_space<vmem>>
    %dma_start3A_141 = arith.constant 0 : i32
    %dma_start3A_142 = arith.constant 0 : i32
    %dma_start3A_143 = tpu.memref_slice %arg4[%select_n3A_114, %dma_start3A_136, %rem3A_116, %dma_start3A_141, %dma_start3A_142] : memref<50x8x128x8x128xf32, #tpu.memory_space<hbm>> -> memref<1x1x1x8x128xf32, #tpu.memory_space<hbm>>
    %dma_start3A_144 = tpu.memref_squeeze %dma_start3A_143 : memref<1x1x1x8x128xf32, #tpu.memory_space<hbm>> -> memref<8x128xf32, #tpu.memory_space<hbm>>
    %dma_start3A_145 = arith.constant 0 : i32
    %dma_start3A_146 = arith.constant 0 : i32
    %dma_start3A_147 = tpu.memref_slice %arg4[%select_n3A_114, %dma_start3A_136, %rem3A_116, %dma_start3A_145, %dma_start3A_146] : memref<50x8x128x8x128xf32, #tpu.memory_space<hbm>> -> memref<1x1x1x8x128xf32, #tpu.memory_space<hbm>>
    %dma_start3A_148 = tpu.memref_squeeze %dma_start3A_147 : memref<1x1x1x8x128xf32, #tpu.memory_space<hbm>> -> memref<8x128xf32, #tpu.memory_space<hbm>>
    %dma_start3A_149 = arith.constant 0 : i32
    %dma_start3A_150 = arith.constant 0 : i32
    %dma_start3A_151 = tpu.memref_slice %arg9[%dma_start3A_135, %dma_start3A_149, %dma_start3A_150] : memref<8x8x128xf32, #tpu.memory_space<vmem>> -> memref<1x8x128xf32, #tpu.memory_space<vmem>>
    %dma_start3A_152 = tpu.memref_squeeze %dma_start3A_151 : memref<1x8x128xf32, #tpu.memory_space<vmem>> -> memref<8x128xf32, #tpu.memory_space<vmem>>
    tpu.enqueue_dma source(%dma_start3A_152 : memref<8x128xf32, #tpu.memory_space<vmem>>) target(%dma_start3A_148 : memref<8x128xf32, #tpu.memory_space<hbm>>) target_semaphore(%arg15 : memref<!tpu.dma_semaphore, #tpu.memory_space<semaphore_mem>>)
    %dma_start3A_153 = arith.constant 2 : i32
    %dma_start3A_154 = arith.constant 2 : i32
    %dma_start3A_155 = arith.constant 0 : i32
    %dma_start3A_156 = arith.constant 0 : i32
    %dma_start3A_157 = tpu.memref_slice %arg9[%dma_start3A_153, %dma_start3A_155, %dma_start3A_156] : memref<8x8x128xf32, #tpu.memory_space<vmem>> -> memref<1x8x128xf32, #tpu.memory_space<vmem>>
    %dma_start3A_158 = tpu.memref_squeeze %dma_start3A_157 : memref<1x8x128xf32, #tpu.memory_space<vmem>> -> memref<8x128xf32, #tpu.memory_space<vmem>>
    %dma_start3A_159 = arith.constant 0 : i32
    %dma_start3A_160 = arith.constant 0 : i32
    %dma_start3A_161 = tpu.memref_slice %arg4[%select_n3A_114, %dma_start3A_154, %rem3A_116, %dma_start3A_159, %dma_start3A_160] : memref<50x8x128x8x128xf32, #tpu.memory_space<hbm>> -> memref<1x1x1x8x128xf32, #tpu.memory_space<hbm>>
    %dma_start3A_162 = tpu.memref_squeeze %dma_start3A_161 : memref<1x1x1x8x128xf32, #tpu.memory_space<hbm>> -> memref<8x128xf32, #tpu.memory_space<hbm>>
    %dma_start3A_163 = arith.constant 0 : i32
    %dma_start3A_164 = arith.constant 0 : i32
    %dma_start3A_165 = tpu.memref_slice %arg4[%select_n3A_114, %dma_start3A_154, %rem3A_116, %dma_start3A_163, %dma_start3A_164] : memref<50x8x128x8x128xf32, #tpu.memory_space<hbm>> -> memref<1x1x1x8x128xf32, #tpu.memory_space<hbm>>
    %dma_start3A_166 = tpu.memref_squeeze %dma_start3A_165 : memref<1x1x1x8x128xf32, #tpu.memory_space<hbm>> -> memref<8x128xf32, #tpu.memory_space<hbm>>
    %dma_start3A_167 = arith.constant 0 : i32
    %dma_start3A_168 = arith.constant 0 : i32
    %dma_start3A_169 = tpu.memref_slice %arg9[%dma_start3A_153, %dma_start3A_167, %dma_start3A_168] : memref<8x8x128xf32, #tpu.memory_space<vmem>> -> memref<1x8x128xf32, #tpu.memory_space<vmem>>
    %dma_start3A_170 = tpu.memref_squeeze %dma_start3A_169 : memref<1x8x128xf32, #tpu.memory_space<vmem>> -> memref<8x128xf32, #tpu.memory_space<vmem>>
    tpu.enqueue_dma source(%dma_start3A_170 : memref<8x128xf32, #tpu.memory_space<vmem>>) target(%dma_start3A_166 : memref<8x128xf32, #tpu.memory_space<hbm>>) target_semaphore(%arg15 : memref<!tpu.dma_semaphore, #tpu.memory_space<semaphore_mem>>)
    %dma_start3A_171 = arith.constant 3 : i32
    %dma_start3A_172 = arith.constant 3 : i32
    %dma_start3A_173 = arith.constant 0 : i32
    %dma_start3A_174 = arith.constant 0 : i32
    %dma_start3A_175 = tpu.memref_slice %arg9[%dma_start3A_171, %dma_start3A_173, %dma_start3A_174] : memref<8x8x128xf32, #tpu.memory_space<vmem>> -> memref<1x8x128xf32, #tpu.memory_space<vmem>>
    %dma_start3A_176 = tpu.memref_squeeze %dma_start3A_175 : memref<1x8x128xf32, #tpu.memory_space<vmem>> -> memref<8x128xf32, #tpu.memory_space<vmem>>
    %dma_start3A_177 = arith.constant 0 : i32
    %dma_start3A_178 = arith.constant 0 : i32
    %dma_start3A_179 = tpu.memref_slice %arg4[%select_n3A_114, %dma_start3A_172, %rem3A_116, %dma_start3A_177, %dma_start3A_178] : memref<50x8x128x8x128xf32, #tpu.memory_space<hbm>> -> memref<1x1x1x8x128xf32, #tpu.memory_space<hbm>>
    %dma_start3A_180 = tpu.memref_squeeze %dma_start3A_179 : memref<1x1x1x8x128xf32, #tpu.memory_space<hbm>> -> memref<8x128xf32, #tpu.memory_space<hbm>>
    %dma_start3A_181 = arith.constant 0 : i32
    %dma_start3A_182 = arith.constant 0 : i32
    %dma_start3A_183 = tpu.memref_slice %arg4[%select_n3A_114, %dma_start3A_172, %rem3A_116, %dma_start3A_181, %dma_start3A_182] : memref<50x8x128x8x128xf32, #tpu.memory_space<hbm>> -> memref<1x1x1x8x128xf32, #tpu.memory_space<hbm>>
    %dma_start3A_184 = tpu.memref_squeeze %dma_start3A_183 : memref<1x1x1x8x128xf32, #tpu.memory_space<hbm>> -> memref<8x128xf32, #tpu.memory_space<hbm>>
    %dma_start3A_185 = arith.constant 0 : i32
    %dma_start3A_186 = arith.constant 0 : i32
    %dma_start3A_187 = tpu.memref_slice %arg9[%dma_start3A_171, %dma_start3A_185, %dma_start3A_186] : memref<8x8x128xf32, #tpu.memory_space<vmem>> -> memref<1x8x128xf32, #tpu.memory_space<vmem>>
    %dma_start3A_188 = tpu.memref_squeeze %dma_start3A_187 : memref<1x8x128xf32, #tpu.memory_space<vmem>> -> memref<8x128xf32, #tpu.memory_space<vmem>>
    tpu.enqueue_dma source(%dma_start3A_188 : memref<8x128xf32, #tpu.memory_space<vmem>>) target(%dma_start3A_184 : memref<8x128xf32, #tpu.memory_space<hbm>>) target_semaphore(%arg15 : memref<!tpu.dma_semaphore, #tpu.memory_space<semaphore_mem>>)
    %dma_start3A_189 = arith.constant 4 : i32
    %dma_start3A_190 = arith.constant 4 : i32
    %dma_start3A_191 = arith.constant 0 : i32
    %dma_start3A_192 = arith.constant 0 : i32
    %dma_start3A_193 = tpu.memref_slice %arg9[%dma_start3A_189, %dma_start3A_191, %dma_start3A_192] : memref<8x8x128xf32, #tpu.memory_space<vmem>> -> memref<1x8x128xf32, #tpu.memory_space<vmem>>
    %dma_start3A_194 = tpu.memref_squeeze %dma_start3A_193 : memref<1x8x128xf32, #tpu.memory_space<vmem>> -> memref<8x128xf32, #tpu.memory_space<vmem>>
    %dma_start3A_195 = arith.constant 0 : i32
    %dma_start3A_196 = arith.constant 0 : i32
    %dma_start3A_197 = tpu.memref_slice %arg4[%select_n3A_114, %dma_start3A_190, %rem3A_116, %dma_start3A_195, %dma_start3A_196] : memref<50x8x128x8x128xf32, #tpu.memory_space<hbm>> -> memref<1x1x1x8x128xf32, #tpu.memory_space<hbm>>
    %dma_start3A_198 = tpu.memref_squeeze %dma_start3A_197 : memref<1x1x1x8x128xf32, #tpu.memory_space<hbm>> -> memref<8x128xf32, #tpu.memory_space<hbm>>
    %dma_start3A_199 = arith.constant 0 : i32
    %dma_start3A_200 = arith.constant 0 : i32
    %dma_start3A_201 = tpu.memref_slice %arg4[%select_n3A_114, %dma_start3A_190, %rem3A_116, %dma_start3A_199, %dma_start3A_200] : memref<50x8x128x8x128xf32, #tpu.memory_space<hbm>> -> memref<1x1x1x8x128xf32, #tpu.memory_space<hbm>>
    %dma_start3A_202 = tpu.memref_squeeze %dma_start3A_201 : memref<1x1x1x8x128xf32, #tpu.memory_space<hbm>> -> memref<8x128xf32, #tpu.memory_space<hbm>>
    %dma_start3A_203 = arith.constant 0 : i32
    %dma_start3A_204 = arith.constant 0 : i32
    %dma_start3A_205 = tpu.memref_slice %arg9[%dma_start3A_189, %dma_start3A_203, %dma_start3A_204] : memref<8x8x128xf32, #tpu.memory_space<vmem>> -> memref<1x8x128xf32, #tpu.memory_space<vmem>>
    %dma_start3A_206 = tpu.memref_squeeze %dma_start3A_205 : memref<1x8x128xf32, #tpu.memory_space<vmem>> -> memref<8x128xf32, #tpu.memory_space<vmem>>
    tpu.enqueue_dma source(%dma_start3A_206 : memref<8x128xf32, #tpu.memory_space<vmem>>) target(%dma_start3A_202 : memref<8x128xf32, #tpu.memory_space<hbm>>) target_semaphore(%arg15 : memref<!tpu.dma_semaphore, #tpu.memory_space<semaphore_mem>>)
    %dma_start3A_207 = arith.constant 5 : i32
    %dma_start3A_208 = arith.constant 5 : i32
    %dma_start3A_209 = arith.constant 0 : i32
    %dma_start3A_210 = arith.constant 0 : i32
    %dma_start3A_211 = tpu.memref_slice %arg9[%dma_start3A_207, %dma_start3A_209, %dma_start3A_210] : memref<8x8x128xf32, #tpu.memory_space<vmem>> -> memref<1x8x128xf32, #tpu.memory_space<vmem>>
    %dma_start3A_212 = tpu.memref_squeeze %dma_start3A_211 : memref<1x8x128xf32, #tpu.memory_space<vmem>> -> memref<8x128xf32, #tpu.memory_space<vmem>>
    %dma_start3A_213 = arith.constant 0 : i32
    %dma_start3A_214 = arith.constant 0 : i32
    %dma_start3A_215 = tpu.memref_slice %arg4[%select_n3A_114, %dma_start3A_208, %rem3A_116, %dma_start3A_213, %dma_start3A_214] : memref<50x8x128x8x128xf32, #tpu.memory_space<hbm>> -> memref<1x1x1x8x128xf32, #tpu.memory_space<hbm>>
    %dma_start3A_216 = tpu.memref_squeeze %dma_start3A_215 : memref<1x1x1x8x128xf32, #tpu.memory_space<hbm>> -> memref<8x128xf32, #tpu.memory_space<hbm>>
    %dma_start3A_217 = arith.constant 0 : i32
    %dma_start3A_218 = arith.constant 0 : i32
    %dma_start3A_219 = tpu.memref_slice %arg4[%select_n3A_114, %dma_start3A_208, %rem3A_116, %dma_start3A_217, %dma_start3A_218] : memref<50x8x128x8x128xf32, #tpu.memory_space<hbm>> -> memref<1x1x1x8x128xf32, #tpu.memory_space<hbm>>
    %dma_start3A_220 = tpu.memref_squeeze %dma_start3A_219 : memref<1x1x1x8x128xf32, #tpu.memory_space<hbm>> -> memref<8x128xf32, #tpu.memory_space<hbm>>
    %dma_start3A_221 = arith.constant 0 : i32
    %dma_start3A_222 = arith.constant 0 : i32
    %dma_start3A_223 = tpu.memref_slice %arg9[%dma_start3A_207, %dma_start3A_221, %dma_start3A_222] : memref<8x8x128xf32, #tpu.memory_space<vmem>> -> memref<1x8x128xf32, #tpu.memory_space<vmem>>
    %dma_start3A_224 = tpu.memref_squeeze %dma_start3A_223 : memref<1x8x128xf32, #tpu.memory_space<vmem>> -> memref<8x128xf32, #tpu.memory_space<vmem>>
    tpu.enqueue_dma source(%dma_start3A_224 : memref<8x128xf32, #tpu.memory_space<vmem>>) target(%dma_start3A_220 : memref<8x128xf32, #tpu.memory_space<hbm>>) target_semaphore(%arg15 : memref<!tpu.dma_semaphore, #tpu.memory_space<semaphore_mem>>)
    %dma_start3A_225 = arith.constant 6 : i32
    %dma_start3A_226 = arith.constant 6 : i32
    %dma_start3A_227 = arith.constant 0 : i32
    %dma_start3A_228 = arith.constant 0 : i32
    %dma_start3A_229 = tpu.memref_slice %arg9[%dma_start3A_225, %dma_start3A_227, %dma_start3A_228] : memref<8x8x128xf32, #tpu.memory_space<vmem>> -> memref<1x8x128xf32, #tpu.memory_space<vmem>>
    %dma_start3A_230 = tpu.memref_squeeze %dma_start3A_229 : memref<1x8x128xf32, #tpu.memory_space<vmem>> -> memref<8x128xf32, #tpu.memory_space<vmem>>
    %dma_start3A_231 = arith.constant 0 : i32
    %dma_start3A_232 = arith.constant 0 : i32
    %dma_start3A_233 = tpu.memref_slice %arg4[%select_n3A_114, %dma_start3A_226, %rem3A_116, %dma_start3A_231, %dma_start3A_232] : memref<50x8x128x8x128xf32, #tpu.memory_space<hbm>> -> memref<1x1x1x8x128xf32, #tpu.memory_space<hbm>>
    %dma_start3A_234 = tpu.memref_squeeze %dma_start3A_233 : memref<1x1x1x8x128xf32, #tpu.memory_space<hbm>> -> memref<8x128xf32, #tpu.memory_space<hbm>>
    %dma_start3A_235 = arith.constant 0 : i32
    %dma_start3A_236 = arith.constant 0 : i32
    %dma_start3A_237 = tpu.memref_slice %arg4[%select_n3A_114, %dma_start3A_226, %rem3A_116, %dma_start3A_235, %dma_start3A_236] : memref<50x8x128x8x128xf32, #tpu.memory_space<hbm>> -> memref<1x1x1x8x128xf32, #tpu.memory_space<hbm>>
    %dma_start3A_238 = tpu.memref_squeeze %dma_start3A_237 : memref<1x1x1x8x128xf32, #tpu.memory_space<hbm>> -> memref<8x128xf32, #tpu.memory_space<hbm>>
    %dma_start3A_239 = arith.constant 0 : i32
    %dma_start3A_240 = arith.constant 0 : i32
    %dma_start3A_241 = tpu.memref_slice %arg9[%dma_start3A_225, %dma_start3A_239, %dma_start3A_240] : memref<8x8x128xf32, #tpu.memory_space<vmem>> -> memref<1x8x128xf32, #tpu.memory_space<vmem>>
    %dma_start3A_242 = tpu.memref_squeeze %dma_start3A_241 : memref<1x8x128xf32, #tpu.memory_space<vmem>> -> memref<8x128xf32, #tpu.memory_space<vmem>>
    tpu.enqueue_dma source(%dma_start3A_242 : memref<8x128xf32, #tpu.memory_space<vmem>>) target(%dma_start3A_238 : memref<8x128xf32, #tpu.memory_space<hbm>>) target_semaphore(%arg15 : memref<!tpu.dma_semaphore, #tpu.memory_space<semaphore_mem>>)
    %dma_start3A_243 = arith.constant 7 : i32
    %dma_start3A_244 = arith.constant 7 : i32
    %dma_start3A_245 = arith.constant 0 : i32
    %dma_start3A_246 = arith.constant 0 : i32
    %dma_start3A_247 = tpu.memref_slice %arg9[%dma_start3A_243, %dma_start3A_245, %dma_start3A_246] : memref<8x8x128xf32, #tpu.memory_space<vmem>> -> memref<1x8x128xf32, #tpu.memory_space<vmem>>
    %dma_start3A_248 = tpu.memref_squeeze %dma_start3A_247 : memref<1x8x128xf32, #tpu.memory_space<vmem>> -> memref<8x128xf32, #tpu.memory_space<vmem>>
    %dma_start3A_249 = arith.constant 0 : i32
    %dma_start3A_250 = arith.constant 0 : i32
    %dma_start3A_251 = tpu.memref_slice %arg4[%select_n3A_114, %dma_start3A_244, %rem3A_116, %dma_start3A_249, %dma_start3A_250] : memref<50x8x128x8x128xf32, #tpu.memory_space<hbm>> -> memref<1x1x1x8x128xf32, #tpu.memory_space<hbm>>
    %dma_start3A_252 = tpu.memref_squeeze %dma_start3A_251 : memref<1x1x1x8x128xf32, #tpu.memory_space<hbm>> -> memref<8x128xf32, #tpu.memory_space<hbm>>
    %dma_start3A_253 = arith.constant 0 : i32
    %dma_start3A_254 = arith.constant 0 : i32
    %dma_start3A_255 = tpu.memref_slice %arg4[%select_n3A_114, %dma_start3A_244, %rem3A_116, %dma_start3A_253, %dma_start3A_254] : memref<50x8x128x8x128xf32, #tpu.memory_space<hbm>> -> memref<1x1x1x8x128xf32, #tpu.memory_space<hbm>>
    %dma_start3A_256 = tpu.memref_squeeze %dma_start3A_255 : memref<1x1x1x8x128xf32, #tpu.memory_space<hbm>> -> memref<8x128xf32, #tpu.memory_space<hbm>>
    %dma_start3A_257 = arith.constant 0 : i32
    %dma_start3A_258 = arith.constant 0 : i32
    %dma_start3A_259 = tpu.memref_slice %arg9[%dma_start3A_243, %dma_start3A_257, %dma_start3A_258] : memref<8x8x128xf32, #tpu.memory_space<vmem>> -> memref<1x8x128xf32, #tpu.memory_space<vmem>>
    %dma_start3A_260 = tpu.memref_squeeze %dma_start3A_259 : memref<1x8x128xf32, #tpu.memory_space<vmem>> -> memref<8x128xf32, #tpu.memory_space<vmem>>
    tpu.enqueue_dma source(%dma_start3A_260 : memref<8x128xf32, #tpu.memory_space<vmem>>) target(%dma_start3A_256 : memref<8x128xf32, #tpu.memory_space<hbm>>) target_semaphore(%arg15 : memref<!tpu.dma_semaphore, #tpu.memory_space<semaphore_mem>>)
    %add3A_261 = arith.constant 1 : i32
    %add3A_262 = arith.addi %mul3A_2, %add3A_261 : i32
    %jit3A_263 = arith.constant 128 : i32
    %div3A_264 = arith.divsi %add3A_262, %jit3A_263 : i32
    %sign3A_265 = arith.constant 0 : i32
    %sign3A_266 = arith.cmpi sgt, %add3A_262, %sign3A_265 : i32
    %sign3A_267 = arith.extui %sign3A_266 : i1 to i32
    %sign3A_268 = arith.constant 0 : i32
    %sign3A_269 = arith.cmpi slt, %add3A_262, %sign3A_268 : i32
    %sign3A_270 = arith.extui %sign3A_269 : i1 to i32
    %sign3A_271 = arith.subi %sign3A_267, %sign3A_270 : i32
    %sign3A_272 = arith.constant 0 : i32
    %sign3A_273 = arith.cmpi sgt, %jit3A_263, %sign3A_272 : i32
    %sign3A_274 = arith.extui %sign3A_273 : i1 to i32
    %sign3A_275 = arith.constant 0 : i32
    %sign3A_276 = arith.cmpi slt, %jit3A_263, %sign3A_275 : i32
    %sign3A_277 = arith.extui %sign3A_276 : i1 to i32
    %sign3A_278 = arith.subi %sign3A_274, %sign3A_277 : i32
    %ne3A_279 = arith.cmpi ne, %sign3A_271, %sign3A_278 : i32
    %rem3A_280 = arith.remsi %add3A_262, %jit3A_263 : i32
    %ne3A_281 = arith.constant 0 : i32
    %ne3A_282 = arith.cmpi ne, %rem3A_280, %ne3A_281 : i32
    %and3A_283 = arith.andi %ne3A_279, %ne3A_282 : i1
    %sub3A_284 = arith.constant 1 : i32
    %sub3A_285 = arith.subi %div3A_264, %sub3A_284 : i32
    %select_n3A_286 = arith.select %and3A_283, %sub3A_285, %div3A_264 : i32
    %rem3A_287 = arith.constant 128 : i32
    %rem3A_288 = arith.remsi %add3A_262, %rem3A_287 : i32
    %dma_start3A_289 = arith.constant 0 : i32
    %dma_start3A_290 = arith.constant 0 : i32
    %dma_start3A_291 = arith.constant 0 : i32
    %dma_start3A_292 = arith.constant 0 : i32
    %dma_start3A_293 = tpu.memref_slice %arg10[%dma_start3A_289, %dma_start3A_291, %dma_start3A_292] : memref<8x8x128xf32, #tpu.memory_space<vmem>> -> memref<1x8x128xf32, #tpu.memory_space<vmem>>
    %dma_start3A_294 = tpu.memref_squeeze %dma_start3A_293 : memref<1x8x128xf32, #tpu.memory_space<vmem>> -> memref<8x128xf32, #tpu.memory_space<vmem>>
    %dma_start3A_295 = arith.constant 0 : i32
    %dma_start3A_296 = arith.constant 0 : i32
    %dma_start3A_297 = tpu.memref_slice %arg4[%select_n3A_286, %dma_start3A_290, %rem3A_288, %dma_start3A_295, %dma_start3A_296] : memref<50x8x128x8x128xf32, #tpu.memory_space<hbm>> -> memref<1x1x1x8x128xf32, #tpu.memory_space<hbm>>
    %dma_start3A_298 = tpu.memref_squeeze %dma_start3A_297 : memref<1x1x1x8x128xf32, #tpu.memory_space<hbm>> -> memref<8x128xf32, #tpu.memory_space<hbm>>
    %dma_start3A_299 = arith.constant 0 : i32
    %dma_start3A_300 = arith.constant 0 : i32
    %dma_start3A_301 = tpu.memref_slice %arg4[%select_n3A_286, %dma_start3A_290, %rem3A_288, %dma_start3A_299, %dma_start3A_300] : memref<50x8x128x8x128xf32, #tpu.memory_space<hbm>> -> memref<1x1x1x8x128xf32, #tpu.memory_space<hbm>>
    %dma_start3A_302 = tpu.memref_squeeze %dma_start3A_301 : memref<1x1x1x8x128xf32, #tpu.memory_space<hbm>> -> memref<8x128xf32, #tpu.memory_space<hbm>>
    %dma_start3A_303 = arith.constant 0 : i32
    %dma_start3A_304 = arith.constant 0 : i32
    %dma_start3A_305 = tpu.memref_slice %arg10[%dma_start3A_289, %dma_start3A_303, %dma_start3A_304] : memref<8x8x128xf32, #tpu.memory_space<vmem>> -> memref<1x8x128xf32, #tpu.memory_space<vmem>>
    %dma_start3A_306 = tpu.memref_squeeze %dma_start3A_305 : memref<1x8x128xf32, #tpu.memory_space<vmem>> -> memref<8x128xf32, #tpu.memory_space<vmem>>
    tpu.enqueue_dma source(%dma_start3A_306 : memref<8x128xf32, #tpu.memory_space<vmem>>) target(%dma_start3A_302 : memref<8x128xf32, #tpu.memory_space<hbm>>) target_semaphore(%arg16 : memref<!tpu.dma_semaphore, #tpu.memory_space<semaphore_mem>>)
    %dma_start3A_307 = arith.constant 1 : i32
    %dma_start3A_308 = arith.constant 1 : i32
    %dma_start3A_309 = arith.constant 0 : i32
    %dma_start3A_310 = arith.constant 0 : i32
    %dma_start3A_311 = tpu.memref_slice %arg10[%dma_start3A_307, %dma_start3A_309, %dma_start3A_310] : memref<8x8x128xf32, #tpu.memory_space<vmem>> -> memref<1x8x128xf32, #tpu.memory_space<vmem>>
    %dma_start3A_312 = tpu.memref_squeeze %dma_start3A_311 : memref<1x8x128xf32, #tpu.memory_space<vmem>> -> memref<8x128xf32, #tpu.memory_space<vmem>>
    %dma_start3A_313 = arith.constant 0 : i32
    %dma_start3A_314 = arith.constant 0 : i32
    %dma_start3A_315 = tpu.memref_slice %arg4[%select_n3A_286, %dma_start3A_308, %rem3A_288, %dma_start3A_313, %dma_start3A_314] : memref<50x8x128x8x128xf32, #tpu.memory_space<hbm>> -> memref<1x1x1x8x128xf32, #tpu.memory_space<hbm>>
    %dma_start3A_316 = tpu.memref_squeeze %dma_start3A_315 : memref<1x1x1x8x128xf32, #tpu.memory_space<hbm>> -> memref<8x128xf32, #tpu.memory_space<hbm>>
    %dma_start3A_317 = arith.constant 0 : i32
    %dma_start3A_318 = arith.constant 0 : i32
    %dma_start3A_319 = tpu.memref_slice %arg4[%select_n3A_286, %dma_start3A_308, %rem3A_288, %dma_start3A_317, %dma_start3A_318] : memref<50x8x128x8x128xf32, #tpu.memory_space<hbm>> -> memref<1x1x1x8x128xf32, #tpu.memory_space<hbm>>
    %dma_start3A_320 = tpu.memref_squeeze %dma_start3A_319 : memref<1x1x1x8x128xf32, #tpu.memory_space<hbm>> -> memref<8x128xf32, #tpu.memory_space<hbm>>
    %dma_start3A_321 = arith.constant 0 : i32
    %dma_start3A_322 = arith.constant 0 : i32
    %dma_start3A_323 = tpu.memref_slice %arg10[%dma_start3A_307, %dma_start3A_321, %dma_start3A_322] : memref<8x8x128xf32, #tpu.memory_space<vmem>> -> memref<1x8x128xf32, #tpu.memory_space<vmem>>
    %dma_start3A_324 = tpu.memref_squeeze %dma_start3A_323 : memref<1x8x128xf32, #tpu.memory_space<vmem>> -> memref<8x128xf32, #tpu.memory_space<vmem>>
    tpu.enqueue_dma source(%dma_start3A_324 : memref<8x128xf32, #tpu.memory_space<vmem>>) target(%dma_start3A_320 : memref<8x128xf32, #tpu.memory_space<hbm>>) target_semaphore(%arg16 : memref<!tpu.dma_semaphore, #tpu.memory_space<semaphore_mem>>)
    %dma_start3A_325 = arith.constant 2 : i32
    %dma_start3A_326 = arith.constant 2 : i32
    %dma_start3A_327 = arith.constant 0 : i32
    %dma_start3A_328 = arith.constant 0 : i32
    %dma_start3A_329 = tpu.memref_slice %arg10[%dma_start3A_325, %dma_start3A_327, %dma_start3A_328] : memref<8x8x128xf32, #tpu.memory_space<vmem>> -> memref<1x8x128xf32, #tpu.memory_space<vmem>>
    %dma_start3A_330 = tpu.memref_squeeze %dma_start3A_329 : memref<1x8x128xf32, #tpu.memory_space<vmem>> -> memref<8x128xf32, #tpu.memory_space<vmem>>
    %dma_start3A_331 = arith.constant 0 : i32
    %dma_start3A_332 = arith.constant 0 : i32
    %dma_start3A_333 = tpu.memref_slice %arg4[%select_n3A_286, %dma_start3A_326, %rem3A_288, %dma_start3A_331, %dma_start3A_332] : memref<50x8x128x8x128xf32, #tpu.memory_space<hbm>> -> memref<1x1x1x8x128xf32, #tpu.memory_space<hbm>>
    %dma_start3A_334 = tpu.memref_squeeze %dma_start3A_333 : memref<1x1x1x8x128xf32, #tpu.memory_space<hbm>> -> memref<8x128xf32, #tpu.memory_space<hbm>>
    %dma_start3A_335 = arith.constant 0 : i32
    %dma_start3A_336 = arith.constant 0 : i32
    %dma_start3A_337 = tpu.memref_slice %arg4[%select_n3A_286, %dma_start3A_326, %rem3A_288, %dma_start3A_335, %dma_start3A_336] : memref<50x8x128x8x128xf32, #tpu.memory_space<hbm>> -> memref<1x1x1x8x128xf32, #tpu.memory_space<hbm>>
    %dma_start3A_338 = tpu.memref_squeeze %dma_start3A_337 : memref<1x1x1x8x128xf32, #tpu.memory_space<hbm>> -> memref<8x128xf32, #tpu.memory_space<hbm>>
    %dma_start3A_339 = arith.constant 0 : i32
    %dma_start3A_340 = arith.constant 0 : i32
    %dma_start3A_341 = tpu.memref_slice %arg10[%dma_start3A_325, %dma_start3A_339, %dma_start3A_340] : memref<8x8x128xf32, #tpu.memory_space<vmem>> -> memref<1x8x128xf32, #tpu.memory_space<vmem>>
    %dma_start3A_342 = tpu.memref_squeeze %dma_start3A_341 : memref<1x8x128xf32, #tpu.memory_space<vmem>> -> memref<8x128xf32, #tpu.memory_space<vmem>>
    tpu.enqueue_dma source(%dma_start3A_342 : memref<8x128xf32, #tpu.memory_space<vmem>>) target(%dma_start3A_338 : memref<8x128xf32, #tpu.memory_space<hbm>>) target_semaphore(%arg16 : memref<!tpu.dma_semaphore, #tpu.memory_space<semaphore_mem>>)
    %dma_start3A_343 = arith.constant 3 : i32
    %dma_start3A_344 = arith.constant 3 : i32
    %dma_start3A_345 = arith.constant 0 : i32
    %dma_start3A_346 = arith.constant 0 : i32
    %dma_start3A_347 = tpu.memref_slice %arg10[%dma_start3A_343, %dma_start3A_345, %dma_start3A_346] : memref<8x8x128xf32, #tpu.memory_space<vmem>> -> memref<1x8x128xf32, #tpu.memory_space<vmem>>
    %dma_start3A_348 = tpu.memref_squeeze %dma_start3A_347 : memref<1x8x128xf32, #tpu.memory_space<vmem>> -> memref<8x128xf32, #tpu.memory_space<vmem>>
    %dma_start3A_349 = arith.constant 0 : i32
    %dma_start3A_350 = arith.constant 0 : i32
    %dma_start3A_351 = tpu.memref_slice %arg4[%select_n3A_286, %dma_start3A_344, %rem3A_288, %dma_start3A_349, %dma_start3A_350] : memref<50x8x128x8x128xf32, #tpu.memory_space<hbm>> -> memref<1x1x1x8x128xf32, #tpu.memory_space<hbm>>
    %dma_start3A_352 = tpu.memref_squeeze %dma_start3A_351 : memref<1x1x1x8x128xf32, #tpu.memory_space<hbm>> -> memref<8x128xf32, #tpu.memory_space<hbm>>
    %dma_start3A_353 = arith.constant 0 : i32
    %dma_start3A_354 = arith.constant 0 : i32
    %dma_start3A_355 = tpu.memref_slice %arg4[%select_n3A_286, %dma_start3A_344, %rem3A_288, %dma_start3A_353, %dma_start3A_354] : memref<50x8x128x8x128xf32, #tpu.memory_space<hbm>> -> memref<1x1x1x8x128xf32, #tpu.memory_space<hbm>>
    %dma_start3A_356 = tpu.memref_squeeze %dma_start3A_355 : memref<1x1x1x8x128xf32, #tpu.memory_space<hbm>> -> memref<8x128xf32, #tpu.memory_space<hbm>>
    %dma_start3A_357 = arith.constant 0 : i32
    %dma_start3A_358 = arith.constant 0 : i32
    %dma_start3A_359 = tpu.memref_slice %arg10[%dma_start3A_343, %dma_start3A_357, %dma_start3A_358] : memref<8x8x128xf32, #tpu.memory_space<vmem>> -> memref<1x8x128xf32, #tpu.memory_space<vmem>>
    %dma_start3A_360 = tpu.memref_squeeze %dma_start3A_359 : memref<1x8x128xf32, #tpu.memory_space<vmem>> -> memref<8x128xf32, #tpu.memory_space<vmem>>
    tpu.enqueue_dma source(%dma_start3A_360 : memref<8x128xf32, #tpu.memory_space<vmem>>) target(%dma_start3A_356 : memref<8x128xf32, #tpu.memory_space<hbm>>) target_semaphore(%arg16 : memref<!tpu.dma_semaphore, #tpu.memory_space<semaphore_mem>>)
    %dma_start3A_361 = arith.constant 4 : i32
    %dma_start3A_362 = arith.constant 4 : i32
    %dma_start3A_363 = arith.constant 0 : i32
    %dma_start3A_364 = arith.constant 0 : i32
    %dma_start3A_365 = tpu.memref_slice %arg10[%dma_start3A_361, %dma_start3A_363, %dma_start3A_364] : memref<8x8x128xf32, #tpu.memory_space<vmem>> -> memref<1x8x128xf32, #tpu.memory_space<vmem>>
    %dma_start3A_366 = tpu.memref_squeeze %dma_start3A_365 : memref<1x8x128xf32, #tpu.memory_space<vmem>> -> memref<8x128xf32, #tpu.memory_space<vmem>>
    %dma_start3A_367 = arith.constant 0 : i32
    %dma_start3A_368 = arith.constant 0 : i32
    %dma_start3A_369 = tpu.memref_slice %arg4[%select_n3A_286, %dma_start3A_362, %rem3A_288, %dma_start3A_367, %dma_start3A_368] : memref<50x8x128x8x128xf32, #tpu.memory_space<hbm>> -> memref<1x1x1x8x128xf32, #tpu.memory_space<hbm>>
    %dma_start3A_370 = tpu.memref_squeeze %dma_start3A_369 : memref<1x1x1x8x128xf32, #tpu.memory_space<hbm>> -> memref<8x128xf32, #tpu.memory_space<hbm>>
    %dma_start3A_371 = arith.constant 0 : i32
    %dma_start3A_372 = arith.constant 0 : i32
    %dma_start3A_373 = tpu.memref_slice %arg4[%select_n3A_286, %dma_start3A_362, %rem3A_288, %dma_start3A_371, %dma_start3A_372] : memref<50x8x128x8x128xf32, #tpu.memory_space<hbm>> -> memref<1x1x1x8x128xf32, #tpu.memory_space<hbm>>
    %dma_start3A_374 = tpu.memref_squeeze %dma_start3A_373 : memref<1x1x1x8x128xf32, #tpu.memory_space<hbm>> -> memref<8x128xf32, #tpu.memory_space<hbm>>
    %dma_start3A_375 = arith.constant 0 : i32
    %dma_start3A_376 = arith.constant 0 : i32
    %dma_start3A_377 = tpu.memref_slice %arg10[%dma_start3A_361, %dma_start3A_375, %dma_start3A_376] : memref<8x8x128xf32, #tpu.memory_space<vmem>> -> memref<1x8x128xf32, #tpu.memory_space<vmem>>
    %dma_start3A_378 = tpu.memref_squeeze %dma_start3A_377 : memref<1x8x128xf32, #tpu.memory_space<vmem>> -> memref<8x128xf32, #tpu.memory_space<vmem>>
    tpu.enqueue_dma source(%dma_start3A_378 : memref<8x128xf32, #tpu.memory_space<vmem>>) target(%dma_start3A_374 : memref<8x128xf32, #tpu.memory_space<hbm>>) target_semaphore(%arg16 : memref<!tpu.dma_semaphore, #tpu.memory_space<semaphore_mem>>)
    %dma_start3A_379 = arith.constant 5 : i32
    %dma_start3A_380 = arith.constant 5 : i32
    %dma_start3A_381 = arith.constant 0 : i32
    %dma_start3A_382 = arith.constant 0 : i32
    %dma_start3A_383 = tpu.memref_slice %arg10[%dma_start3A_379, %dma_start3A_381, %dma_start3A_382] : memref<8x8x128xf32, #tpu.memory_space<vmem>> -> memref<1x8x128xf32, #tpu.memory_space<vmem>>
    %dma_start3A_384 = tpu.memref_squeeze %dma_start3A_383 : memref<1x8x128xf32, #tpu.memory_space<vmem>> -> memref<8x128xf32, #tpu.memory_space<vmem>>
    %dma_start3A_385 = arith.constant 0 : i32
    %dma_start3A_386 = arith.constant 0 : i32
    %dma_start3A_387 = tpu.memref_slice %arg4[%select_n3A_286, %dma_start3A_380, %rem3A_288, %dma_start3A_385, %dma_start3A_386] : memref<50x8x128x8x128xf32, #tpu.memory_space<hbm>> -> memref<1x1x1x8x128xf32, #tpu.memory_space<hbm>>
    %dma_start3A_388 = tpu.memref_squeeze %dma_start3A_387 : memref<1x1x1x8x128xf32, #tpu.memory_space<hbm>> -> memref<8x128xf32, #tpu.memory_space<hbm>>
    %dma_start3A_389 = arith.constant 0 : i32
    %dma_start3A_390 = arith.constant 0 : i32
    %dma_start3A_391 = tpu.memref_slice %arg4[%select_n3A_286, %dma_start3A_380, %rem3A_288, %dma_start3A_389, %dma_start3A_390] : memref<50x8x128x8x128xf32, #tpu.memory_space<hbm>> -> memref<1x1x1x8x128xf32, #tpu.memory_space<hbm>>
    %dma_start3A_392 = tpu.memref_squeeze %dma_start3A_391 : memref<1x1x1x8x128xf32, #tpu.memory_space<hbm>> -> memref<8x128xf32, #tpu.memory_space<hbm>>
    %dma_start3A_393 = arith.constant 0 : i32
    %dma_start3A_394 = arith.constant 0 : i32
    %dma_start3A_395 = tpu.memref_slice %arg10[%dma_start3A_379, %dma_start3A_393, %dma_start3A_394] : memref<8x8x128xf32, #tpu.memory_space<vmem>> -> memref<1x8x128xf32, #tpu.memory_space<vmem>>
    %dma_start3A_396 = tpu.memref_squeeze %dma_start3A_395 : memref<1x8x128xf32, #tpu.memory_space<vmem>> -> memref<8x128xf32, #tpu.memory_space<vmem>>
    tpu.enqueue_dma source(%dma_start3A_396 : memref<8x128xf32, #tpu.memory_space<vmem>>) target(%dma_start3A_392 : memref<8x128xf32, #tpu.memory_space<hbm>>) target_semaphore(%arg16 : memref<!tpu.dma_semaphore, #tpu.memory_space<semaphore_mem>>)
    %dma_start3A_397 = arith.constant 6 : i32
    %dma_start3A_398 = arith.constant 6 : i32
    %dma_start3A_399 = arith.constant 0 : i32
    %dma_start3A_400 = arith.constant 0 : i32
    %dma_start3A_401 = tpu.memref_slice %arg10[%dma_start3A_397, %dma_start3A_399, %dma_start3A_400] : memref<8x8x128xf32, #tpu.memory_space<vmem>> -> memref<1x8x128xf32, #tpu.memory_space<vmem>>
    %dma_start3A_402 = tpu.memref_squeeze %dma_start3A_401 : memref<1x8x128xf32, #tpu.memory_space<vmem>> -> memref<8x128xf32, #tpu.memory_space<vmem>>
    %dma_start3A_403 = arith.constant 0 : i32
    %dma_start3A_404 = arith.constant 0 : i32
    %dma_start3A_405 = tpu.memref_slice %arg4[%select_n3A_286, %dma_start3A_398, %rem3A_288, %dma_start3A_403, %dma_start3A_404] : memref<50x8x128x8x128xf32, #tpu.memory_space<hbm>> -> memref<1x1x1x8x128xf32, #tpu.memory_space<hbm>>
    %dma_start3A_406 = tpu.memref_squeeze %dma_start3A_405 : memref<1x1x1x8x128xf32, #tpu.memory_space<hbm>> -> memref<8x128xf32, #tpu.memory_space<hbm>>
    %dma_start3A_407 = arith.constant 0 : i32
    %dma_start3A_408 = arith.constant 0 : i32
    %dma_start3A_409 = tpu.memref_slice %arg4[%select_n3A_286, %dma_start3A_398, %rem3A_288, %dma_start3A_407, %dma_start3A_408] : memref<50x8x128x8x128xf32, #tpu.memory_space<hbm>> -> memref<1x1x1x8x128xf32, #tpu.memory_space<hbm>>
    %dma_start3A_410 = tpu.memref_squeeze %dma_start3A_409 : memref<1x1x1x8x128xf32, #tpu.memory_space<hbm>> -> memref<8x128xf32, #tpu.memory_space<hbm>>
    %dma_start3A_411 = arith.constant 0 : i32
    %dma_start3A_412 = arith.constant 0 : i32
    %dma_start3A_413 = tpu.memref_slice %arg10[%dma_start3A_397, %dma_start3A_411, %dma_start3A_412] : memref<8x8x128xf32, #tpu.memory_space<vmem>> -> memref<1x8x128xf32, #tpu.memory_space<vmem>>
    %dma_start3A_414 = tpu.memref_squeeze %dma_start3A_413 : memref<1x8x128xf32, #tpu.memory_space<vmem>> -> memref<8x128xf32, #tpu.memory_space<vmem>>
    tpu.enqueue_dma source(%dma_start3A_414 : memref<8x128xf32, #tpu.memory_space<vmem>>) target(%dma_start3A_410 : memref<8x128xf32, #tpu.memory_space<hbm>>) target_semaphore(%arg16 : memref<!tpu.dma_semaphore, #tpu.memory_space<semaphore_mem>>)
    %dma_start3A_415 = arith.constant 7 : i32
    %dma_start3A_416 = arith.constant 7 : i32
    %dma_start3A_417 = arith.constant 0 : i32
    %dma_start3A_418 = arith.constant 0 : i32
    %dma_start3A_419 = tpu.memref_slice %arg10[%dma_start3A_415, %dma_start3A_417, %dma_start3A_418] : memref<8x8x128xf32, #tpu.memory_space<vmem>> -> memref<1x8x128xf32, #tpu.memory_space<vmem>>
    %dma_start3A_420 = tpu.memref_squeeze %dma_start3A_419 : memref<1x8x128xf32, #tpu.memory_space<vmem>> -> memref<8x128xf32, #tpu.memory_space<vmem>>
    %dma_start3A_421 = arith.constant 0 : i32
    %dma_start3A_422 = arith.constant 0 : i32
    %dma_start3A_423 = tpu.memref_slice %arg4[%select_n3A_286, %dma_start3A_416, %rem3A_288, %dma_start3A_421, %dma_start3A_422] : memref<50x8x128x8x128xf32, #tpu.memory_space<hbm>> -> memref<1x1x1x8x128xf32, #tpu.memory_space<hbm>>
    %dma_start3A_424 = tpu.memref_squeeze %dma_start3A_423 : memref<1x1x1x8x128xf32, #tpu.memory_space<hbm>> -> memref<8x128xf32, #tpu.memory_space<hbm>>
    %dma_start3A_425 = arith.constant 0 : i32
    %dma_start3A_426 = arith.constant 0 : i32
    %dma_start3A_427 = tpu.memref_slice %arg4[%select_n3A_286, %dma_start3A_416, %rem3A_288, %dma_start3A_425, %dma_start3A_426] : memref<50x8x128x8x128xf32, #tpu.memory_space<hbm>> -> memref<1x1x1x8x128xf32, #tpu.memory_space<hbm>>
    %dma_start3A_428 = tpu.memref_squeeze %dma_start3A_427 : memref<1x1x1x8x128xf32, #tpu.memory_space<hbm>> -> memref<8x128xf32, #tpu.memory_space<hbm>>
    %dma_start3A_429 = arith.constant 0 : i32
    %dma_start3A_430 = arith.constant 0 : i32
    %dma_start3A_431 = tpu.memref_slice %arg10[%dma_start3A_415, %dma_start3A_429, %dma_start3A_430] : memref<8x8x128xf32, #tpu.memory_space<vmem>> -> memref<1x8x128xf32, #tpu.memory_space<vmem>>
    %dma_start3A_432 = tpu.memref_squeeze %dma_start3A_431 : memref<1x8x128xf32, #tpu.memory_space<vmem>> -> memref<8x128xf32, #tpu.memory_space<vmem>>
    tpu.enqueue_dma source(%dma_start3A_432 : memref<8x128xf32, #tpu.memory_space<vmem>>) target(%dma_start3A_428 : memref<8x128xf32, #tpu.memory_space<hbm>>) target_semaphore(%arg16 : memref<!tpu.dma_semaphore, #tpu.memory_space<semaphore_mem>>)
    %scan3A = arith.constant 0 : i32
    %scan3A_433 = arith.constant 0 : i32
    %scan3A_434 = arith.constant 100 : i32
    %scan3A_435 = arith.addi %scan3A_433, %scan3A_434 : i32
    %scan3A_436 = arith.constant 1 : i32
    scf.for %scan3A_473 = %scan3A_433 to %scan3A_435 step %scan3A_436  : i32 {
      %mul3A_474 = arith.constant 2 : i32
      %mul3A_475 = arith.muli %mul3A_474, %scan3A_473 : i32
      %add3A_476 = arith.addi %mul3A_2, %mul3A_475 : i32
      %dma_wait3A_477 = arith.constant 0 : i32
      %dma_wait3A_478 = arith.constant 0 : i32
      %dma_wait3A_479 = tpu.memref_slice %arg3[%dma_wait3A_477, %dma_wait3A_478] : memref<1000000x64xf32, #tpu.memory_space<hbm>> -> memref<128x64xf32, #tpu.memory_space<hbm>>
      %dma_wait3A_480 = arith.constant 0 : i32
      %dma_wait3A_481 = arith.constant 0 : i32
      %dma_wait3A_482 = tpu.memref_slice %arg3[%dma_wait3A_480, %dma_wait3A_481] : memref<1000000x64xf32, #tpu.memory_space<hbm>> -> memref<128x64xf32, #tpu.memory_space<hbm>>
      tpu.wait_dma2 semaphore(%arg13 : memref<!tpu.dma_semaphore, #tpu.memory_space<semaphore_mem>>) src(%dma_wait3A_482 : memref<128x64xf32, #tpu.memory_space<hbm>>) dst(%arg7 : memref<128x64xf32, #tpu.memory_space<vmem>>)
      %add3A_483 = arith.constant 2 : i32
      %add3A_484 = arith.addi %add3A_476, %add3A_483 : i32
      %min3A = arith.minsi %add3A_484, %sub3A_5 : i32
      %jit3A_485 = arith.constant 128 : i32
      %div3A_486 = arith.divsi %min3A, %jit3A_485 : i32
      %sign3A_487 = arith.constant 0 : i32
      %sign3A_488 = arith.cmpi sgt, %min3A, %sign3A_487 : i32
      %sign3A_489 = arith.extui %sign3A_488 : i1 to i32
      %sign3A_490 = arith.constant 0 : i32
      %sign3A_491 = arith.cmpi slt, %min3A, %sign3A_490 : i32
      %sign3A_492 = arith.extui %sign3A_491 : i1 to i32
      %sign3A_493 = arith.subi %sign3A_489, %sign3A_492 : i32
      %sign3A_494 = arith.constant 0 : i32
      %sign3A_495 = arith.cmpi sgt, %jit3A_485, %sign3A_494 : i32
      %sign3A_496 = arith.extui %sign3A_495 : i1 to i32
      %sign3A_497 = arith.constant 0 : i32
      %sign3A_498 = arith.cmpi slt, %jit3A_485, %sign3A_497 : i32
      %sign3A_499 = arith.extui %sign3A_498 : i1 to i32
      %sign3A_500 = arith.subi %sign3A_496, %sign3A_499 : i32
      %ne3A_501 = arith.cmpi ne, %sign3A_493, %sign3A_500 : i32
      %rem3A_502 = arith.remsi %min3A, %jit3A_485 : i32
      %ne3A_503 = arith.constant 0 : i32
      %ne3A_504 = arith.cmpi ne, %rem3A_502, %ne3A_503 : i32
      %and3A_505 = arith.andi %ne3A_501, %ne3A_504 : i1
      %sub3A_506 = arith.constant 1 : i32
      %sub3A_507 = arith.subi %div3A_486, %sub3A_506 : i32
      %select_n3A_508 = arith.select %and3A_505, %sub3A_507, %div3A_486 : i32
      %rem3A_509 = arith.constant 128 : i32
      %rem3A_510 = arith.remsi %min3A, %rem3A_509 : i32
      %dma_start3A_511 = arith.constant 0 : i32
      %dma_start3A_512 = tpu.memref_slice %arg2[%select_n3A_508, %rem3A_510, %dma_start3A_511] : memref<50x128x128xi32, #tpu.memory_space<hbm>> -> memref<1x1x128xi32, #tpu.memory_space<hbm>>
      %dma_start3A_513 = tpu.memref_squeeze %dma_start3A_512 : memref<1x1x128xi32, #tpu.memory_space<hbm>> -> memref<128xi32, #tpu.memory_space<hbm>>
      %dma_start3A_514 = arith.constant 0 : i32
      %dma_start3A_515 = tpu.memref_slice %arg2[%select_n3A_508, %rem3A_510, %dma_start3A_514] : memref<50x128x128xi32, #tpu.memory_space<hbm>> -> memref<1x1x128xi32, #tpu.memory_space<hbm>>
      %dma_start3A_516 = tpu.memref_squeeze %dma_start3A_515 : memref<1x1x128xi32, #tpu.memory_space<hbm>> -> memref<128xi32, #tpu.memory_space<hbm>>
      tpu.enqueue_dma source(%dma_start3A_516 : memref<128xi32, #tpu.memory_space<hbm>>) target(%arg5 : memref<128xi32, #tpu.memory_space<vmem>>) target_semaphore(%arg11 : memref<!tpu.dma_semaphore, #tpu.memory_space<semaphore_mem>>)
      %dma_wait3A_517 = arith.constant 0 : i32
      %dma_wait3A_518 = arith.constant 0 : i32
      %dma_wait3A_519 = arith.constant 0 : i32
      %dma_wait3A_520 = arith.constant 0 : i32
      %dma_wait3A_521 = arith.constant 0 : i32
      %dma_wait3A_522 = tpu.memref_slice %arg4[%dma_wait3A_517, %dma_wait3A_519, %dma_wait3A_518, %dma_wait3A_520, %dma_wait3A_521] : memref<50x8x128x8x128xf32, #tpu.memory_space<hbm>> -> memref<1x8x1x8x128xf32, #tpu.memory_space<hbm>>
      %dma_wait3A_523 = tpu.memref_squeeze %dma_wait3A_522 : memref<1x8x1x8x128xf32, #tpu.memory_space<hbm>> -> memref<8x8x128xf32, #tpu.memory_space<hbm>>
      %dma_wait3A_524 = arith.constant 0 : i32
      %dma_wait3A_525 = arith.constant 0 : i32
      %dma_wait3A_526 = arith.constant 0 : i32
      %dma_wait3A_527 = tpu.memref_slice %arg4[%dma_wait3A_517, %dma_wait3A_524, %dma_wait3A_518, %dma_wait3A_525, %dma_wait3A_526] : memref<50x8x128x8x128xf32, #tpu.memory_space<hbm>> -> memref<1x8x1x8x128xf32, #tpu.memory_space<hbm>>
      %dma_wait3A_528 = tpu.memref_squeeze %dma_wait3A_527 : memref<1x8x1x8x128xf32, #tpu.memory_space<hbm>> -> memref<8x8x128xf32, #tpu.memory_space<hbm>>
      tpu.wait_dma2 semaphore(%arg15 : memref<!tpu.dma_semaphore, #tpu.memory_space<semaphore_mem>>) src(%arg9 : memref<8x8x128xf32, #tpu.memory_space<vmem>>) dst(%dma_wait3A_528 : memref<8x8x128xf32, #tpu.memory_space<hbm>>)
      %parallel_loop3A = arith.constant 0 : i32
      %parallel_loop3A_529 = arith.constant 16 : i32
      %parallel_loop3A_530 = arith.constant 1 : i32
      scf.for %parallel_loop3A_951 = %parallel_loop3A to %parallel_loop3A_529 step %parallel_loop3A_530  : i32 {
        %parallel_loop3A_952 = vector.broadcast %parallel_loop3A_951 : i32 to vector<16xi32>
        %parallel_loop3A_953 = arith.addi %add3A_8, %parallel_loop3A_952 : vector<16xi32>
        %parallel_loop3A_954 = arith.constant 16 : i32
        %parallel_loop3A_955 = vector.broadcast %parallel_loop3A_954 : i32 to vector<16xi32>
        %parallel_loop3A_956 = arith.cmpi slt, %parallel_loop3A_953, %parallel_loop3A_955 : vector<16xi32>
        %parallel_loop3A_957 = arith.constant 16 : i32
        %parallel_loop3A_958 = vector.broadcast %parallel_loop3A_957 : i32 to vector<16xi32>
        %parallel_loop3A_959 = arith.subi %parallel_loop3A_953, %parallel_loop3A_958 : vector<16xi32>
        %parallel_loop3A_960 = arith.select %parallel_loop3A_956, %parallel_loop3A_953, %parallel_loop3A_959 : vector<16xi1>, vector<16xi32>
        %parallel_loop3A_961 = arith.constant 8 : i32
        %parallel_loop3A_962 = vector.broadcast %parallel_loop3A_961 : i32 to vector<16xi32>
        %parallel_loop3A_963 = arith.divsi %parallel_loop3A_960, %parallel_loop3A_962 : vector<16xi32>
        %parallel_loop3A_964 = arith.constant 0 : i32
        %parallel_loop3A_965 = vector.broadcast %parallel_loop3A_964 : i32 to vector<16xi32>
        %parallel_loop3A_966 = arith.cmpi sgt, %parallel_loop3A_960, %parallel_loop3A_965 : vector<16xi32>
        %parallel_loop3A_967 = arith.extui %parallel_loop3A_966 : vector<16xi1> to vector<16xi32>
        %parallel_loop3A_968 = arith.constant 0 : i32
        %parallel_loop3A_969 = vector.broadcast %parallel_loop3A_968 : i32 to vector<16xi32>
        %parallel_loop3A_970 = arith.cmpi slt, %parallel_loop3A_960, %parallel_loop3A_969 : vector<16xi32>
        %parallel_loop3A_971 = arith.extui %parallel_loop3A_970 : vector<16xi1> to vector<16xi32>
        %parallel_loop3A_972 = arith.subi %parallel_loop3A_967, %parallel_loop3A_971 : vector<16xi32>
        %parallel_loop3A_973 = arith.constant 0 : i32
        %parallel_loop3A_974 = arith.cmpi sgt, %parallel_loop3A_961, %parallel_loop3A_973 : i32
        %parallel_loop3A_975 = arith.extui %parallel_loop3A_974 : i1 to i32
        %parallel_loop3A_976 = arith.constant 0 : i32
        %parallel_loop3A_977 = arith.cmpi slt, %parallel_loop3A_961, %parallel_loop3A_976 : i32
        %parallel_loop3A_978 = arith.extui %parallel_loop3A_977 : i1 to i32
        %parallel_loop3A_979 = arith.subi %parallel_loop3A_975, %parallel_loop3A_978 : i32
        %parallel_loop3A_980 = vector.broadcast %parallel_loop3A_979 : i32 to vector<16xi32>
        %parallel_loop3A_981 = arith.cmpi ne, %parallel_loop3A_972, %parallel_loop3A_980 : vector<16xi32>
        %parallel_loop3A_982 = vector.broadcast %parallel_loop3A_961 : i32 to vector<16xi32>
        %parallel_loop3A_983 = arith.remsi %parallel_loop3A_960, %parallel_loop3A_982 : vector<16xi32>
        %parallel_loop3A_984 = arith.constant 0 : i32
        %parallel_loop3A_985 = vector.broadcast %parallel_loop3A_984 : i32 to vector<16xi32>
        %parallel_loop3A_986 = arith.cmpi ne, %parallel_loop3A_983, %parallel_loop3A_985 : vector<16xi32>
        %parallel_loop3A_987 = arith.andi %parallel_loop3A_981, %parallel_loop3A_986 : vector<16xi1>
        %parallel_loop3A_988 = arith.constant 1 : i32
        %parallel_loop3A_989 = vector.broadcast %parallel_loop3A_988 : i32 to vector<16xi32>
        %parallel_loop3A_990 = arith.subi %parallel_loop3A_963, %parallel_loop3A_989 : vector<16xi32>
        %parallel_loop3A_991 = arith.select %parallel_loop3A_987, %parallel_loop3A_990, %parallel_loop3A_963 : vector<16xi1>, vector<16xi32>
        %parallel_loop3A_992 = arith.constant 8 : i32
        %parallel_loop3A_993 = vector.broadcast %parallel_loop3A_992 : i32 to vector<16xi32>
        %parallel_loop3A_994 = arith.remsi %parallel_loop3A_960, %parallel_loop3A_993 : vector<16xi32>
        %parallel_loop3A_995 = arith.constant 0 : i32
        %parallel_loop3A_996 = vector.broadcast %parallel_loop3A_995 : i32 to vector<16xi32>
        %parallel_loop3A_997 = arith.addi %parallel_loop3A_991, %parallel_loop3A_996 : vector<16xi32>
        %parallel_loop3A_998 = arith.constant 0 : i32
        %parallel_loop3A_999 = vector.broadcast %parallel_loop3A_998 : i32 to vector<16xi32>
        %parallel_loop3A_1000 = arith.addi %parallel_loop3A_960, %parallel_loop3A_999 : vector<16xi32>
        %parallel_loop3A_1001 = tpu.vector_load_idx %arg7[%add3A_8, %parallel_loop3A_1000] : memref<128x64xf32, #tpu.memory_space<vmem>>[vector<16xi32>, vector<16xi32>], vector<16xf32>,
        tpu.vector_store_idx %arg9[%parallel_loop3A_997, %parallel_loop3A_994, %add3A_8], %parallel_loop3A_1001 : memref<8x8x128xf32, #tpu.memory_space<vmem>>[vector<16xi32>, vector<16xi32>, vector<16xi32>], vector<16xf32>,
        %parallel_loop3A_1002 = arith.constant 0 : i32
        %parallel_loop3A_1003 = vector.broadcast %parallel_loop3A_1002 : i32 to vector<16xi32>
        %parallel_loop3A_1004 = arith.addi %parallel_loop3A_960, %parallel_loop3A_1003 : vector<16xi32>
        %parallel_loop3A_1005 = tpu.vector_load_idx %arg7[%add3A_12, %parallel_loop3A_1004] : memref<128x64xf32, #tpu.memory_space<vmem>>[vector<16xi32>, vector<16xi32>], vector<16xf32>,
        tpu.vector_store_idx %arg9[%parallel_loop3A_997, %parallel_loop3A_994, %add3A_12], %parallel_loop3A_1005 : memref<8x8x128xf32, #tpu.memory_space<vmem>>[vector<16xi32>, vector<16xi32>, vector<16xi32>], vector<16xf32>,
        %parallel_loop3A_1006 = arith.constant 0 : i32
        %parallel_loop3A_1007 = vector.broadcast %parallel_loop3A_1006 : i32 to vector<16xi32>
        %parallel_loop3A_1008 = arith.addi %parallel_loop3A_960, %parallel_loop3A_1007 : vector<16xi32>
        %parallel_loop3A_1009 = tpu.vector_load_idx %arg7[%add3A_16, %parallel_loop3A_1008] : memref<128x64xf32, #tpu.memory_space<vmem>>[vector<16xi32>, vector<16xi32>], vector<16xf32>,
        tpu.vector_store_idx %arg9[%parallel_loop3A_997, %parallel_loop3A_994, %add3A_16], %parallel_loop3A_1009 : memref<8x8x128xf32, #tpu.memory_space<vmem>>[vector<16xi32>, vector<16xi32>, vector<16xi32>], vector<16xf32>,
        %parallel_loop3A_1010 = arith.constant 0 : i32
        %parallel_loop3A_1011 = vector.broadcast %parallel_loop3A_1010 : i32 to vector<16xi32>
        %parallel_loop3A_1012 = arith.addi %parallel_loop3A_960, %parallel_loop3A_1011 : vector<16xi32>
        %parallel_loop3A_1013 = tpu.vector_load_idx %arg7[%add3A_20, %parallel_loop3A_1012] : memref<128x64xf32, #tpu.memory_space<vmem>>[vector<16xi32>, vector<16xi32>], vector<16xf32>,
        tpu.vector_store_idx %arg9[%parallel_loop3A_997, %parallel_loop3A_994, %add3A_20], %parallel_loop3A_1013 : memref<8x8x128xf32, #tpu.memory_space<vmem>>[vector<16xi32>, vector<16xi32>, vector<16xi32>], vector<16xf32>,
        %parallel_loop3A_1014 = arith.constant 0 : i32
        %parallel_loop3A_1015 = vector.broadcast %parallel_loop3A_1014 : i32 to vector<16xi32>
        %parallel_loop3A_1016 = arith.addi %parallel_loop3A_960, %parallel_loop3A_1015 : vector<16xi32>
        %parallel_loop3A_1017 = tpu.vector_load_idx %arg7[%add3A_24, %parallel_loop3A_1016] : memref<128x64xf32, #tpu.memory_space<vmem>>[vector<16xi32>, vector<16xi32>], vector<16xf32>,
        tpu.vector_store_idx %arg9[%parallel_loop3A_997, %parallel_loop3A_994, %add3A_24], %parallel_loop3A_1017 : memref<8x8x128xf32, #tpu.memory_space<vmem>>[vector<16xi32>, vector<16xi32>, vector<16xi32>], vector<16xf32>,
        %parallel_loop3A_1018 = arith.constant 0 : i32
        %parallel_loop3A_1019 = vector.broadcast %parallel_loop3A_1018 : i32 to vector<16xi32>
        %parallel_loop3A_1020 = arith.addi %parallel_loop3A_960, %parallel_loop3A_1019 : vector<16xi32>
        %parallel_loop3A_1021 = tpu.vector_load_idx %arg7[%add3A_28, %parallel_loop3A_1020] : memref<128x64xf32, #tpu.memory_space<vmem>>[vector<16xi32>, vector<16xi32>], vector<16xf32>,
        tpu.vector_store_idx %arg9[%parallel_loop3A_997, %parallel_loop3A_994, %add3A_28], %parallel_loop3A_1021 : memref<8x8x128xf32, #tpu.memory_space<vmem>>[vector<16xi32>, vector<16xi32>, vector<16xi32>], vector<16xf32>,
        %parallel_loop3A_1022 = arith.constant 0 : i32
        %parallel_loop3A_1023 = vector.broadcast %parallel_loop3A_1022 : i32 to vector<16xi32>
        %parallel_loop3A_1024 = arith.addi %parallel_loop3A_960, %parallel_loop3A_1023 : vector<16xi32>
        %parallel_loop3A_1025 = tpu.vector_load_idx %arg7[%add3A_32, %parallel_loop3A_1024] : memref<128x64xf32, #tpu.memory_space<vmem>>[vector<16xi32>, vector<16xi32>], vector<16xf32>,
        tpu.vector_store_idx %arg9[%parallel_loop3A_997, %parallel_loop3A_994, %add3A_32], %parallel_loop3A_1025 : memref<8x8x128xf32, #tpu.memory_space<vmem>>[vector<16xi32>, vector<16xi32>, vector<16xi32>], vector<16xf32>,
        %parallel_loop3A_1026 = arith.constant 0 : i32
        %parallel_loop3A_1027 = vector.broadcast %parallel_loop3A_1026 : i32 to vector<16xi32>
        %parallel_loop3A_1028 = arith.addi %parallel_loop3A_960, %parallel_loop3A_1027 : vector<16xi32>
        %parallel_loop3A_1029 = tpu.vector_load_idx %arg7[%add3A_36, %parallel_loop3A_1028] : memref<128x64xf32, #tpu.memory_space<vmem>>[vector<16xi32>, vector<16xi32>], vector<16xf32>,
        tpu.vector_store_idx %arg9[%parallel_loop3A_997, %parallel_loop3A_994, %add3A_36], %parallel_loop3A_1029 : memref<8x8x128xf32, #tpu.memory_space<vmem>>[vector<16xi32>, vector<16xi32>, vector<16xi32>], vector<16xf32>,
        %parallel_loop3A_1030 = arith.constant 2 : i32
        %parallel_loop3A_1031 = vector.broadcast %parallel_loop3A_1030 : i32 to vector<16xi32>
        %parallel_loop3A_1032 = arith.addi %parallel_loop3A_991, %parallel_loop3A_1031 : vector<16xi32>
        %parallel_loop3A_1033 = arith.constant 16 : i32
        %parallel_loop3A_1034 = vector.broadcast %parallel_loop3A_1033 : i32 to vector<16xi32>
        %parallel_loop3A_1035 = arith.addi %parallel_loop3A_960, %parallel_loop3A_1034 : vector<16xi32>
        %parallel_loop3A_1036 = tpu.vector_load_idx %arg7[%add3A_8, %parallel_loop3A_1035] : memref<128x64xf32, #tpu.memory_space<vmem>>[vector<16xi32>, vector<16xi32>], vector<16xf32>,
        tpu.vector_store_idx %arg9[%parallel_loop3A_1032, %parallel_loop3A_994, %add3A_8], %parallel_loop3A_1036 : memref<8x8x128xf32, #tpu.memory_space<vmem>>[vector<16xi32>, vector<16xi32>, vector<16xi32>], vector<16xf32>,
        %parallel_loop3A_1037 = arith.constant 16 : i32
        %parallel_loop3A_1038 = vector.broadcast %parallel_loop3A_1037 : i32 to vector<16xi32>
        %parallel_loop3A_1039 = arith.addi %parallel_loop3A_960, %parallel_loop3A_1038 : vector<16xi32>
        %parallel_loop3A_1040 = tpu.vector_load_idx %arg7[%add3A_12, %parallel_loop3A_1039] : memref<128x64xf32, #tpu.memory_space<vmem>>[vector<16xi32>, vector<16xi32>], vector<16xf32>,
        tpu.vector_store_idx %arg9[%parallel_loop3A_1032, %parallel_loop3A_994, %add3A_12], %parallel_loop3A_1040 : memref<8x8x128xf32, #tpu.memory_space<vmem>>[vector<16xi32>, vector<16xi32>, vector<16xi32>], vector<16xf32>,
        %parallel_loop3A_1041 = arith.constant 16 : i32
        %parallel_loop3A_1042 = vector.broadcast %parallel_loop3A_1041 : i32 to vector<16xi32>
        %parallel_loop3A_1043 = arith.addi %parallel_loop3A_960, %parallel_loop3A_1042 : vector<16xi32>
        %parallel_loop3A_1044 = tpu.vector_load_idx %arg7[%add3A_16, %parallel_loop3A_1043] : memref<128x64xf32, #tpu.memory_space<vmem>>[vector<16xi32>, vector<16xi32>], vector<16xf32>,
        tpu.vector_store_idx %arg9[%parallel_loop3A_1032, %parallel_loop3A_994, %add3A_16], %parallel_loop3A_1044 : memref<8x8x128xf32, #tpu.memory_space<vmem>>[vector<16xi32>, vector<16xi32>, vector<16xi32>], vector<16xf32>,
        %parallel_loop3A_1045 = arith.constant 16 : i32
        %parallel_loop3A_1046 = vector.broadcast %parallel_loop3A_1045 : i32 to vector<16xi32>
        %parallel_loop3A_1047 = arith.addi %parallel_loop3A_960, %parallel_loop3A_1046 : vector<16xi32>
        %parallel_loop3A_1048 = tpu.vector_load_idx %arg7[%add3A_20, %parallel_loop3A_1047] : memref<128x64xf32, #tpu.memory_space<vmem>>[vector<16xi32>, vector<16xi32>], vector<16xf32>,
        tpu.vector_store_idx %arg9[%parallel_loop3A_1032, %parallel_loop3A_994, %add3A_20], %parallel_loop3A_1048 : memref<8x8x128xf32, #tpu.memory_space<vmem>>[vector<16xi32>, vector<16xi32>, vector<16xi32>], vector<16xf32>,
        %parallel_loop3A_1049 = arith.constant 16 : i32
        %parallel_loop3A_1050 = vector.broadcast %parallel_loop3A_1049 : i32 to vector<16xi32>
        %parallel_loop3A_1051 = arith.addi %parallel_loop3A_960, %parallel_loop3A_1050 : vector<16xi32>
        %parallel_loop3A_1052 = tpu.vector_load_idx %arg7[%add3A_24, %parallel_loop3A_1051] : memref<128x64xf32, #tpu.memory_space<vmem>>[vector<16xi32>, vector<16xi32>], vector<16xf32>,
        tpu.vector_store_idx %arg9[%parallel_loop3A_1032, %parallel_loop3A_994, %add3A_24], %parallel_loop3A_1052 : memref<8x8x128xf32, #tpu.memory_space<vmem>>[vector<16xi32>, vector<16xi32>, vector<16xi32>], vector<16xf32>,
        %parallel_loop3A_1053 = arith.constant 16 : i32
        %parallel_loop3A_1054 = vector.broadcast %parallel_loop3A_1053 : i32 to vector<16xi32>
        %parallel_loop3A_1055 = arith.addi %parallel_loop3A_960, %parallel_loop3A_1054 : vector<16xi32>
        %parallel_loop3A_1056 = tpu.vector_load_idx %arg7[%add3A_28, %parallel_loop3A_1055] : memref<128x64xf32, #tpu.memory_space<vmem>>[vector<16xi32>, vector<16xi32>], vector<16xf32>,
        tpu.vector_store_idx %arg9[%parallel_loop3A_1032, %parallel_loop3A_994, %add3A_28], %parallel_loop3A_1056 : memref<8x8x128xf32, #tpu.memory_space<vmem>>[vector<16xi32>, vector<16xi32>, vector<16xi32>], vector<16xf32>,
        %parallel_loop3A_1057 = arith.constant 16 : i32
        %parallel_loop3A_1058 = vector.broadcast %parallel_loop3A_1057 : i32 to vector<16xi32>
        %parallel_loop3A_1059 = arith.addi %parallel_loop3A_960, %parallel_loop3A_1058 : vector<16xi32>
        %parallel_loop3A_1060 = tpu.vector_load_idx %arg7[%add3A_32, %parallel_loop3A_1059] : memref<128x64xf32, #tpu.memory_space<vmem>>[vector<16xi32>, vector<16xi32>], vector<16xf32>,
        tpu.vector_store_idx %arg9[%parallel_loop3A_1032, %parallel_loop3A_994, %add3A_32], %parallel_loop3A_1060 : memref<8x8x128xf32, #tpu.memory_space<vmem>>[vector<16xi32>, vector<16xi32>, vector<16xi32>], vector<16xf32>,
        %parallel_loop3A_1061 = arith.constant 16 : i32
        %parallel_loop3A_1062 = vector.broadcast %parallel_loop3A_1061 : i32 to vector<16xi32>
        %parallel_loop3A_1063 = arith.addi %parallel_loop3A_960, %parallel_loop3A_1062 : vector<16xi32>
        %parallel_loop3A_1064 = tpu.vector_load_idx %arg7[%add3A_36, %parallel_loop3A_1063] : memref<128x64xf32, #tpu.memory_space<vmem>>[vector<16xi32>, vector<16xi32>], vector<16xf32>,
        tpu.vector_store_idx %arg9[%parallel_loop3A_1032, %parallel_loop3A_994, %add3A_36], %parallel_loop3A_1064 : memref<8x8x128xf32, #tpu.memory_space<vmem>>[vector<16xi32>, vector<16xi32>, vector<16xi32>], vector<16xf32>,
        %parallel_loop3A_1065 = arith.constant 4 : i32
        %parallel_loop3A_1066 = vector.broadcast %parallel_loop3A_1065 : i32 to vector<16xi32>
        %parallel_loop3A_1067 = arith.addi %parallel_loop3A_991, %parallel_loop3A_1066 : vector<16xi32>
        %parallel_loop3A_1068 = arith.constant 32 : i32
        %parallel_loop3A_1069 = vector.broadcast %parallel_loop3A_1068 : i32 to vector<16xi32>
        %parallel_loop3A_1070 = arith.addi %parallel_loop3A_960, %parallel_loop3A_1069 : vector<16xi32>
        %parallel_loop3A_1071 = tpu.vector_load_idx %arg7[%add3A_8, %parallel_loop3A_1070] : memref<128x64xf32, #tpu.memory_space<vmem>>[vector<16xi32>, vector<16xi32>], vector<16xf32>,
        tpu.vector_store_idx %arg9[%parallel_loop3A_1067, %parallel_loop3A_994, %add3A_8], %parallel_loop3A_1071 : memref<8x8x128xf32, #tpu.memory_space<vmem>>[vector<16xi32>, vector<16xi32>, vector<16xi32>], vector<16xf32>,
        %parallel_loop3A_1072 = arith.constant 32 : i32
        %parallel_loop3A_1073 = vector.broadcast %parallel_loop3A_1072 : i32 to vector<16xi32>
        %parallel_loop3A_1074 = arith.addi %parallel_loop3A_960, %parallel_loop3A_1073 : vector<16xi32>
        %parallel_loop3A_1075 = tpu.vector_load_idx %arg7[%add3A_12, %parallel_loop3A_1074] : memref<128x64xf32, #tpu.memory_space<vmem>>[vector<16xi32>, vector<16xi32>], vector<16xf32>,
        tpu.vector_store_idx %arg9[%parallel_loop3A_1067, %parallel_loop3A_994, %add3A_12], %parallel_loop3A_1075 : memref<8x8x128xf32, #tpu.memory_space<vmem>>[vector<16xi32>, vector<16xi32>, vector<16xi32>], vector<16xf32>,
        %parallel_loop3A_1076 = arith.constant 32 : i32
        %parallel_loop3A_1077 = vector.broadcast %parallel_loop3A_1076 : i32 to vector<16xi32>
        %parallel_loop3A_1078 = arith.addi %parallel_loop3A_960, %parallel_loop3A_1077 : vector<16xi32>
        %parallel_loop3A_1079 = tpu.vector_load_idx %arg7[%add3A_16, %parallel_loop3A_1078] : memref<128x64xf32, #tpu.memory_space<vmem>>[vector<16xi32>, vector<16xi32>], vector<16xf32>,
        tpu.vector_store_idx %arg9[%parallel_loop3A_1067, %parallel_loop3A_994, %add3A_16], %parallel_loop3A_1079 : memref<8x8x128xf32, #tpu.memory_space<vmem>>[vector<16xi32>, vector<16xi32>, vector<16xi32>], vector<16xf32>,
        %parallel_loop3A_1080 = arith.constant 32 : i32
        %parallel_loop3A_1081 = vector.broadcast %parallel_loop3A_1080 : i32 to vector<16xi32>
        %parallel_loop3A_1082 = arith.addi %parallel_loop3A_960, %parallel_loop3A_1081 : vector<16xi32>
        %parallel_loop3A_1083 = tpu.vector_load_idx %arg7[%add3A_20, %parallel_loop3A_1082] : memref<128x64xf32, #tpu.memory_space<vmem>>[vector<16xi32>, vector<16xi32>], vector<16xf32>,
        tpu.vector_store_idx %arg9[%parallel_loop3A_1067, %parallel_loop3A_994, %add3A_20], %parallel_loop3A_1083 : memref<8x8x128xf32, #tpu.memory_space<vmem>>[vector<16xi32>, vector<16xi32>, vector<16xi32>], vector<16xf32>,
        %parallel_loop3A_1084 = arith.constant 32 : i32
        %parallel_loop3A_1085 = vector.broadcast %parallel_loop3A_1084 : i32 to vector<16xi32>
        %parallel_loop3A_1086 = arith.addi %parallel_loop3A_960, %parallel_loop3A_1085 : vector<16xi32>
        %parallel_loop3A_1087 = tpu.vector_load_idx %arg7[%add3A_24, %parallel_loop3A_1086] : memref<128x64xf32, #tpu.memory_space<vmem>>[vector<16xi32>, vector<16xi32>], vector<16xf32>,
        tpu.vector_store_idx %arg9[%parallel_loop3A_1067, %parallel_loop3A_994, %add3A_24], %parallel_loop3A_1087 : memref<8x8x128xf32, #tpu.memory_space<vmem>>[vector<16xi32>, vector<16xi32>, vector<16xi32>], vector<16xf32>,
        %parallel_loop3A_1088 = arith.constant 32 : i32
        %parallel_loop3A_1089 = vector.broadcast %parallel_loop3A_1088 : i32 to vector<16xi32>
        %parallel_loop3A_1090 = arith.addi %parallel_loop3A_960, %parallel_loop3A_1089 : vector<16xi32>
        %parallel_loop3A_1091 = tpu.vector_load_idx %arg7[%add3A_28, %parallel_loop3A_1090] : memref<128x64xf32, #tpu.memory_space<vmem>>[vector<16xi32>, vector<16xi32>], vector<16xf32>,
        tpu.vector_store_idx %arg9[%parallel_loop3A_1067, %parallel_loop3A_994, %add3A_28], %parallel_loop3A_1091 : memref<8x8x128xf32, #tpu.memory_space<vmem>>[vector<16xi32>, vector<16xi32>, vector<16xi32>], vector<16xf32>,
        %parallel_loop3A_1092 = arith.constant 32 : i32
        %parallel_loop3A_1093 = vector.broadcast %parallel_loop3A_1092 : i32 to vector<16xi32>
        %parallel_loop3A_1094 = arith.addi %parallel_loop3A_960, %parallel_loop3A_1093 : vector<16xi32>
        %parallel_loop3A_1095 = tpu.vector_load_idx %arg7[%add3A_32, %parallel_loop3A_1094] : memref<128x64xf32, #tpu.memory_space<vmem>>[vector<16xi32>, vector<16xi32>], vector<16xf32>,
        tpu.vector_store_idx %arg9[%parallel_loop3A_1067, %parallel_loop3A_994, %add3A_32], %parallel_loop3A_1095 : memref<8x8x128xf32, #tpu.memory_space<vmem>>[vector<16xi32>, vector<16xi32>, vector<16xi32>], vector<16xf32>,
        %parallel_loop3A_1096 = arith.constant 32 : i32
        %parallel_loop3A_1097 = vector.broadcast %parallel_loop3A_1096 : i32 to vector<16xi32>
        %parallel_loop3A_1098 = arith.addi %parallel_loop3A_960, %parallel_loop3A_1097 : vector<16xi32>
        %parallel_loop3A_1099 = tpu.vector_load_idx %arg7[%add3A_36, %parallel_loop3A_1098] : memref<128x64xf32, #tpu.memory_space<vmem>>[vector<16xi32>, vector<16xi32>], vector<16xf32>,
        tpu.vector_store_idx %arg9[%parallel_loop3A_1067, %parallel_loop3A_994, %add3A_36], %parallel_loop3A_1099 : memref<8x8x128xf32, #tpu.memory_space<vmem>>[vector<16xi32>, vector<16xi32>, vector<16xi32>], vector<16xf32>,
        %parallel_loop3A_1100 = arith.constant 6 : i32
        %parallel_loop3A_1101 = vector.broadcast %parallel_loop3A_1100 : i32 to vector<16xi32>
        %parallel_loop3A_1102 = arith.addi %parallel_loop3A_991, %parallel_loop3A_1101 : vector<16xi32>
        %parallel_loop3A_1103 = arith.constant 48 : i32
        %parallel_loop3A_1104 = vector.broadcast %parallel_loop3A_1103 : i32 to vector<16xi32>
        %parallel_loop3A_1105 = arith.addi %parallel_loop3A_960, %parallel_loop3A_1104 : vector<16xi32>
        %parallel_loop3A_1106 = tpu.vector_load_idx %arg7[%add3A_8, %parallel_loop3A_1105] : memref<128x64xf32, #tpu.memory_space<vmem>>[vector<16xi32>, vector<16xi32>], vector<16xf32>,
        tpu.vector_store_idx %arg9[%parallel_loop3A_1102, %parallel_loop3A_994, %add3A_8], %parallel_loop3A_1106 : memref<8x8x128xf32, #tpu.memory_space<vmem>>[vector<16xi32>, vector<16xi32>, vector<16xi32>], vector<16xf32>,
        %parallel_loop3A_1107 = arith.constant 48 : i32
        %parallel_loop3A_1108 = vector.broadcast %parallel_loop3A_1107 : i32 to vector<16xi32>
        %parallel_loop3A_1109 = arith.addi %parallel_loop3A_960, %parallel_loop3A_1108 : vector<16xi32>
        %parallel_loop3A_1110 = tpu.vector_load_idx %arg7[%add3A_12, %parallel_loop3A_1109] : memref<128x64xf32, #tpu.memory_space<vmem>>[vector<16xi32>, vector<16xi32>], vector<16xf32>,
        tpu.vector_store_idx %arg9[%parallel_loop3A_1102, %parallel_loop3A_994, %add3A_12], %parallel_loop3A_1110 : memref<8x8x128xf32, #tpu.memory_space<vmem>>[vector<16xi32>, vector<16xi32>, vector<16xi32>], vector<16xf32>,
        %parallel_loop3A_1111 = arith.constant 48 : i32
        %parallel_loop3A_1112 = vector.broadcast %parallel_loop3A_1111 : i32 to vector<16xi32>
        %parallel_loop3A_1113 = arith.addi %parallel_loop3A_960, %parallel_loop3A_1112 : vector<16xi32>
        %parallel_loop3A_1114 = tpu.vector_load_idx %arg7[%add3A_16, %parallel_loop3A_1113] : memref<128x64xf32, #tpu.memory_space<vmem>>[vector<16xi32>, vector<16xi32>], vector<16xf32>,
        tpu.vector_store_idx %arg9[%parallel_loop3A_1102, %parallel_loop3A_994, %add3A_16], %parallel_loop3A_1114 : memref<8x8x128xf32, #tpu.memory_space<vmem>>[vector<16xi32>, vector<16xi32>, vector<16xi32>], vector<16xf32>,
        %parallel_loop3A_1115 = arith.constant 48 : i32
        %parallel_loop3A_1116 = vector.broadcast %parallel_loop3A_1115 : i32 to vector<16xi32>
        %parallel_loop3A_1117 = arith.addi %parallel_loop3A_960, %parallel_loop3A_1116 : vector<16xi32>
        %parallel_loop3A_1118 = tpu.vector_load_idx %arg7[%add3A_20, %parallel_loop3A_1117] : memref<128x64xf32, #tpu.memory_space<vmem>>[vector<16xi32>, vector<16xi32>], vector<16xf32>,
        tpu.vector_store_idx %arg9[%parallel_loop3A_1102, %parallel_loop3A_994, %add3A_20], %parallel_loop3A_1118 : memref<8x8x128xf32, #tpu.memory_space<vmem>>[vector<16xi32>, vector<16xi32>, vector<16xi32>], vector<16xf32>,
        %parallel_loop3A_1119 = arith.constant 48 : i32
        %parallel_loop3A_1120 = vector.broadcast %parallel_loop3A_1119 : i32 to vector<16xi32>
        %parallel_loop3A_1121 = arith.addi %parallel_loop3A_960, %parallel_loop3A_1120 : vector<16xi32>
        %parallel_loop3A_1122 = tpu.vector_load_idx %arg7[%add3A_24, %parallel_loop3A_1121] : memref<128x64xf32, #tpu.memory_space<vmem>>[vector<16xi32>, vector<16xi32>], vector<16xf32>,
        tpu.vector_store_idx %arg9[%parallel_loop3A_1102, %parallel_loop3A_994, %add3A_24], %parallel_loop3A_1122 : memref<8x8x128xf32, #tpu.memory_space<vmem>>[vector<16xi32>, vector<16xi32>, vector<16xi32>], vector<16xf32>,
        %parallel_loop3A_1123 = arith.constant 48 : i32
        %parallel_loop3A_1124 = vector.broadcast %parallel_loop3A_1123 : i32 to vector<16xi32>
        %parallel_loop3A_1125 = arith.addi %parallel_loop3A_960, %parallel_loop3A_1124 : vector<16xi32>
        %parallel_loop3A_1126 = tpu.vector_load_idx %arg7[%add3A_28, %parallel_loop3A_1125] : memref<128x64xf32, #tpu.memory_space<vmem>>[vector<16xi32>, vector<16xi32>], vector<16xf32>,
        tpu.vector_store_idx %arg9[%parallel_loop3A_1102, %parallel_loop3A_994, %add3A_28], %parallel_loop3A_1126 : memref<8x8x128xf32, #tpu.memory_space<vmem>>[vector<16xi32>, vector<16xi32>, vector<16xi32>], vector<16xf32>,
        %parallel_loop3A_1127 = arith.constant 48 : i32
        %parallel_loop3A_1128 = vector.broadcast %parallel_loop3A_1127 : i32 to vector<16xi32>
        %parallel_loop3A_1129 = arith.addi %parallel_loop3A_960, %parallel_loop3A_1128 : vector<16xi32>
        %parallel_loop3A_1130 = tpu.vector_load_idx %arg7[%add3A_32, %parallel_loop3A_1129] : memref<128x64xf32, #tpu.memory_space<vmem>>[vector<16xi32>, vector<16xi32>], vector<16xf32>,
        tpu.vector_store_idx %arg9[%parallel_loop3A_1102, %parallel_loop3A_994, %add3A_32], %parallel_loop3A_1130 : memref<8x8x128xf32, #tpu.memory_space<vmem>>[vector<16xi32>, vector<16xi32>, vector<16xi32>], vector<16xf32>,
        %parallel_loop3A_1131 = arith.constant 48 : i32
        %parallel_loop3A_1132 = vector.broadcast %parallel_loop3A_1131 : i32 to vector<16xi32>
        %parallel_loop3A_1133 = arith.addi %parallel_loop3A_960, %parallel_loop3A_1132 : vector<16xi32>
        %parallel_loop3A_1134 = tpu.vector_load_idx %arg7[%add3A_36, %parallel_loop3A_1133] : memref<128x64xf32, #tpu.memory_space<vmem>>[vector<16xi32>, vector<16xi32>], vector<16xf32>,
        tpu.vector_store_idx %arg9[%parallel_loop3A_1102, %parallel_loop3A_994, %add3A_36], %parallel_loop3A_1134 : memref<8x8x128xf32, #tpu.memory_space<vmem>>[vector<16xi32>, vector<16xi32>, vector<16xi32>], vector<16xf32>,
      } {sc.loop_unroll_factor = 4 : i64, sc.parallel_access}
      %jit3A_531 = arith.constant 128 : i32
      %div3A_532 = arith.divsi %add3A_476, %jit3A_531 : i32
      %sign3A_533 = arith.constant 0 : i32
      %sign3A_534 = arith.cmpi sgt, %add3A_476, %sign3A_533 : i32
      %sign3A_535 = arith.extui %sign3A_534 : i1 to i32
      %sign3A_536 = arith.constant 0 : i32
      %sign3A_537 = arith.cmpi slt, %add3A_476, %sign3A_536 : i32
      %sign3A_538 = arith.extui %sign3A_537 : i1 to i32
      %sign3A_539 = arith.subi %sign3A_535, %sign3A_538 : i32
      %sign3A_540 = arith.constant 0 : i32
      %sign3A_541 = arith.cmpi sgt, %jit3A_531, %sign3A_540 : i32
      %sign3A_542 = arith.extui %sign3A_541 : i1 to i32
      %sign3A_543 = arith.constant 0 : i32
      %sign3A_544 = arith.cmpi slt, %jit3A_531, %sign3A_543 : i32
      %sign3A_545 = arith.extui %sign3A_544 : i1 to i32
      %sign3A_546 = arith.subi %sign3A_542, %sign3A_545 : i32
      %ne3A_547 = arith.cmpi ne, %sign3A_539, %sign3A_546 : i32
      %rem3A_548 = arith.remsi %add3A_476, %jit3A_531 : i32
      %ne3A_549 = arith.constant 0 : i32
      %ne3A_550 = arith.cmpi ne, %rem3A_548, %ne3A_549 : i32
      %and3A_551 = arith.andi %ne3A_547, %ne3A_550 : i1
      %sub3A_552 = arith.constant 1 : i32
      %sub3A_553 = arith.subi %div3A_532, %sub3A_552 : i32
      %select_n3A_554 = arith.select %and3A_551, %sub3A_553, %div3A_532 : i32
      %rem3A_555 = arith.constant 128 : i32
      %rem3A_556 = arith.remsi %add3A_476, %rem3A_555 : i32
      %dma_start3A_557 = arith.constant 0 : i32
      %dma_start3A_558 = arith.constant 0 : i32
      %dma_start3A_559 = arith.constant 0 : i32
      %dma_start3A_560 = arith.constant 0 : i32
      %dma_start3A_561 = tpu.memref_slice %arg9[%dma_start3A_557, %dma_start3A_559, %dma_start3A_560] : memref<8x8x128xf32, #tpu.memory_space<vmem>> -> memref<1x8x128xf32, #tpu.memory_space<vmem>>
      %dma_start3A_562 = tpu.memref_squeeze %dma_start3A_561 : memref<1x8x128xf32, #tpu.memory_space<vmem>> -> memref<8x128xf32, #tpu.memory_space<vmem>>
      %dma_start3A_563 = arith.constant 0 : i32
      %dma_start3A_564 = arith.constant 0 : i32
      %dma_start3A_565 = tpu.memref_slice %arg4[%select_n3A_554, %dma_start3A_558, %rem3A_556, %dma_start3A_563, %dma_start3A_564] : memref<50x8x128x8x128xf32, #tpu.memory_space<hbm>> -> memref<1x1x1x8x128xf32, #tpu.memory_space<hbm>>
      %dma_start3A_566 = tpu.memref_squeeze %dma_start3A_565 : memref<1x1x1x8x128xf32, #tpu.memory_space<hbm>> -> memref<8x128xf32, #tpu.memory_space<hbm>>
      %dma_start3A_567 = arith.constant 0 : i32
      %dma_start3A_568 = arith.constant 0 : i32
      %dma_start3A_569 = tpu.memref_slice %arg4[%select_n3A_554, %dma_start3A_558, %rem3A_556, %dma_start3A_567, %dma_start3A_568] : memref<50x8x128x8x128xf32, #tpu.memory_space<hbm>> -> memref<1x1x1x8x128xf32, #tpu.memory_space<hbm>>
      %dma_start3A_570 = tpu.memref_squeeze %dma_start3A_569 : memref<1x1x1x8x128xf32, #tpu.memory_space<hbm>> -> memref<8x128xf32, #tpu.memory_space<hbm>>
      %dma_start3A_571 = arith.constant 0 : i32
      %dma_start3A_572 = arith.constant 0 : i32
      %dma_start3A_573 = tpu.memref_slice %arg9[%dma_start3A_557, %dma_start3A_571, %dma_start3A_572] : memref<8x8x128xf32, #tpu.memory_space<vmem>> -> memref<1x8x128xf32, #tpu.memory_space<vmem>>
      %dma_start3A_574 = tpu.memref_squeeze %dma_start3A_573 : memref<1x8x128xf32, #tpu.memory_space<vmem>> -> memref<8x128xf32, #tpu.memory_space<vmem>>
      tpu.enqueue_dma source(%dma_start3A_574 : memref<8x128xf32, #tpu.memory_space<vmem>>) target(%dma_start3A_570 : memref<8x128xf32, #tpu.memory_space<hbm>>) target_semaphore(%arg15 : memref<!tpu.dma_semaphore, #tpu.memory_space<semaphore_mem>>)
      %dma_start3A_575 = arith.constant 1 : i32
      %dma_start3A_576 = arith.constant 1 : i32
      %dma_start3A_577 = arith.constant 0 : i32
      %dma_start3A_578 = arith.constant 0 : i32
      %dma_start3A_579 = tpu.memref_slice %arg9[%dma_start3A_575, %dma_start3A_577, %dma_start3A_578] : memref<8x8x128xf32, #tpu.memory_space<vmem>> -> memref<1x8x128xf32, #tpu.memory_space<vmem>>
      %dma_start3A_580 = tpu.memref_squeeze %dma_start3A_579 : memref<1x8x128xf32, #tpu.memory_space<vmem>> -> memref<8x128xf32, #tpu.memory_space<vmem>>
      %dma_start3A_581 = arith.constant 0 : i32
      %dma_start3A_582 = arith.constant 0 : i32
      %dma_start3A_583 = tpu.memref_slice %arg4[%select_n3A_554, %dma_start3A_576, %rem3A_556, %dma_start3A_581, %dma_start3A_582] : memref<50x8x128x8x128xf32, #tpu.memory_space<hbm>> -> memref<1x1x1x8x128xf32, #tpu.memory_space<hbm>>
      %dma_start3A_584 = tpu.memref_squeeze %dma_start3A_583 : memref<1x1x1x8x128xf32, #tpu.memory_space<hbm>> -> memref<8x128xf32, #tpu.memory_space<hbm>>
      %dma_start3A_585 = arith.constant 0 : i32
      %dma_start3A_586 = arith.constant 0 : i32
      %dma_start3A_587 = tpu.memref_slice %arg4[%select_n3A_554, %dma_start3A_576, %rem3A_556, %dma_start3A_585, %dma_start3A_586] : memref<50x8x128x8x128xf32, #tpu.memory_space<hbm>> -> memref<1x1x1x8x128xf32, #tpu.memory_space<hbm>>
      %dma_start3A_588 = tpu.memref_squeeze %dma_start3A_587 : memref<1x1x1x8x128xf32, #tpu.memory_space<hbm>> -> memref<8x128xf32, #tpu.memory_space<hbm>>
      %dma_start3A_589 = arith.constant 0 : i32
      %dma_start3A_590 = arith.constant 0 : i32
      %dma_start3A_591 = tpu.memref_slice %arg9[%dma_start3A_575, %dma_start3A_589, %dma_start3A_590] : memref<8x8x128xf32, #tpu.memory_space<vmem>> -> memref<1x8x128xf32, #tpu.memory_space<vmem>>
      %dma_start3A_592 = tpu.memref_squeeze %dma_start3A_591 : memref<1x8x128xf32, #tpu.memory_space<vmem>> -> memref<8x128xf32, #tpu.memory_space<vmem>>
      tpu.enqueue_dma source(%dma_start3A_592 : memref<8x128xf32, #tpu.memory_space<vmem>>) target(%dma_start3A_588 : memref<8x128xf32, #tpu.memory_space<hbm>>) target_semaphore(%arg15 : memref<!tpu.dma_semaphore, #tpu.memory_space<semaphore_mem>>)
      %dma_start3A_593 = arith.constant 2 : i32
      %dma_start3A_594 = arith.constant 2 : i32
      %dma_start3A_595 = arith.constant 0 : i32
      %dma_start3A_596 = arith.constant 0 : i32
      %dma_start3A_597 = tpu.memref_slice %arg9[%dma_start3A_593, %dma_start3A_595, %dma_start3A_596] : memref<8x8x128xf32, #tpu.memory_space<vmem>> -> memref<1x8x128xf32, #tpu.memory_space<vmem>>
      %dma_start3A_598 = tpu.memref_squeeze %dma_start3A_597 : memref<1x8x128xf32, #tpu.memory_space<vmem>> -> memref<8x128xf32, #tpu.memory_space<vmem>>
      %dma_start3A_599 = arith.constant 0 : i32
      %dma_start3A_600 = arith.constant 0 : i32
      %dma_start3A_601 = tpu.memref_slice %arg4[%select_n3A_554, %dma_start3A_594, %rem3A_556, %dma_start3A_599, %dma_start3A_600] : memref<50x8x128x8x128xf32, #tpu.memory_space<hbm>> -> memref<1x1x1x8x128xf32, #tpu.memory_space<hbm>>
      %dma_start3A_602 = tpu.memref_squeeze %dma_start3A_601 : memref<1x1x1x8x128xf32, #tpu.memory_space<hbm>> -> memref<8x128xf32, #tpu.memory_space<hbm>>
      %dma_start3A_603 = arith.constant 0 : i32
      %dma_start3A_604 = arith.constant 0 : i32
      %dma_start3A_605 = tpu.memref_slice %arg4[%select_n3A_554, %dma_start3A_594, %rem3A_556, %dma_start3A_603, %dma_start3A_604] : memref<50x8x128x8x128xf32, #tpu.memory_space<hbm>> -> memref<1x1x1x8x128xf32, #tpu.memory_space<hbm>>
      %dma_start3A_606 = tpu.memref_squeeze %dma_start3A_605 : memref<1x1x1x8x128xf32, #tpu.memory_space<hbm>> -> memref<8x128xf32, #tpu.memory_space<hbm>>
      %dma_start3A_607 = arith.constant 0 : i32
      %dma_start3A_608 = arith.constant 0 : i32
      %dma_start3A_609 = tpu.memref_slice %arg9[%dma_start3A_593, %dma_start3A_607, %dma_start3A_608] : memref<8x8x128xf32, #tpu.memory_space<vmem>> -> memref<1x8x128xf32, #tpu.memory_space<vmem>>
      %dma_start3A_610 = tpu.memref_squeeze %dma_start3A_609 : memref<1x8x128xf32, #tpu.memory_space<vmem>> -> memref<8x128xf32, #tpu.memory_space<vmem>>
      tpu.enqueue_dma source(%dma_start3A_610 : memref<8x128xf32, #tpu.memory_space<vmem>>) target(%dma_start3A_606 : memref<8x128xf32, #tpu.memory_space<hbm>>) target_semaphore(%arg15 : memref<!tpu.dma_semaphore, #tpu.memory_space<semaphore_mem>>)
      %dma_start3A_611 = arith.constant 3 : i32
      %dma_start3A_612 = arith.constant 3 : i32
      %dma_start3A_613 = arith.constant 0 : i32
      %dma_start3A_614 = arith.constant 0 : i32
      %dma_start3A_615 = tpu.memref_slice %arg9[%dma_start3A_611, %dma_start3A_613, %dma_start3A_614] : memref<8x8x128xf32, #tpu.memory_space<vmem>> -> memref<1x8x128xf32, #tpu.memory_space<vmem>>
      %dma_start3A_616 = tpu.memref_squeeze %dma_start3A_615 : memref<1x8x128xf32, #tpu.memory_space<vmem>> -> memref<8x128xf32, #tpu.memory_space<vmem>>
      %dma_start3A_617 = arith.constant 0 : i32
      %dma_start3A_618 = arith.constant 0 : i32
      %dma_start3A_619 = tpu.memref_slice %arg4[%select_n3A_554, %dma_start3A_612, %rem3A_556, %dma_start3A_617, %dma_start3A_618] : memref<50x8x128x8x128xf32, #tpu.memory_space<hbm>> -> memref<1x1x1x8x128xf32, #tpu.memory_space<hbm>>
      %dma_start3A_620 = tpu.memref_squeeze %dma_start3A_619 : memref<1x1x1x8x128xf32, #tpu.memory_space<hbm>> -> memref<8x128xf32, #tpu.memory_space<hbm>>
      %dma_start3A_621 = arith.constant 0 : i32
      %dma_start3A_622 = arith.constant 0 : i32
      %dma_start3A_623 = tpu.memref_slice %arg4[%select_n3A_554, %dma_start3A_612, %rem3A_556, %dma_start3A_621, %dma_start3A_622] : memref<50x8x128x8x128xf32, #tpu.memory_space<hbm>> -> memref<1x1x1x8x128xf32, #tpu.memory_space<hbm>>
      %dma_start3A_624 = tpu.memref_squeeze %dma_start3A_623 : memref<1x1x1x8x128xf32, #tpu.memory_space<hbm>> -> memref<8x128xf32, #tpu.memory_space<hbm>>
      %dma_start3A_625 = arith.constant 0 : i32
      %dma_start3A_626 = arith.constant 0 : i32
      %dma_start3A_627 = tpu.memref_slice %arg9[%dma_start3A_611, %dma_start3A_625, %dma_start3A_626] : memref<8x8x128xf32, #tpu.memory_space<vmem>> -> memref<1x8x128xf32, #tpu.memory_space<vmem>>
      %dma_start3A_628 = tpu.memref_squeeze %dma_start3A_627 : memref<1x8x128xf32, #tpu.memory_space<vmem>> -> memref<8x128xf32, #tpu.memory_space<vmem>>
      tpu.enqueue_dma source(%dma_start3A_628 : memref<8x128xf32, #tpu.memory_space<vmem>>) target(%dma_start3A_624 : memref<8x128xf32, #tpu.memory_space<hbm>>) target_semaphore(%arg15 : memref<!tpu.dma_semaphore, #tpu.memory_space<semaphore_mem>>)
      %dma_start3A_629 = arith.constant 4 : i32
      %dma_start3A_630 = arith.constant 4 : i32
      %dma_start3A_631 = arith.constant 0 : i32
      %dma_start3A_632 = arith.constant 0 : i32
      %dma_start3A_633 = tpu.memref_slice %arg9[%dma_start3A_629, %dma_start3A_631, %dma_start3A_632] : memref<8x8x128xf32, #tpu.memory_space<vmem>> -> memref<1x8x128xf32, #tpu.memory_space<vmem>>
      %dma_start3A_634 = tpu.memref_squeeze %dma_start3A_633 : memref<1x8x128xf32, #tpu.memory_space<vmem>> -> memref<8x128xf32, #tpu.memory_space<vmem>>
      %dma_start3A_635 = arith.constant 0 : i32
      %dma_start3A_636 = arith.constant 0 : i32
      %dma_start3A_637 = tpu.memref_slice %arg4[%select_n3A_554, %dma_start3A_630, %rem3A_556, %dma_start3A_635, %dma_start3A_636] : memref<50x8x128x8x128xf32, #tpu.memory_space<hbm>> -> memref<1x1x1x8x128xf32, #tpu.memory_space<hbm>>
      %dma_start3A_638 = tpu.memref_squeeze %dma_start3A_637 : memref<1x1x1x8x128xf32, #tpu.memory_space<hbm>> -> memref<8x128xf32, #tpu.memory_space<hbm>>
      %dma_start3A_639 = arith.constant 0 : i32
      %dma_start3A_640 = arith.constant 0 : i32
      %dma_start3A_641 = tpu.memref_slice %arg4[%select_n3A_554, %dma_start3A_630, %rem3A_556, %dma_start3A_639, %dma_start3A_640] : memref<50x8x128x8x128xf32, #tpu.memory_space<hbm>> -> memref<1x1x1x8x128xf32, #tpu.memory_space<hbm>>
      %dma_start3A_642 = tpu.memref_squeeze %dma_start3A_641 : memref<1x1x1x8x128xf32, #tpu.memory_space<hbm>> -> memref<8x128xf32, #tpu.memory_space<hbm>>
      %dma_start3A_643 = arith.constant 0 : i32
      %dma_start3A_644 = arith.constant 0 : i32
      %dma_start3A_645 = tpu.memref_slice %arg9[%dma_start3A_629, %dma_start3A_643, %dma_start3A_644] : memref<8x8x128xf32, #tpu.memory_space<vmem>> -> memref<1x8x128xf32, #tpu.memory_space<vmem>>
      %dma_start3A_646 = tpu.memref_squeeze %dma_start3A_645 : memref<1x8x128xf32, #tpu.memory_space<vmem>> -> memref<8x128xf32, #tpu.memory_space<vmem>>
      tpu.enqueue_dma source(%dma_start3A_646 : memref<8x128xf32, #tpu.memory_space<vmem>>) target(%dma_start3A_642 : memref<8x128xf32, #tpu.memory_space<hbm>>) target_semaphore(%arg15 : memref<!tpu.dma_semaphore, #tpu.memory_space<semaphore_mem>>)
      %dma_start3A_647 = arith.constant 5 : i32
      %dma_start3A_648 = arith.constant 5 : i32
      %dma_start3A_649 = arith.constant 0 : i32
      %dma_start3A_650 = arith.constant 0 : i32
      %dma_start3A_651 = tpu.memref_slice %arg9[%dma_start3A_647, %dma_start3A_649, %dma_start3A_650] : memref<8x8x128xf32, #tpu.memory_space<vmem>> -> memref<1x8x128xf32, #tpu.memory_space<vmem>>
      %dma_start3A_652 = tpu.memref_squeeze %dma_start3A_651 : memref<1x8x128xf32, #tpu.memory_space<vmem>> -> memref<8x128xf32, #tpu.memory_space<vmem>>
      %dma_start3A_653 = arith.constant 0 : i32
      %dma_start3A_654 = arith.constant 0 : i32
      %dma_start3A_655 = tpu.memref_slice %arg4[%select_n3A_554, %dma_start3A_648, %rem3A_556, %dma_start3A_653, %dma_start3A_654] : memref<50x8x128x8x128xf32, #tpu.memory_space<hbm>> -> memref<1x1x1x8x128xf32, #tpu.memory_space<hbm>>
      %dma_start3A_656 = tpu.memref_squeeze %dma_start3A_655 : memref<1x1x1x8x128xf32, #tpu.memory_space<hbm>> -> memref<8x128xf32, #tpu.memory_space<hbm>>
      %dma_start3A_657 = arith.constant 0 : i32
      %dma_start3A_658 = arith.constant 0 : i32
      %dma_start3A_659 = tpu.memref_slice %arg4[%select_n3A_554, %dma_start3A_648, %rem3A_556, %dma_start3A_657, %dma_start3A_658] : memref<50x8x128x8x128xf32, #tpu.memory_space<hbm>> -> memref<1x1x1x8x128xf32, #tpu.memory_space<hbm>>
      %dma_start3A_660 = tpu.memref_squeeze %dma_start3A_659 : memref<1x1x1x8x128xf32, #tpu.memory_space<hbm>> -> memref<8x128xf32, #tpu.memory_space<hbm>>
      %dma_start3A_661 = arith.constant 0 : i32
      %dma_start3A_662 = arith.constant 0 : i32
      %dma_start3A_663 = tpu.memref_slice %arg9[%dma_start3A_647, %dma_start3A_661, %dma_start3A_662] : memref<8x8x128xf32, #tpu.memory_space<vmem>> -> memref<1x8x128xf32, #tpu.memory_space<vmem>>
      %dma_start3A_664 = tpu.memref_squeeze %dma_start3A_663 : memref<1x8x128xf32, #tpu.memory_space<vmem>> -> memref<8x128xf32, #tpu.memory_space<vmem>>
      tpu.enqueue_dma source(%dma_start3A_664 : memref<8x128xf32, #tpu.memory_space<vmem>>) target(%dma_start3A_660 : memref<8x128xf32, #tpu.memory_space<hbm>>) target_semaphore(%arg15 : memref<!tpu.dma_semaphore, #tpu.memory_space<semaphore_mem>>)
      %dma_start3A_665 = arith.constant 6 : i32
      %dma_start3A_666 = arith.constant 6 : i32
      %dma_start3A_667 = arith.constant 0 : i32
      %dma_start3A_668 = arith.constant 0 : i32
      %dma_start3A_669 = tpu.memref_slice %arg9[%dma_start3A_665, %dma_start3A_667, %dma_start3A_668] : memref<8x8x128xf32, #tpu.memory_space<vmem>> -> memref<1x8x128xf32, #tpu.memory_space<vmem>>
      %dma_start3A_670 = tpu.memref_squeeze %dma_start3A_669 : memref<1x8x128xf32, #tpu.memory_space<vmem>> -> memref<8x128xf32, #tpu.memory_space<vmem>>
      %dma_start3A_671 = arith.constant 0 : i32
      %dma_start3A_672 = arith.constant 0 : i32
      %dma_start3A_673 = tpu.memref_slice %arg4[%select_n3A_554, %dma_start3A_666, %rem3A_556, %dma_start3A_671, %dma_start3A_672] : memref<50x8x128x8x128xf32, #tpu.memory_space<hbm>> -> memref<1x1x1x8x128xf32, #tpu.memory_space<hbm>>
      %dma_start3A_674 = tpu.memref_squeeze %dma_start3A_673 : memref<1x1x1x8x128xf32, #tpu.memory_space<hbm>> -> memref<8x128xf32, #tpu.memory_space<hbm>>
      %dma_start3A_675 = arith.constant 0 : i32
      %dma_start3A_676 = arith.constant 0 : i32
      %dma_start3A_677 = tpu.memref_slice %arg4[%select_n3A_554, %dma_start3A_666, %rem3A_556, %dma_start3A_675, %dma_start3A_676] : memref<50x8x128x8x128xf32, #tpu.memory_space<hbm>> -> memref<1x1x1x8x128xf32, #tpu.memory_space<hbm>>
      %dma_start3A_678 = tpu.memref_squeeze %dma_start3A_677 : memref<1x1x1x8x128xf32, #tpu.memory_space<hbm>> -> memref<8x128xf32, #tpu.memory_space<hbm>>
      %dma_start3A_679 = arith.constant 0 : i32
      %dma_start3A_680 = arith.constant 0 : i32
      %dma_start3A_681 = tpu.memref_slice %arg9[%dma_start3A_665, %dma_start3A_679, %dma_start3A_680] : memref<8x8x128xf32, #tpu.memory_space<vmem>> -> memref<1x8x128xf32, #tpu.memory_space<vmem>>
      %dma_start3A_682 = tpu.memref_squeeze %dma_start3A_681 : memref<1x8x128xf32, #tpu.memory_space<vmem>> -> memref<8x128xf32, #tpu.memory_space<vmem>>
      tpu.enqueue_dma source(%dma_start3A_682 : memref<8x128xf32, #tpu.memory_space<vmem>>) target(%dma_start3A_678 : memref<8x128xf32, #tpu.memory_space<hbm>>) target_semaphore(%arg15 : memref<!tpu.dma_semaphore, #tpu.memory_space<semaphore_mem>>)
      %dma_start3A_683 = arith.constant 7 : i32
      %dma_start3A_684 = arith.constant 7 : i32
      %dma_start3A_685 = arith.constant 0 : i32
      %dma_start3A_686 = arith.constant 0 : i32
      %dma_start3A_687 = tpu.memref_slice %arg9[%dma_start3A_683, %dma_start3A_685, %dma_start3A_686] : memref<8x8x128xf32, #tpu.memory_space<vmem>> -> memref<1x8x128xf32, #tpu.memory_space<vmem>>
      %dma_start3A_688 = tpu.memref_squeeze %dma_start3A_687 : memref<1x8x128xf32, #tpu.memory_space<vmem>> -> memref<8x128xf32, #tpu.memory_space<vmem>>
      %dma_start3A_689 = arith.constant 0 : i32
      %dma_start3A_690 = arith.constant 0 : i32
      %dma_start3A_691 = tpu.memref_slice %arg4[%select_n3A_554, %dma_start3A_684, %rem3A_556, %dma_start3A_689, %dma_start3A_690] : memref<50x8x128x8x128xf32, #tpu.memory_space<hbm>> -> memref<1x1x1x8x128xf32, #tpu.memory_space<hbm>>
      %dma_start3A_692 = tpu.memref_squeeze %dma_start3A_691 : memref<1x1x1x8x128xf32, #tpu.memory_space<hbm>> -> memref<8x128xf32, #tpu.memory_space<hbm>>
      %dma_start3A_693 = arith.constant 0 : i32
      %dma_start3A_694 = arith.constant 0 : i32
      %dma_start3A_695 = tpu.memref_slice %arg4[%select_n3A_554, %dma_start3A_684, %rem3A_556, %dma_start3A_693, %dma_start3A_694] : memref<50x8x128x8x128xf32, #tpu.memory_space<hbm>> -> memref<1x1x1x8x128xf32, #tpu.memory_space<hbm>>
      %dma_start3A_696 = tpu.memref_squeeze %dma_start3A_695 : memref<1x1x1x8x128xf32, #tpu.memory_space<hbm>> -> memref<8x128xf32, #tpu.memory_space<hbm>>
      %dma_start3A_697 = arith.constant 0 : i32
      %dma_start3A_698 = arith.constant 0 : i32
      %dma_start3A_699 = tpu.memref_slice %arg9[%dma_start3A_683, %dma_start3A_697, %dma_start3A_698] : memref<8x8x128xf32, #tpu.memory_space<vmem>> -> memref<1x8x128xf32, #tpu.memory_space<vmem>>
      %dma_start3A_700 = tpu.memref_squeeze %dma_start3A_699 : memref<1x8x128xf32, #tpu.memory_space<vmem>> -> memref<8x128xf32, #tpu.memory_space<vmem>>
      tpu.enqueue_dma source(%dma_start3A_700 : memref<8x128xf32, #tpu.memory_space<vmem>>) target(%dma_start3A_696 : memref<8x128xf32, #tpu.memory_space<hbm>>) target_semaphore(%arg15 : memref<!tpu.dma_semaphore, #tpu.memory_space<semaphore_mem>>)
      %dma_wait3A_701 = arith.constant 0 : i32
      %dma_wait3A_702 = arith.constant 0 : i32
      %dma_wait3A_703 = arith.constant 0 : i32
      %dma_wait3A_704 = tpu.memref_slice %arg2[%dma_wait3A_701, %dma_wait3A_702, %dma_wait3A_703] : memref<50x128x128xi32, #tpu.memory_space<hbm>> -> memref<1x1x128xi32, #tpu.memory_space<hbm>>
      %dma_wait3A_705 = tpu.memref_squeeze %dma_wait3A_704 : memref<1x1x128xi32, #tpu.memory_space<hbm>> -> memref<128xi32, #tpu.memory_space<hbm>>
      %dma_wait3A_706 = arith.constant 0 : i32
      %dma_wait3A_707 = tpu.memref_slice %arg2[%dma_wait3A_701, %dma_wait3A_702, %dma_wait3A_706] : memref<50x128x128xi32, #tpu.memory_space<hbm>> -> memref<1x1x128xi32, #tpu.memory_space<hbm>>
      %dma_wait3A_708 = tpu.memref_squeeze %dma_wait3A_707 : memref<1x1x128xi32, #tpu.memory_space<hbm>> -> memref<128xi32, #tpu.memory_space<hbm>>
      tpu.wait_dma2 semaphore(%arg11 : memref<!tpu.dma_semaphore, #tpu.memory_space<semaphore_mem>>) src(%dma_wait3A_708 : memref<128xi32, #tpu.memory_space<hbm>>) dst(%arg5 : memref<128xi32, #tpu.memory_space<vmem>>)
      %dma_start3A_709 = arith.constant 0 : i32
      %dma_start3A_710 = arith.constant 0 : i32
      %dma_start3A_711 = tpu.memref_slice %arg3[%dma_start3A_709, %dma_start3A_710] : memref<1000000x64xf32, #tpu.memory_space<hbm>> -> memref<1000000x64xf32, #tpu.memory_space<hbm>>
      tpu.enqueue_indirect_dma source(%dma_start3A_711 : memref<1000000x64xf32, #tpu.memory_space<hbm>>) target(%arg7 : memref<128x64xf32, #tpu.memory_space<vmem>>) offsets(%arg5 : memref<128xi32, #tpu.memory_space<vmem>>) semaphore(%arg13 : memref<!tpu.dma_semaphore, #tpu.memory_space<semaphore_mem>>)
      %add3A_712 = arith.constant 1 : i32
      %add3A_713 = arith.addi %add3A_476, %add3A_712 : i32
      %dma_wait3A_714 = arith.constant 0 : i32
      %dma_wait3A_715 = arith.constant 0 : i32
      %dma_wait3A_716 = tpu.memref_slice %arg3[%dma_wait3A_714, %dma_wait3A_715] : memref<1000000x64xf32, #tpu.memory_space<hbm>> -> memref<128x64xf32, #tpu.memory_space<hbm>>
      %dma_wait3A_717 = arith.constant 0 : i32
      %dma_wait3A_718 = arith.constant 0 : i32
      %dma_wait3A_719 = tpu.memref_slice %arg3[%dma_wait3A_717, %dma_wait3A_718] : memref<1000000x64xf32, #tpu.memory_space<hbm>> -> memref<128x64xf32, #tpu.memory_space<hbm>>
      tpu.wait_dma2 semaphore(%arg14 : memref<!tpu.dma_semaphore, #tpu.memory_space<semaphore_mem>>) src(%dma_wait3A_719 : memref<128x64xf32, #tpu.memory_space<hbm>>) dst(%arg8 : memref<128x64xf32, #tpu.memory_space<vmem>>)
      %add3A_720 = arith.constant 2 : i32
      %add3A_721 = arith.addi %add3A_713, %add3A_720 : i32
      %min3A_722 = arith.minsi %add3A_721, %sub3A_5 : i32
      %jit3A_723 = arith.constant 128 : i32
      %div3A_724 = arith.divsi %min3A_722, %jit3A_723 : i32
      %sign3A_725 = arith.constant 0 : i32
      %sign3A_726 = arith.cmpi sgt, %min3A_722, %sign3A_725 : i32
      %sign3A_727 = arith.extui %sign3A_726 : i1 to i32
      %sign3A_728 = arith.constant 0 : i32
      %sign3A_729 = arith.cmpi slt, %min3A_722, %sign3A_728 : i32
      %sign3A_730 = arith.extui %sign3A_729 : i1 to i32
      %sign3A_731 = arith.subi %sign3A_727, %sign3A_730 : i32
      %sign3A_732 = arith.constant 0 : i32
      %sign3A_733 = arith.cmpi sgt, %jit3A_723, %sign3A_732 : i32
      %sign3A_734 = arith.extui %sign3A_733 : i1 to i32
      %sign3A_735 = arith.constant 0 : i32
      %sign3A_736 = arith.cmpi slt, %jit3A_723, %sign3A_735 : i32
      %sign3A_737 = arith.extui %sign3A_736 : i1 to i32
      %sign3A_738 = arith.subi %sign3A_734, %sign3A_737 : i32
      %ne3A_739 = arith.cmpi ne, %sign3A_731, %sign3A_738 : i32
      %rem3A_740 = arith.remsi %min3A_722, %jit3A_723 : i32
      %ne3A_741 = arith.constant 0 : i32
      %ne3A_742 = arith.cmpi ne, %rem3A_740, %ne3A_741 : i32
      %and3A_743 = arith.andi %ne3A_739, %ne3A_742 : i1
      %sub3A_744 = arith.constant 1 : i32
      %sub3A_745 = arith.subi %div3A_724, %sub3A_744 : i32
      %select_n3A_746 = arith.select %and3A_743, %sub3A_745, %div3A_724 : i32
      %rem3A_747 = arith.constant 128 : i32
      %rem3A_748 = arith.remsi %min3A_722, %rem3A_747 : i32
      %dma_start3A_749 = arith.constant 0 : i32
      %dma_start3A_750 = tpu.memref_slice %arg2[%select_n3A_746, %rem3A_748, %dma_start3A_749] : memref<50x128x128xi32, #tpu.memory_space<hbm>> -> memref<1x1x128xi32, #tpu.memory_space<hbm>>
      %dma_start3A_751 = tpu.memref_squeeze %dma_start3A_750 : memref<1x1x128xi32, #tpu.memory_space<hbm>> -> memref<128xi32, #tpu.memory_space<hbm>>
      %dma_start3A_752 = arith.constant 0 : i32
      %dma_start3A_753 = tpu.memref_slice %arg2[%select_n3A_746, %rem3A_748, %dma_start3A_752] : memref<50x128x128xi32, #tpu.memory_space<hbm>> -> memref<1x1x128xi32, #tpu.memory_space<hbm>>
      %dma_start3A_754 = tpu.memref_squeeze %dma_start3A_753 : memref<1x1x128xi32, #tpu.memory_space<hbm>> -> memref<128xi32, #tpu.memory_space<hbm>>
      tpu.enqueue_dma source(%dma_start3A_754 : memref<128xi32, #tpu.memory_space<hbm>>) target(%arg6 : memref<128xi32, #tpu.memory_space<vmem>>) target_semaphore(%arg12 : memref<!tpu.dma_semaphore, #tpu.memory_space<semaphore_mem>>)
      %dma_wait3A_755 = arith.constant 0 : i32
      %dma_wait3A_756 = arith.constant 0 : i32
      %dma_wait3A_757 = arith.constant 0 : i32
      %dma_wait3A_758 = arith.constant 0 : i32
      %dma_wait3A_759 = arith.constant 0 : i32
      %dma_wait3A_760 = tpu.memref_slice %arg4[%dma_wait3A_755, %dma_wait3A_757, %dma_wait3A_756, %dma_wait3A_758, %dma_wait3A_759] : memref<50x8x128x8x128xf32, #tpu.memory_space<hbm>> -> memref<1x8x1x8x128xf32, #tpu.memory_space<hbm>>
      %dma_wait3A_761 = tpu.memref_squeeze %dma_wait3A_760 : memref<1x8x1x8x128xf32, #tpu.memory_space<hbm>> -> memref<8x8x128xf32, #tpu.memory_space<hbm>>
      %dma_wait3A_762 = arith.constant 0 : i32
      %dma_wait3A_763 = arith.constant 0 : i32
      %dma_wait3A_764 = arith.constant 0 : i32
      %dma_wait3A_765 = tpu.memref_slice %arg4[%dma_wait3A_755, %dma_wait3A_762, %dma_wait3A_756, %dma_wait3A_763, %dma_wait3A_764] : memref<50x8x128x8x128xf32, #tpu.memory_space<hbm>> -> memref<1x8x1x8x128xf32, #tpu.memory_space<hbm>>
      %dma_wait3A_766 = tpu.memref_squeeze %dma_wait3A_765 : memref<1x8x1x8x128xf32, #tpu.memory_space<hbm>> -> memref<8x8x128xf32, #tpu.memory_space<hbm>>
      tpu.wait_dma2 semaphore(%arg16 : memref<!tpu.dma_semaphore, #tpu.memory_space<semaphore_mem>>) src(%arg10 : memref<8x8x128xf32, #tpu.memory_space<vmem>>) dst(%dma_wait3A_766 : memref<8x8x128xf32, #tpu.memory_space<hbm>>)
      %parallel_loop3A_767 = arith.constant 0 : i32
      %parallel_loop3A_768 = arith.constant 16 : i32
      %parallel_loop3A_769 = arith.constant 1 : i32
      scf.for %parallel_loop3A_951 = %parallel_loop3A_767 to %parallel_loop3A_768 step %parallel_loop3A_769  : i32 {
        %parallel_loop3A_952 = vector.broadcast %parallel_loop3A_951 : i32 to vector<16xi32>
        %parallel_loop3A_953 = arith.addi %add3A_8, %parallel_loop3A_952 : vector<16xi32>
        %parallel_loop3A_954 = arith.constant 16 : i32
        %parallel_loop3A_955 = vector.broadcast %parallel_loop3A_954 : i32 to vector<16xi32>
        %parallel_loop3A_956 = arith.cmpi slt, %parallel_loop3A_953, %parallel_loop3A_955 : vector<16xi32>
        %parallel_loop3A_957 = arith.constant 16 : i32
        %parallel_loop3A_958 = vector.broadcast %parallel_loop3A_957 : i32 to vector<16xi32>
        %parallel_loop3A_959 = arith.subi %parallel_loop3A_953, %parallel_loop3A_958 : vector<16xi32>
        %parallel_loop3A_960 = arith.select %parallel_loop3A_956, %parallel_loop3A_953, %parallel_loop3A_959 : vector<16xi1>, vector<16xi32>
        %parallel_loop3A_961 = arith.constant 8 : i32
        %parallel_loop3A_962 = vector.broadcast %parallel_loop3A_961 : i32 to vector<16xi32>
        %parallel_loop3A_963 = arith.divsi %parallel_loop3A_960, %parallel_loop3A_962 : vector<16xi32>
        %parallel_loop3A_964 = arith.constant 0 : i32
        %parallel_loop3A_965 = vector.broadcast %parallel_loop3A_964 : i32 to vector<16xi32>
        %parallel_loop3A_966 = arith.cmpi sgt, %parallel_loop3A_960, %parallel_loop3A_965 : vector<16xi32>
        %parallel_loop3A_967 = arith.extui %parallel_loop3A_966 : vector<16xi1> to vector<16xi32>
        %parallel_loop3A_968 = arith.constant 0 : i32
        %parallel_loop3A_969 = vector.broadcast %parallel_loop3A_968 : i32 to vector<16xi32>
        %parallel_loop3A_970 = arith.cmpi slt, %parallel_loop3A_960, %parallel_loop3A_969 : vector<16xi32>
        %parallel_loop3A_971 = arith.extui %parallel_loop3A_970 : vector<16xi1> to vector<16xi32>
        %parallel_loop3A_972 = arith.subi %parallel_loop3A_967, %parallel_loop3A_971 : vector<16xi32>
        %parallel_loop3A_973 = arith.constant 0 : i32
        %parallel_loop3A_974 = arith.cmpi sgt, %parallel_loop3A_961, %parallel_loop3A_973 : i32
        %parallel_loop3A_975 = arith.extui %parallel_loop3A_974 : i1 to i32
        %parallel_loop3A_976 = arith.constant 0 : i32
        %parallel_loop3A_977 = arith.cmpi slt, %parallel_loop3A_961, %parallel_loop3A_976 : i32
        %parallel_loop3A_978 = arith.extui %parallel_loop3A_977 : i1 to i32
        %parallel_loop3A_979 = arith.subi %parallel_loop3A_975, %parallel_loop3A_978 : i32
        %parallel_loop3A_980 = vector.broadcast %parallel_loop3A_979 : i32 to vector<16xi32>
        %parallel_loop3A_981 = arith.cmpi ne, %parallel_loop3A_972, %parallel_loop3A_980 : vector<16xi32>
        %parallel_loop3A_982 = vector.broadcast %parallel_loop3A_961 : i32 to vector<16xi32>
        %parallel_loop3A_983 = arith.remsi %parallel_loop3A_960, %parallel_loop3A_982 : vector<16xi32>
        %parallel_loop3A_984 = arith.constant 0 : i32
        %parallel_loop3A_985 = vector.broadcast %parallel_loop3A_984 : i32 to vector<16xi32>
        %parallel_loop3A_986 = arith.cmpi ne, %parallel_loop3A_983, %parallel_loop3A_985 : vector<16xi32>
        %parallel_loop3A_987 = arith.andi %parallel_loop3A_981, %parallel_loop3A_986 : vector<16xi1>
        %parallel_loop3A_988 = arith.constant 1 : i32
        %parallel_loop3A_989 = vector.broadcast %parallel_loop3A_988 : i32 to vector<16xi32>
        %parallel_loop3A_990 = arith.subi %parallel_loop3A_963, %parallel_loop3A_989 : vector<16xi32>
        %parallel_loop3A_991 = arith.select %parallel_loop3A_987, %parallel_loop3A_990, %parallel_loop3A_963 : vector<16xi1>, vector<16xi32>
        %parallel_loop3A_992 = arith.constant 8 : i32
        %parallel_loop3A_993 = vector.broadcast %parallel_loop3A_992 : i32 to vector<16xi32>
        %parallel_loop3A_994 = arith.remsi %parallel_loop3A_960, %parallel_loop3A_993 : vector<16xi32>
        %parallel_loop3A_995 = arith.constant 0 : i32
        %parallel_loop3A_996 = vector.broadcast %parallel_loop3A_995 : i32 to vector<16xi32>
        %parallel_loop3A_997 = arith.addi %parallel_loop3A_991, %parallel_loop3A_996 : vector<16xi32>
        %parallel_loop3A_998 = arith.constant 0 : i32
        %parallel_loop3A_999 = vector.broadcast %parallel_loop3A_998 : i32 to vector<16xi32>
        %parallel_loop3A_1000 = arith.addi %parallel_loop3A_960, %parallel_loop3A_999 : vector<16xi32>
        %parallel_loop3A_1001 = tpu.vector_load_idx %arg8[%add3A_8, %parallel_loop3A_1000] : memref<128x64xf32, #tpu.memory_space<vmem>>[vector<16xi32>, vector<16xi32>], vector<16xf32>,
        tpu.vector_store_idx %arg10[%parallel_loop3A_997, %parallel_loop3A_994, %add3A_8], %parallel_loop3A_1001 : memref<8x8x128xf32, #tpu.memory_space<vmem>>[vector<16xi32>, vector<16xi32>, vector<16xi32>], vector<16xf32>,
        %parallel_loop3A_1002 = arith.constant 0 : i32
        %parallel_loop3A_1003 = vector.broadcast %parallel_loop3A_1002 : i32 to vector<16xi32>
        %parallel_loop3A_1004 = arith.addi %parallel_loop3A_960, %parallel_loop3A_1003 : vector<16xi32>
        %parallel_loop3A_1005 = tpu.vector_load_idx %arg8[%add3A_12, %parallel_loop3A_1004] : memref<128x64xf32, #tpu.memory_space<vmem>>[vector<16xi32>, vector<16xi32>], vector<16xf32>,
        tpu.vector_store_idx %arg10[%parallel_loop3A_997, %parallel_loop3A_994, %add3A_12], %parallel_loop3A_1005 : memref<8x8x128xf32, #tpu.memory_space<vmem>>[vector<16xi32>, vector<16xi32>, vector<16xi32>], vector<16xf32>,
        %parallel_loop3A_1006 = arith.constant 0 : i32
        %parallel_loop3A_1007 = vector.broadcast %parallel_loop3A_1006 : i32 to vector<16xi32>
        %parallel_loop3A_1008 = arith.addi %parallel_loop3A_960, %parallel_loop3A_1007 : vector<16xi32>
        %parallel_loop3A_1009 = tpu.vector_load_idx %arg8[%add3A_16, %parallel_loop3A_1008] : memref<128x64xf32, #tpu.memory_space<vmem>>[vector<16xi32>, vector<16xi32>], vector<16xf32>,
        tpu.vector_store_idx %arg10[%parallel_loop3A_997, %parallel_loop3A_994, %add3A_16], %parallel_loop3A_1009 : memref<8x8x128xf32, #tpu.memory_space<vmem>>[vector<16xi32>, vector<16xi32>, vector<16xi32>], vector<16xf32>,
        %parallel_loop3A_1010 = arith.constant 0 : i32
        %parallel_loop3A_1011 = vector.broadcast %parallel_loop3A_1010 : i32 to vector<16xi32>
        %parallel_loop3A_1012 = arith.addi %parallel_loop3A_960, %parallel_loop3A_1011 : vector<16xi32>
        %parallel_loop3A_1013 = tpu.vector_load_idx %arg8[%add3A_20, %parallel_loop3A_1012] : memref<128x64xf32, #tpu.memory_space<vmem>>[vector<16xi32>, vector<16xi32>], vector<16xf32>,
        tpu.vector_store_idx %arg10[%parallel_loop3A_997, %parallel_loop3A_994, %add3A_20], %parallel_loop3A_1013 : memref<8x8x128xf32, #tpu.memory_space<vmem>>[vector<16xi32>, vector<16xi32>, vector<16xi32>], vector<16xf32>,
        %parallel_loop3A_1014 = arith.constant 0 : i32
        %parallel_loop3A_1015 = vector.broadcast %parallel_loop3A_1014 : i32 to vector<16xi32>
        %parallel_loop3A_1016 = arith.addi %parallel_loop3A_960, %parallel_loop3A_1015 : vector<16xi32>
        %parallel_loop3A_1017 = tpu.vector_load_idx %arg8[%add3A_24, %parallel_loop3A_1016] : memref<128x64xf32, #tpu.memory_space<vmem>>[vector<16xi32>, vector<16xi32>], vector<16xf32>,
        tpu.vector_store_idx %arg10[%parallel_loop3A_997, %parallel_loop3A_994, %add3A_24], %parallel_loop3A_1017 : memref<8x8x128xf32, #tpu.memory_space<vmem>>[vector<16xi32>, vector<16xi32>, vector<16xi32>], vector<16xf32>,
        %parallel_loop3A_1018 = arith.constant 0 : i32
        %parallel_loop3A_1019 = vector.broadcast %parallel_loop3A_1018 : i32 to vector<16xi32>
        %parallel_loop3A_1020 = arith.addi %parallel_loop3A_960, %parallel_loop3A_1019 : vector<16xi32>
        %parallel_loop3A_1021 = tpu.vector_load_idx %arg8[%add3A_28, %parallel_loop3A_1020] : memref<128x64xf32, #tpu.memory_space<vmem>>[vector<16xi32>, vector<16xi32>], vector<16xf32>,
        tpu.vector_store_idx %arg10[%parallel_loop3A_997, %parallel_loop3A_994, %add3A_28], %parallel_loop3A_1021 : memref<8x8x128xf32, #tpu.memory_space<vmem>>[vector<16xi32>, vector<16xi32>, vector<16xi32>], vector<16xf32>,
        %parallel_loop3A_1022 = arith.constant 0 : i32
        %parallel_loop3A_1023 = vector.broadcast %parallel_loop3A_1022 : i32 to vector<16xi32>
        %parallel_loop3A_1024 = arith.addi %parallel_loop3A_960, %parallel_loop3A_1023 : vector<16xi32>
        %parallel_loop3A_1025 = tpu.vector_load_idx %arg8[%add3A_32, %parallel_loop3A_1024] : memref<128x64xf32, #tpu.memory_space<vmem>>[vector<16xi32>, vector<16xi32>], vector<16xf32>,
        tpu.vector_store_idx %arg10[%parallel_loop3A_997, %parallel_loop3A_994, %add3A_32], %parallel_loop3A_1025 : memref<8x8x128xf32, #tpu.memory_space<vmem>>[vector<16xi32>, vector<16xi32>, vector<16xi32>], vector<16xf32>,
        %parallel_loop3A_1026 = arith.constant 0 : i32
        %parallel_loop3A_1027 = vector.broadcast %parallel_loop3A_1026 : i32 to vector<16xi32>
        %parallel_loop3A_1028 = arith.addi %parallel_loop3A_960, %parallel_loop3A_1027 : vector<16xi32>
        %parallel_loop3A_1029 = tpu.vector_load_idx %arg8[%add3A_36, %parallel_loop3A_1028] : memref<128x64xf32, #tpu.memory_space<vmem>>[vector<16xi32>, vector<16xi32>], vector<16xf32>,
        tpu.vector_store_idx %arg10[%parallel_loop3A_997, %parallel_loop3A_994, %add3A_36], %parallel_loop3A_1029 : memref<8x8x128xf32, #tpu.memory_space<vmem>>[vector<16xi32>, vector<16xi32>, vector<16xi32>], vector<16xf32>,
        %parallel_loop3A_1030 = arith.constant 2 : i32
        %parallel_loop3A_1031 = vector.broadcast %parallel_loop3A_1030 : i32 to vector<16xi32>
        %parallel_loop3A_1032 = arith.addi %parallel_loop3A_991, %parallel_loop3A_1031 : vector<16xi32>
        %parallel_loop3A_1033 = arith.constant 16 : i32
        %parallel_loop3A_1034 = vector.broadcast %parallel_loop3A_1033 : i32 to vector<16xi32>
        %parallel_loop3A_1035 = arith.addi %parallel_loop3A_960, %parallel_loop3A_1034 : vector<16xi32>
        %parallel_loop3A_1036 = tpu.vector_load_idx %arg8[%add3A_8, %parallel_loop3A_1035] : memref<128x64xf32, #tpu.memory_space<vmem>>[vector<16xi32>, vector<16xi32>], vector<16xf32>,
        tpu.vector_store_idx %arg10[%parallel_loop3A_1032, %parallel_loop3A_994, %add3A_8], %parallel_loop3A_1036 : memref<8x8x128xf32, #tpu.memory_space<vmem>>[vector<16xi32>, vector<16xi32>, vector<16xi32>], vector<16xf32>,
        %parallel_loop3A_1037 = arith.constant 16 : i32
        %parallel_loop3A_1038 = vector.broadcast %parallel_loop3A_1037 : i32 to vector<16xi32>
        %parallel_loop3A_1039 = arith.addi %parallel_loop3A_960, %parallel_loop3A_1038 : vector<16xi32>
        %parallel_loop3A_1040 = tpu.vector_load_idx %arg8[%add3A_12, %parallel_loop3A_1039] : memref<128x64xf32, #tpu.memory_space<vmem>>[vector<16xi32>, vector<16xi32>], vector<16xf32>,
        tpu.vector_store_idx %arg10[%parallel_loop3A_1032, %parallel_loop3A_994, %add3A_12], %parallel_loop3A_1040 : memref<8x8x128xf32, #tpu.memory_space<vmem>>[vector<16xi32>, vector<16xi32>, vector<16xi32>], vector<16xf32>,
        %parallel_loop3A_1041 = arith.constant 16 : i32
        %parallel_loop3A_1042 = vector.broadcast %parallel_loop3A_1041 : i32 to vector<16xi32>
        %parallel_loop3A_1043 = arith.addi %parallel_loop3A_960, %parallel_loop3A_1042 : vector<16xi32>
        %parallel_loop3A_1044 = tpu.vector_load_idx %arg8[%add3A_16, %parallel_loop3A_1043] : memref<128x64xf32, #tpu.memory_space<vmem>>[vector<16xi32>, vector<16xi32>], vector<16xf32>,
        tpu.vector_store_idx %arg10[%parallel_loop3A_1032, %parallel_loop3A_994, %add3A_16], %parallel_loop3A_1044 : memref<8x8x128xf32, #tpu.memory_space<vmem>>[vector<16xi32>, vector<16xi32>, vector<16xi32>], vector<16xf32>,
        %parallel_loop3A_1045 = arith.constant 16 : i32
        %parallel_loop3A_1046 = vector.broadcast %parallel_loop3A_1045 : i32 to vector<16xi32>
        %parallel_loop3A_1047 = arith.addi %parallel_loop3A_960, %parallel_loop3A_1046 : vector<16xi32>
        %parallel_loop3A_1048 = tpu.vector_load_idx %arg8[%add3A_20, %parallel_loop3A_1047] : memref<128x64xf32, #tpu.memory_space<vmem>>[vector<16xi32>, vector<16xi32>], vector<16xf32>,
        tpu.vector_store_idx %arg10[%parallel_loop3A_1032, %parallel_loop3A_994, %add3A_20], %parallel_loop3A_1048 : memref<8x8x128xf32, #tpu.memory_space<vmem>>[vector<16xi32>, vector<16xi32>, vector<16xi32>], vector<16xf32>,
        %parallel_loop3A_1049 = arith.constant 16 : i32
        %parallel_loop3A_1050 = vector.broadcast %parallel_loop3A_1049 : i32 to vector<16xi32>
        %parallel_loop3A_1051 = arith.addi %parallel_loop3A_960, %parallel_loop3A_1050 : vector<16xi32>
        %parallel_loop3A_1052 = tpu.vector_load_idx %arg8[%add3A_24, %parallel_loop3A_1051] : memref<128x64xf32, #tpu.memory_space<vmem>>[vector<16xi32>, vector<16xi32>], vector<16xf32>,
        tpu.vector_store_idx %arg10[%parallel_loop3A_1032, %parallel_loop3A_994, %add3A_24], %parallel_loop3A_1052 : memref<8x8x128xf32, #tpu.memory_space<vmem>>[vector<16xi32>, vector<16xi32>, vector<16xi32>], vector<16xf32>,
        %parallel_loop3A_1053 = arith.constant 16 : i32
        %parallel_loop3A_1054 = vector.broadcast %parallel_loop3A_1053 : i32 to vector<16xi32>
        %parallel_loop3A_1055 = arith.addi %parallel_loop3A_960, %parallel_loop3A_1054 : vector<16xi32>
        %parallel_loop3A_1056 = tpu.vector_load_idx %arg8[%add3A_28, %parallel_loop3A_1055] : memref<128x64xf32, #tpu.memory_space<vmem>>[vector<16xi32>, vector<16xi32>], vector<16xf32>,
        tpu.vector_store_idx %arg10[%parallel_loop3A_1032, %parallel_loop3A_994, %add3A_28], %parallel_loop3A_1056 : memref<8x8x128xf32, #tpu.memory_space<vmem>>[vector<16xi32>, vector<16xi32>, vector<16xi32>], vector<16xf32>,
        %parallel_loop3A_1057 = arith.constant 16 : i32
        %parallel_loop3A_1058 = vector.broadcast %parallel_loop3A_1057 : i32 to vector<16xi32>
        %parallel_loop3A_1059 = arith.addi %parallel_loop3A_960, %parallel_loop3A_1058 : vector<16xi32>
        %parallel_loop3A_1060 = tpu.vector_load_idx %arg8[%add3A_32, %parallel_loop3A_1059] : memref<128x64xf32, #tpu.memory_space<vmem>>[vector<16xi32>, vector<16xi32>], vector<16xf32>,
        tpu.vector_store_idx %arg10[%parallel_loop3A_1032, %parallel_loop3A_994, %add3A_32], %parallel_loop3A_1060 : memref<8x8x128xf32, #tpu.memory_space<vmem>>[vector<16xi32>, vector<16xi32>, vector<16xi32>], vector<16xf32>,
        %parallel_loop3A_1061 = arith.constant 16 : i32
        %parallel_loop3A_1062 = vector.broadcast %parallel_loop3A_1061 : i32 to vector<16xi32>
        %parallel_loop3A_1063 = arith.addi %parallel_loop3A_960, %parallel_loop3A_1062 : vector<16xi32>
        %parallel_loop3A_1064 = tpu.vector_load_idx %arg8[%add3A_36, %parallel_loop3A_1063] : memref<128x64xf32, #tpu.memory_space<vmem>>[vector<16xi32>, vector<16xi32>], vector<16xf32>,
        tpu.vector_store_idx %arg10[%parallel_loop3A_1032, %parallel_loop3A_994, %add3A_36], %parallel_loop3A_1064 : memref<8x8x128xf32, #tpu.memory_space<vmem>>[vector<16xi32>, vector<16xi32>, vector<16xi32>], vector<16xf32>,
        %parallel_loop3A_1065 = arith.constant 4 : i32
        %parallel_loop3A_1066 = vector.broadcast %parallel_loop3A_1065 : i32 to vector<16xi32>
        %parallel_loop3A_1067 = arith.addi %parallel_loop3A_991, %parallel_loop3A_1066 : vector<16xi32>
        %parallel_loop3A_1068 = arith.constant 32 : i32
        %parallel_loop3A_1069 = vector.broadcast %parallel_loop3A_1068 : i32 to vector<16xi32>
        %parallel_loop3A_1070 = arith.addi %parallel_loop3A_960, %parallel_loop3A_1069 : vector<16xi32>
        %parallel_loop3A_1071 = tpu.vector_load_idx %arg8[%add3A_8, %parallel_loop3A_1070] : memref<128x64xf32, #tpu.memory_space<vmem>>[vector<16xi32>, vector<16xi32>], vector<16xf32>,
        tpu.vector_store_idx %arg10[%parallel_loop3A_1067, %parallel_loop3A_994, %add3A_8], %parallel_loop3A_1071 : memref<8x8x128xf32, #tpu.memory_space<vmem>>[vector<16xi32>, vector<16xi32>, vector<16xi32>], vector<16xf32>,
        %parallel_loop3A_1072 = arith.constant 32 : i32
        %parallel_loop3A_1073 = vector.broadcast %parallel_loop3A_1072 : i32 to vector<16xi32>
        %parallel_loop3A_1074 = arith.addi %parallel_loop3A_960, %parallel_loop3A_1073 : vector<16xi32>
        %parallel_loop3A_1075 = tpu.vector_load_idx %arg8[%add3A_12, %parallel_loop3A_1074] : memref<128x64xf32, #tpu.memory_space<vmem>>[vector<16xi32>, vector<16xi32>], vector<16xf32>,
        tpu.vector_store_idx %arg10[%parallel_loop3A_1067, %parallel_loop3A_994, %add3A_12], %parallel_loop3A_1075 : memref<8x8x128xf32, #tpu.memory_space<vmem>>[vector<16xi32>, vector<16xi32>, vector<16xi32>], vector<16xf32>,
        %parallel_loop3A_1076 = arith.constant 32 : i32
        %parallel_loop3A_1077 = vector.broadcast %parallel_loop3A_1076 : i32 to vector<16xi32>
        %parallel_loop3A_1078 = arith.addi %parallel_loop3A_960, %parallel_loop3A_1077 : vector<16xi32>
        %parallel_loop3A_1079 = tpu.vector_load_idx %arg8[%add3A_16, %parallel_loop3A_1078] : memref<128x64xf32, #tpu.memory_space<vmem>>[vector<16xi32>, vector<16xi32>], vector<16xf32>,
        tpu.vector_store_idx %arg10[%parallel_loop3A_1067, %parallel_loop3A_994, %add3A_16], %parallel_loop3A_1079 : memref<8x8x128xf32, #tpu.memory_space<vmem>>[vector<16xi32>, vector<16xi32>, vector<16xi32>], vector<16xf32>,
        %parallel_loop3A_1080 = arith.constant 32 : i32
        %parallel_loop3A_1081 = vector.broadcast %parallel_loop3A_1080 : i32 to vector<16xi32>
        %parallel_loop3A_1082 = arith.addi %parallel_loop3A_960, %parallel_loop3A_1081 : vector<16xi32>
        %parallel_loop3A_1083 = tpu.vector_load_idx %arg8[%add3A_20, %parallel_loop3A_1082] : memref<128x64xf32, #tpu.memory_space<vmem>>[vector<16xi32>, vector<16xi32>], vector<16xf32>,
        tpu.vector_store_idx %arg10[%parallel_loop3A_1067, %parallel_loop3A_994, %add3A_20], %parallel_loop3A_1083 : memref<8x8x128xf32, #tpu.memory_space<vmem>>[vector<16xi32>, vector<16xi32>, vector<16xi32>], vector<16xf32>,
        %parallel_loop3A_1084 = arith.constant 32 : i32
        %parallel_loop3A_1085 = vector.broadcast %parallel_loop3A_1084 : i32 to vector<16xi32>
        %parallel_loop3A_1086 = arith.addi %parallel_loop3A_960, %parallel_loop3A_1085 : vector<16xi32>
        %parallel_loop3A_1087 = tpu.vector_load_idx %arg8[%add3A_24, %parallel_loop3A_1086] : memref<128x64xf32, #tpu.memory_space<vmem>>[vector<16xi32>, vector<16xi32>], vector<16xf32>,
        tpu.vector_store_idx %arg10[%parallel_loop3A_1067, %parallel_loop3A_994, %add3A_24], %parallel_loop3A_1087 : memref<8x8x128xf32, #tpu.memory_space<vmem>>[vector<16xi32>, vector<16xi32>, vector<16xi32>], vector<16xf32>,
        %parallel_loop3A_1088 = arith.constant 32 : i32
        %parallel_loop3A_1089 = vector.broadcast %parallel_loop3A_1088 : i32 to vector<16xi32>
        %parallel_loop3A_1090 = arith.addi %parallel_loop3A_960, %parallel_loop3A_1089 : vector<16xi32>
        %parallel_loop3A_1091 = tpu.vector_load_idx %arg8[%add3A_28, %parallel_loop3A_1090] : memref<128x64xf32, #tpu.memory_space<vmem>>[vector<16xi32>, vector<16xi32>], vector<16xf32>,
        tpu.vector_store_idx %arg10[%parallel_loop3A_1067, %parallel_loop3A_994, %add3A_28], %parallel_loop3A_1091 : memref<8x8x128xf32, #tpu.memory_space<vmem>>[vector<16xi32>, vector<16xi32>, vector<16xi32>], vector<16xf32>,
        %parallel_loop3A_1092 = arith.constant 32 : i32
        %parallel_loop3A_1093 = vector.broadcast %parallel_loop3A_1092 : i32 to vector<16xi32>
        %parallel_loop3A_1094 = arith.addi %parallel_loop3A_960, %parallel_loop3A_1093 : vector<16xi32>
        %parallel_loop3A_1095 = tpu.vector_load_idx %arg8[%add3A_32, %parallel_loop3A_1094] : memref<128x64xf32, #tpu.memory_space<vmem>>[vector<16xi32>, vector<16xi32>], vector<16xf32>,
        tpu.vector_store_idx %arg10[%parallel_loop3A_1067, %parallel_loop3A_994, %add3A_32], %parallel_loop3A_1095 : memref<8x8x128xf32, #tpu.memory_space<vmem>>[vector<16xi32>, vector<16xi32>, vector<16xi32>], vector<16xf32>,
        %parallel_loop3A_1096 = arith.constant 32 : i32
        %parallel_loop3A_1097 = vector.broadcast %parallel_loop3A_1096 : i32 to vector<16xi32>
        %parallel_loop3A_1098 = arith.addi %parallel_loop3A_960, %parallel_loop3A_1097 : vector<16xi32>
        %parallel_loop3A_1099 = tpu.vector_load_idx %arg8[%add3A_36, %parallel_loop3A_1098] : memref<128x64xf32, #tpu.memory_space<vmem>>[vector<16xi32>, vector<16xi32>], vector<16xf32>,
        tpu.vector_store_idx %arg10[%parallel_loop3A_1067, %parallel_loop3A_994, %add3A_36], %parallel_loop3A_1099 : memref<8x8x128xf32, #tpu.memory_space<vmem>>[vector<16xi32>, vector<16xi32>, vector<16xi32>], vector<16xf32>,
        %parallel_loop3A_1100 = arith.constant 6 : i32
        %parallel_loop3A_1101 = vector.broadcast %parallel_loop3A_1100 : i32 to vector<16xi32>
        %parallel_loop3A_1102 = arith.addi %parallel_loop3A_991, %parallel_loop3A_1101 : vector<16xi32>
        %parallel_loop3A_1103 = arith.constant 48 : i32
        %parallel_loop3A_1104 = vector.broadcast %parallel_loop3A_1103 : i32 to vector<16xi32>
        %parallel_loop3A_1105 = arith.addi %parallel_loop3A_960, %parallel_loop3A_1104 : vector<16xi32>
        %parallel_loop3A_1106 = tpu.vector_load_idx %arg8[%add3A_8, %parallel_loop3A_1105] : memref<128x64xf32, #tpu.memory_space<vmem>>[vector<16xi32>, vector<16xi32>], vector<16xf32>,
        tpu.vector_store_idx %arg10[%parallel_loop3A_1102, %parallel_loop3A_994, %add3A_8], %parallel_loop3A_1106 : memref<8x8x128xf32, #tpu.memory_space<vmem>>[vector<16xi32>, vector<16xi32>, vector<16xi32>], vector<16xf32>,
        %parallel_loop3A_1107 = arith.constant 48 : i32
        %parallel_loop3A_1108 = vector.broadcast %parallel_loop3A_1107 : i32 to vector<16xi32>
        %parallel_loop3A_1109 = arith.addi %parallel_loop3A_960, %parallel_loop3A_1108 : vector<16xi32>
        %parallel_loop3A_1110 = tpu.vector_load_idx %arg8[%add3A_12, %parallel_loop3A_1109] : memref<128x64xf32, #tpu.memory_space<vmem>>[vector<16xi32>, vector<16xi32>], vector<16xf32>,
        tpu.vector_store_idx %arg10[%parallel_loop3A_1102, %parallel_loop3A_994, %add3A_12], %parallel_loop3A_1110 : memref<8x8x128xf32, #tpu.memory_space<vmem>>[vector<16xi32>, vector<16xi32>, vector<16xi32>], vector<16xf32>,
        %parallel_loop3A_1111 = arith.constant 48 : i32
        %parallel_loop3A_1112 = vector.broadcast %parallel_loop3A_1111 : i32 to vector<16xi32>
        %parallel_loop3A_1113 = arith.addi %parallel_loop3A_960, %parallel_loop3A_1112 : vector<16xi32>
        %parallel_loop3A_1114 = tpu.vector_load_idx %arg8[%add3A_16, %parallel_loop3A_1113] : memref<128x64xf32, #tpu.memory_space<vmem>>[vector<16xi32>, vector<16xi32>], vector<16xf32>,
        tpu.vector_store_idx %arg10[%parallel_loop3A_1102, %parallel_loop3A_994, %add3A_16], %parallel_loop3A_1114 : memref<8x8x128xf32, #tpu.memory_space<vmem>>[vector<16xi32>, vector<16xi32>, vector<16xi32>], vector<16xf32>,
        %parallel_loop3A_1115 = arith.constant 48 : i32
        %parallel_loop3A_1116 = vector.broadcast %parallel_loop3A_1115 : i32 to vector<16xi32>
        %parallel_loop3A_1117 = arith.addi %parallel_loop3A_960, %parallel_loop3A_1116 : vector<16xi32>
        %parallel_loop3A_1118 = tpu.vector_load_idx %arg8[%add3A_20, %parallel_loop3A_1117] : memref<128x64xf32, #tpu.memory_space<vmem>>[vector<16xi32>, vector<16xi32>], vector<16xf32>,
        tpu.vector_store_idx %arg10[%parallel_loop3A_1102, %parallel_loop3A_994, %add3A_20], %parallel_loop3A_1118 : memref<8x8x128xf32, #tpu.memory_space<vmem>>[vector<16xi32>, vector<16xi32>, vector<16xi32>], vector<16xf32>,
        %parallel_loop3A_1119 = arith.constant 48 : i32
        %parallel_loop3A_1120 = vector.broadcast %parallel_loop3A_1119 : i32 to vector<16xi32>
        %parallel_loop3A_1121 = arith.addi %parallel_loop3A_960, %parallel_loop3A_1120 : vector<16xi32>
        %parallel_loop3A_1122 = tpu.vector_load_idx %arg8[%add3A_24, %parallel_loop3A_1121] : memref<128x64xf32, #tpu.memory_space<vmem>>[vector<16xi32>, vector<16xi32>], vector<16xf32>,
        tpu.vector_store_idx %arg10[%parallel_loop3A_1102, %parallel_loop3A_994, %add3A_24], %parallel_loop3A_1122 : memref<8x8x128xf32, #tpu.memory_space<vmem>>[vector<16xi32>, vector<16xi32>, vector<16xi32>], vector<16xf32>,
        %parallel_loop3A_1123 = arith.constant 48 : i32
        %parallel_loop3A_1124 = vector.broadcast %parallel_loop3A_1123 : i32 to vector<16xi32>
        %parallel_loop3A_1125 = arith.addi %parallel_loop3A_960, %parallel_loop3A_1124 : vector<16xi32>
        %parallel_loop3A_1126 = tpu.vector_load_idx %arg8[%add3A_28, %parallel_loop3A_1125] : memref<128x64xf32, #tpu.memory_space<vmem>>[vector<16xi32>, vector<16xi32>], vector<16xf32>,
        tpu.vector_store_idx %arg10[%parallel_loop3A_1102, %parallel_loop3A_994, %add3A_28], %parallel_loop3A_1126 : memref<8x8x128xf32, #tpu.memory_space<vmem>>[vector<16xi32>, vector<16xi32>, vector<16xi32>], vector<16xf32>,
        %parallel_loop3A_1127 = arith.constant 48 : i32
        %parallel_loop3A_1128 = vector.broadcast %parallel_loop3A_1127 : i32 to vector<16xi32>
        %parallel_loop3A_1129 = arith.addi %parallel_loop3A_960, %parallel_loop3A_1128 : vector<16xi32>
        %parallel_loop3A_1130 = tpu.vector_load_idx %arg8[%add3A_32, %parallel_loop3A_1129] : memref<128x64xf32, #tpu.memory_space<vmem>>[vector<16xi32>, vector<16xi32>], vector<16xf32>,
        tpu.vector_store_idx %arg10[%parallel_loop3A_1102, %parallel_loop3A_994, %add3A_32], %parallel_loop3A_1130 : memref<8x8x128xf32, #tpu.memory_space<vmem>>[vector<16xi32>, vector<16xi32>, vector<16xi32>], vector<16xf32>,
        %parallel_loop3A_1131 = arith.constant 48 : i32
        %parallel_loop3A_1132 = vector.broadcast %parallel_loop3A_1131 : i32 to vector<16xi32>
        %parallel_loop3A_1133 = arith.addi %parallel_loop3A_960, %parallel_loop3A_1132 : vector<16xi32>
        %parallel_loop3A_1134 = tpu.vector_load_idx %arg8[%add3A_36, %parallel_loop3A_1133] : memref<128x64xf32, #tpu.memory_space<vmem>>[vector<16xi32>, vector<16xi32>], vector<16xf32>,
        tpu.vector_store_idx %arg10[%parallel_loop3A_1102, %parallel_loop3A_994, %add3A_36], %parallel_loop3A_1134 : memref<8x8x128xf32, #tpu.memory_space<vmem>>[vector<16xi32>, vector<16xi32>, vector<16xi32>], vector<16xf32>,
      } {sc.loop_unroll_factor = 4 : i64, sc.parallel_access}
      %jit3A_770 = arith.constant 128 : i32
      %div3A_771 = arith.divsi %add3A_713, %jit3A_770 : i32
      %sign3A_772 = arith.constant 0 : i32
      %sign3A_773 = arith.cmpi sgt, %add3A_713, %sign3A_772 : i32
      %sign3A_774 = arith.extui %sign3A_773 : i1 to i32
      %sign3A_775 = arith.constant 0 : i32
      %sign3A_776 = arith.cmpi slt, %add3A_713, %sign3A_775 : i32
      %sign3A_777 = arith.extui %sign3A_776 : i1 to i32
      %sign3A_778 = arith.subi %sign3A_774, %sign3A_777 : i32
      %sign3A_779 = arith.constant 0 : i32
      %sign3A_780 = arith.cmpi sgt, %jit3A_770, %sign3A_779 : i32
      %sign3A_781 = arith.extui %sign3A_780 : i1 to i32
      %sign3A_782 = arith.constant 0 : i32
      %sign3A_783 = arith.cmpi slt, %jit3A_770, %sign3A_782 : i32
      %sign3A_784 = arith.extui %sign3A_783 : i1 to i32
      %sign3A_785 = arith.subi %sign3A_781, %sign3A_784 : i32
      %ne3A_786 = arith.cmpi ne, %sign3A_778, %sign3A_785 : i32
      %rem3A_787 = arith.remsi %add3A_713, %jit3A_770 : i32
      %ne3A_788 = arith.constant 0 : i32
      %ne3A_789 = arith.cmpi ne, %rem3A_787, %ne3A_788 : i32
      %and3A_790 = arith.andi %ne3A_786, %ne3A_789 : i1
      %sub3A_791 = arith.constant 1 : i32
      %sub3A_792 = arith.subi %div3A_771, %sub3A_791 : i32
      %select_n3A_793 = arith.select %and3A_790, %sub3A_792, %div3A_771 : i32
      %rem3A_794 = arith.constant 128 : i32
      %rem3A_795 = arith.remsi %add3A_713, %rem3A_794 : i32
      %dma_start3A_796 = arith.constant 0 : i32
      %dma_start3A_797 = arith.constant 0 : i32
      %dma_start3A_798 = arith.constant 0 : i32
      %dma_start3A_799 = arith.constant 0 : i32
      %dma_start3A_800 = tpu.memref_slice %arg10[%dma_start3A_796, %dma_start3A_798, %dma_start3A_799] : memref<8x8x128xf32, #tpu.memory_space<vmem>> -> memref<1x8x128xf32, #tpu.memory_space<vmem>>
      %dma_start3A_801 = tpu.memref_squeeze %dma_start3A_800 : memref<1x8x128xf32, #tpu.memory_space<vmem>> -> memref<8x128xf32, #tpu.memory_space<vmem>>
      %dma_start3A_802 = arith.constant 0 : i32
      %dma_start3A_803 = arith.constant 0 : i32
      %dma_start3A_804 = tpu.memref_slice %arg4[%select_n3A_793, %dma_start3A_797, %rem3A_795, %dma_start3A_802, %dma_start3A_803] : memref<50x8x128x8x128xf32, #tpu.memory_space<hbm>> -> memref<1x1x1x8x128xf32, #tpu.memory_space<hbm>>
      %dma_start3A_805 = tpu.memref_squeeze %dma_start3A_804 : memref<1x1x1x8x128xf32, #tpu.memory_space<hbm>> -> memref<8x128xf32, #tpu.memory_space<hbm>>
      %dma_start3A_806 = arith.constant 0 : i32
      %dma_start3A_807 = arith.constant 0 : i32
      %dma_start3A_808 = tpu.memref_slice %arg4[%select_n3A_793, %dma_start3A_797, %rem3A_795, %dma_start3A_806, %dma_start3A_807] : memref<50x8x128x8x128xf32, #tpu.memory_space<hbm>> -> memref<1x1x1x8x128xf32, #tpu.memory_space<hbm>>
      %dma_start3A_809 = tpu.memref_squeeze %dma_start3A_808 : memref<1x1x1x8x128xf32, #tpu.memory_space<hbm>> -> memref<8x128xf32, #tpu.memory_space<hbm>>
      %dma_start3A_810 = arith.constant 0 : i32
      %dma_start3A_811 = arith.constant 0 : i32
      %dma_start3A_812 = tpu.memref_slice %arg10[%dma_start3A_796, %dma_start3A_810, %dma_start3A_811] : memref<8x8x128xf32, #tpu.memory_space<vmem>> -> memref<1x8x128xf32, #tpu.memory_space<vmem>>
      %dma_start3A_813 = tpu.memref_squeeze %dma_start3A_812 : memref<1x8x128xf32, #tpu.memory_space<vmem>> -> memref<8x128xf32, #tpu.memory_space<vmem>>
      tpu.enqueue_dma source(%dma_start3A_813 : memref<8x128xf32, #tpu.memory_space<vmem>>) target(%dma_start3A_809 : memref<8x128xf32, #tpu.memory_space<hbm>>) target_semaphore(%arg16 : memref<!tpu.dma_semaphore, #tpu.memory_space<semaphore_mem>>)
      %dma_start3A_814 = arith.constant 1 : i32
      %dma_start3A_815 = arith.constant 1 : i32
      %dma_start3A_816 = arith.constant 0 : i32
      %dma_start3A_817 = arith.constant 0 : i32
      %dma_start3A_818 = tpu.memref_slice %arg10[%dma_start3A_814, %dma_start3A_816, %dma_start3A_817] : memref<8x8x128xf32, #tpu.memory_space<vmem>> -> memref<1x8x128xf32, #tpu.memory_space<vmem>>
      %dma_start3A_819 = tpu.memref_squeeze %dma_start3A_818 : memref<1x8x128xf32, #tpu.memory_space<vmem>> -> memref<8x128xf32, #tpu.memory_space<vmem>>
      %dma_start3A_820 = arith.constant 0 : i32
      %dma_start3A_821 = arith.constant 0 : i32
      %dma_start3A_822 = tpu.memref_slice %arg4[%select_n3A_793, %dma_start3A_815, %rem3A_795, %dma_start3A_820, %dma_start3A_821] : memref<50x8x128x8x128xf32, #tpu.memory_space<hbm>> -> memref<1x1x1x8x128xf32, #tpu.memory_space<hbm>>
      %dma_start3A_823 = tpu.memref_squeeze %dma_start3A_822 : memref<1x1x1x8x128xf32, #tpu.memory_space<hbm>> -> memref<8x128xf32, #tpu.memory_space<hbm>>
      %dma_start3A_824 = arith.constant 0 : i32
      %dma_start3A_825 = arith.constant 0 : i32
      %dma_start3A_826 = tpu.memref_slice %arg4[%select_n3A_793, %dma_start3A_815, %rem3A_795, %dma_start3A_824, %dma_start3A_825] : memref<50x8x128x8x128xf32, #tpu.memory_space<hbm>> -> memref<1x1x1x8x128xf32, #tpu.memory_space<hbm>>
      %dma_start3A_827 = tpu.memref_squeeze %dma_start3A_826 : memref<1x1x1x8x128xf32, #tpu.memory_space<hbm>> -> memref<8x128xf32, #tpu.memory_space<hbm>>
      %dma_start3A_828 = arith.constant 0 : i32
      %dma_start3A_829 = arith.constant 0 : i32
      %dma_start3A_830 = tpu.memref_slice %arg10[%dma_start3A_814, %dma_start3A_828, %dma_start3A_829] : memref<8x8x128xf32, #tpu.memory_space<vmem>> -> memref<1x8x128xf32, #tpu.memory_space<vmem>>
      %dma_start3A_831 = tpu.memref_squeeze %dma_start3A_830 : memref<1x8x128xf32, #tpu.memory_space<vmem>> -> memref<8x128xf32, #tpu.memory_space<vmem>>
      tpu.enqueue_dma source(%dma_start3A_831 : memref<8x128xf32, #tpu.memory_space<vmem>>) target(%dma_start3A_827 : memref<8x128xf32, #tpu.memory_space<hbm>>) target_semaphore(%arg16 : memref<!tpu.dma_semaphore, #tpu.memory_space<semaphore_mem>>)
      %dma_start3A_832 = arith.constant 2 : i32
      %dma_start3A_833 = arith.constant 2 : i32
      %dma_start3A_834 = arith.constant 0 : i32
      %dma_start3A_835 = arith.constant 0 : i32
      %dma_start3A_836 = tpu.memref_slice %arg10[%dma_start3A_832, %dma_start3A_834, %dma_start3A_835] : memref<8x8x128xf32, #tpu.memory_space<vmem>> -> memref<1x8x128xf32, #tpu.memory_space<vmem>>
      %dma_start3A_837 = tpu.memref_squeeze %dma_start3A_836 : memref<1x8x128xf32, #tpu.memory_space<vmem>> -> memref<8x128xf32, #tpu.memory_space<vmem>>
      %dma_start3A_838 = arith.constant 0 : i32
      %dma_start3A_839 = arith.constant 0 : i32
      %dma_start3A_840 = tpu.memref_slice %arg4[%select_n3A_793, %dma_start3A_833, %rem3A_795, %dma_start3A_838, %dma_start3A_839] : memref<50x8x128x8x128xf32, #tpu.memory_space<hbm>> -> memref<1x1x1x8x128xf32, #tpu.memory_space<hbm>>
      %dma_start3A_841 = tpu.memref_squeeze %dma_start3A_840 : memref<1x1x1x8x128xf32, #tpu.memory_space<hbm>> -> memref<8x128xf32, #tpu.memory_space<hbm>>
      %dma_start3A_842 = arith.constant 0 : i32
      %dma_start3A_843 = arith.constant 0 : i32
      %dma_start3A_844 = tpu.memref_slice %arg4[%select_n3A_793, %dma_start3A_833, %rem3A_795, %dma_start3A_842, %dma_start3A_843] : memref<50x8x128x8x128xf32, #tpu.memory_space<hbm>> -> memref<1x1x1x8x128xf32, #tpu.memory_space<hbm>>
      %dma_start3A_845 = tpu.memref_squeeze %dma_start3A_844 : memref<1x1x1x8x128xf32, #tpu.memory_space<hbm>> -> memref<8x128xf32, #tpu.memory_space<hbm>>
      %dma_start3A_846 = arith.constant 0 : i32
      %dma_start3A_847 = arith.constant 0 : i32
      %dma_start3A_848 = tpu.memref_slice %arg10[%dma_start3A_832, %dma_start3A_846, %dma_start3A_847] : memref<8x8x128xf32, #tpu.memory_space<vmem>> -> memref<1x8x128xf32, #tpu.memory_space<vmem>>
      %dma_start3A_849 = tpu.memref_squeeze %dma_start3A_848 : memref<1x8x128xf32, #tpu.memory_space<vmem>> -> memref<8x128xf32, #tpu.memory_space<vmem>>
      tpu.enqueue_dma source(%dma_start3A_849 : memref<8x128xf32, #tpu.memory_space<vmem>>) target(%dma_start3A_845 : memref<8x128xf32, #tpu.memory_space<hbm>>) target_semaphore(%arg16 : memref<!tpu.dma_semaphore, #tpu.memory_space<semaphore_mem>>)
      %dma_start3A_850 = arith.constant 3 : i32
      %dma_start3A_851 = arith.constant 3 : i32
      %dma_start3A_852 = arith.constant 0 : i32
      %dma_start3A_853 = arith.constant 0 : i32
      %dma_start3A_854 = tpu.memref_slice %arg10[%dma_start3A_850, %dma_start3A_852, %dma_start3A_853] : memref<8x8x128xf32, #tpu.memory_space<vmem>> -> memref<1x8x128xf32, #tpu.memory_space<vmem>>
      %dma_start3A_855 = tpu.memref_squeeze %dma_start3A_854 : memref<1x8x128xf32, #tpu.memory_space<vmem>> -> memref<8x128xf32, #tpu.memory_space<vmem>>
      %dma_start3A_856 = arith.constant 0 : i32
      %dma_start3A_857 = arith.constant 0 : i32
      %dma_start3A_858 = tpu.memref_slice %arg4[%select_n3A_793, %dma_start3A_851, %rem3A_795, %dma_start3A_856, %dma_start3A_857] : memref<50x8x128x8x128xf32, #tpu.memory_space<hbm>> -> memref<1x1x1x8x128xf32, #tpu.memory_space<hbm>>
      %dma_start3A_859 = tpu.memref_squeeze %dma_start3A_858 : memref<1x1x1x8x128xf32, #tpu.memory_space<hbm>> -> memref<8x128xf32, #tpu.memory_space<hbm>>
      %dma_start3A_860 = arith.constant 0 : i32
      %dma_start3A_861 = arith.constant 0 : i32
      %dma_start3A_862 = tpu.memref_slice %arg4[%select_n3A_793, %dma_start3A_851, %rem3A_795, %dma_start3A_860, %dma_start3A_861] : memref<50x8x128x8x128xf32, #tpu.memory_space<hbm>> -> memref<1x1x1x8x128xf32, #tpu.memory_space<hbm>>
      %dma_start3A_863 = tpu.memref_squeeze %dma_start3A_862 : memref<1x1x1x8x128xf32, #tpu.memory_space<hbm>> -> memref<8x128xf32, #tpu.memory_space<hbm>>
      %dma_start3A_864 = arith.constant 0 : i32
      %dma_start3A_865 = arith.constant 0 : i32
      %dma_start3A_866 = tpu.memref_slice %arg10[%dma_start3A_850, %dma_start3A_864, %dma_start3A_865] : memref<8x8x128xf32, #tpu.memory_space<vmem>> -> memref<1x8x128xf32, #tpu.memory_space<vmem>>
      %dma_start3A_867 = tpu.memref_squeeze %dma_start3A_866 : memref<1x8x128xf32, #tpu.memory_space<vmem>> -> memref<8x128xf32, #tpu.memory_space<vmem>>
      tpu.enqueue_dma source(%dma_start3A_867 : memref<8x128xf32, #tpu.memory_space<vmem>>) target(%dma_start3A_863 : memref<8x128xf32, #tpu.memory_space<hbm>>) target_semaphore(%arg16 : memref<!tpu.dma_semaphore, #tpu.memory_space<semaphore_mem>>)
      %dma_start3A_868 = arith.constant 4 : i32
      %dma_start3A_869 = arith.constant 4 : i32
      %dma_start3A_870 = arith.constant 0 : i32
      %dma_start3A_871 = arith.constant 0 : i32
      %dma_start3A_872 = tpu.memref_slice %arg10[%dma_start3A_868, %dma_start3A_870, %dma_start3A_871] : memref<8x8x128xf32, #tpu.memory_space<vmem>> -> memref<1x8x128xf32, #tpu.memory_space<vmem>>
      %dma_start3A_873 = tpu.memref_squeeze %dma_start3A_872 : memref<1x8x128xf32, #tpu.memory_space<vmem>> -> memref<8x128xf32, #tpu.memory_space<vmem>>
      %dma_start3A_874 = arith.constant 0 : i32
      %dma_start3A_875 = arith.constant 0 : i32
      %dma_start3A_876 = tpu.memref_slice %arg4[%select_n3A_793, %dma_start3A_869, %rem3A_795, %dma_start3A_874, %dma_start3A_875] : memref<50x8x128x8x128xf32, #tpu.memory_space<hbm>> -> memref<1x1x1x8x128xf32, #tpu.memory_space<hbm>>
      %dma_start3A_877 = tpu.memref_squeeze %dma_start3A_876 : memref<1x1x1x8x128xf32, #tpu.memory_space<hbm>> -> memref<8x128xf32, #tpu.memory_space<hbm>>
      %dma_start3A_878 = arith.constant 0 : i32
      %dma_start3A_879 = arith.constant 0 : i32
      %dma_start3A_880 = tpu.memref_slice %arg4[%select_n3A_793, %dma_start3A_869, %rem3A_795, %dma_start3A_878, %dma_start3A_879] : memref<50x8x128x8x128xf32, #tpu.memory_space<hbm>> -> memref<1x1x1x8x128xf32, #tpu.memory_space<hbm>>
      %dma_start3A_881 = tpu.memref_squeeze %dma_start3A_880 : memref<1x1x1x8x128xf32, #tpu.memory_space<hbm>> -> memref<8x128xf32, #tpu.memory_space<hbm>>
      %dma_start3A_882 = arith.constant 0 : i32
      %dma_start3A_883 = arith.constant 0 : i32
      %dma_start3A_884 = tpu.memref_slice %arg10[%dma_start3A_868, %dma_start3A_882, %dma_start3A_883] : memref<8x8x128xf32, #tpu.memory_space<vmem>> -> memref<1x8x128xf32, #tpu.memory_space<vmem>>
      %dma_start3A_885 = tpu.memref_squeeze %dma_start3A_884 : memref<1x8x128xf32, #tpu.memory_space<vmem>> -> memref<8x128xf32, #tpu.memory_space<vmem>>
      tpu.enqueue_dma source(%dma_start3A_885 : memref<8x128xf32, #tpu.memory_space<vmem>>) target(%dma_start3A_881 : memref<8x128xf32, #tpu.memory_space<hbm>>) target_semaphore(%arg16 : memref<!tpu.dma_semaphore, #tpu.memory_space<semaphore_mem>>)
      %dma_start3A_886 = arith.constant 5 : i32
      %dma_start3A_887 = arith.constant 5 : i32
      %dma_start3A_888 = arith.constant 0 : i32
      %dma_start3A_889 = arith.constant 0 : i32
      %dma_start3A_890 = tpu.memref_slice %arg10[%dma_start3A_886, %dma_start3A_888, %dma_start3A_889] : memref<8x8x128xf32, #tpu.memory_space<vmem>> -> memref<1x8x128xf32, #tpu.memory_space<vmem>>
      %dma_start3A_891 = tpu.memref_squeeze %dma_start3A_890 : memref<1x8x128xf32, #tpu.memory_space<vmem>> -> memref<8x128xf32, #tpu.memory_space<vmem>>
      %dma_start3A_892 = arith.constant 0 : i32
      %dma_start3A_893 = arith.constant 0 : i32
      %dma_start3A_894 = tpu.memref_slice %arg4[%select_n3A_793, %dma_start3A_887, %rem3A_795, %dma_start3A_892, %dma_start3A_893] : memref<50x8x128x8x128xf32, #tpu.memory_space<hbm>> -> memref<1x1x1x8x128xf32, #tpu.memory_space<hbm>>
      %dma_start3A_895 = tpu.memref_squeeze %dma_start3A_894 : memref<1x1x1x8x128xf32, #tpu.memory_space<hbm>> -> memref<8x128xf32, #tpu.memory_space<hbm>>
      %dma_start3A_896 = arith.constant 0 : i32
      %dma_start3A_897 = arith.constant 0 : i32
      %dma_start3A_898 = tpu.memref_slice %arg4[%select_n3A_793, %dma_start3A_887, %rem3A_795, %dma_start3A_896, %dma_start3A_897] : memref<50x8x128x8x128xf32, #tpu.memory_space<hbm>> -> memref<1x1x1x8x128xf32, #tpu.memory_space<hbm>>
      %dma_start3A_899 = tpu.memref_squeeze %dma_start3A_898 : memref<1x1x1x8x128xf32, #tpu.memory_space<hbm>> -> memref<8x128xf32, #tpu.memory_space<hbm>>
      %dma_start3A_900 = arith.constant 0 : i32
      %dma_start3A_901 = arith.constant 0 : i32
      %dma_start3A_902 = tpu.memref_slice %arg10[%dma_start3A_886, %dma_start3A_900, %dma_start3A_901] : memref<8x8x128xf32, #tpu.memory_space<vmem>> -> memref<1x8x128xf32, #tpu.memory_space<vmem>>
      %dma_start3A_903 = tpu.memref_squeeze %dma_start3A_902 : memref<1x8x128xf32, #tpu.memory_space<vmem>> -> memref<8x128xf32, #tpu.memory_space<vmem>>
      tpu.enqueue_dma source(%dma_start3A_903 : memref<8x128xf32, #tpu.memory_space<vmem>>) target(%dma_start3A_899 : memref<8x128xf32, #tpu.memory_space<hbm>>) target_semaphore(%arg16 : memref<!tpu.dma_semaphore, #tpu.memory_space<semaphore_mem>>)
      %dma_start3A_904 = arith.constant 6 : i32
      %dma_start3A_905 = arith.constant 6 : i32
      %dma_start3A_906 = arith.constant 0 : i32
      %dma_start3A_907 = arith.constant 0 : i32
      %dma_start3A_908 = tpu.memref_slice %arg10[%dma_start3A_904, %dma_start3A_906, %dma_start3A_907] : memref<8x8x128xf32, #tpu.memory_space<vmem>> -> memref<1x8x128xf32, #tpu.memory_space<vmem>>
      %dma_start3A_909 = tpu.memref_squeeze %dma_start3A_908 : memref<1x8x128xf32, #tpu.memory_space<vmem>> -> memref<8x128xf32, #tpu.memory_space<vmem>>
      %dma_start3A_910 = arith.constant 0 : i32
      %dma_start3A_911 = arith.constant 0 : i32
      %dma_start3A_912 = tpu.memref_slice %arg4[%select_n3A_793, %dma_start3A_905, %rem3A_795, %dma_start3A_910, %dma_start3A_911] : memref<50x8x128x8x128xf32, #tpu.memory_space<hbm>> -> memref<1x1x1x8x128xf32, #tpu.memory_space<hbm>>
      %dma_start3A_913 = tpu.memref_squeeze %dma_start3A_912 : memref<1x1x1x8x128xf32, #tpu.memory_space<hbm>> -> memref<8x128xf32, #tpu.memory_space<hbm>>
      %dma_start3A_914 = arith.constant 0 : i32
      %dma_start3A_915 = arith.constant 0 : i32
      %dma_start3A_916 = tpu.memref_slice %arg4[%select_n3A_793, %dma_start3A_905, %rem3A_795, %dma_start3A_914, %dma_start3A_915] : memref<50x8x128x8x128xf32, #tpu.memory_space<hbm>> -> memref<1x1x1x8x128xf32, #tpu.memory_space<hbm>>
      %dma_start3A_917 = tpu.memref_squeeze %dma_start3A_916 : memref<1x1x1x8x128xf32, #tpu.memory_space<hbm>> -> memref<8x128xf32, #tpu.memory_space<hbm>>
      %dma_start3A_918 = arith.constant 0 : i32
      %dma_start3A_919 = arith.constant 0 : i32
      %dma_start3A_920 = tpu.memref_slice %arg10[%dma_start3A_904, %dma_start3A_918, %dma_start3A_919] : memref<8x8x128xf32, #tpu.memory_space<vmem>> -> memref<1x8x128xf32, #tpu.memory_space<vmem>>
      %dma_start3A_921 = tpu.memref_squeeze %dma_start3A_920 : memref<1x8x128xf32, #tpu.memory_space<vmem>> -> memref<8x128xf32, #tpu.memory_space<vmem>>
      tpu.enqueue_dma source(%dma_start3A_921 : memref<8x128xf32, #tpu.memory_space<vmem>>) target(%dma_start3A_917 : memref<8x128xf32, #tpu.memory_space<hbm>>) target_semaphore(%arg16 : memref<!tpu.dma_semaphore, #tpu.memory_space<semaphore_mem>>)
      %dma_start3A_922 = arith.constant 7 : i32
      %dma_start3A_923 = arith.constant 7 : i32
      %dma_start3A_924 = arith.constant 0 : i32
      %dma_start3A_925 = arith.constant 0 : i32
      %dma_start3A_926 = tpu.memref_slice %arg10[%dma_start3A_922, %dma_start3A_924, %dma_start3A_925] : memref<8x8x128xf32, #tpu.memory_space<vmem>> -> memref<1x8x128xf32, #tpu.memory_space<vmem>>
      %dma_start3A_927 = tpu.memref_squeeze %dma_start3A_926 : memref<1x8x128xf32, #tpu.memory_space<vmem>> -> memref<8x128xf32, #tpu.memory_space<vmem>>
      %dma_start3A_928 = arith.constant 0 : i32
      %dma_start3A_929 = arith.constant 0 : i32
      %dma_start3A_930 = tpu.memref_slice %arg4[%select_n3A_793, %dma_start3A_923, %rem3A_795, %dma_start3A_928, %dma_start3A_929] : memref<50x8x128x8x128xf32, #tpu.memory_space<hbm>> -> memref<1x1x1x8x128xf32, #tpu.memory_space<hbm>>
      %dma_start3A_931 = tpu.memref_squeeze %dma_start3A_930 : memref<1x1x1x8x128xf32, #tpu.memory_space<hbm>> -> memref<8x128xf32, #tpu.memory_space<hbm>>
      %dma_start3A_932 = arith.constant 0 : i32
      %dma_start3A_933 = arith.constant 0 : i32
      %dma_start3A_934 = tpu.memref_slice %arg4[%select_n3A_793, %dma_start3A_923, %rem3A_795, %dma_start3A_932, %dma_start3A_933] : memref<50x8x128x8x128xf32, #tpu.memory_space<hbm>> -> memref<1x1x1x8x128xf32, #tpu.memory_space<hbm>>
      %dma_start3A_935 = tpu.memref_squeeze %dma_start3A_934 : memref<1x1x1x8x128xf32, #tpu.memory_space<hbm>> -> memref<8x128xf32, #tpu.memory_space<hbm>>
      %dma_start3A_936 = arith.constant 0 : i32
      %dma_start3A_937 = arith.constant 0 : i32
      %dma_start3A_938 = tpu.memref_slice %arg10[%dma_start3A_922, %dma_start3A_936, %dma_start3A_937] : memref<8x8x128xf32, #tpu.memory_space<vmem>> -> memref<1x8x128xf32, #tpu.memory_space<vmem>>
      %dma_start3A_939 = tpu.memref_squeeze %dma_start3A_938 : memref<1x8x128xf32, #tpu.memory_space<vmem>> -> memref<8x128xf32, #tpu.memory_space<vmem>>
      tpu.enqueue_dma source(%dma_start3A_939 : memref<8x128xf32, #tpu.memory_space<vmem>>) target(%dma_start3A_935 : memref<8x128xf32, #tpu.memory_space<hbm>>) target_semaphore(%arg16 : memref<!tpu.dma_semaphore, #tpu.memory_space<semaphore_mem>>)
      %dma_wait3A_940 = arith.constant 0 : i32
      %dma_wait3A_941 = arith.constant 0 : i32
      %dma_wait3A_942 = arith.constant 0 : i32
      %dma_wait3A_943 = tpu.memref_slice %arg2[%dma_wait3A_940, %dma_wait3A_941, %dma_wait3A_942] : memref<50x128x128xi32, #tpu.memory_space<hbm>> -> memref<1x1x128xi32, #tpu.memory_space<hbm>>
      %dma_wait3A_944 = tpu.memref_squeeze %dma_wait3A_943 : memref<1x1x128xi32, #tpu.memory_space<hbm>> -> memref<128xi32, #tpu.memory_space<hbm>>
      %dma_wait3A_945 = arith.constant 0 : i32
      %dma_wait3A_946 = tpu.memref_slice %arg2[%dma_wait3A_940, %dma_wait3A_941, %dma_wait3A_945] : memref<50x128x128xi32, #tpu.memory_space<hbm>> -> memref<1x1x128xi32, #tpu.memory_space<hbm>>
      %dma_wait3A_947 = tpu.memref_squeeze %dma_wait3A_946 : memref<1x1x128xi32, #tpu.memory_space<hbm>> -> memref<128xi32, #tpu.memory_space<hbm>>
      tpu.wait_dma2 semaphore(%arg12 : memref<!tpu.dma_semaphore, #tpu.memory_space<semaphore_mem>>) src(%dma_wait3A_947 : memref<128xi32, #tpu.memory_space<hbm>>) dst(%arg6 : memref<128xi32, #tpu.memory_space<vmem>>)
      %dma_start3A_948 = arith.constant 0 : i32
      %dma_start3A_949 = arith.constant 0 : i32
      %dma_start3A_950 = tpu.memref_slice %arg3[%dma_start3A_948, %dma_start3A_949] : memref<1000000x64xf32, #tpu.memory_space<hbm>> -> memref<1000000x64xf32, #tpu.memory_space<hbm>>
      tpu.enqueue_indirect_dma source(%dma_start3A_950 : memref<1000000x64xf32, #tpu.memory_space<hbm>>) target(%arg8 : memref<128x64xf32, #tpu.memory_space<vmem>>) offsets(%arg6 : memref<128xi32, #tpu.memory_space<vmem>>) semaphore(%arg14 : memref<!tpu.dma_semaphore, #tpu.memory_space<semaphore_mem>>)
    }
    %scan3A_437 = arith.constant 100 : i32
    %dma_wait3A = arith.constant 0 : i32
    %dma_wait3A_438 = arith.constant 0 : i32
    %dma_wait3A_439 = tpu.memref_slice %arg3[%dma_wait3A, %dma_wait3A_438] : memref<1000000x64xf32, #tpu.memory_space<hbm>> -> memref<128x64xf32, #tpu.memory_space<hbm>>
    %dma_wait3A_440 = arith.constant 0 : i32
    %dma_wait3A_441 = arith.constant 0 : i32
    %dma_wait3A_442 = tpu.memref_slice %arg3[%dma_wait3A_440, %dma_wait3A_441] : memref<1000000x64xf32, #tpu.memory_space<hbm>> -> memref<128x64xf32, #tpu.memory_space<hbm>>
    tpu.wait_dma2 semaphore(%arg13 : memref<!tpu.dma_semaphore, #tpu.memory_space<semaphore_mem>>) src(%dma_wait3A_442 : memref<128x64xf32, #tpu.memory_space<hbm>>) dst(%arg7 : memref<128x64xf32, #tpu.memory_space<vmem>>)
    %dma_wait3A_443 = arith.constant 0 : i32
    %dma_wait3A_444 = arith.constant 0 : i32
    %dma_wait3A_445 = tpu.memref_slice %arg3[%dma_wait3A_443, %dma_wait3A_444] : memref<1000000x64xf32, #tpu.memory_space<hbm>> -> memref<128x64xf32, #tpu.memory_space<hbm>>
    %dma_wait3A_446 = arith.constant 0 : i32
    %dma_wait3A_447 = arith.constant 0 : i32
    %dma_wait3A_448 = tpu.memref_slice %arg3[%dma_wait3A_446, %dma_wait3A_447] : memref<1000000x64xf32, #tpu.memory_space<hbm>> -> memref<128x64xf32, #tpu.memory_space<hbm>>
    tpu.wait_dma2 semaphore(%arg14 : memref<!tpu.dma_semaphore, #tpu.memory_space<semaphore_mem>>) src(%dma_wait3A_448 : memref<128x64xf32, #tpu.memory_space<hbm>>) dst(%arg8 : memref<128x64xf32, #tpu.memory_space<vmem>>)
    %dma_wait3A_449 = arith.constant 0 : i32
    %dma_wait3A_450 = arith.constant 0 : i32
    %dma_wait3A_451 = arith.constant 0 : i32
    %dma_wait3A_452 = arith.constant 0 : i32
    %dma_wait3A_453 = arith.constant 0 : i32
    %dma_wait3A_454 = tpu.memref_slice %arg4[%dma_wait3A_449, %dma_wait3A_451, %dma_wait3A_450, %dma_wait3A_452, %dma_wait3A_453] : memref<50x8x128x8x128xf32, #tpu.memory_space<hbm>> -> memref<1x8x1x8x128xf32, #tpu.memory_space<hbm>>
    %dma_wait3A_455 = tpu.memref_squeeze %dma_wait3A_454 : memref<1x8x1x8x128xf32, #tpu.memory_space<hbm>> -> memref<8x8x128xf32, #tpu.memory_space<hbm>>
    %dma_wait3A_456 = arith.constant 0 : i32
    %dma_wait3A_457 = arith.constant 0 : i32
    %dma_wait3A_458 = arith.constant 0 : i32
    %dma_wait3A_459 = tpu.memref_slice %arg4[%dma_wait3A_449, %dma_wait3A_456, %dma_wait3A_450, %dma_wait3A_457, %dma_wait3A_458] : memref<50x8x128x8x128xf32, #tpu.memory_space<hbm>> -> memref<1x8x1x8x128xf32, #tpu.memory_space<hbm>>
    %dma_wait3A_460 = tpu.memref_squeeze %dma_wait3A_459 : memref<1x8x1x8x128xf32, #tpu.memory_space<hbm>> -> memref<8x8x128xf32, #tpu.memory_space<hbm>>
    tpu.wait_dma2 semaphore(%arg15 : memref<!tpu.dma_semaphore, #tpu.memory_space<semaphore_mem>>) src(%arg9 : memref<8x8x128xf32, #tpu.memory_space<vmem>>) dst(%dma_wait3A_460 : memref<8x8x128xf32, #tpu.memory_space<hbm>>)
    %dma_wait3A_461 = arith.constant 0 : i32
    %dma_wait3A_462 = arith.constant 0 : i32
    %dma_wait3A_463 = arith.constant 0 : i32
    %dma_wait3A_464 = arith.constant 0 : i32
    %dma_wait3A_465 = arith.constant 0 : i32
    %dma_wait3A_466 = tpu.memref_slice %arg4[%dma_wait3A_461, %dma_wait3A_463, %dma_wait3A_462, %dma_wait3A_464, %dma_wait3A_465] : memref<50x8x128x8x128xf32, #tpu.memory_space<hbm>> -> memref<1x8x1x8x128xf32, #tpu.memory_space<hbm>>
    %dma_wait3A_467 = tpu.memref_squeeze %dma_wait3A_466 : memref<1x8x1x8x128xf32, #tpu.memory_space<hbm>> -> memref<8x8x128xf32, #tpu.memory_space<hbm>>
    %dma_wait3A_468 = arith.constant 0 : i32
    %dma_wait3A_469 = arith.constant 0 : i32
    %dma_wait3A_470 = arith.constant 0 : i32
    %dma_wait3A_471 = tpu.memref_slice %arg4[%dma_wait3A_461, %dma_wait3A_468, %dma_wait3A_462, %dma_wait3A_469, %dma_wait3A_470] : memref<50x8x128x8x128xf32, #tpu.memory_space<hbm>> -> memref<1x8x1x8x128xf32, #tpu.memory_space<hbm>>
    %dma_wait3A_472 = tpu.memref_squeeze %dma_wait3A_471 : memref<1x8x1x8x128xf32, #tpu.memory_space<hbm>> -> memref<8x8x128xf32, #tpu.memory_space<hbm>>
    tpu.wait_dma2 semaphore(%arg16 : memref<!tpu.dma_semaphore, #tpu.memory_space<semaphore_mem>>) src(%arg10 : memref<8x8x128xf32, #tpu.memory_space<vmem>>) dst(%dma_wait3A_472 : memref<8x8x128xf32, #tpu.memory_space<hbm>>)
    return
  }
}

</mosaic_0001>

<sc_bundles>
// kernel: kernel.3.cloned.1.call-start
scs
__scs_entry_jumppad:
0x0: {  	(pc) =	sbr.rel $0x88, $3  }
0x1: {  	(tag) =	ssettag $0x0;
	lr =	simm.s32 $0x1  }
0x2: {  	[smem:$0x3F9F] =	sst lr;
	_ =	strace $0xD0000000  }
0x3: {  	_ = 	snop  }
0x4: {  	_ = 	snop  }
0x5: {  	_ = 	snop  }
0x6: {  	_ = 	snop  }
0x7: {  	_ = 	snop  }
__scs_overlays_trampoline_lowered:
0x8: {  	[smem:$0x3FAE] =	sst s0  }
0x9: {  	[smem:$0x3FAF] =	sst s1  }
0xa: {  	[smem:$0x3FB0] =	sst s2  }
0xb: {  	[smem:$0x3FB1] =	sst s3  }
0xc: {  	[smem:$0x3FB2] =	sst s4  }
0xd: {  	[smem:$0x3FB3] =	sst s5  }
0xe: {  	[smem:$0x3FB4] =	sst s6  }
0xf: {  	[smem:$0x3FB5] =	sst s7  }
0x10: {  	[smem:$0x3FB6] =	sst s8  }
0x11: {  	[smem:$0x3FB7] =	sst s9;
	s0 =	simm.s32 @!p0 $0x0  }
0x12: {  	s1 =	sld [smem:$0x3F9D];
	s0 =	simm.s32 @p0 $0x1  }
0x13: {  	[smem:$0x3FB8] =	sst s0;
	s0 =	simm.s32 @!p1 $0x0  }
0x14: {  	s2 =	sld [smem:$0x3F9C];
	s0 =	simm.s32 @p1 $0x1  }
0x15: {  	[smem:$0x3FB9] =	sst s0;
	s0 =	simm.s32 @!p2 $0x0  }
0x16: {  	s3 =	sld [smem:$0x3FDB];
	s0 =	simm.s32 @p2 $0x1  }
0x17: {  	s4 =	simm.s32 $0x1BF5;
	[smem:$0x3FBB] =	sst s0  }
0x18: {  	s0 =	sld [smem:$0x3F9E];
	_ =	swait.ge [sflag:s4], $0x0  }
0x19: {  	s7 =	sld [smem:$0x3F9F]  }
0x1a: {  	s8 =	sadd.s32 $0xFFFFE003, lr  }
0x1b: {  	s9 =	sadd.s32 $0xFFFFFEF7, lr;
	s5 =	simm.s32 $0xFFFFFFFF;
	p2 =	slt.u32 s8, $0xFFFFF086  }
0x1c: {  	p1 =	slt.u32 s9, $0xF7A;
	s5 =	simm.s32 @!p2 $0x0  }
0x1d: {  	s5 =	simm.s32 @p1 $0x1;
	p0 =	seq.s32 s7, s2  }
0x1e: {  	s7 =	smul.u32 @!p0 $0xF7A, s2;
	p2 =	seq.s32 @!p0 s5, $0x0  }
0x1f: {  	s9 =	smul.u32 $0xF7A, s1;
	s8 =	simm.s32 @!p0 $0x1BF5;
	p2 =	por !p2, p0  }
0x20: {  	[sflag:s8] =	ssyncset.s32 @!p0 $0xFFFFF086;
	s6 =	sadd.s32 @!p0 s3, s7;
	s7 =	simm.s32 @!p0 $0x108  }
0x21: {  	s3 =	sadd.s32 s3, s9;
	s6 =	sadd.s32 @!p0 $0x88, s6;
	s7 =	simm.s32 @p2 $0x1082  }
0x22: {  	[simem:s7], [sflag:s8] =	dma.local @!p0 [hbm:s6], $0xF7A  }
0x23: {  	s9 =	sor.u32 $0xD0000000, s2;
	s6 =	simm.s32 $0x108;
	_ =	swait.ge @!p0 [sflag:s8], $0x0  }
0x24: {  	s3 =	sadd.s32 $0x88, s3;
	s6 =	simm.s32 @!p1 $0x1082;
	[sflag:s4] =	ssyncset.s32 $0xFFFFF086  }
0x25: {  	[simem:s6], [sflag:s4] =	dma.local [hbm:s3], $0xF7A  }
0x26: {  	[smem:$0x3F9F] =	sst s1;
	(tag) =	ssettag s2;
	_ =	strace s9  }
0x27: {  	s1 =	sld [smem:$0x3FAF]  }
0x28: {  	s2 =	sld [smem:$0x3FB0]  }
0x29: {  	s4 =	sld [smem:$0x3FB2]  }
0x2a: {  	p0 =	seq.s32 s5, $0x0;
	s5 =	sld [smem:$0x3FB3]  }
0x2b: {  	s6 =	sld [smem:$0x3FB4]  }
0x2c: {  	s7 =	sld [smem:$0x3FB5]  }
0x2d: {  	s3 =	simm.s32 $0x108;
	s8 =	sld [smem:$0x3FB6]  }
0x2e: {  	s3 =	simm.s32 @!p0 $0x1082;
	s9 =	sld [smem:$0x3FB7]  }
0x2f: {  	lr =	sadd.s32 s0, s3;
	s0 =	sld [smem:$0x3FAE]  }
0x30: {  	s3 =	sld [smem:$0x3FB1]  }
0x31: {  	[smem:$0x3FBA] =	sst s10  }
0x32: {  	s10 =	sld [smem:$0x3FB8];
	_ =	sdelay $0x3  }
0x33: {  	p0 =	seq.s32 s10, $0x1;
	s10 =	sld [smem:$0x3FBA];
	_ =	sdelay $0x3  }
0x34: {  	[smem:$0x3FBA] =	sst s10  }
0x35: {  	s10 =	sld [smem:$0x3FB9];
	_ =	sdelay $0x3  }
0x36: {  	p1 =	seq.s32 s10, $0x1;
	s10 =	sld [smem:$0x3FBA];
	_ =	sdelay $0x3  }
0x37: {  	[smem:$0x3FBA] =	sst s10  }
0x38: {  	s10 =	sld [smem:$0x3FBB]  }
0x39: {  	_ = 	snop;
	(pc) =	sbr.ind lr, $3  }
0x3a: {  	_ = 	snop  }
0x3b: {  	_ = 	snop  }
0x3c: {  	p2 =	seq.s32 s10, $0x1;
	s10 =	sld [smem:$0x3FBA]  }
0x3d: {  	_ =	shalt  }
0x3e: {  	_ =	shalt  }
0x3f: {  	_ =	shalt  }
0x40: {  	_ =	shalt  }
0x41: {  	_ =	shalt  }
0x42: {  	_ =	shalt  }
0x43: {  	_ =	shalt  }
0x44: {  	_ =	shalt  }
0x45: {  	_ =	shalt  }
0x46: {  	_ =	shalt  }
0x47: {  	_ =	shalt  }
0x48: {  	_ =	shalt  }
0x49: {  	_ =	shalt  }
0x4a: {  	_ =	shalt  }
0x4b: {  	_ =	shalt  }
0x4c: {  	_ =	shalt  }
0x4d: {  	_ =	shalt  }
0x4e: {  	_ =	shalt  }
0x4f: {  	_ =	shalt  }
0x50: {  	_ =	shalt  }
0x51: {  	_ =	shalt  }
0x52: {  	_ =	shalt  }
0x53: {  	_ =	shalt  }
0x54: {  	_ =	shalt  }
0x55: {  	_ =	shalt  }
0x56: {  	_ =	shalt  }
0x57: {  	_ =	shalt  }
0x58: {  	_ =	shalt  }
0x59: {  	_ =	shalt  }
0x5a: {  	_ =	shalt  }
0x5b: {  	_ =	shalt  }
0x5c: {  	_ =	shalt  }
0x5d: {  	_ =	shalt  }
0x5e: {  	_ =	shalt  }
0x5f: {  	_ =	shalt  }
0x60: {  	_ =	shalt  }
0x61: {  	_ =	shalt  }
0x62: {  	_ =	shalt  }
0x63: {  	_ =	shalt  }
0x64: {  	_ =	shalt  }
0x65: {  	_ =	shalt  }
0x66: {  	_ =	shalt  }
0x67: {  	_ =	shalt  }
0x68: {  	_ =	shalt  }
0x69: {  	_ =	shalt  }
0x6a: {  	_ =	shalt  }
0x6b: {  	_ =	shalt  }
0x6c: {  	_ =	shalt  }
0x6d: {  	_ =	shalt  }
0x6e: {  	_ =	shalt  }
0x6f: {  	_ =	shalt  }
0x70: {  	_ =	shalt  }
0x71: {  	_ =	shalt  }
0x72: {  	_ =	shalt  }
0x73: {  	_ =	shalt  }
0x74: {  	_ =	shalt  }
0x75: {  	_ =	shalt  }
0x76: {  	_ =	shalt  }
0x77: {  	_ =	shalt  }
0x78: {  	_ =	shalt  }
0x79: {  	_ =	shalt  }
0x7a: {  	_ =	shalt  }
0x7b: {  	_ =	shalt  }
0x7c: {  	_ =	shalt  }
0x7d: {  	_ =	shalt  }
0x7e: {  	_ =	shalt  }
0x7f: {  	_ =	shalt  }
0x80: {  	_ =	shalt  }
0x81: {  	_ =	shalt  }
0x82: {  	_ =	shalt  }
0x83: {  	_ =	shalt  }
0x84: {  	_ =	shalt  }
0x85: {  	_ =	shalt  }
0x86: {  	_ =	shalt  }
0x87: {  	_ =	shalt  }
.Lfunc_end0:
.L_simem_size_0:
called_computation_lowered:
.L_overlay_start_0:
0x88: {  	s2 =	sld [smem:$0x3FD9]  }
0x89: {  	s3 =	sld [smem:$0x3FFE];
	_ =	sdelay $0x1  }
0x8a: {  	s1 =	srdreg.scid  }
0x8b: {  	s0 =	sand.u32 $0x1, s1  }
0x8c: {  	s17 =	sshll.u32 s0, $0xA;
	s2 =	sadd.s32 s3, s2  }
0x8d: {  	s2 =	sadd.s32 s2, s17  }
0x8e: {  	[smem:$0x3FC6] =	sst s2  }
0x8f: {  	_ = 	snop  }
0x90: {  	s2 =	sld [smem:$0x3FD0];
	(tm) =	ssettm $0x1  }
0x91: {  	s18 =	sld [smem:$0x3FFB];
	_ =	sdelay $0x3  }
0x92: {  	_ =	strace s18  }
0x93: {  	s3 =	sld [smem:$0x3FFC];
	_ =	sdelay $0x3  }
0x94: {  	_ =	strace s3  }
0x95: {  	s3 =	sld [smem:$0x3FFD];
	_ =	sdelay $0x3  }
0x96: {  	_ =	strace s3  }
0x97: {  	_ =	strace $0x8FFFFFFF  }
0x98: {  	s19 =	sld [smem:$0x3FDB];
	_ =	sdelay $0x1  }
0x99: {  	s4 =	simm.s32 $_scs_section_size  }
0x9a: {  	s5 =	simm.s32 $_size__tile_overlayer_lowered;
	s6 =	simm.s32 $_tile_overlayer_lowered  }
0x9b: {  	s22 =	simm.s32 $0x1BFF;
	s21 =	sshll.u32 s6, $0x1;
	s3 =	sadd.s32 s4, s19  }
0x9c: {  	s7 =	simm.s32 $0x0;
	s20 =	sshll.u32 s5, $0x1;
	s5 =	sadd.s32 s21, s3  }
0x9d: {  	[timem:s7], [sflag:s22] =	dma.local [hbm:s5], s20  }
0x9e: {  	_ =	swait.ge [sflag:s22], s20  }
0x9f: {  	s4 =	ssub.s32 $0x0, s20;
	[sflag:s22] =	ssyncset.done $0x0  }
0xa0: {  	[sflag:s22] =	ssyncadd.s32 s4;
	_ =	sdelay $0x1  }
0xa1: {  	s23 =	simm.s32 $0x1B8B  }
0xa2: {  	_ =	swait.ge [sflag:s23], $0x1  }
0xa3: {  	[sflag:s23] =	ssyncset.done $0x0  }
0xa4: {  	s25 =	simm.s32 $0x1B8E;
	s24 =	sld [smem:$0x3FFE];
	[sflag:s23] =	ssyncadd.s32 $0xFFFFFFFF  }
0xa5: {  	s26 =	simm.s32 $execute0_lowered;
	[smem:$0x3FD2] =	sst s25  }
0xa6: {  	s5 =	sshll.u32 s26, $0x1;
	_ =	strace $0x80000046;
	[dreg:$0x1] =	wrdreg $0xFFFFFFFF  }
0xa7: {  	s28 =	simm.s32 $_size_execute0_lowered;
	s3 =	sadd.s32 s3, s5;
	[dreg:$0x0] =	wrdreg $0x0  }
0xa8: {  	s5 =	sshll.u32 s28, $0x1;
	[dreg:$0x2] =	wrdreg s3  }
0xa9: {  	[dreg:$0x3] =	wrdreg s5  }
0xaa: {  	[dreg:$0x4] =	wrdreg $0xC0  }
0xab: {  	_ =	task [dreg:s7], $0x5FFFF  }
0xac: {  	[dreg:$0x1] =	wrdreg $0xFFFFFFFF  }
0xad: {  	[dreg:$0x0] =	wrdreg $0x60  }
0xae: {  	[dreg:$0x2] =	wrdreg s24  }
0xaf: {  	[dreg:$0x3] =	wrdreg s2  }
0xb0: {  	[dreg:$0x4] =	wrdreg $0x9  }
0xb1: {  	_ =	task.clear_ibuf [dreg:s7], $0x5FFFF;
	_ =	strace $0x90000046  }
0xb2: {  	s29 =	simm.s32 $0x9;
	_ =	strace $0x80000048  }
0xb3: {  	_ =	swait.ge [sflag:s29], $0x1  }
0xb4: {  	[sflag:s29] =	ssyncadd.s32 $0xFFFFFFFF  }
0xb5: {  	_ =	strace $0x90000048  }
0xb6: {  	_ =	sfence  }
0xb7: {  	s30 =	sld [smem:$0x0];
	_ =	sdelay $0x2  }
0xb8: {  	s31 =	sshll.u32 s1, $0xD;
	s1 =	sshrl.u32 s1, $0x2  }
0xb9: {  	s3 =	sand.u32 $0x4000, s31;
	s1 =	sadd.s32 s1, s30  }
0xba: {  	s0 =	sor.u32 s3, s0;
	s1 =	sshll.u32 s1, $0x11  }
0xbb: {  	s0 =	sor.u32 s1, s0  }
0xbc: {  	s0 =	sadd.s32 $0x8F2B, s0  }
0xbd: {  	[sflag:s0] =	ssyncadd.remote.s32 $0x1  }
0xbe: {  	_ =	sfence.sel $0xFFFF  }
0xbf: {  	[dreg:$0x0] =	wrdreg $0xFFFFFFFF;
	(pc) =	sbr.abs _section_cstart, $3  }
0xc0: {  	[dreg:$0x1] =	wrdreg $0xFFFFFFFF  }
0xc1: {  	_ =	task.clear_ibuf [dreg:s7], $0x2FFFF;
	_ =	strace $0x9FFFFFFF  }
0xc2: {  	(tm) =	ssettm $0x7FFFFFFF  }
0xc3: {  	_ =	shalt  }
tec
execute0_lowered:
.L_overlay_start_1:
0x0: {  	(tag) =	ssettag $0x1  }
0x1: {  	s0 =	rddreg [dreg:$0x0];
	s3 =	simm.s32 $0x0;
	v1 =	vlaneseq.u32  }
0x2: {  	[smem:$0x7FF] =	sst s3;
	v0 =	vor.u32 $0xFFFFFFF0, v1  }
0x3: {  	s2 =	rddreg [dreg:$0x1];
	v4 =	vor.u32 $0x1040, v1;
	_ =	strace $0x80000047;
	[tilespmem:$0x1FC20] =	vst v0  }
0x4: {  	v39 =	vor.u32 $0x1050, v1;
	[tilespmem:$0x1FD00] =	vst v4  }
0x5: {  	v49 =	vor.u32 $0x1830, v1;
	[tilespmem:$0x1FD10] =	vst v39  }
0x6: {  	v52 =	vor.u32 $0x1840, v1;
	[tilespmem:$0x1FD40] =	vst v49  }
0x7: {  	v56 =	vor.u32 $0x1850, v1;
	[tilespmem:$0x1FD60] =	vst v52  }
0x8: {  	v61 =	vor.u32 $0x1860, v1;
	[tilespmem:$0x1FD80] =	vst v56  }
0x9: {  	v48 =	vor.u32 $0x70, v1;
	[tilespmem:$0x1FDB0] =	vst v61  }
0xa: {  	v42 =	vor.u32 $0x1020, v1;
	[tilespmem:$0x1FDC0] =	vst v48  }
0xb: {  	v3 =	vor.u32 $0x1030, v1;
	[tilespmem:$0x1FDD0] =	vst v42  }
0xc: {  	v34 =	vor.u32 $0x1800, v1;
	[tilespmem:$0x1FDE0] =	vst v3  }
0xd: {  	v38 =	vor.u32 $0x1810, v1;
	[tilespmem:$0x1FE30] =	vst v34  }
0xe: {  	v45 =	vor.u32 $0x1820, v1;
	[tilespmem:$0x1FE50] =	vst v38  }
0xf: {  	v20 =	vor.u32 $0x870, v1;
	[tilespmem:$0x1FE70] =	vst v45  }
0x10: {  	v60 =	vor.u32 $0x860, v1;
	[tilespmem:$0x1FEC0] =	vst v20  }
0x11: {  	v17 =	vor.u32 $0x850, v1;
	[tilespmem:$0x1FED0] =	vst v60  }
0x12: {  	v55 =	vor.u32 $0x1000, v1;
	[tilespmem:$0x1FEF0] =	vst v17  }
0x13: {  	v18 =	vor.u32 $0x1010, v1;
	[tilespmem:$0x1FF20] =	vst v55  }
0x14: {  	v24 =	vor.u32 $0x820, v1;
	[tilespmem:$0x1FF50] =	vst v18  }
0x15: {  	v59 =	vor.u32 $0x830, v1;
	[tilespmem:$0x1FF80] =	vst v24  }
0x16: {  	v15 =	vor.u32 $0x840, v1;
	[tilespmem:$0x1FF90] =	vst v59  }
0x17: {  	v47 =	vor.u32 $0x810, v1;
	[tilespmem:$0x1FFA0] =	vst v15  }
0x18: {  	v5 =	vmul.u32 $0x40, v1;
	v51 =	vor.u32 $0x40, v1;
	[tilespmem:$0x1FFD0] =	vst v47  }
0x19: {  	[tilespmem:$0x1FFE0] =	vst v51  }
0x1a: {  	v39 =	vor.u32 $0x1060, v1;
	[tilespmem:$0x1FD90] =	vst v5  }
0x1b: {  	v0 =	vor.u32 $0x400, v5;
	[tilespmem:$0x1FDF0] =	vst v39  }
0x1c: {  	v2 =	vor.u32 $0xC00, v5;
	[tilespmem:$0x1FC30] =	vst v0  }
0x1d: {  	v41 =	vor.u32 $0x1820, v5;
	[tilespmem:$0x1FC70] =	vst v2  }
0x1e: {  	v43 =	vor.u32 $0xC30, v5;
	[tilespmem:$0x1FD20] =	vst v41  }
0x1f: {  	v50 =	vor.u32 $0x1030, v5;
	[tilespmem:$0x1FD30] =	vst v43  }
0x20: {  	v53 =	vor.u32 $0x1430, v5;
	[tilespmem:$0x1FD50] =	vst v50  }
0x21: {  	v57 =	vor.u32 $0x1830, v5;
	[tilespmem:$0x1FD70] =	vst v53  }
0x22: {  	v7 =	vor.u32 $0x1C20, v5;
	[tilespmem:$0x1FDA0] =	vst v57  }
0x23: {  	s1 =	srdreg.scid;
	s4 =	stileid.u32;
	v36 =	vor.u32 $0x30, v5;
	[tilespmem:$0x1FE00] =	vst v7  }
0x24: {  	s1 =	sand.u32 $0x1, s1;
	s4 =	sshll.u32 s4, $0x1;
	v33 =	vor.u32 $0x430, v5;
	[tilespmem:$0x1FE20] =	vst v36  }
0x25: {  	s28 =	simm.s32 $0x6100;
	s4 =	sor.u32 s1, s4;
	v32 =	vor.u32 $0x830, v5;
	[tilespmem:$0x1FE40] =	vst v33  }
0x26: {  	s5 =	sadd.s32 $0x600, s0;
	s1 =	ssub.s32 $0x2, s1;
	s4 =	smul.u32 $0xC8, s4;
	v26 =	vor.u32 $0x1020, v5;
	[tilespmem:$0x1FE60] =	vst v32  }
0x27: {  	s6 =	sadd.s32 $0xF42A00, s0;
	s11 =	sadd.s32 $0x8000, s2;
	s13 =	sshrl.u32 s1, $0x1;
	v25 =	vor.u32 $0x1420, v5;
	[tilespmem:$0x1FE80] =	vst v26  }
0x28: {  	s12 =	sadd.s32 $0xC000, s2;
	v31 =	vor.u32 $0x820, v5;
	s0 =	ssub.s32 s1, s13;
	[tilespmem:$0x1FE90] =	vst v25;
	s14 =	sshrl.u32 s4, $0x7  }
0x29: {  	v30 =	vor.u32 $0xC20, v5;
	[tilespmem:$0x1FEA0] =	vst v31;
	s7 =	sand.u32 $0x78, s4;
	s0 =	smax.u32 s0, $0x1;
	s8 =	sshll.u32 s14, $0xE  }
0x2a: {  	v58 =	vor.u32 $0x1C10, v5;
	[tilespmem:$0x1FEB0] =	vst v30;
	s9 =	sshll.u32 s7, $0x7;
	s13 =	sor.u32 $0x1, s7;
	s1 =	sshll.u32 s14, $0x14  }
0x2b: {  	v62 =	vor.u32 $0x1810, v5;
	[tilespmem:$0x1FEE0] =	vst v58;
	s7 =	sshll.u32 s7, $0xA;
	[dreg:$0x15] =	wrdreg s0;
	s9 =	sor.u32 s9, s8  }
0x2c: {  	v63 =	vor.u32 $0x20, v5;
	[tilespmem:$0x1FF00] =	vst v62;
	s10 =	sshll.u32 s13, $0x7;
	s7 =	sor.u32 s7, s1;
	s9 =	sshrl.u32 s9, $0x3  }
0x2d: {  	v16 =	vor.u32 $0x1410, v5;
	[tilespmem:$0x1FF10] =	vst v63;
	s8 =	sor.u32 s8, s10;
	s7 =	sshrl.u32 s7, $0x3;
	s9 =	sadd.s32 s5, s9  }
0x2e: {  	v44 =	vor.u32 $0x420, v5;
	[tilespmem:$0x1FF30] =	vst v16;
	s10 =	sadd.s32 $0x4000, s2;
	s15 =	sadd.s32 s2, s7;
	[dreg:$0x3] =	wrdreg s9  }
0x2f: {  	v40 =	vor.u32 $0x1010, v5;
	[tilespmem:$0x1FF40] =	vst v44;
	s19 =	sshll.u32 s13, $0xA;
	s16 =	sadd.s32 s7, s10;
	[dreg:$0x5] =	wrdreg s15  }
0x30: {  	v29 =	vor.u32 $0xC10, v5;
	[tilespmem:$0x1FF60] =	vst v40;
	s1 =	sor.u32 s1, s19;
	s17 =	sadd.s32 s7, s11;
	[dreg:$0x6] =	wrdreg s16  }
0x31: {  	v46 =	vor.u32 $0x410, v5;
	[tilespmem:$0x1FF70] =	vst v29;
	s8 =	sshrl.u32 s8, $0x3;
	s18 =	sadd.s32 s7, s12;
	[dreg:$0x7] =	wrdreg s17  }
0x32: {  	v54 =	vor.u32 $0x810, v5;
	[tilespmem:$0x1FFB0] =	vst v46;
	s1 =	sshrl.u32 s1, $0x3;
	s8 =	sadd.s32 s5, s8;
	[dreg:$0x8] =	wrdreg s18  }
0x33: {  	v0 =	vor.u32 $0x10, v1;
	[tilespmem:$0x1FFC0] =	vst v54;
	s14 =	simm.s32 $0x2100;
	s23 =	sadd.s32 s2, s1;
	[dreg:$0x4] =	wrdreg s8  }
0x34: {  	v2 =	vor.u32 $0x1000, v5;
	[tilespmem:$0x1FC40] =	vst v0;
	s13 =	simm.s32 $0x100;
	s24 =	sadd.s32 s1, s10;
	[dreg:$0xd] =	wrdreg s23  }
0x35: {  	v41 =	vor.u32 $0x1070, v1;
	[tilespmem:$0x1FC80] =	vst v2;
	s19 =	simm.s32 $0x3;
	s25 =	sadd.s32 s1, s11;
	[dreg:$0xe] =	wrdreg s24  }
0x36: {  	v0 =	vor.u32 $0x800, v5;
	[tilespmem:$0x1FE10] =	vst v41;
	s16 =	sadd.s32 $0x10000, s2;
	s26 =	sadd.s32 s1, s12;
	[dreg:$0xf] =	wrdreg s25  }
0x37: {  	v2 =	vor.u32 $0x1400, v5;
	[tilespmem:$0x1FC50] =	vst v0;
	s17 =	sadd.s32 $0x14000, s2;
	s20 =	sadd.s32 s7, s16;
	[dreg:$0x10] =	wrdreg s26  }
0x38: {  	v0 =	vor.u32 $0x20, v1;
	[tilespmem:$0x1FC90] =	vst v2;
	s9 =	simm.s32 $0x80;
	s21 =	sadd.s32 s7, s17;
	[dreg:$0x9] =	wrdreg s20  }
0x39: {  	v2 =	vor.u32 $0x50, v1;
	[tilespmem:$0x1FC60] =	vst v0;
	s15 =	simm.s32 $0x4100;
	s29 =	sadd.s32 s1, s16;
	[dreg:$0xa] =	wrdreg s21  }
0x3a: {  	[tilespmem:$0x1FCA0] =	vst v2;
	v2 =	vor.u32 $0x1800, v5;
	s30 =	sadd.s32 s1, s17;
	s20 =	sadd.s32 $0x18000, s2;
	[dreg:$0x11] =	wrdreg s29  }
0x3b: {  	v0 =	vor.u32 $0x30, v1;
	[tilespmem:$0x1FCB0] =	vst v2;
	s21 =	sadd.s32 $0x1C000, s2;
	[dreg:$0x12] =	wrdreg s30;
	s22 =	sadd.s32 s7, s20  }
0x3c: {  	v2 =	vor.u32 $0x60, v1;
	[tilespmem:$0x1FFF0] =	vst v0;
	s18 =	simm.s32 $0x5500;
	s7 =	sadd.s32 s7, s21;
	[dreg:$0xb] =	wrdreg s22  }
0x3d: {  	[tilespmem:$0x1FCC0] =	vst v2;
	v2 =	vor.u32 $0x1C00, v5;
	s23 =	simm.s32 $0x1;
	s31 =	sadd.s32 s1, s20;
	[dreg:$0xc] =	wrdreg s7  }
0x3e: {  	[tilespmem:$0x1FCD0] =	vst v2;
	v2 =	vor.u32 $0x10, v5;
	s24 =	simm.s32 $0x4;
	s1 =	sadd.s32 s1, s21;
	[dreg:$0x13] =	wrdreg s31  }
0x3f: {  	[tilespmem:$0x1FCE0] =	vst v2;
	v2 =	vor.u32 $0x800, v1;
	s25 =	simm.s32 $0x6;
	s26 =	simm.s32 $0x2;
	[dreg:$0x14] =	wrdreg s1  }
0x40: {  	[tilespmem:$0x1FCF0] =	vst v2;
	s7 =	sadd.s32 $0xC7, s4;
	s22 =	simm.s32 $0x5;
	s1 =	simm.s32 $0x0  }
.LBB2_1:
0x41: {  	[dreg:$0x16] =	wrdreg s1  }
0x42: {  	s0 =	rddreg [dreg:$0x3];
	s30 =	simm.s32 $0x7  }
0x43: {  	[tilespmem:s3], [sflag:$0x7] =	stream.linear.gather [hbm4b:s0+s3], $0x80, $0x38;
	[tilespmem:$0x8100] =	vst v63  }
0x44: {  	_ =	swait.ge [sflag:s30], $0x80  }
0x45: {  	[sflag:s30] =	ssyncset.done $0x0  }
0x46: {  	[sflag:s30] =	ssyncadd.s32 $0xFFFFFF80  }
0x47: {  	[tilespmem:s13], [sflag:$0x3] =	stream.indirect.gather [hbm4b:s6+s9], $0x40, s3, s9, $0xb8;
	[tilespmem:$0x8100] =	vst v63  }
0x48: {  	s31 =	rddreg [dreg:$0x4]  }
0x49: {  	[tilespmem:s9], [sflag:$0x7] =	stream.linear.gather [hbm4b:s31+s3], $0x80, $0x38;
	[tilespmem:$0x8100] =	vst v63  }
0x4a: {  	_ =	swait.ge [sflag:s30], $0x80  }
0x4b: {  	[sflag:s30] =	ssyncset.done $0x0  }
0x4c: {  	[sflag:s30] =	ssyncadd.s32 $0xFFFFFF80  }
0x4d: {  	[tilespmem:s14], [sflag:$0x4] =	stream.indirect.gather [hbm4b:s6+s9], $0x40, s9, s9, $0xb8;
	[tilespmem:$0x8100] =	vst v63  }
0x4e: {  	s8 =	rddreg [dreg:$0x5]  }
0x4f: {  	[hbm4b:s8+s3] =	stream.linear.scatter [tilespmem:s15], [sflag:$0x5], $0x400, $0x38;
	[tilespmem:$0x8100] =	vst v63  }
0x50: {  	s31 =	simm.s32 $0x4500;
	s30 =	rddreg [dreg:$0x6]  }
0x51: {  	[hbm4b:s30+s3] =	stream.linear.scatter [tilespmem:s31], [sflag:$0x5], $0x400, $0x38;
	[tilespmem:$0x8100] =	vst v63  }
0x52: {  	s1 =	rddreg [dreg:$0x7];
	s8 =	simm.s32 $0x4900  }
0x53: {  	[hbm4b:s1+s3] =	stream.linear.scatter [tilespmem:s8], [sflag:$0x5], $0x400, $0x38;
	[tilespmem:$0x8100] =	vst v63  }
0x54: {  	s30 =	rddreg [dreg:$0x8];
	s31 =	simm.s32 $0x4D00  }
0x55: {  	[hbm4b:s30+s3] =	stream.linear.scatter [tilespmem:s31], [sflag:$0x5], $0x400, $0x38;
	[tilespmem:$0x8100] =	vst v63  }
0x56: {  	s1 =	rddreg [dreg:$0x9];
	s8 =	simm.s32 $0x5100  }
0x57: {  	[hbm4b:s1+s3] =	stream.linear.scatter [tilespmem:s8], [sflag:$0x5], $0x400, $0x38;
	[tilespmem:$0x8100] =	vst v63  }
0x58: {  	s30 =	rddreg [dreg:$0xa];
	s31 =	simm.s32 $0x5500  }
0x59: {  	[hbm4b:s30+s3] =	stream.linear.scatter [tilespmem:s31], [sflag:$0x5], $0x400, $0x38;
	[tilespmem:$0x8100] =	vst v63  }
0x5a: {  	s1 =	rddreg [dreg:$0xb];
	s8 =	simm.s32 $0x5900  }
0x5b: {  	[hbm4b:s1+s3] =	stream.linear.scatter [tilespmem:s8], [sflag:$0x5], $0x400, $0x38;
	[tilespmem:$0x8100] =	vst v63  }
0x5c: {  	s30 =	rddreg [dreg:$0xc];
	s31 =	simm.s32 $0x5D00  }
0x5d: {  	[hbm4b:s30+s3] =	stream.linear.scatter [tilespmem:s31], [sflag:$0x5], $0x400, $0x38;
	[tilespmem:$0x8100] =	vst v63  }
0x5e: {  	s8 =	rddreg [dreg:$0xd]  }
0x5f: {  	[hbm4b:s8+s3] =	stream.linear.scatter [tilespmem:s28], [sflag:$0x6], $0x400, $0x38;
	[tilespmem:$0x8100] =	vst v63  }
0x60: {  	s30 =	rddreg [dreg:$0xe];
	s31 =	simm.s32 $0x6500  }
0x61: {  	[hbm4b:s30+s3] =	stream.linear.scatter [tilespmem:s31], [sflag:$0x6], $0x400, $0x38;
	[tilespmem:$0x8100] =	vst v63  }
0x62: {  	s1 =	rddreg [dreg:$0xf];
	s8 =	simm.s32 $0x6900  }
0x63: {  	[hbm4b:s1+s3] =	stream.linear.scatter [tilespmem:s8], [sflag:$0x6], $0x400, $0x38;
	[tilespmem:$0x8100] =	vst v63  }
0x64: {  	s30 =	rddreg [dreg:$0x10];
	s31 =	simm.s32 $0x6D00  }
0x65: {  	[hbm4b:s30+s3] =	stream.linear.scatter [tilespmem:s31], [sflag:$0x6], $0x400, $0x38;
	[tilespmem:$0x8100] =	vst v63  }
0x66: {  	s1 =	rddreg [dreg:$0x11];
	s8 =	simm.s32 $0x7100  }
0x67: {  	[hbm4b:s1+s3] =	stream.linear.scatter [tilespmem:s8], [sflag:$0x6], $0x400, $0x38;
	[tilespmem:$0x8100] =	vst v63  }
0x68: {  	s30 =	rddreg [dreg:$0x12];
	s31 =	simm.s32 $0x7500  }
0x69: {  	[hbm4b:s30+s3] =	stream.linear.scatter [tilespmem:s31], [sflag:$0x6], $0x400, $0x38;
	[tilespmem:$0x8100] =	vst v63  }
0x6a: {  	s1 =	rddreg [dreg:$0x13];
	s8 =	simm.s32 $0x7900  }
0x6b: {  	[hbm4b:s1+s3] =	stream.linear.scatter [tilespmem:s8], [sflag:$0x6], $0x400, $0x38;
	[tilespmem:$0x8100] =	vst v63  }
0x6c: {  	s29 =	simm.s32 $0x0;
	s30 =	rddreg [dreg:$0x14];
	s31 =	simm.s32 $0x7D00  }
0x6d: {  	[hbm4b:s30+s3] =	stream.linear.scatter [tilespmem:s31], [sflag:$0x6], $0x400, $0x38;
	[tilespmem:$0x8100] =	vst v63  }
.LBB2_2:
0x6e: {  	v5 =	vld [tilespmem:$0x1FC20];
	_ =	sdelay $0x1  }
0x6f: {  	v56 =	vld [tilespmem:$0x1FC30]  }
0x70: {  	s0 =	simm.s32 $0x0;
	v1 =	vlaneseq.u32;
	v49 =	vld [tilespmem:$0x1FD90]  }
0x71: {  	s30 =	simm.s32 $0x2;
	v7 =	vimm.s32 $0x0;
	v2 =	vadd.s32 s0, v1  }
0x72: {  	v4 =	vadd.s32 s30, v1;
	vm0 =	vlt.u32 v2, $0x10;
	v3 =	vadd.s32 s0, v5  }
0x73: {  	s1 =	simm.s32 $0x1;
	vm1 =	vlt.u32 v4, $0x10;
	v6 =	vadd.s32 s30, v5;
	v50 =	vsel vm0, v2, v3  }
0x74: {  	v2 =	vadd.s32 s1, v5;
	v3 =	vadd.s32 s1, v1;
	v8 =	vsel vm1, v4, v6  }
0x75: {  	vm10 =	vlt.u32 v3, $0x10;
	v12 =	vadd.s32 v56, v50;
	v11 =	vadd.s32 v49, v50  }
0x76: {  	v9 =	vshra.s32 v8, $0x1F;
	v52 =	vsel vm10, v3, v2;
	v2 =	vshra.s32 v50, $0x1F  }
0x77: {  	v9 =	vshrl.u32 v9, $0x1D;
	v2 =	vshrl.u32 v2, $0x1D;
	v4 =	vshra.s32 v52, $0x1F  }
0x78: {  	v14 =	vadd.s32 v9, v8;
	v2 =	vadd.s32 v2, v50;
	v4 =	vshrl.u32 v4, $0x1D  }
0x79: {  	v43 =	vmovc v16;
	s8 =	simm.s32 $0x3;
	s30 =	sshll.u32 s29, $0x1;
	v16 =	vand.u32 $0xFFFFFFF8, v14;
	v2 =	vshra.s32 v2, $0x3;
	v4 =	vadd.s32 v4, v52  }
0x7a: {  	v35 =	vmovc v17;
	s31 =	sadd.s32 s4, s30;
	v17 =	vsub.s32 v8, v16;
	vm13 =	vne.s32 v8, v16;
	v16 =	vadd.s32 s8, v5  }
0x7b: {  	v42 =	vmovc v15;
	v41 =	vmovc v18;
	v15 =	vand.u32 $0xFFFFFFF8, v4;
	v18 =	vshrl.u32 v4, $0x3;
	v4 =	vadd.s32 s8, v1;
	s8 =	sadd.s32 $0x2, s31  }
0x7c: {  	_ =	swait.ge [sflag:s19], $0x2000;
	vm2 =	vlt.s32 v50, $0x1;
	vm12 =	vlt.s32 v8, $0x1;
	v10 =	vshll.u32 v2, $0x3;
	s1 =	smin.u32 s8, s7  }
0x7d: {  	[sflag:s19] =	ssyncset.done $0x0;
	vm11 =	vlt.s32 v52, $0x1;
	v9 =	vsub.s32 v50, v10;
	vm3 =	vne.s32 v50, v10;
	s1 =	sshll.u32 s1, $0x4  }
0x7e: {  	[sflag:s19] =	ssyncadd.s32 $0xFFFFE000;
	v10 =	vsub.s32 v52, v15;
	vm4 =	vne.s32 v52, v15;
	vm3 =	vmand vm2, vm3;
	s1 =	sadd.s32 s5, s1  }
0x7f: {  	vm14 =	vlt.u32 v4, $0x10;
	v9 =	vshll.u32 v9, $0x7;
	v15 =	vsel vm3, $0xFFFFFFFF, v7;
	[tilespmem:s0], [sflag:$0x1] =	stream.linear.gather [hbm4b:s1+s0], $0x80, $0x38;
	[tilespmem:$0x8100] =	vst v63  }
0x80: {  	vm1 =	vmand vm11, vm4;
	v4 =	vsel vm14, v4, v16;
	v2 =	vadd.s32 v15, v2;
	_ =	swait.ge [sflag:s22], $0x2000  }
0x81: {  	v16 =	vshra.s32 v4, $0x1F;
	v15 =	vsel vm1, $0xFFFFFFFF, v7;
	v2 =	vshll.u32 v2, $0xA;
	[sflag:s22] =	ssyncset.done $0x0  }
0x82: {  	v9 =	vadd.s32 v9, v2;
	v2 =	vadd.s32 v15, v18;
	v15 =	vshrl.u32 v16, $0x1D;
	[sflag:s22] =	ssyncadd.s32 $0xFFFFE000  }
0x83: {  	v6 =	vadd.s32 v49, v52;
	v16 =	vor.u32 v1, v9;
	v15 =	vadd.s32 v15, v4;
	v21 =	vld.idx.msk [tilespmem:v11+s13+$0x0], $0xffff  }
0x84: {  	v13 =	vadd.s32 v49, v8;
	v10 =	vshll.u32 v10, $0x7;
	v18 =	vand.u32 $0xFFFFFFF8, v15  }
0x85: {  	vm15 =	vlt.s32 v4, $0x1;
	v2 =	vshll.u32 v2, $0xA;
	vm3 =	vne.s32 v4, v18  }
0x86: {  	v7 =	vimm.s32 $0x0;
	v61 =	vadd.s32 v10, v2;
	vm1 =	vmand vm15, vm3  }
0x87: {  	v32 =	vmovc v20;
	v2 =	vadd.s32 v49, v4;
	v15 =	vshrl.u32 v15, $0x3;
	v20 =	vsel vm1, $0xFFFFFFFF, v7  }
0x88: {  	v14 =	vshrl.u32 v14, $0x3;
	vm0 =	vmand vm12, vm13;
	v15 =	vadd.s32 v20, v15;
	v20 =	vld.idx.msk [tilespmem:v6+s13+$0x0], $0xffff;
	[tilespmem:v16+s15+$0x0] =	vst.idx.msk $0xffff, v21  }
0x89: {  	v11 =	vsel vm0, $0xFFFFFFFF, v7;
	v19 =	vor.u32 v1, v61;
	v18 =	vsub.s32 v4, v18;
	v27 =	vld [tilespmem:$0x1FC40]  }
0x8a: {  	v6 =	vadd.s32 v11, v14;
	v14 =	vshll.u32 v18, $0x7;
	v11 =	vshll.u32 v15, $0xA  }
0x8b: {  	v15 =	vshll.u32 v17, $0x7;
	v17 =	vshll.u32 v6, $0xA;
	v6 =	vadd.s32 v14, v11  }
0x8c: {  	v2 =	vld.idx.msk [tilespmem:v2+s13+$0x0], $0xffff;
	v11 =	vadd.s32 v15, v17;
	v14 =	vor.u32 v1, v6  }
0x8d: {  	v3 =	vadd.s32 v56, v52;
	v13 =	vld.idx.msk [tilespmem:v13+s13+$0x0], $0xffff;
	v15 =	vor.u32 v1, v11  }
0x8e: {  	v12 =	vld.idx.msk [tilespmem:v12+s13+$0x0], $0xffff;
	[tilespmem:v19+s15+$0x0] =	vst.idx.msk $0xffff, v20;
	v18 =	vor.u32 v27, v9  }
0x8f: {  	v33 =	vmov v60;
	v60 =	vld [tilespmem:$0x1FC50];
	_ =	sdelay $0x1  }
0x90: {  	v17 =	vadd.s32 v56, v4;
	[tilespmem:v14+s15+$0x0] =	vst.idx.msk $0xffff, v2  }
0x91: {  	v16 =	vadd.s32 v56, v8;
	v3 =	vld.idx.msk [tilespmem:v3+s13+$0x0], $0xffff;
	v20 =	vor.u32 v27, v61;
	[tilespmem:v15+s15+$0x0] =	vst.idx.msk $0xffff, v13  }
0x92: {  	[tilespmem:v18+s15+$0x0] =	vst.idx.msk $0xffff, v12  }
0x93: {  	v19 =	vadd.s32 v60, v50;
	v7 =	vld [tilespmem:$0x1FC60]  }
0x94: {  	v21 =	vadd.s32 v60, v52  }
0x95: {  	v2 =	vld.idx.msk [tilespmem:v17+s13+$0x0], $0xffff  }
0x96: {  	v13 =	vor.u32 v27, v6;
	v14 =	vld.idx.msk [tilespmem:v16+s13+$0x0], $0xffff;
	[tilespmem:v20+s15+$0x0] =	vst.idx.msk $0xffff, v3  }
0x97: {  	v34 =	vmov v58;
	v15 =	vor.u32 v27, v11;
	v58 =	vld [tilespmem:$0x1FC70]  }
0x98: {  	v17 =	vld.idx.msk [tilespmem:v19+s13+$0x0], $0xffff;
	v18 =	vor.u32 v7, v9  }
0x99: {  	v19 =	vld.idx.msk [tilespmem:v21+s13+$0x0], $0xffff;
	v20 =	vor.u32 v7, v61;
	_ =	sdelay $0x1  }
0x9a: {  	[tilespmem:v13+s15+$0x0] =	vst.idx.msk $0xffff, v2  }
0x9b: {  	v16 =	vadd.s32 v60, v4;
	[tilespmem:v15+s15+$0x0] =	vst.idx.msk $0xffff, v14  }
0x9c: {  	v12 =	vadd.s32 v60, v8;
	[tilespmem:v18+s15+$0x0] =	vst.idx.msk $0xffff, v17  }
0x9d: {  	v3 =	vadd.s32 v58, v50;
	[tilespmem:v20+s15+$0x0] =	vst.idx.msk $0xffff, v19  }
0x9e: {  	v21 =	vadd.s32 v58, v52;
	v45 =	vld [tilespmem:$0x1FC80];
	_ =	sdelay $0x1  }
0x9f: {  	v2 =	vld.idx.msk [tilespmem:v16+s13+$0x0], $0xffff;
	v13 =	vor.u32 v7, v6  }
0xa0: {  	v12 =	vld.idx.msk [tilespmem:v12+s13+$0x0], $0xffff;
	v14 =	vor.u32 v7, v11;
	v15 =	vadd.s32 v58, v4  }
0xa1: {  	v16 =	vadd.s32 v58, v8;
	v17 =	vor.u32 v0, v9;
	v3 =	vld.idx.msk [tilespmem:v3+s13+$0x0], $0xffff  }
0xa2: {  	v20 =	vor.u32 v0, v61;
	v19 =	vld.idx.msk [tilespmem:v21+s13+$0x0], $0xffff;
	v18 =	vadd.s32 v45, v50  }
0xa3: {  	v21 =	vadd.s32 v45, v52  }
0xa4: {  	[tilespmem:v13+s15+$0x0] =	vst.idx.msk $0xffff, v2  }
0xa5: {  	[tilespmem:v14+s15+$0x0] =	vst.idx.msk $0xffff, v12;
	v12 =	vor.u32 v0, v6;
	v2 =	vld.idx.msk [tilespmem:v15+s13+$0x0], $0xffff  }
0xa6: {  	v14 =	vor.u32 v0, v11;
	v13 =	vld.idx.msk [tilespmem:v16+s13+$0x0], $0xffff;
	[tilespmem:v17+s15+$0x0] =	vst.idx.msk $0xffff, v3  }
0xa7: {  	v17 =	vor.u32 v51, v9;
	[tilespmem:v20+s15+$0x0] =	vst.idx.msk $0xffff, v19;
	v3 =	vld.idx.msk [tilespmem:v18+s13+$0x0], $0xffff  }
0xa8: {  	v19 =	vor.u32 v51, v61;
	v18 =	vld.idx.msk [tilespmem:v21+s13+$0x0], $0xffff  }
0xa9: {  	v22 =	vld [tilespmem:$0x1FC90]  }
0xaa: {  	[tilespmem:v12+s15+$0x0] =	vst.idx.msk $0xffff, v2  }
0xab: {  	[tilespmem:v14+s15+$0x0] =	vst.idx.msk $0xffff, v13  }
0xac: {  	v15 =	vadd.s32 v45, v4;
	[tilespmem:v17+s15+$0x0] =	vst.idx.msk $0xffff, v3  }
0xad: {  	v16 =	vadd.s32 v45, v8;
	[tilespmem:v19+s15+$0x0] =	vst.idx.msk $0xffff, v18  }
0xae: {  	v20 =	vadd.s32 v22, v50;
	v10 =	vld [tilespmem:$0x1FCA0]  }
0xaf: {  	v21 =	vadd.s32 v22, v52;
	_ =	sdelay $0x1  }
0xb0: {  	v12 =	vor.u32 v51, v6;
	v2 =	vld.idx.msk [tilespmem:v15+s13+$0x0], $0xffff  }
0xb1: {  	v14 =	vor.u32 v51, v11;
	v13 =	vld.idx.msk [tilespmem:v16+s13+$0x0], $0xffff  }
0xb2: {  	v16 =	vld.idx.msk [tilespmem:v20+s13+$0x0], $0xffff;
	v17 =	vor.u32 v10, v9  }
0xb3: {  	v15 =	vadd.s32 v22, v4;
	v18 =	vld.idx.msk [tilespmem:v21+s13+$0x0], $0xffff;
	v19 =	vor.u32 v10, v61  }
0xb4: {  	v3 =	vadd.s32 v22, v8;
	v22 =	vld [tilespmem:$0x1FCB0]  }
0xb5: {  	[tilespmem:v12+s15+$0x0] =	vst.idx.msk $0xffff, v2  }
0xb6: {  	[tilespmem:v14+s15+$0x0] =	vst.idx.msk $0xffff, v13  }
0xb7: {  	[tilespmem:v17+s15+$0x0] =	vst.idx.msk $0xffff, v16  }
0xb8: {  	v2 =	vld.idx.msk [tilespmem:v15+s13+$0x0], $0xffff;
	[tilespmem:v19+s15+$0x0] =	vst.idx.msk $0xffff, v18  }
0xb9: {  	v20 =	vadd.s32 v22, v50;
	v23 =	vld [tilespmem:$0x1FCC0]  }
0xba: {  	v21 =	vadd.s32 v22, v52;
	v14 =	vadd.s32 v22, v4;
	v15 =	vadd.s32 v22, v8;
	v22 =	vld [tilespmem:$0x1FCD0];
	_ =	sdelay $0x1  }
0xbb: {  	v12 =	vor.u32 v10, v6  }
0xbc: {  	v3 =	vld.idx.msk [tilespmem:v3+s13+$0x0], $0xffff;
	v13 =	vor.u32 v10, v11  }
0xbd: {  	v16 =	vld.idx.msk [tilespmem:v20+s13+$0x0], $0xffff;
	v17 =	vor.u32 v23, v9  }
0xbe: {  	v18 =	vld.idx.msk [tilespmem:v21+s13+$0x0], $0xffff;
	v19 =	vor.u32 v23, v61;
	v20 =	vadd.s32 v22, v50  }
0xbf: {  	v21 =	vadd.s32 v22, v52  }
0xc0: {  	[tilespmem:v12+s15+$0x0] =	vst.idx.msk $0xffff, v2  }
0xc1: {  	[tilespmem:v13+s15+$0x0] =	vst.idx.msk $0xffff, v3;
	v2 =	vld.idx.msk [tilespmem:v14+s13+$0x0], $0xffff  }
0xc2: {  	v12 =	vld.idx.msk [tilespmem:v15+s13+$0x0], $0xffff;
	v3 =	vor.u32 v23, v6;
	[tilespmem:v17+s15+$0x0] =	vst.idx.msk $0xffff, v16  }
0xc3: {  	v13 =	vor.u32 v23, v11;
	[tilespmem:v19+s15+$0x0] =	vst.idx.msk $0xffff, v18;
	v16 =	vld.idx.msk [tilespmem:v20+s13+$0x0], $0xffff  }
0xc4: {  	v14 =	vadd.s32 v22, v4;
	v17 =	vor.u32 v48, v9;
	v18 =	vld.idx.msk [tilespmem:v21+s13+$0x0], $0xffff  }
0xc5: {  	v15 =	vadd.s32 v22, v8;
	v19 =	vor.u32 v48, v61;
	v10 =	vld [tilespmem:$0x1FCE0];
	_ =	sdelay $0x1  }
0xc6: {  	[tilespmem:v3+s15+$0x0] =	vst.idx.msk $0xffff, v2  }
0xc7: {  	[tilespmem:v13+s15+$0x0] =	vst.idx.msk $0xffff, v12  }
0xc8: {  	v2 =	vld.idx.msk [tilespmem:v14+s13+$0x0], $0xffff;
	[tilespmem:v17+s15+$0x0] =	vst.idx.msk $0xffff, v16  }
0xc9: {  	v12 =	vld.idx.msk [tilespmem:v15+s13+$0x0], $0xffff;
	v20 =	vadd.s32 v10, v50;
	[tilespmem:v19+s15+$0x0] =	vst.idx.msk $0xffff, v18  }
0xca: {  	v21 =	vadd.s32 v10, v52;
	v14 =	vadd.s32 v10, v4;
	v15 =	vadd.s32 v10, v8;
	v10 =	vld [tilespmem:$0x1FCF0];
	_ =	sdelay $0x2  }
0xcb: {  	v3 =	vor.u32 v48, v6  }
0xcc: {  	v13 =	vor.u32 v48, v11  }
0xcd: {  	v16 =	vld.idx.msk [tilespmem:v20+s13+$0x0], $0xffff;
	v17 =	vadd.s32 v10, v9  }
0xce: {  	v18 =	vld.idx.msk [tilespmem:v21+s13+$0x0], $0xffff;
	v20 =	vadd.s32 v46, v50;
	v19 =	vadd.s32 v10, v61  }
0xcf: {  	v21 =	vadd.s32 v46, v52  }
0xd0: {  	[tilespmem:v3+s15+$0x0] =	vst.idx.msk $0xffff, v2  }
0xd1: {  	[tilespmem:v13+s15+$0x0] =	vst.idx.msk $0xffff, v12;
	v2 =	vld.idx.msk [tilespmem:v14+s13+$0x0], $0xffff;
	v3 =	vadd.s32 v10, v6  }
0xd2: {  	v12 =	vld.idx.msk [tilespmem:v15+s13+$0x0], $0xffff;
	v14 =	vadd.s32 v46, v4;
	v13 =	vadd.s32 v10, v11;
	[tilespmem:v17+s15+$0x0] =	vst.idx.msk $0xffff, v16  }
0xd3: {  	v15 =	vadd.s32 v46, v8;
	[tilespmem:v19+s15+$0x0] =	vst.idx.msk $0xffff, v18;
	v17 =	vadd.s32 v47, v9;
	v16 =	vld.idx.msk [tilespmem:v20+s13+$0x0], $0xffff  }
0xd4: {  	v19 =	vadd.s32 v47, v61;
	v18 =	vld.idx.msk [tilespmem:v21+s13+$0x0], $0xffff;
	v20 =	vadd.s32 v54, v50  }
0xd5: {  	v21 =	vadd.s32 v54, v52  }
0xd6: {  	[tilespmem:v3+s15+$0x0] =	vst.idx.msk $0xffff, v2  }
0xd7: {  	[tilespmem:v13+s15+$0x0] =	vst.idx.msk $0xffff, v12;
	v3 =	vadd.s32 v47, v6;
	v2 =	vld.idx.msk [tilespmem:v14+s13+$0x0], $0xffff  }
0xd8: {  	v13 =	vadd.s32 v47, v11;
	v12 =	vld.idx.msk [tilespmem:v15+s13+$0x0], $0xffff;
	v14 =	vadd.s32 v54, v4;
	[tilespmem:v17+s15+$0x0] =	vst.idx.msk $0xffff, v16  }
0xd9: {  	[tilespmem:v19+s15+$0x0] =	vst.idx.msk $0xffff, v18;
	v17 =	vadd.s32 v24, v9;
	v16 =	vld.idx.msk [tilespmem:v20+s13+$0x0], $0xffff  }
0xda: {  	v15 =	vadd.s32 v54, v8;
	v19 =	vld.idx.msk [tilespmem:v21+s13+$0x0], $0xffff;
	v20 =	vadd.s32 v24, v61  }
0xdb: {  	v21 =	vadd.s32 v29, v50  }
0xdc: {  	s8 =	simm.s32 $0x4;
	v22 =	vadd.s32 v24, v11;
	[tilespmem:v3+s15+$0x0] =	vst.idx.msk $0xffff, v2  }
0xdd: {  	v3 =	vadd.s32 s8, v1;
	[tilespmem:v13+s15+$0x0] =	vst.idx.msk $0xffff, v12;
	v13 =	vld.idx.msk [tilespmem:v14+s13+$0x0], $0xffff;
	v14 =	vadd.s32 v24, v6  }
0xde: {  	v23 =	vadd.s32 v29, v4;
	v2 =	vadd.s32 s8, v5;
	vm6 =	vlt.u32 v3, $0x10;
	[tilespmem:v17+s15+$0x0] =	vst.idx.msk $0xffff, v16  }
0xdf: {  	v15 =	vld.idx.msk [tilespmem:v15+s13+$0x0], $0xffff;
	v12 =	vsel vm6, v3, v2;
	v3 =	vadd.s32 v31, v50;
	[tilespmem:v20+s15+$0x0] =	vst.idx.msk $0xffff, v19  }
0xe0: {  	v53 =	vadd.s32 v25, v50;
	v21 =	vld.idx.msk [tilespmem:v21+s13+$0x0], $0xffff;
	[tilespmem:$0x1FBF0] =	vst v3;
	v3 =	vadd.s32 v30, v50  }
0xe1: {  	v2 =	vmov v25;
	v25 =	vadd.s32 v59, v9;
	v17 =	vadd.s32 v29, v52;
	[tilespmem:$0x1FC10] =	vst v3  }
0xe2: {  	v20 =	vadd.s32 v29, v8;
	v3 =	vadd.s32 v44, v50;
	[tilespmem:v14+s15+$0x0] =	vst.idx.msk $0xffff, v13  }
0xe3: {  	v13 =	vadd.s32 v40, v50;
	[tilespmem:$0x1FBE0] =	vst v3  }
0xe4: {  	v36 =	vadd.s32 v62, v50;
	s1 =	simm.s32 $0x5;
	s8 =	simm.s32 $0x6;
	[tilespmem:v22+s15+$0x0] =	vst.idx.msk $0xffff, v15;
	v14 =	vld.idx.msk [tilespmem:v23+s13+$0x0], $0xffff;
	v15 =	vadd.s32 v59, v6  }
0xe5: {  	v38 =	vmovc v55;
	v24 =	vadd.s32 s1, v5;
	v28 =	vadd.s32 s8, v5;
	v5 =	vmovc v33;
	v33 =	vadd.s32 v59, v11  }
0xe6: {  	v55 =	vmovc v63;
	v17 =	vld.idx.msk [tilespmem:v17+s13+$0x0], $0xffff;
	v23 =	vadd.s32 v59, v61;
	v22 =	vmov v30;
	v30 =	vadd.s32 v40, v4  }
0xe7: {  	v10 =	vmov v44;
	v16 =	vadd.s32 v63, v50;
	v63 =	vmov v32;
	v20 =	vld.idx.msk [tilespmem:v20+s13+$0x0], $0xffff;
	[tilespmem:v25+s15+$0x0] =	vst.idx.msk $0xffff, v21  }
0xe8: {  	v32 =	vadd.s32 v40, v52;
	v44 =	vmovc v62;
	v62 =	vmov v38;
	v38 =	vadd.s32 v42, v9;
	v37 =	vld.idx.msk [tilespmem:v13+s13+$0x0], $0xffff  }
0xe9: {  	v21 =	vadd.s32 v40, v8;
	v13 =	vadd.s32 v58, v12;
	[tilespmem:v15+s15+$0x0] =	vst.idx.msk $0xffff, v14  }
0xea: {  	v29 =	vadd.s32 s1, v1;
	v3 =	vmov v35;
	v35 =	vadd.s32 v43, v50;
	[tilespmem:$0x1FC00] =	vst v13  }
0xeb: {  	vm7 =	vlt.u32 v29, $0x10;
	[tilespmem:v23+s15+$0x0] =	vst.idx.msk $0xffff, v17;
	v15 =	vld.idx.msk [tilespmem:v30+s13+$0x0], $0xffff;
	v17 =	vadd.s32 v42, v6  }
0xec: {  	v19 =	vmov v31;
	v40 =	vadd.s32 v42, v61;
	v13 =	vsel vm7, v29, v24;
	[tilespmem:v33+s15+$0x0] =	vst.idx.msk $0xffff, v20  }
0xed: {  	v31 =	vadd.s32 s8, v1;
	v23 =	vmov v10;
	v10 =	vadd.s32 v26, v52;
	v32 =	vld.idx.msk [tilespmem:v32+s13+$0x0], $0xffff;
	[tilespmem:v38+s15+$0x0] =	vst.idx.msk $0xffff, v37  }
0xee: {  	vm8 =	vlt.u32 v31, $0x10;
	v33 =	vadd.s32 v43, v4;
	v29 =	vld.idx.msk [tilespmem:v21+s13+$0x0], $0xffff;
	[tilespmem:$0x1FBA0] =	vst v10;
	v10 =	vadd.s32 v2, v52  }
0xef: {  	v14 =	vsel vm8, v31, v28;
	v24 =	vmov v41;
	v41 =	vadd.s32 v43, v52;
	v31 =	vld.idx.msk [tilespmem:v35+s13+$0x0], $0xffff;
	[tilespmem:$0x1FBB0] =	vst v10  }
0xf0: {  	v42 =	vadd.s32 v42, v11;
	v2 =	vadd.s32 v2, v8;
	[tilespmem:v17+s15+$0x0] =	vst.idx.msk $0xffff, v15  }
0xf1: {  	v28 =	vadd.s32 v43, v8;
	v35 =	vadd.s32 v3, v9;
	[tilespmem:$0x1FBC0] =	vst v2;
	v2 =	vadd.s32 v26, v8  }
0xf2: {  	[tilespmem:$0x1FBD0] =	vst v2  }
0xf3: {  	v17 =	vadd.s32 v3, v6;
	v15 =	vld.idx.msk [tilespmem:v33+s13+$0x0], $0xffff  }
0xf4: {  	[tilespmem:v40+s15+$0x0] =	vst.idx.msk $0xffff, v32;
	v33 =	vadd.s32 v44, v4  }
0xf5: {  	v39 =	vadd.s32 v49, v12;
	v38 =	vadd.s32 v3, v61;
	[tilespmem:v42+s15+$0x0] =	vst.idx.msk $0xffff, v29;
	v37 =	vld.idx.msk [tilespmem:v41+s13+$0x0], $0xffff  }
0xf6: {  	v42 =	vadd.s32 v3, v11;
	[tilespmem:v35+s15+$0x0] =	vst.idx.msk $0xffff, v31;
	v28 =	vld.idx.msk [tilespmem:v28+s13+$0x0], $0xffff;
	v41 =	vadd.s32 v44, v52  }
0xf7: {  	vm9 =	vlt.s32 v12, $0x1;
	v25 =	vmovc v34;
	v31 =	vadd.s32 v44, v8;
	v36 =	vld.idx.msk [tilespmem:v36+s13+$0x0], $0xffff;
	v44 =	vadd.s32 v5, v9  }
0xf8: {  	v34 =	vadd.s32 v34, v50;
	v43 =	vadd.s32 v25, v8;
	vm10 =	vlt.s32 v13, $0x1;
	[tilespmem:v17+s15+$0x0] =	vst.idx.msk $0xffff, v15  }
0xf9: {  	v2 =	vshra.s32 v14, $0x1F;
	v40 =	vadd.s32 v25, v52;
	v15 =	vld.idx.msk [tilespmem:v33+s13+$0x0], $0xffff;
	v33 =	vadd.s32 v5, v6  }
0xfa: {  	v35 =	vshra.s32 v12, $0x1F;
	v3 =	vadd.s32 v49, v14;
	[tilespmem:v38+s15+$0x0] =	vst.idx.msk $0xffff, v37;
	v37 =	vadd.s32 v25, v4  }
0xfb: {  	v2 =	vshrl.u32 v2, $0x1D;
	v35 =	vshrl.u32 v35, $0x1D;
	[tilespmem:v42+s15+$0x0] =	vst.idx.msk $0xffff, v28;
	v28 =	vadd.s32 v5, v61;
	v41 =	vld.idx.msk [tilespmem:v41+s13+$0x0], $0xffff  }
0xfc: {  	v35 =	vadd.s32 v35, v12;
	v42 =	vadd.s32 v5, v11;
	[tilespmem:v44+s15+$0x0] =	vst.idx.msk $0xffff, v36;
	v31 =	vld.idx.msk [tilespmem:v31+s13+$0x0], $0xffff  }
0xfd: {  	v17 =	vadd.s32 v49, v13;
	v49 =	vshra.s32 v13, $0x1F;
	v44 =	vadd.s32 v63, v9;
	v34 =	vld.idx.msk [tilespmem:v34+s13+$0x0], $0xffff  }
0xfe: {  	v2 =	vadd.s32 v2, v14;
	v35 =	vshra.s32 v35, $0x3;
	v38 =	vshrl.u32 v49, $0x1D;
	[tilespmem:v33+s15+$0x0] =	vst.idx.msk $0xffff, v15  }
0xff: {  	v36 =	vshll.u32 v35, $0x3;
	v49 =	vadd.s32 v63, v6;
	v38 =	vadd.s32 v38, v13;
	v15 =	vld.idx.msk [tilespmem:v37+s13+$0x0], $0xffff  }
0x100: {  	v5 =	vimm.s32 $0x0;
	vm12 =	vne.s32 v12, v36;
	v33 =	vand.u32 $0xFFFFFFF8, v38;
	[tilespmem:v28+s15+$0x0] =	vst.idx.msk $0xffff, v41  }
0x101: {  	vm1 =	vmand vm9, vm12;
	vm13 =	vne.s32 v13, v33;
	[tilespmem:v42+s15+$0x0] =	vst.idx.msk $0xffff, v31;
	v28 =	vsub.s32 v12, v36  }
0x102: {  	v31 =	vsel vm1, $0xFFFFFFFF, v5;
	v42 =	vadd.s32 v63, v61;
	[tilespmem:v44+s15+$0x0] =	vst.idx.msk $0xffff, v34;
	v44 =	vshrl.u32 v38, $0x3  }
0x103: {  	v34 =	vadd.s32 v63, v11;
	v38 =	vld.idx.msk [tilespmem:v39+s13+$0x0], $0xffff;
	vm14 =	vmand vm10, vm13;
	v31 =	vadd.s32 v31, v35  }
0x104: {  	v40 =	vld.idx.msk [tilespmem:v40+s13+$0x0], $0xffff;
	v28 =	vshll.u32 v28, $0x7;
	v31 =	vshll.u32 v31, $0xA;
	[tilespmem:v49+s15+$0x0] =	vst.idx.msk $0xffff, v15;
	v49 =	vsel vm14, $0xFFFFFFFF, v5  }
0x105: {  	v33 =	vsub.s32 v13, v33;
	v10 =	vadd.s32 v28, v31;
	v28 =	vld.idx.msk [tilespmem:v43+s13+$0x0], $0xffff;
	v31 =	vadd.s32 v49, v44  }
0x106: {  	v35 =	vld.idx.msk [tilespmem:v17+s13+$0x0], $0xffff;
	v63 =	vor.u32 v1, v10;
	v17 =	vshll.u32 v31, $0xA;
	v31 =	vshll.u32 v33, $0x7  }
0x107: {  	v36 =	vand.u32 $0xFFFFFFF8, v2;
	v44 =	vld.idx.msk [tilespmem:v16+s13+$0x0], $0xffff;
	v16 =	vadd.s32 v31, v17;
	v31 =	vadd.s32 v62, v9  }
0x108: {  	vm11 =	vlt.s32 v14, $0x1;
	vm15 =	vne.s32 v14, v36;
	v49 =	vor.u32 v1, v16  }
0x109: {  	vm0 =	vmand vm11, vm15;
	v5 =	vimm.s32 $0x0;
	[tilespmem:v42+s15+$0x0] =	vst.idx.msk $0xffff, v40  }
0x10a: {  	v37 =	vadd.s32 v55, v4;
	v2 =	vshrl.u32 v2, $0x3;
	v17 =	vsel vm0, $0xFFFFFFFF, v5;
	v5 =	vld [tilespmem:$0x1FDD0];
	[tilespmem:v34+s15+$0x0] =	vst.idx.msk $0xffff, v28  }
0x10b: {  	v36 =	vsub.s32 v14, v36;
	v2 =	vadd.s32 v17, v2;
	[tilespmem:v63+s15+$0x0] =	vst.idx.msk $0xffff, v38  }
0x10c: {  	v32 =	vadd.s32 v55, v52;
	v17 =	vshll.u32 v36, $0x7;
	v2 =	vshll.u32 v2, $0xA;
	[tilespmem:v31+s15+$0x0] =	vst.idx.msk $0xffff, v44  }
0x10d: {  	v29 =	vadd.s32 v55, v8;
	v17 =	vadd.s32 v17, v2;
	[tilespmem:v49+s15+$0x0] =	vst.idx.msk $0xffff, v35  }
0x10e: {  	v33 =	vor.u32 v1, v17;
	v1 =	vld [tilespmem:$0x1FBE0]  }
0x10f: {  	v30 =	vadd.s32 v56, v12  }
0x110: {  	v20 =	vadd.s32 v56, v13;
	v37 =	vld.idx.msk [tilespmem:v37+s13+$0x0], $0xffff;
	v28 =	vadd.s32 v62, v6  }
0x111: {  	v32 =	vld.idx.msk [tilespmem:v32+s13+$0x0], $0xffff;
	v34 =	vadd.s32 v62, v61  }
0x112: {  	v29 =	vld.idx.msk [tilespmem:v29+s13+$0x0], $0xffff;
	v2 =	vadd.s32 v62, v11  }
0x113: {  	v3 =	vld.idx.msk [tilespmem:v3+s13+$0x0], $0xffff  }
0x114: {  	v57 =	vadd.s32 v26, v50;
	v39 =	vld.idx.msk [tilespmem:v30+s13+$0x0], $0xffff;
	v49 =	vor.u32 v27, v10  }
0x115: {  	v36 =	vadd.s32 v23, v4;
	v62 =	vor.u32 v27, v16;
	v25 =	vld.idx.msk [tilespmem:v20+s13+$0x0], $0xffff;
	[tilespmem:v28+s15+$0x0] =	vst.idx.msk $0xffff, v37  }
0x116: {  	v63 =	vadd.s32 v23, v52;
	v28 =	vadd.s32 v24, v9;
	[tilespmem:v34+s15+$0x0] =	vst.idx.msk $0xffff, v32;
	v26 =	vld.idx.msk [tilespmem:v1+s13+$0x0], $0xffff  }
0x117: {  	[tilespmem:v2+s15+$0x0] =	vst.idx.msk $0xffff, v29  }
0x118: {  	v44 =	vadd.s32 v23, v8;
	[tilespmem:v33+s15+$0x0] =	vst.idx.msk $0xffff, v3  }
0x119: {  	v56 =	vadd.s32 v56, v14;
	[tilespmem:v49+s15+$0x0] =	vst.idx.msk $0xffff, v39  }
0x11a: {  	v18 =	vadd.s32 v60, v12;
	v34 =	vld.idx.msk [tilespmem:v36+s13+$0x0], $0xffff;
	[tilespmem:v62+s15+$0x0] =	vst.idx.msk $0xffff, v25  }
0x11b: {  	v29 =	vld.idx.msk [tilespmem:v63+s13+$0x0], $0xffff;
	v63 =	vadd.s32 v24, v6;
	[tilespmem:v28+s15+$0x0] =	vst.idx.msk $0xffff, v26  }
0x11c: {  	v3 =	vadd.s32 v24, v61;
	v1 =	vld [tilespmem:$0x1FBF0]  }
0x11d: {  	v55 =	vmov v52;
	v33 =	vld.idx.msk [tilespmem:v44+s13+$0x0], $0xffff;
	v49 =	vadd.s32 v24, v11  }
0x11e: {  	v31 =	vadd.s32 v22, v52;
	v35 =	vadd.s32 v19, v52;
	v52 =	vor.u32 v27, v17;
	v38 =	vld.idx.msk [tilespmem:v56+s13+$0x0], $0xffff  }
0x11f: {  	v20 =	vmov v50;
	v50 =	vld.idx.msk [tilespmem:v18+s13+$0x0], $0xffff;
	v25 =	vor.u32 v7, v10  }
0x120: {  	[tilespmem:v63+s15+$0x0] =	vst.idx.msk $0xffff, v34  }
0x121: {  	[tilespmem:v3+s15+$0x0] =	vst.idx.msk $0xffff, v29  }
0x122: {  	[tilespmem:v49+s15+$0x0] =	vst.idx.msk $0xffff, v33  }
0x123: {  	v2 =	vadd.s32 v60, v13;
	[tilespmem:v52+s15+$0x0] =	vst.idx.msk $0xffff, v38  }
0x124: {  	[tilespmem:v25+s15+$0x0] =	vst.idx.msk $0xffff, v50;
	v27 =	vld.idx.msk [tilespmem:v1+s13+$0x0], $0xffff  }
0x125: {  	v1 =	vld [tilespmem:$0x1FC00]  }
0x126: {  	v63 =	vadd.s32 v5, v9;
	_ =	sdelay $0x1  }
0x127: {  	v2 =	vld.idx.msk [tilespmem:v2+s13+$0x0], $0xffff;
	v3 =	vor.u32 v7, v16;
	_ =	sdelay $0x2  }
0x128: {  	[tilespmem:v63+s15+$0x0] =	vst.idx.msk $0xffff, v27  }
0x129: {  	v18 =	vld [tilespmem:$0x1FD00]  }
0x12a: {  	[tilespmem:v3+s15+$0x0] =	vst.idx.msk $0xffff, v2;
	v32 =	vld.idx.msk [tilespmem:v1+s13+$0x0], $0xffff  }
0x12b: {  	v1 =	vld [tilespmem:$0x1FFF0];
	_ =	sdelay $0x3  }
0x12c: {  	v37 =	vadd.s32 v19, v4  }
0x12d: {  	v39 =	vor.u32 v1, v10;
	v1 =	vld [tilespmem:$0x1FC10]  }
0x12e: {  	v56 =	vadd.s32 v19, v8  }
0x12f: {  	v62 =	vadd.s32 v60, v14  }
0x130: {  	v2 =	vld [tilespmem:$0x1FDE0]  }
0x131: {  	v59 =	vadd.s32 v45, v12;
	v40 =	vadd.s32 v58, v13;
	v36 =	vld.idx.msk [tilespmem:v37+s13+$0x0], $0xffff  }
0x132: {  	v21 =	vimm.s32 $0x0;
	v30 =	vadd.s32 v22, v8;
	v42 =	vor.u32 v7, v17;
	v35 =	vld.idx.msk [tilespmem:v35+s13+$0x0], $0xffff  }
0x133: {  	v43 =	vadd.s32 v5, v6;
	v41 =	vadd.s32 v5, v61;
	v44 =	vadd.s32 v5, v11;
	v37 =	vld.idx.msk [tilespmem:v56+s13+$0x0], $0xffff  }
0x134: {  	v28 =	vadd.s32 v45, v13;
	v26 =	vadd.s32 v45, v14;
	v38 =	vadd.s32 v22, v4;
	v33 =	vld.idx.msk [tilespmem:v62+s13+$0x0], $0xffff  }
0x135: {  	s30 =	simm.s32 $0x8;
	s0 =	simm.s32 $0x7;
	v29 =	vadd.s32 v58, v14;
	v27 =	vadd.s32 v18, v9;
	v34 =	vadd.s32 v2, v9;
	v25 =	vld.idx.msk [tilespmem:v1+s13+$0x0], $0xffff  }
.LBB2_3:
0x136: {  	v40 =	vld.idx.msk [tilespmem:v40+s13+$0x0], $0xffff  }
0x137: {  	v3 =	vld [tilespmem:$0x1FDE0]  }
0x138: {  	[tilespmem:v43+s15+$0x0] =	vst.idx.msk $0xffff, v36;
	v43 =	vld [tilespmem:$0x1FC20]  }
0x139: {  	v5 =	vld [tilespmem:$0x1FDE0]  }
0x13a: {  	v7 =	vld [tilespmem:$0x1FBB0]  }
0x13b: {  	v49 =	vlaneseq.u32;
	v15 =	vld [tilespmem:$0x1FCA0];
	[tilespmem:v39+s15+$0x0] =	vst.idx.msk $0xffff, v32  }
0x13c: {  	v2 =	vadd.s32 s0, v49;
	[tilespmem:v44+s15+$0x0] =	vst.idx.msk $0xffff, v37;
	v44 =	vld [tilespmem:$0x1FE80]  }
0x13d: {  	vm0 =	vlt.u32 v2, $0x10;
	v39 =	vld.idx.msk [tilespmem:v59+s13+$0x0], $0xffff;
	v45 =	vadd.s32 v3, v61;
	v3 =	vadd.s32 s0, v43  }
0x13e: {  	v2 =	vsel vm0, v2, v3;
	v3 =	vld [tilespmem:$0x1FDE0]  }
0x13f: {  	v63 =	vor.u32 v0, v16;
	v50 =	vmov v51;
	v59 =	vor.u32 v51, v10;
	v51 =	vld [tilespmem:$0x1FD90]  }
0x140: {  	v62 =	vmov v0;
	[tilespmem:v34+s15+$0x0] =	vst.idx.msk $0xffff, v25;
	v25 =	vor.u32 v0, v17;
	v0 =	vld [tilespmem:$0x1FBA0]  }
0x141: {  	[tilespmem:v41+s15+$0x0] =	vst.idx.msk $0xffff, v35;
	v35 =	vld.idx.msk [tilespmem:v38+s13+$0x0], $0xffff  }
0x142: {  	v31 =	vld.idx.msk [tilespmem:v31+s13+$0x0], $0xffff  }
0x143: {  	v19 =	vld.idx.msk [tilespmem:v57+s13+$0x0], $0xffff;
	v37 =	vadd.s32 v3, v6  }
0x144: {  	[tilespmem:v63+s15+$0x0] =	vst.idx.msk $0xffff, v40;
	v40 =	vld [tilespmem:$0x1FC90];
	v38 =	vadd.s32 v44, v4  }
0x145: {  	v57 =	vld [tilespmem:$0x1FC30]  }
0x146: {  	[tilespmem:v42+s15+$0x0] =	vst.idx.msk $0xffff, v33;
	v58 =	vadd.s32 v5, v11;
	v5 =	vld [tilespmem:$0x1FD20]  }
0x147: {  	v30 =	vld.idx.msk [tilespmem:v30+s13+$0x0], $0xffff;
	v52 =	vshra.s32 v2, $0x1F  }
0x148: {  	v29 =	vld.idx.msk [tilespmem:v29+s13+$0x0], $0xffff;
	v56 =	vshrl.u32 v52, $0x1D;
	[tilespmem:v37+s15+$0x0] =	vst.idx.msk $0xffff, v35  }
0x149: {  	[tilespmem:v45+s15+$0x0] =	vst.idx.msk $0xffff, v31;
	v32 =	vadd.s32 v56, v2;
	v35 =	vld.idx.msk [tilespmem:v38+s13+$0x0], $0xffff  }
0x14a: {  	v60 =	vand.u32 $0xFFFFFFF8, v32;
	v38 =	vld.idx.msk [tilespmem:v0+s13+$0x0], $0xffff  }
0x14b: {  	v31 =	vadd.s32 v18, v61;
	vm1 =	vlt.s32 v2, $0x1;
	vm2 =	vne.s32 v2, v60;
	v0 =	vld [tilespmem:$0x1FBD0]  }
0x14c: {  	[tilespmem:v59+s15+$0x0] =	vst.idx.msk $0xffff, v39;
	v39 =	vld [tilespmem:$0x1FCB0];
	vm1 =	vmand vm1, vm2  }
0x14d: {  	v59 =	vld [tilespmem:$0x1FC80];
	v32 =	vshrl.u32 v32, $0x3;
	v42 =	vsel vm1, $0xFFFFFFFF, v21  }
0x14e: {  	v32 =	vadd.s32 v42, v32;
	v42 =	vld [tilespmem:$0x1FE90]  }
0x14f: {  	[tilespmem:v58+s15+$0x0] =	vst.idx.msk $0xffff, v30;
	v28 =	vld.idx.msk [tilespmem:v28+s13+$0x0], $0xffff  }
0x150: {  	v58 =	vld [tilespmem:$0x1FC70];
	[tilespmem:v31+s15+$0x0] =	vst.idx.msk $0xffff, v38  }
0x151: {  	v63 =	vadd.s32 v51, v2;
	v21 =	vld.idx.msk [tilespmem:v7+s13+$0x0], $0xffff  }
0x152: {  	v30 =	vadd.s32 v18, v6;
	v7 =	vld [tilespmem:$0x1FBC0]  }
0x153: {  	v45 =	vadd.s32 v42, v4;
	v24 =	vld.idx.msk [tilespmem:v0+s13+$0x0], $0xffff  }
0x154: {  	v23 =	vsub.s32 v2, v60;
	[tilespmem:v25+s15+$0x0] =	vst.idx.msk $0xffff, v29;
	v29 =	vadd.s32 v18, v11;
	v0 =	vld [tilespmem:$0x1FD10]  }
0x155: {  	[tilespmem:v27+s15+$0x0] =	vst.idx.msk $0xffff, v19;
	v56 =	vld [tilespmem:$0x1FC50];
	v23 =	vshll.u32 v23, $0x7;
	v25 =	vshll.u32 v32, $0xA  }
0x156: {  	v52 =	vld.idx.msk [tilespmem:v63+s13+$0x0], $0xffff;
	v32 =	vor.u32 v50, v16;
	v23 =	vadd.s32 v23, v25;
	v25 =	vadd.s32 v40, v12  }
0x157: {  	v19 =	vor.u32 v50, v17;
	[tilespmem:v30+s15+$0x0] =	vst.idx.msk $0xffff, v35;
	v26 =	vld.idx.msk [tilespmem:v26+s13+$0x0], $0xffff  }
0x158: {  	v31 =	vld.idx.msk [tilespmem:v45+s13+$0x0], $0xffff;
	v60 =	vor.u32 v49, v23  }
0x159: {  	v18 =	vld.idx.msk [tilespmem:v53+s13+$0x0], $0xffff;
	v63 =	vadd.s32 v0, v9;
	[tilespmem:v29+s15+$0x0] =	vst.idx.msk $0xffff, v24  }
0x15a: {  	v41 =	vmov v20;
	v27 =	vadd.s32 v57, v2;
	v45 =	vadd.s32 v5, v20;
	v20 =	vld.idx.msk [tilespmem:v7+s13+$0x0], $0xffff  }
0x15b: {  	v24 =	vadd.s32 v0, v6;
	[tilespmem:v32+s15+$0x0] =	vst.idx.msk $0xffff, v28;
	v29 =	vadd.s32 v5, v4;
	v25 =	vld.idx.msk [tilespmem:v25+s13+$0x0], $0xffff  }
0x15c: {  	v32 =	vadd.s32 v5, v55;
	[tilespmem:v19+s15+$0x0] =	vst.idx.msk $0xffff, v26;
	v26 =	vadd.s32 v5, v8;
	v5 =	vld [tilespmem:$0x1FDF0]  }
0x15d: {  	v30 =	vadd.s32 v40, v13;
	v28 =	vadd.s32 v0, v61;
	v7 =	vld [tilespmem:$0x1FCC0];
	[tilespmem:v60+s15+$0x0] =	vst.idx.msk $0xffff, v52  }
0x15e: {  	v53 =	vor.u32 v15, v10;
	v52 =	vadd.s32 v0, v11;
	v0 =	vld [tilespmem:$0x1FC40];
	[tilespmem:v63+s15+$0x0] =	vst.idx.msk $0xffff, v18  }
0x15f: {  	v33 =	vld.idx.msk [tilespmem:v45+s13+$0x0], $0xffff  }
0x160: {  	v45 =	vld [tilespmem:$0x1FE00]  }
0x161: {  	v19 =	vld.idx.msk [tilespmem:v27+s13+$0x0], $0xffff;
	[tilespmem:v24+s15+$0x0] =	vst.idx.msk $0xffff, v31  }
0x162: {  	v27 =	vld.idx.msk [tilespmem:v30+s13+$0x0], $0xffff;
	v30 =	vadd.s32 v40, v14;
	v18 =	vor.u32 v15, v16;
	[tilespmem:v28+s15+$0x0] =	vst.idx.msk $0xffff, v21  }
0x163: {  	v63 =	vadd.s32 v56, v2;
	v21 =	vld.idx.msk [tilespmem:v29+s13+$0x0], $0xffff;
	[tilespmem:v53+s15+$0x0] =	vst.idx.msk $0xffff, v25;
	v60 =	vor.u32 v0, v23  }
0x164: {  	v31 =	vadd.s32 v5, v9;
	v29 =	vld.idx.msk [tilespmem:v32+s13+$0x0], $0xffff;
	[tilespmem:v52+s15+$0x0] =	vst.idx.msk $0xffff, v20;
	v20 =	vadd.s32 v5, v6  }
0x165: {  	v25 =	vadd.s32 v5, v61;
	v34 =	vadd.s32 v5, v11;
	v5 =	vld [tilespmem:$0x1FE10];
	v52 =	vadd.s32 v45, v4  }
0x166: {  	v26 =	vld.idx.msk [tilespmem:v26+s13+$0x0], $0xffff  }
0x167: {  	v30 =	vld.idx.msk [tilespmem:v30+s13+$0x0], $0xffff;
	[tilespmem:v18+s15+$0x0] =	vst.idx.msk $0xffff, v27  }
0x168: {  	v24 =	vadd.s32 v39, v12;
	[tilespmem:v60+s15+$0x0] =	vst.idx.msk $0xffff, v19;
	v60 =	vld [tilespmem:$0x1FC60]  }
0x169: {  	v36 =	vadd.s32 v39, v13;
	v27 =	vld.idx.msk [tilespmem:v63+s13+$0x0], $0xffff;
	[tilespmem:v20+s15+$0x0] =	vst.idx.msk $0xffff, v21  }
0x16a: {  	v18 =	vor.u32 v15, v17;
	v28 =	vadd.s32 v45, v41;
	[tilespmem:v25+s15+$0x0] =	vst.idx.msk $0xffff, v29;
	v25 =	vld.idx.msk [tilespmem:v52+s13+$0x0], $0xffff  }
0x16b: {  	v53 =	vadd.s32 v45, v8;
	v52 =	vld [tilespmem:$0x1FE20]  }
0x16c: {  	v0 =	vld [tilespmem:$0x1FCD0];
	v19 =	vadd.s32 v45, v55  }
0x16d: {  	v24 =	vld.idx.msk [tilespmem:v24+s13+$0x0], $0xffff;
	[tilespmem:v31+s15+$0x0] =	vst.idx.msk $0xffff, v33;
	v31 =	vor.u32 v7, v10  }
0x16e: {  	v20 =	vadd.s32 v39, v14;
	[tilespmem:v34+s15+$0x0] =	vst.idx.msk $0xffff, v26;
	v34 =	vld.idx.msk [tilespmem:v36+s13+$0x0], $0xffff;
	v63 =	vor.u32 v60, v23  }
0x16f: {  	v45 =	vadd.s32 v58, v2;
	v21 =	vadd.s32 v5, v9;
	[tilespmem:v18+s15+$0x0] =	vst.idx.msk $0xffff, v30;
	v28 =	vld.idx.msk [tilespmem:v28+s13+$0x0], $0xffff  }
0x170: {  	v26 =	vadd.s32 v5, v6;
	v30 =	vld.idx.msk [tilespmem:v53+s13+$0x0], $0xffff;
	v29 =	vadd.s32 v52, v41  }
0x171: {  	v18 =	vadd.s32 v5, v61;
	v19 =	vld.idx.msk [tilespmem:v19+s13+$0x0], $0xffff;
	v53 =	vadd.s32 v52, v4  }
0x172: {  	v35 =	vadd.s32 v5, v11;
	v5 =	vld [tilespmem:$0x1FE30];
	[tilespmem:v31+s15+$0x0] =	vst.idx.msk $0xffff, v24  }
0x173: {  	v20 =	vld.idx.msk [tilespmem:v20+s13+$0x0], $0xffff;
	[tilespmem:v63+s15+$0x0] =	vst.idx.msk $0xffff, v27;
	v27 =	vadd.s32 v52, v55  }
0x174: {  	v24 =	vor.u32 v7, v16;
	[tilespmem:v21+s15+$0x0] =	vst.idx.msk $0xffff, v28;
	v63 =	vadd.s32 v52, v8;
	v31 =	vld.idx.msk [tilespmem:v45+s13+$0x0], $0xffff  }
0x175: {  	v52 =	vor.u32 v62, v23;
	v45 =	vadd.s32 v0, v12;
	[tilespmem:v26+s15+$0x0] =	vst.idx.msk $0xffff, v25;
	v29 =	vld.idx.msk [tilespmem:v29+s13+$0x0], $0xffff  }
0x176: {  	v21 =	vor.u32 v7, v17;
	v28 =	vadd.s32 v59, v2;
	[tilespmem:v18+s15+$0x0] =	vst.idx.msk $0xffff, v19;
	v18 =	vld.idx.msk [tilespmem:v53+s13+$0x0], $0xffff  }
0x177: {  	v53 =	vld [tilespmem:$0x1FE40]  }
0x178: {  	[tilespmem:v35+s15+$0x0] =	vst.idx.msk $0xffff, v30;
	v27 =	vld.idx.msk [tilespmem:v27+s13+$0x0], $0xffff  }
0x179: {  	v26 =	vadd.s32 v5, v9;
	[tilespmem:v24+s15+$0x0] =	vst.idx.msk $0xffff, v34;
	v32 =	vld.idx.msk [tilespmem:v63+s13+$0x0], $0xffff  }
0x17a: {  	v25 =	vadd.s32 v0, v13;
	v34 =	vld.idx.msk [tilespmem:v45+s13+$0x0], $0xffff;
	[tilespmem:v52+s15+$0x0] =	vst.idx.msk $0xffff, v31;
	v45 =	vadd.s32 v5, v11  }
0x17b: {  	v30 =	vadd.s32 v5, v6;
	[tilespmem:v21+s15+$0x0] =	vst.idx.msk $0xffff, v20;
	v20 =	vld.idx.msk [tilespmem:v28+s13+$0x0], $0xffff;
	v28 =	vadd.s32 v0, v14  }
0x17c: {  	v24 =	vadd.s32 v5, v61;
	v63 =	vadd.s32 v53, v4  }
0x17d: {  	v5 =	vld [tilespmem:$0x1FE50]  }
0x17e: {  	v19 =	vadd.s32 v53, v41;
	[tilespmem:v26+s15+$0x0] =	vst.idx.msk $0xffff, v29;
	v29 =	vadd.s32 v40, v2;
	v40 =	vld [tilespmem:$0x1FCE0]  }
0x17f: {  	v25 =	vld.idx.msk [tilespmem:v25+s13+$0x0], $0xffff;
	v21 =	vadd.s32 v53, v8;
	[tilespmem:v45+s15+$0x0] =	vst.idx.msk $0xffff, v32  }
0x180: {  	v52 =	vor.u32 v48, v10;
	[tilespmem:v30+s15+$0x0] =	vst.idx.msk $0xffff, v18;
	v28 =	vld.idx.msk [tilespmem:v28+s13+$0x0], $0xffff  }
0x181: {  	v31 =	vadd.s32 v53, v55;
	v26 =	vor.u32 v48, v16;
	[tilespmem:v24+s15+$0x0] =	vst.idx.msk $0xffff, v27;
	v24 =	vld.idx.msk [tilespmem:v63+s13+$0x0], $0xffff  }
0x182: {  	v53 =	vor.u32 v50, v23;
	v63 =	vld [tilespmem:$0x1FE60]  }
0x183: {  	v30 =	vadd.s32 v5, v9;
	v19 =	vld.idx.msk [tilespmem:v19+s13+$0x0], $0xffff;
	v18 =	vadd.s32 v40, v12  }
0x184: {  	v45 =	vadd.s32 v5, v6;
	v21 =	vld.idx.msk [tilespmem:v21+s13+$0x0], $0xffff  }
0x185: {  	v33 =	vadd.s32 v5, v61;
	[tilespmem:v52+s15+$0x0] =	vst.idx.msk $0xffff, v34;
	v52 =	vadd.s32 v5, v11;
	v5 =	vld [tilespmem:$0x1FE70]  }
0x186: {  	v31 =	vld.idx.msk [tilespmem:v31+s13+$0x0], $0xffff;
	[tilespmem:v26+s15+$0x0] =	vst.idx.msk $0xffff, v25;
	v25 =	vor.u32 v48, v17  }
0x187: {  	v38 =	vld [tilespmem:$0x1FCF0];
	[tilespmem:v53+s15+$0x0] =	vst.idx.msk $0xffff, v20;
	v53 =	vadd.s32 v40, v13;
	v27 =	vadd.s32 v63, v41  }
0x188: {  	v34 =	vadd.s32 v63, v4;
	v20 =	vadd.s32 v63, v55;
	v18 =	vld.idx.msk [tilespmem:v18+s13+$0x0], $0xffff;
	[tilespmem:v30+s15+$0x0] =	vst.idx.msk $0xffff, v19  }
0x189: {  	v26 =	vld.idx.msk [tilespmem:v29+s13+$0x0], $0xffff;
	v29 =	vadd.s32 v63, v8;
	v63 =	vor.u32 v15, v23;
	[tilespmem:v45+s15+$0x0] =	vst.idx.msk $0xffff, v24  }
0x18a: {  	v45 =	vadd.s32 v5, v9;
	v15 =	vld [tilespmem:$0x1FD30];
	[tilespmem:v52+s15+$0x0] =	vst.idx.msk $0xffff, v21;
	v21 =	vadd.s32 v5, v6  }
0x18b: {  	v52 =	vadd.s32 v5, v11;
	[tilespmem:v25+s15+$0x0] =	vst.idx.msk $0xffff, v28;
	v25 =	vadd.s32 v5, v61;
	v5 =	vld [tilespmem:$0x1FD40]  }
0x18c: {  	v24 =	vadd.s32 v40, v14;
	v27 =	vld.idx.msk [tilespmem:v27+s13+$0x0], $0xffff  }
0x18d: {  	v19 =	vadd.s32 v38, v10;
	v30 =	vadd.s32 v39, v2;
	[tilespmem:v33+s15+$0x0] =	vst.idx.msk $0xffff, v31;
	v31 =	vld.idx.msk [tilespmem:v34+s13+$0x0], $0xffff  }
0x18e: {  	v20 =	vld.idx.msk [tilespmem:v20+s13+$0x0], $0xffff  }
0x18f: {  	v28 =	vld.idx.msk [tilespmem:v29+s13+$0x0], $0xffff  }
0x190: {  	v33 =	vadd.s32 v15, v41;
	v34 =	vld.idx.msk [tilespmem:v53+s13+$0x0], $0xffff  }
0x191: {  	v29 =	vadd.s32 v15, v4;
	[tilespmem:v63+s15+$0x0] =	vst.idx.msk $0xffff, v26;
	v24 =	vld.idx.msk [tilespmem:v24+s13+$0x0], $0xffff  }
0x192: {  	v26 =	vadd.s32 v15, v55;
	[tilespmem:v19+s15+$0x0] =	vst.idx.msk $0xffff, v18;
	v19 =	vld.idx.msk [tilespmem:v30+s13+$0x0], $0xffff  }
0x193: {  	v18 =	vadd.s32 v38, v16;
	v30 =	vadd.s32 v15, v8;
	v15 =	vld [tilespmem:$0x1FF80]  }
0x194: {  	v63 =	vor.u32 v7, v23;
	[tilespmem:v45+s15+$0x0] =	vst.idx.msk $0xffff, v27;
	v45 =	vadd.s32 v0, v2;
	v0 =	vld [tilespmem:$0x1FD50]  }
0x195: {  	v53 =	vadd.s32 v46, v12;
	[tilespmem:v21+s15+$0x0] =	vst.idx.msk $0xffff, v31;
	v33 =	vld.idx.msk [tilespmem:v33+s13+$0x0], $0xffff  }
0x196: {  	v27 =	vadd.s32 v38, v17;
	[tilespmem:v25+s15+$0x0] =	vst.idx.msk $0xffff, v20;
	v20 =	vld.idx.msk [tilespmem:v29+s13+$0x0], $0xffff  }
0x197: {  	v21 =	vadd.s32 v46, v13;
	v31 =	vadd.s32 v5, v9;
	[tilespmem:v52+s15+$0x0] =	vst.idx.msk $0xffff, v28;
	v26 =	vld.idx.msk [tilespmem:v26+s13+$0x0], $0xffff  }
0x198: {  	v28 =	vadd.s32 v5, v6;
	v52 =	vadd.s32 v5, v11;
	[tilespmem:v18+s15+$0x0] =	vst.idx.msk $0xffff, v34;
	v29 =	vld.idx.msk [tilespmem:v30+s13+$0x0], $0xffff  }
0x199: {  	v18 =	vadd.s32 v5, v61;
	[tilespmem:v63+s15+$0x0] =	vst.idx.msk $0xffff, v19;
	v63 =	vadd.s32 v46, v14;
	v5 =	vld [tilespmem:$0x1FD60]  }
0x19a: {  	v34 =	vld.idx.msk [tilespmem:v53+s13+$0x0], $0xffff  }
0x19b: {  	v25 =	vadd.s32 v0, v41;
	[tilespmem:v27+s15+$0x0] =	vst.idx.msk $0xffff, v24;
	v24 =	vld.idx.msk [tilespmem:v45+s13+$0x0], $0xffff  }
0x19c: {  	v53 =	vadd.s32 v47, v10;
	v30 =	vadd.s32 v0, v4;
	v21 =	vld.idx.msk [tilespmem:v21+s13+$0x0], $0xffff;
	[tilespmem:v31+s15+$0x0] =	vst.idx.msk $0xffff, v33  }
0x19d: {  	v19 =	vadd.s32 v0, v55;
	v27 =	vadd.s32 v0, v8;
	v0 =	vld [tilespmem:$0x1FD70];
	[tilespmem:v52+s15+$0x0] =	vst.idx.msk $0xffff, v29  }
0x19e: {  	v45 =	vor.u32 v48, v23;
	[tilespmem:v28+s15+$0x0] =	vst.idx.msk $0xffff, v20;
	v28 =	vadd.s32 v5, v9;
	v32 =	vld.idx.msk [tilespmem:v63+s13+$0x0], $0xffff  }
0x19f: {  	v29 =	vadd.s32 v5, v6;
	v52 =	vadd.s32 v5, v61;
	v63 =	vadd.s32 v5, v11;
	v5 =	vld [tilespmem:$0x1FDA0]  }
0x1a0: {  	v48 =	vadd.s32 v40, v2;
	v31 =	vadd.s32 v47, v16;
	v25 =	vld.idx.msk [tilespmem:v25+s13+$0x0], $0xffff  }
0x1a1: {  	v20 =	vadd.s32 v54, v12;
	[tilespmem:v18+s15+$0x0] =	vst.idx.msk $0xffff, v26;
	v18 =	vld.idx.msk [tilespmem:v30+s13+$0x0], $0xffff  }
0x1a2: {  	v19 =	vld.idx.msk [tilespmem:v19+s13+$0x0], $0xffff  }
0x1a3: {  	v26 =	vadd.s32 v0, v41;
	[tilespmem:v53+s15+$0x0] =	vst.idx.msk $0xffff, v34;
	v27 =	vld.idx.msk [tilespmem:v27+s13+$0x0], $0xffff;
	v53 =	vadd.s32 v0, v4  }
0x1a4: {  	v22 =	vadd.s32 s30, v49;
	[tilespmem:v45+s15+$0x0] =	vst.idx.msk $0xffff, v24;
	v24 =	vadd.s32 v0, v55;
	v40 =	vadd.s32 v0, v8;
	v0 =	vld [tilespmem:$0x1FD80]  }
0x1a5: {  	vm10 =	vlt.u32 v22, $0x10;
	v3 =	vadd.s32 s30, v43;
	[tilespmem:v31+s15+$0x0] =	vst.idx.msk $0xffff, v21;
	v21 =	vadd.s32 v47, v17;
	v31 =	vld.idx.msk [tilespmem:v48+s13+$0x0], $0xffff  }
0x1a6: {  	v30 =	vsel vm10, v22, v3;
	v3 =	vld.idx.msk [tilespmem:v20+s13+$0x0], $0xffff;
	v20 =	vadd.s32 v38, v23;
	[tilespmem:v28+s15+$0x0] =	vst.idx.msk $0xffff, v25  }
0x1a7: {  	v22 =	vadd.s32 v15, v10;
	[tilespmem:v29+s15+$0x0] =	vst.idx.msk $0xffff, v18  }
0x1a8: {  	v25 =	vadd.s32 v46, v2;
	[tilespmem:v52+s15+$0x0] =	vst.idx.msk $0xffff, v19;
	v26 =	vld.idx.msk [tilespmem:v26+s13+$0x0], $0xffff  }
0x1a9: {  	v18 =	vadd.s32 v54, v13;
	v28 =	vadd.s32 v0, v9;
	[tilespmem:v63+s15+$0x0] =	vst.idx.msk $0xffff, v27;
	v19 =	vld.idx.msk [tilespmem:v53+s13+$0x0], $0xffff  }
0x1aa: {  	v29 =	vadd.s32 v5, v41;
	v27 =	vadd.s32 v0, v6;
	v24 =	vld.idx.msk [tilespmem:v24+s13+$0x0], $0xffff;
	[tilespmem:v21+s15+$0x0] =	vst.idx.msk $0xffff, v32  }
0x1ab: {  	v21 =	vadd.s32 v0, v61;
	[tilespmem:v20+s15+$0x0] =	vst.idx.msk $0xffff, v31;
	v31 =	vadd.s32 v0, v11;
	v0 =	vld [tilespmem:$0x1FF70]  }
0x1ac: {  	v45 =	vadd.s32 v5, v4;
	[tilespmem:v22+s15+$0x0] =	vst.idx.msk $0xffff, v3;
	v3 =	vld [tilespmem:$0x1FDB0]  }
0x1ad: {  	v48 =	vadd.s32 v5, v8;
	v20 =	vadd.s32 v5, v55;
	v5 =	vor.u32 $0x1C30, v51;
	v32 =	vld.idx.msk [tilespmem:v40+s13+$0x0], $0xffff  }
0x1ae: {  	v63 =	vadd.s32 v47, v23;
	[tilespmem:$0x1FB40] =	vst v5;
	v25 =	vld.idx.msk [tilespmem:v25+s13+$0x0], $0xffff  }
0x1af: {  	v53 =	vadd.s32 v54, v14;
	v52 =	vld.idx.msk [tilespmem:v18+s13+$0x0], $0xffff;
	[tilespmem:v28+s15+$0x0] =	vst.idx.msk $0xffff, v26;
	v26 =	vadd.s32 v15, v16  }
0x1b0: {  	v7 =	vadd.s32 v5, v55;
	v8 =	vadd.s32 v5, v8;
	[tilespmem:v27+s15+$0x0] =	vst.idx.msk $0xffff, v19;
	v29 =	vld.idx.msk [tilespmem:v29+s13+$0x0], $0xffff  }
0x1b1: {  	v22 =	vadd.s32 v0, v12;
	v28 =	vadd.s32 v54, v2;
	[tilespmem:v21+s15+$0x0] =	vst.idx.msk $0xffff, v24;
	v24 =	vld.idx.msk [tilespmem:v45+s13+$0x0], $0xffff  }
0x1b2: {  	v19 =	vadd.s32 v3, v9;
	v21 =	vadd.s32 v3, v61;
	v20 =	vld.idx.msk [tilespmem:v20+s13+$0x0], $0xffff;
	[tilespmem:v31+s15+$0x0] =	vst.idx.msk $0xffff, v32  }
0x1b3: {  	v27 =	vadd.s32 v3, v6;
	v31 =	vadd.s32 v5, v4;
	[tilespmem:v63+s15+$0x0] =	vst.idx.msk $0xffff, v25;
	v63 =	vld [tilespmem:$0x1FEB0]  }
0x1b4: {  	v4 =	vmov v2;
	v2 =	vadd.s32 v42, v12;
	[tilespmem:v26+s15+$0x0] =	vst.idx.msk $0xffff, v52;
	v26 =	vadd.s32 v3, v11;
	v3 =	vld [tilespmem:$0x1FF90]  }
0x1b5: {  	s1 =	sadd.s32 $0x1, s30;
	s8 =	sadd.s32 $0x2, s30;
	v5 =	vadd.s32 v5, v41;
	[tilespmem:$0x1FB60] =	vst v2;
	v41 =	vld.idx.msk [tilespmem:v53+s13+$0x0], $0xffff;
	v2 =	vadd.s32 v44, v12  }
0x1b6: {  	v33 =	vadd.s32 s8, v43;
	v34 =	vadd.s32 s1, v43;
	v40 =	vadd.s32 v0, v13;
	[tilespmem:$0x1FB70] =	vst v2;
	v25 =	vld.idx.msk [tilespmem:v48+s13+$0x0], $0xffff  }
0x1b7: {  	v43 =	vadd.s32 v0, v14;
	v45 =	vadd.s32 v15, v23;
	v28 =	vld.idx.msk [tilespmem:v28+s13+$0x0], $0xffff;
	[tilespmem:v19+s15+$0x0] =	vst.idx.msk $0xffff, v29  }
0x1b8: {  	v29 =	vadd.s32 v15, v17;
	[tilespmem:v27+s15+$0x0] =	vst.idx.msk $0xffff, v24;
	v22 =	vld.idx.msk [tilespmem:v22+s13+$0x0], $0xffff;
	v2 =	vadd.s32 v63, v12  }
0x1b9: {  	v48 =	vadd.s32 v0, v4;
	v0 =	vor.u32 $0x1870, v49;
	v27 =	vadd.s32 v3, v10;
	[tilespmem:$0x1FB90] =	vst v2;
	v2 =	vld [tilespmem:$0x1FF60]  }
0x1ba: {  	v6 =	vadd.s32 v0, v6;
	[tilespmem:v21+s15+$0x0] =	vst.idx.msk $0xffff, v20;
	v20 =	vld.idx.msk [tilespmem:v31+s13+$0x0], $0xffff  }
0x1bb: {  	v21 =	vadd.s32 v0, v61;
	v7 =	vld.idx.msk [tilespmem:v7+s13+$0x0], $0xffff;
	[tilespmem:v26+s15+$0x0] =	vst.idx.msk $0xffff, v25  }
0x1bc: {  	v9 =	vadd.s32 v0, v9;
	v5 =	vld.idx.msk [tilespmem:v5+s13+$0x0], $0xffff;
	[tilespmem:v45+s15+$0x0] =	vst.idx.msk $0xffff, v28  }
0x1bd: {  	v11 =	vadd.s32 v0, v11;
	v8 =	vld.idx.msk [tilespmem:v8+s13+$0x0], $0xffff;
	[tilespmem:v29+s15+$0x0] =	vst.idx.msk $0xffff, v41  }
0x1be: {  	v31 =	vadd.s32 v2, v12;
	[tilespmem:v27+s15+$0x0] =	vst.idx.msk $0xffff, v22;
	v22 =	vld [tilespmem:$0x1FFA0]  }
0x1bf: {  	v29 =	vld.idx.msk [tilespmem:v48+s13+$0x0], $0xffff;
	[tilespmem:v6+s15+$0x0] =	vst.idx.msk $0xffff, v20  }
0x1c0: {  	v32 =	vld.idx.msk [tilespmem:v40+s13+$0x0], $0xffff;
	v53 =	vadd.s32 v3, v16;
	[tilespmem:v21+s15+$0x0] =	vst.idx.msk $0xffff, v7  }
0x1c1: {  	v36 =	vld.idx.msk [tilespmem:v43+s13+$0x0], $0xffff;
	v61 =	vadd.s32 v2, v4;
	v6 =	vadd.s32 v2, v13;
	[tilespmem:v9+s15+$0x0] =	vst.idx.msk $0xffff, v5  }
0x1c2: {  	v5 =	vadd.s32 v2, v14;
	v2 =	vld [tilespmem:$0x1FF30];
	[tilespmem:v11+s15+$0x0] =	vst.idx.msk $0xffff, v8;
	v8 =	vadd.s32 v59, v30  }
0x1c3: {  	[tilespmem:$0x1FB80] =	vst v8;
	v7 =	vld.idx.msk [tilespmem:v31+s13+$0x0], $0xffff;
	v8 =	vadd.s32 v22, v10;
	_ =	sdelay $0x1  }
0x1c4: {  	v55 =	vld [tilespmem:$0x1FF40];
	[tilespmem:$0x1FB50] =	vst v0;
	v24 =	vadd.s32 s1, v49  }
0x1c5: {  	v0 =	vld [tilespmem:$0x1FEA0];
	v20 =	vadd.s32 s8, v49;
	v43 =	vadd.s32 v3, v17;
	v27 =	vadd.s32 v3, v23;
	[tilespmem:v53+s15+$0x0] =	vst.idx.msk $0xffff, v32  }
0x1c6: {  	v15 =	vld [tilespmem:$0x1FF10];
	v21 =	vadd.s32 v2, v12;
	v48 =	vadd.s32 v2, v4;
	v49 =	vadd.s32 v2, v13  }
0x1c7: {  	v19 =	vld [tilespmem:$0x1FF00];
	[tilespmem:v8+s15+$0x0] =	vst.idx.msk $0xffff, v7;
	v7 =	vadd.s32 v2, v14;
	v2 =	vadd.s32 v44, v13  }
0x1c8: {  	vm11 =	vlt.u32 v24, $0x10;
	[tilespmem:$0x1FBA0] =	vst v2;
	v2 =	vadd.s32 v42, v13  }
0x1c9: {  	v34 =	vsel vm11, v24, v34;
	v24 =	vmov v50;
	v3 =	vld [tilespmem:$0x1FEE0];
	[tilespmem:$0x1FBB0] =	vst v2;
	v2 =	vadd.s32 v42, v14  }
0x1ca: {  	v50 =	vadd.s32 v57, v34;
	v28 =	vadd.s32 v55, v12;
	v26 =	vadd.s32 v0, v12;
	[tilespmem:$0x1FBC0] =	vst v2;
	v2 =	vld [tilespmem:$0x1FEF0]  }
0x1cb: {  	v18 =	vadd.s32 v15, v12;
	[tilespmem:v27+s15+$0x0] =	vst.idx.msk $0xffff, v29;
	v32 =	vld.idx.msk [tilespmem:v6+s13+$0x0], $0xffff;
	v45 =	vadd.s32 v22, v16  }
0x1cc: {  	v39 =	vadd.s32 v19, v12;
	[tilespmem:v43+s15+$0x0] =	vst.idx.msk $0xffff, v36;
	v35 =	vadd.s32 v22, v23;
	v11 =	vld.idx.msk [tilespmem:v61+s13+$0x0], $0xffff  }
0x1cd: {  	v38 =	vadd.s32 v15, v14;
	vm12 =	vlt.u32 v20, $0x10;
	v52 =	vadd.s32 v22, v17;
	v5 =	vld.idx.msk [tilespmem:v5+s13+$0x0], $0xffff  }
0x1ce: {  	v33 =	vsel vm12, v20, v33;
	v20 =	vadd.s32 v44, v14;
	v36 =	vadd.s32 v51, v30  }
0x1cf: {  	v43 =	vadd.s32 v51, v34;
	v51 =	vadd.s32 v51, v33;
	v8 =	vld.idx.msk [tilespmem:v21+s13+$0x0], $0xffff;
	v53 =	vadd.s32 v2, v10  }
0x1d0: {  	vm13 =	vlt.s32 v30, $0x1;
	v9 =	vadd.s32 v3, v12;
	v29 =	vadd.s32 v56, v30;
	[tilespmem:v45+s15+$0x0] =	vst.idx.msk $0xffff, v32  }
0x1d1: {  	v27 =	vadd.s32 v58, v30;
	v6 =	vmov v23;
	v22 =	vmov v47;
	[tilespmem:v35+s15+$0x0] =	vst.idx.msk $0xffff, v11;
	v37 =	vld.idx.msk [tilespmem:v49+s13+$0x0], $0xffff  }
0x1d2: {  	v47 =	vadd.s32 v19, v13;
	[tilespmem:v52+s15+$0x0] =	vst.idx.msk $0xffff, v5;
	v11 =	vld.idx.msk [tilespmem:v48+s13+$0x0], $0xffff;
	v40 =	vadd.s32 v2, v6  }
0x1d3: {  	vm14 =	vlt.s32 v34, $0x1;
	v5 =	vmovc v46;
	v46 =	vadd.s32 v19, v4;
	v45 =	vld.idx.msk [tilespmem:v7+s13+$0x0], $0xffff;
	v41 =	vadd.s32 v2, v16  }
0x1d4: {  	v61 =	vshra.s32 v30, $0x1F;
	v48 =	vadd.s32 v2, v17;
	[tilespmem:v53+s15+$0x0] =	vst.idx.msk $0xffff, v8;
	v8 =	vadd.s32 v19, v14;
	v19 =	vld [tilespmem:$0x1FED0]  }
0x1d5: {  	[tilespmem:$0x1FBD0] =	vst v20;
	v20 =	vmovc v12;
	v31 =	vadd.s32 v57, v30;
	v12 =	vmovc v30;
	v30 =	vshrl.u32 v61, $0x1D;
	v61 =	vshra.s32 v34, $0x1F  }
0x1d6: {  	v25 =	vmovc v13;
	v32 =	vadd.s32 v55, v13;
	v44 =	vadd.s32 v3, v13;
	v35 =	vadd.s32 v15, v13  }
0x1d7: {  	vm1 =	vlt.s32 v33, $0x1;
	v49 =	vadd.s32 v3, v14;
	v13 =	vshrl.u32 v61, $0x1D;
	[tilespmem:v40+s15+$0x0] =	vst.idx.msk $0xffff, v11;
	v39 =	vld.idx.msk [tilespmem:v39+s13+$0x0], $0xffff  }
0x1d8: {  	v42 =	vadd.s32 v13, v34;
	v11 =	vadd.s32 v30, v12;
	[tilespmem:v41+s15+$0x0] =	vst.idx.msk $0xffff, v37;
	v37 =	vld.idx.msk [tilespmem:v46+s13+$0x0], $0xffff  }
0x1d9: {  	v30 =	vshra.s32 v33, $0x1F;
	[tilespmem:v48+s15+$0x0] =	vst.idx.msk $0xffff, v45;
	v11 =	vshra.s32 v11, $0x3;
	v40 =	vld.idx.msk [tilespmem:v47+s13+$0x0], $0xffff;
	v52 =	vadd.s32 v19, v10  }
0x1da: {  	v13 =	vmovc v34;
	v30 =	vshrl.u32 v30, $0x1D;
	v47 =	vadd.s32 v3, v4;
	v34 =	vld.idx.msk [tilespmem:v36+s13+$0x0], $0xffff;
	v41 =	vadd.s32 v19, v6  }
0x1db: {  	v36 =	vand.u32 $0xFFFFFFF8, v42;
	v48 =	vshll.u32 v11, $0x3;
	v45 =	vadd.s32 v19, v16;
	v46 =	vld.idx.msk [tilespmem:v8+s13+$0x0], $0xffff  }
0x1dc: {  	v30 =	vadd.s32 v30, v33;
	vm3 =	vne.s32 v12, v48;
	v53 =	vadd.s32 v19, v17;
	v19 =	vld [tilespmem:$0x1FEC0]  }
0x1dd: {  	v61 =	vmovc v58;
	vm4 =	vne.s32 v13, v36;
	v58 =	vand.u32 $0xFFFFFFF8, v30;
	vm3 =	vmand vm13, vm3  }
0x1de: {  	v21 =	vimm.s32 $0x0;
	vm15 =	vne.s32 v33, v58;
	v8 =	vmovc v14;
	v14 =	vsub.s32 v12, v48;
	[tilespmem:v52+s15+$0x0] =	vst.idx.msk $0xffff, v39  }
0x1df: {  	v48 =	vsub.s32 v33, v58;
	v58 =	vld [tilespmem:$0x1FC40];
	v2 =	vsel vm3, $0xFFFFFFFF, v21;
	vm0 =	vmand vm1, vm15;
	[tilespmem:v41+s15+$0x0] =	vst.idx.msk $0xffff, v37  }
0x1e0: {  	v1 =	vadd.s32 v2, v11;
	v39 =	vsub.s32 v13, v36;
	[tilespmem:v45+s15+$0x0] =	vst.idx.msk $0xffff, v40;
	v52 =	vld.idx.msk [tilespmem:v9+s13+$0x0], $0xffff  }
0x1e1: {  	v3 =	vlaneseq.u32;
	v36 =	vadd.s32 v19, v10;
	[tilespmem:v53+s15+$0x0] =	vst.idx.msk $0xffff, v46;
	v45 =	vadd.s32 v19, v16;
	v41 =	vld.idx.msk [tilespmem:v44+s13+$0x0], $0xffff  }
0x1e2: {  	v53 =	vadd.s32 v19, v17;
	v44 =	vadd.s32 v19, v6;
	v46 =	vld.idx.msk [tilespmem:v49+s13+$0x0], $0xffff;
	v19 =	vimm.s32 $0x0  }
0x1e3: {  	v30 =	vshrl.u32 v30, $0x3;
	v11 =	vmovc v17;
	v2 =	vshll.u32 v1, $0xA;
	v40 =	vld.idx.msk [tilespmem:v47+s13+$0x0], $0xffff;
	v17 =	vsel vm0, $0xFFFFFFFF, v19  }
0x1e4: {  	v23 =	vmovc v54;
	v37 =	vshll.u32 v14, $0x7;
	v47 =	vadd.s32 v15, v4;
	v43 =	vld.idx.msk [tilespmem:v43+s13+$0x0], $0xffff;
	v17 =	vadd.s32 v17, v30  }
0x1e5: {  	v14 =	vmovc v33;
	v9 =	vmovc v10;
	v10 =	vadd.s32 v37, v2;
	v15 =	vld [tilespmem:$0x1FF20];
	v49 =	vshll.u32 v48, $0x7;
	v17 =	vshll.u32 v17, $0xA  }
0x1e6: {  	vm2 =	vmand vm14, vm4;
	v17 =	vadd.s32 v49, v17;
	v49 =	vadd.s32 v57, v14;
	v57 =	vld [tilespmem:$0x1FB70];
	[tilespmem:v36+s15+$0x0] =	vst.idx.msk $0xffff, v52  }
0x1e7: {  	v54 =	vmovc v61;
	v42 =	vshrl.u32 v42, $0x3;
	v61 =	vsel vm2, $0xFFFFFFFF, v21;
	v33 =	vor.u32 v3, v10;
	[tilespmem:v53+s15+$0x0] =	vst.idx.msk $0xffff, v46;
	v53 =	vld [tilespmem:$0x1FB60]  }
0x1e8: {  	v1 =	vadd.s32 v61, v42;
	v42 =	vshll.u32 v39, $0x7;
	[tilespmem:v44+s15+$0x0] =	vst.idx.msk $0xffff, v40;
	v39 =	vld.idx.msk [tilespmem:v18+s13+$0x0], $0xffff  }
0x1e9: {  	[tilespmem:v45+s15+$0x0] =	vst.idx.msk $0xffff, v41;
	v41 =	vld.idx.msk [tilespmem:v47+s13+$0x0], $0xffff  }
0x1ea: {  	v36 =	vadd.s32 v15, v9;
	v30 =	vld.idx.msk [tilespmem:v35+s13+$0x0], $0xffff  }
0x1eb: {  	v61 =	vmov v16;
	v52 =	vshll.u32 v1, $0xA;
	v35 =	vadd.s32 v15, v6;
	v38 =	vld.idx.msk [tilespmem:v38+s13+$0x0], $0xffff  }
0x1ec: {  	v1 =	vlaneseq.u32;
	v16 =	vadd.s32 v42, v52;
	[tilespmem:v33+s15+$0x0] =	vst.idx.msk $0xffff, v34;
	v33 =	vld.idx.msk [tilespmem:v51+s13+$0x0], $0xffff;
	v34 =	vadd.s32 v15, v11  }
0x1ed: {  	v44 =	vadd.s32 v55, v4;
	v45 =	vor.u32 v1, v17;
	v1 =	vld [tilespmem:$0x1FF50];
	v37 =	vor.u32 v3, v16  }
0x1ee: {  	v18 =	vld [tilespmem:$0x1FD00]  }
0x1ef: {  	v48 =	vor.u32 v58, v10;
	v40 =	vld.idx.msk [tilespmem:v31+s13+$0x0], $0xffff;
	[tilespmem:v36+s15+$0x0] =	vst.idx.msk $0xffff, v39  }
0x1f0: {  	v3 =	vld [tilespmem:$0x1FDD0];
	[tilespmem:v35+s15+$0x0] =	vst.idx.msk $0xffff, v41  }
0x1f1: {  	v42 =	vadd.s32 v15, v61;
	[tilespmem:v34+s15+$0x0] =	vst.idx.msk $0xffff, v38;
	v28 =	vld.idx.msk [tilespmem:v28+s13+$0x0], $0xffff  }
0x1f2: {  	[tilespmem:v37+s15+$0x0] =	vst.idx.msk $0xffff, v43;
	v41 =	vld.idx.msk [tilespmem:v44+s13+$0x0], $0xffff  }
0x1f3: {  	v36 =	vadd.s32 v55, v8;
	[tilespmem:v45+s15+$0x0] =	vst.idx.msk $0xffff, v33;
	v43 =	vld.idx.msk [tilespmem:v50+s13+$0x0], $0xffff;
	v50 =	vadd.s32 v1, v9  }
0x1f4: {  	v51 =	vor.u32 v58, v16;
	[tilespmem:v48+s15+$0x0] =	vst.idx.msk $0xffff, v40;
	v37 =	vld.idx.msk [tilespmem:v49+s13+$0x0], $0xffff  }
0x1f5: {  	v52 =	vadd.s32 v56, v13;
	v34 =	vadd.s32 v1, v6;
	v29 =	vld.idx.msk [tilespmem:v29+s13+$0x0], $0xffff  }
0x1f6: {  	v33 =	vadd.s32 v1, v61;
	v44 =	vadd.s32 v1, v11;
	[tilespmem:v42+s15+$0x0] =	vst.idx.msk $0xffff, v30;
	v1 =	vld [tilespmem:$0x1FB90]  }
0x1f7: {  	v32 =	vld.idx.msk [tilespmem:v32+s13+$0x0], $0xffff  }
0x1f8: {  	v47 =	vor.u32 v60, v10;
	v39 =	vadd.s32 v0, v25;
	v38 =	vld.idx.msk [tilespmem:v36+s13+$0x0], $0xffff;
	[tilespmem:v50+s15+$0x0] =	vst.idx.msk $0xffff, v28  }
0x1f9: {  	[tilespmem:v51+s15+$0x0] =	vst.idx.msk $0xffff, v43;
	v51 =	vadd.s32 v3, v9;
	v3 =	vld [tilespmem:$0x1FDD0]  }
0x1fa: {  	v45 =	vor.u32 v58, v17;
	v49 =	vld.idx.msk [tilespmem:v26+s13+$0x0], $0xffff  }
0x1fb: {  	v36 =	vadd.s32 v0, v4;
	[tilespmem:v34+s15+$0x0] =	vst.idx.msk $0xffff, v41;
	v50 =	vld.idx.msk [tilespmem:v52+s13+$0x0], $0xffff  }
0x1fc: {  	v28 =	vadd.s32 v59, v13;
	v26 =	vadd.s32 v59, v14;
	v59 =	vld [tilespmem:$0x1FB80];
	[tilespmem:v33+s15+$0x0] =	vst.idx.msk $0xffff, v32  }
0x1fd: {  	v46 =	vadd.s32 v0, v8;
	[tilespmem:v47+s15+$0x0] =	vst.idx.msk $0xffff, v29;
	v35 =	vld.idx.msk [tilespmem:v39+s13+$0x0], $0xffff  }
0x1fe: {  	v48 =	vadd.s32 v56, v14;
	v32 =	vld.idx.msk [tilespmem:v27+s13+$0x0], $0xffff;
	[tilespmem:v44+s15+$0x0] =	vst.idx.msk $0xffff, v38  }
0x1ff: {  	v34 =	vor.u32 v60, v16;
	[tilespmem:v45+s15+$0x0] =	vst.idx.msk $0xffff, v37;
	v45 =	vld [tilespmem:$0x1FDE0]  }
0x200: {  	p0 =	slt.u32 s30, $0xC;
	v31 =	vadd.s32 v63, v25;
	v43 =	vadd.s32 v3, v6;
	v3 =	vld [tilespmem:$0x1FDD0]  }
.Ltmp0:
0x201: {  	v55 =	vmov v25;
	v40 =	vadd.s32 v54, v13;
	v30 =	vadd.s32 v63, v8;
	v36 =	vld.idx.msk [tilespmem:v36+s13+$0x0], $0xffff;
	(pc) =	sbr.rel @p0 .LBB2_3-.Ltmp0, $4  }
0x202: {  	v42 =	vor.u32 v60, v17;
	v0 =	vmovc v62;
	v47 =	vmov v22;
	v29 =	vadd.s32 v54, v14;
	v37 =	vld.idx.msk [tilespmem:v46+s13+$0x0], $0xffff  }
0x203: {  	v27 =	vadd.s32 v18, v9;
	v39 =	vor.u32 v62, v10;
	v33 =	vld.idx.msk [tilespmem:v48+s13+$0x0], $0xffff;
	[tilespmem:v51+s15+$0x0] =	vst.idx.msk $0xffff, v49  }
0x204: {  	v21 =	vimm.s32 $0x0;
	v54 =	vmovc v23;
	v38 =	vadd.s32 v63, v4;
	v46 =	vmovc v5;
	v48 =	vld [tilespmem:$0x1FDC0];
	[tilespmem:v34+s15+$0x0] =	vst.idx.msk $0xffff, v50;
	v51 =	vmov v24  }
0x205: {  	s0 =	sadd.s32 $0x3, s30;
	s30 =	sadd.s32 $0x4, s30;
	v25 =	vld.idx.msk [tilespmem:v1+s13+$0x0], $0xffff;
	v34 =	vadd.s32 v45, v9;
	v41 =	vadd.s32 v3, v61;
	v44 =	vadd.s32 v3, v11  }
0x206: {  	_ =	sdelay $0x3  }
0x207: {  	[tilespmem:v43+s15+$0x0] =	vst.idx.msk $0xffff, v36  }
0x208: {  	[tilespmem:v41+s15+$0x0] =	vst.idx.msk $0xffff, v35  }
0x209: {  	v1 =	vlaneseq.u32;
	[tilespmem:v44+s15+$0x0] =	vst.idx.msk $0xffff, v37  }
0x20a: {  	v63 =	vadd.s32 s0, v1;
	v1 =	vld [tilespmem:$0x1FC20]  }
0x20b: {  	v36 =	vld.idx.msk [tilespmem:v40+s13+$0x0], $0xffff;
	v40 =	vor.u32 v0, v16;
	_ =	sdelay $0x1  }
0x20c: {  	[tilespmem:v42+s15+$0x0] =	vst.idx.msk $0xffff, v33  }
0x20d: {  	v7 =	vld [tilespmem:$0x1FE80];
	[tilespmem:v39+s15+$0x0] =	vst.idx.msk $0xffff, v32  }
0x20e: {  	v38 =	vld.idx.msk [tilespmem:v38+s13+$0x0], $0xffff;
	vm0 =	vlt.u32 v63, $0x10;
	[tilespmem:v34+s15+$0x0] =	vst.idx.msk $0xffff, v25;
	v49 =	vadd.s32 s0, v1  }
0x20f: {  	v52 =	vadd.s32 v45, v6;
	v31 =	vld.idx.msk [tilespmem:v31+s13+$0x0], $0xffff;
	[tilespmem:v40+s15+$0x0] =	vst.idx.msk $0xffff, v36;
	v15 =	vsel vm0, v63, v49  }
0x210: {  	v50 =	vadd.s32 v45, v61;
	v1 =	vld [tilespmem:$0x1FD90];
	v56 =	vshra.s32 v15, $0x1F  }
0x211: {  	v60 =	vshrl.u32 v56, $0x1D  }
0x212: {  	v32 =	vadd.s32 v60, v15  }
0x213: {  	v42 =	vand.u32 $0xFFFFFFF8, v32  }
0x214: {  	[tilespmem:v52+s15+$0x0] =	vst.idx.msk $0xffff, v38;
	vm0 =	vlt.s32 v15, $0x1;
	vm1 =	vne.s32 v15, v42  }
0x215: {  	[tilespmem:v50+s15+$0x0] =	vst.idx.msk $0xffff, v31;
	v2 =	vadd.s32 v1, v15;
	v1 =	vimm.s32 $0x0;
	vm0 =	vmand vm0, vm1  }
0x216: {  	v43 =	vsel vm0, $0xFFFFFFFF, v1;
	v1 =	vld [tilespmem:$0x1FBA0];
	_ =	sdelay $0x2  }
0x217: {  	v62 =	vadd.s32 v45, v11;
	v30 =	vld.idx.msk [tilespmem:v30+s13+$0x0], $0xffff;
	_ =	sdelay $0x3  }
0x218: {  	v29 =	vld.idx.msk [tilespmem:v29+s13+$0x0], $0xffff  }
0x219: {  	[tilespmem:v62+s15+$0x0] =	vst.idx.msk $0xffff, v30;
	v23 =	vld.idx.msk [tilespmem:v1+s13+$0x0], $0xffff  }
0x21a: {  	v25 =	vor.u32 v0, v17;
	v1 =	vld [tilespmem:$0x1FBD0]  }
0x21b: {  	v22 =	vld.idx.msk [tilespmem:v59+s13+$0x0], $0xffff;
	v58 =	vadd.s32 v7, v4;
	v63 =	vor.u32 v51, v10;
	_ =	sdelay $0x1  }
0x21c: {  	v19 =	vld.idx.msk [tilespmem:v57+s13+$0x0], $0xffff;
	_ =	sdelay $0x1  }
0x21d: {  	v36 =	vmov v15;
	v44 =	vsub.s32 v15, v42;
	v15 =	vld [tilespmem:$0x1FE90];
	[tilespmem:v25+s15+$0x0] =	vst.idx.msk $0xffff, v29  }
0x21e: {  	v35 =	vld.idx.msk [tilespmem:v58+s13+$0x0], $0xffff;
	[tilespmem:v63+s15+$0x0] =	vst.idx.msk $0xffff, v22  }
0x21f: {  	v30 =	vadd.s32 v18, v6;
	v57 =	vld [tilespmem:$0x1FC90]  }
0x220: {  	v31 =	vadd.s32 v18, v61;
	[tilespmem:v27+s15+$0x0] =	vst.idx.msk $0xffff, v19;
	v24 =	vld.idx.msk [tilespmem:v1+s13+$0x0], $0xffff  }
0x221: {  	v1 =	vld [tilespmem:$0x1FC30];
	_ =	sdelay $0x2  }
0x222: {  	[tilespmem:v30+s15+$0x0] =	vst.idx.msk $0xffff, v35  }
0x223: {  	v59 =	vld [tilespmem:$0x1FD10];
	[tilespmem:v31+s15+$0x0] =	vst.idx.msk $0xffff, v23  }
0x224: {  	v27 =	vadd.s32 v1, v36;
	v1 =	vld [tilespmem:$0x1FBB0];
	_ =	sdelay $0x1  }
0x225: {  	v50 =	vadd.s32 v18, v11  }
0x226: {  	v28 =	vld.idx.msk [tilespmem:v28+s13+$0x0], $0xffff;
	v22 =	vor.u32 v51, v16  }
0x227: {  	v32 =	vshrl.u32 v32, $0x3  }
0x228: {  	v32 =	vadd.s32 v43, v32  }
0x229: {  	v25 =	vshll.u32 v32, $0xA;
	v29 =	vshll.u32 v44, $0x7  }
0x22a: {  	v21 =	vlaneseq.u32;
	v37 =	vadd.s32 v29, v25;
	v62 =	vld [tilespmem:$0x1FD20];
	[tilespmem:v50+s15+$0x0] =	vst.idx.msk $0xffff, v24  }
0x22b: {  	v29 =	vor.u32 v21, v37;
	[tilespmem:v22+s15+$0x0] =	vst.idx.msk $0xffff, v28;
	v21 =	vld.idx.msk [tilespmem:v1+s13+$0x0], $0xffff  }
0x22c: {  	v1 =	vld [tilespmem:$0x1FBC0]  }
0x22d: {  	v52 =	vld.idx.msk [tilespmem:v2+s13+$0x0], $0xffff;
	_ =	sdelay $0x1  }
0x22e: {  	v26 =	vld.idx.msk [tilespmem:v26+s13+$0x0], $0xffff;
	v19 =	vor.u32 v51, v17;
	_ =	sdelay $0x1  }
0x22f: {  	v49 =	vadd.s32 v15, v4  }
0x230: {  	v18 =	vld.idx.msk [tilespmem:v53+s13+$0x0], $0xffff;
	v25 =	vadd.s32 v57, v12;
	[tilespmem:v29+s15+$0x0] =	vst.idx.msk $0xffff, v52  }
0x231: {  	v2 =	vld [tilespmem:$0x1FCA0]  }
0x232: {  	v30 =	vadd.s32 v57, v13;
	v58 =	vadd.s32 v59, v9;
	[tilespmem:v19+s15+$0x0] =	vst.idx.msk $0xffff, v26;
	v28 =	vld.idx.msk [tilespmem:v1+s13+$0x0], $0xffff  }
0x233: {  	v1 =	vld [tilespmem:$0x1FC40]  }
0x234: {  	v23 =	vld.idx.msk [tilespmem:v49+s13+$0x0], $0xffff;
	v24 =	vadd.s32 v59, v6  }
0x235: {  	v25 =	vld.idx.msk [tilespmem:v25+s13+$0x0], $0xffff;
	v22 =	vadd.s32 v59, v61  }
0x236: {  	v38 =	vadd.s32 v59, v11;
	v26 =	vld.idx.msk [tilespmem:v27+s13+$0x0], $0xffff  }
0x237: {  	v27 =	vld.idx.msk [tilespmem:v30+s13+$0x0], $0xffff;
	v44 =	vor.u32 v2, v10;
	[tilespmem:v58+s15+$0x0] =	vst.idx.msk $0xffff, v18  }
0x238: {  	v30 =	vor.u32 v1, v37;
	v1 =	vld [tilespmem:$0x1FC50]  }
0x239: {  	[tilespmem:v24+s15+$0x0] =	vst.idx.msk $0xffff, v23  }
0x23a: {  	[tilespmem:v22+s15+$0x0] =	vst.idx.msk $0xffff, v21  }
0x23b: {  	[tilespmem:v38+s15+$0x0] =	vst.idx.msk $0xffff, v28  }
0x23c: {  	[tilespmem:v44+s15+$0x0] =	vst.idx.msk $0xffff, v25  }
0x23d: {  	v49 =	vadd.s32 v1, v36;
	[tilespmem:v30+s15+$0x0] =	vst.idx.msk $0xffff, v26  }
0x23e: {  	v1 =	vld [tilespmem:$0x1FC60];
	_ =	sdelay $0x3  }
0x23f: {  	v21 =	vld.idx.msk [tilespmem:v49+s13+$0x0], $0xffff  }
0x240: {  	v22 =	vor.u32 v1, v37;
	v1 =	vld [tilespmem:$0x1FC70];
	_ =	sdelay $0x4  }
0x241: {  	v23 =	vadd.s32 v1, v36;
	[tilespmem:v22+s15+$0x0] =	vst.idx.msk $0xffff, v21  }
0x242: {  	v1 =	vld [tilespmem:$0x1FC80];
	_ =	sdelay $0x3  }
0x243: {  	v22 =	vor.u32 v0, v37;
	v21 =	vld.idx.msk [tilespmem:v23+s13+$0x0], $0xffff  }
0x244: {  	v23 =	vadd.s32 v1, v36;
	_ =	sdelay $0x3  }
0x245: {  	[tilespmem:v22+s15+$0x0] =	vst.idx.msk $0xffff, v21  }
0x246: {  	v22 =	vor.u32 v51, v37;
	v21 =	vld.idx.msk [tilespmem:v23+s13+$0x0], $0xffff  }
0x247: {  	v23 =	vadd.s32 v57, v36;
	_ =	sdelay $0x3  }
0x248: {  	[tilespmem:v22+s15+$0x0] =	vst.idx.msk $0xffff, v21  }
0x249: {  	v29 =	vadd.s32 v62, v55;
	v22 =	vor.u32 v2, v37;
	v21 =	vld.idx.msk [tilespmem:v23+s13+$0x0], $0xffff  }
0x24a: {  	v25 =	vor.u32 v2, v16;
	v1 =	vld [tilespmem:$0x1FCB0];
	_ =	sdelay $0x1  }
0x24b: {  	v24 =	vadd.s32 v57, v14;
	_ =	sdelay $0x1  }
0x24c: {  	v18 =	vld.idx.msk [tilespmem:v29+s13+$0x0], $0xffff;
	[tilespmem:v22+s15+$0x0] =	vst.idx.msk $0xffff, v21  }
0x24d: {  	v28 =	vor.u32 v2, v17;
	v23 =	vadd.s32 v1, v36;
	v2 =	vld [tilespmem:$0x1FCC0];
	[tilespmem:v25+s15+$0x0] =	vst.idx.msk $0xffff, v27  }
0x24e: {  	v26 =	vadd.s32 v1, v12;
	v29 =	vadd.s32 v1, v13;
	v30 =	vadd.s32 v1, v14;
	v1 =	vld [tilespmem:$0x1FCD0]  }
0x24f: {  	v24 =	vld.idx.msk [tilespmem:v24+s13+$0x0], $0xffff;
	_ =	sdelay $0x1  }
0x250: {  	v31 =	vadd.s32 v62, v20  }
0x251: {  	v21 =	vld.idx.msk [tilespmem:v23+s13+$0x0], $0xffff;
	v22 =	vor.u32 v2, v37  }
0x252: {  	v23 =	vld.idx.msk [tilespmem:v26+s13+$0x0], $0xffff;
	v25 =	vor.u32 v2, v10;
	v26 =	vadd.s32 v1, v36  }
0x253: {  	[tilespmem:v28+s15+$0x0] =	vst.idx.msk $0xffff, v24;
	v24 =	vld.idx.msk [tilespmem:v29+s13+$0x0], $0xffff;
	v27 =	vor.u32 v2, v16;
	v28 =	vadd.s32 v1, v12;
	_ =	sdelay $0x1  }
0x254: {  	v41 =	vmov v20;
	v20 =	vld.idx.msk [tilespmem:v31+s13+$0x0], $0xffff  }
0x255: {  	v29 =	vld.idx.msk [tilespmem:v30+s13+$0x0], $0xffff;
	[tilespmem:v22+s15+$0x0] =	vst.idx.msk $0xffff, v21  }
0x256: {  	v30 =	vor.u32 v2, v17;
	[tilespmem:v25+s15+$0x0] =	vst.idx.msk $0xffff, v23;
	v21 =	vld.idx.msk [tilespmem:v26+s13+$0x0], $0xffff  }
0x257: {  	v22 =	vor.u32 v48, v37;
	[tilespmem:v27+s15+$0x0] =	vst.idx.msk $0xffff, v24;
	v23 =	vld.idx.msk [tilespmem:v28+s13+$0x0], $0xffff  }
0x258: {  	v31 =	vadd.s32 v1, v13;
	v50 =	vadd.s32 v1, v14;
	v24 =	vor.u32 v48, v10;
	v1 =	vld [tilespmem:$0x1FCE0];
	_ =	sdelay $0x2  }
0x259: {  	[tilespmem:v30+s15+$0x0] =	vst.idx.msk $0xffff, v29  }
0x25a: {  	[tilespmem:v22+s15+$0x0] =	vst.idx.msk $0xffff, v21  }
0x25b: {  	v26 =	vld.idx.msk [tilespmem:v31+s13+$0x0], $0xffff;
	v25 =	vadd.s32 v1, v36;
	[tilespmem:v24+s15+$0x0] =	vst.idx.msk $0xffff, v23  }
0x25c: {  	v28 =	vadd.s32 v1, v12;
	v31 =	vadd.s32 v1, v13;
	v52 =	vadd.s32 v1, v14;
	v1 =	vld [tilespmem:$0x1FCF0];
	_ =	sdelay $0x2  }
0x25d: {  	v27 =	vor.u32 v48, v16  }
0x25e: {  	v30 =	vor.u32 v48, v17;
	v29 =	vld.idx.msk [tilespmem:v50+s13+$0x0], $0xffff  }
0x25f: {  	v21 =	vld.idx.msk [tilespmem:v25+s13+$0x0], $0xffff;
	v22 =	vadd.s32 v1, v37  }
0x260: {  	v23 =	vld.idx.msk [tilespmem:v28+s13+$0x0], $0xffff;
	v25 =	vadd.s32 v46, v36;
	v24 =	vadd.s32 v1, v10  }
0x261: {  	v28 =	vadd.s32 v46, v12  }
0x262: {  	[tilespmem:v27+s15+$0x0] =	vst.idx.msk $0xffff, v26  }
0x263: {  	[tilespmem:v30+s15+$0x0] =	vst.idx.msk $0xffff, v29;
	v26 =	vld.idx.msk [tilespmem:v31+s13+$0x0], $0xffff;
	v27 =	vadd.s32 v1, v16  }
0x264: {  	v29 =	vld.idx.msk [tilespmem:v52+s13+$0x0], $0xffff;
	v30 =	vadd.s32 v1, v17;
	[tilespmem:v22+s15+$0x0] =	vst.idx.msk $0xffff, v21  }
0x265: {  	[tilespmem:v24+s15+$0x0] =	vst.idx.msk $0xffff, v23;
	v22 =	vadd.s32 v47, v37;
	v21 =	vld.idx.msk [tilespmem:v25+s13+$0x0], $0xffff  }
0x266: {  	v31 =	vadd.s32 v46, v13;
	v24 =	vadd.s32 v47, v10;
	v23 =	vld.idx.msk [tilespmem:v28+s13+$0x0], $0xffff;
	_ =	sdelay $0x1  }
0x267: {  	[tilespmem:v27+s15+$0x0] =	vst.idx.msk $0xffff, v26  }
0x268: {  	[tilespmem:v30+s15+$0x0] =	vst.idx.msk $0xffff, v29  }
0x269: {  	v53 =	vadd.s32 v46, v14;
	[tilespmem:v22+s15+$0x0] =	vst.idx.msk $0xffff, v21  }
0x26a: {  	v25 =	vadd.s32 v54, v36;
	v26 =	vld.idx.msk [tilespmem:v31+s13+$0x0], $0xffff;
	[tilespmem:v24+s15+$0x0] =	vst.idx.msk $0xffff, v23  }
0x26b: {  	v27 =	vadd.s32 v47, v16;
	v28 =	vadd.s32 v54, v12;
	v43 =	vld [tilespmem:$0x1FF80];
	_ =	sdelay $0x2  }
0x26c: {  	v29 =	vld.idx.msk [tilespmem:v53+s13+$0x0], $0xffff  }
0x26d: {  	v30 =	vadd.s32 v47, v17;
	v21 =	vld.idx.msk [tilespmem:v25+s13+$0x0], $0xffff  }
0x26e: {  	[tilespmem:v27+s15+$0x0] =	vst.idx.msk $0xffff, v26;
	v23 =	vld.idx.msk [tilespmem:v28+s13+$0x0], $0xffff;
	v22 =	vadd.s32 v43, v37  }
0x26f: {  	v31 =	vadd.s32 v54, v13;
	v42 =	vld [tilespmem:$0x1FF70];
	v24 =	vadd.s32 v43, v10;
	_ =	sdelay $0x2  }
0x270: {  	[tilespmem:v30+s15+$0x0] =	vst.idx.msk $0xffff, v29  }
0x271: {  	v54 =	vadd.s32 v54, v14;
	[tilespmem:v22+s15+$0x0] =	vst.idx.msk $0xffff, v21  }
0x272: {  	v27 =	vld.idx.msk [tilespmem:v31+s13+$0x0], $0xffff;
	v25 =	vadd.s32 v42, v36;
	[tilespmem:v24+s15+$0x0] =	vst.idx.msk $0xffff, v23  }
0x273: {  	v28 =	vadd.s32 v43, v16;
	v26 =	vadd.s32 v42, v12;
	v1 =	vld [tilespmem:$0x1FF90];
	_ =	sdelay $0x2  }
0x274: {  	v30 =	vld.idx.msk [tilespmem:v54+s13+$0x0], $0xffff  }
0x275: {  	v31 =	vadd.s32 v43, v17;
	v21 =	vld.idx.msk [tilespmem:v25+s13+$0x0], $0xffff  }
0x276: {  	[tilespmem:v28+s15+$0x0] =	vst.idx.msk $0xffff, v27;
	v23 =	vld.idx.msk [tilespmem:v26+s13+$0x0], $0xffff;
	v22 =	vadd.s32 v1, v37  }
0x277: {  	v29 =	vadd.s32 v42, v13;
	v2 =	vld [tilespmem:$0x1FF60];
	v24 =	vadd.s32 v1, v10;
	_ =	sdelay $0x2  }
0x278: {  	v63 =	vadd.s32 v62, v4;
	v56 =	vadd.s32 v42, v14;
	[tilespmem:v31+s15+$0x0] =	vst.idx.msk $0xffff, v30  }
0x279: {  	v28 =	vadd.s32 v1, v16;
	v31 =	vadd.s32 v1, v17;
	v1 =	vld [tilespmem:$0x1FDF0];
	[tilespmem:v22+s15+$0x0] =	vst.idx.msk $0xffff, v21  }
0x27a: {  	v27 =	vld.idx.msk [tilespmem:v29+s13+$0x0], $0xffff;
	v25 =	vadd.s32 v2, v36;
	[tilespmem:v24+s15+$0x0] =	vst.idx.msk $0xffff, v23  }
0x27b: {  	v26 =	vadd.s32 v2, v12;
	v30 =	vadd.s32 v2, v13;
	v60 =	vadd.s32 v2, v14;
	v2 =	vld [tilespmem:$0x1FFA0];
	_ =	sdelay $0x1  }
0x27c: {  	v29 =	vld.idx.msk [tilespmem:v56+s13+$0x0], $0xffff  }
0x27d: {  	v19 =	vld.idx.msk [tilespmem:v63+s13+$0x0], $0xffff;
	v58 =	vadd.s32 v1, v9  }
0x27e: {  	v63 =	vadd.s32 v1, v6;
	v22 =	vld.idx.msk [tilespmem:v25+s13+$0x0], $0xffff  }
0x27f: {  	v24 =	vld.idx.msk [tilespmem:v26+s13+$0x0], $0xffff;
	[tilespmem:v28+s15+$0x0] =	vst.idx.msk $0xffff, v27;
	v23 =	vadd.s32 v2, v37  }
0x280: {  	v5 =	vld [tilespmem:$0x1FF30];
	v25 =	vadd.s32 v2, v10  }
0x281: {  	[tilespmem:v31+s15+$0x0] =	vst.idx.msk $0xffff, v29  }
0x282: {  	[tilespmem:v58+s15+$0x0] =	vst.idx.msk $0xffff, v20  }
0x283: {  	[tilespmem:v63+s15+$0x0] =	vst.idx.msk $0xffff, v19  }
0x284: {  	v21 =	vadd.s32 v62, v8;
	v50 =	vld [tilespmem:$0x1FE00];
	[tilespmem:v23+s15+$0x0] =	vst.idx.msk $0xffff, v22  }
0x285: {  	v28 =	vld.idx.msk [tilespmem:v30+s13+$0x0], $0xffff;
	v26 =	vadd.s32 v5, v36;
	[tilespmem:v25+s15+$0x0] =	vst.idx.msk $0xffff, v24  }
0x286: {  	v29 =	vadd.s32 v2, v16;
	v31 =	vadd.s32 v2, v17;
	v27 =	vadd.s32 v5, v12;
	v2 =	vld [tilespmem:$0x1FEF0];
	_ =	sdelay $0x1  }
0x287: {  	v20 =	vld.idx.msk [tilespmem:v60+s13+$0x0], $0xffff  }
0x288: {  	v38 =	vadd.s32 v1, v61;
	v21 =	vld.idx.msk [tilespmem:v21+s13+$0x0], $0xffff  }
0x289: {  	v40 =	vadd.s32 v1, v11;
	v23 =	vld.idx.msk [tilespmem:v26+s13+$0x0], $0xffff  }
0x28a: {  	v25 =	vld.idx.msk [tilespmem:v27+s13+$0x0], $0xffff;
	[tilespmem:v29+s15+$0x0] =	vst.idx.msk $0xffff, v28;
	v24 =	vadd.s32 v2, v37  }
0x28b: {  	v30 =	vadd.s32 v5, v13;
	v19 =	vadd.s32 v5, v14;
	v5 =	vld [tilespmem:$0x1FF00];
	v26 =	vadd.s32 v2, v10  }
0x28c: {  	[tilespmem:v31+s15+$0x0] =	vst.idx.msk $0xffff, v20  }
0x28d: {  	[tilespmem:v38+s15+$0x0] =	vst.idx.msk $0xffff, v18  }
0x28e: {  	v39 =	vadd.s32 v50, v41;
	v52 =	vld [tilespmem:$0x1FE10];
	[tilespmem:v40+s15+$0x0] =	vst.idx.msk $0xffff, v21  }
0x28f: {  	v22 =	vadd.s32 v50, v4;
	[tilespmem:v24+s15+$0x0] =	vst.idx.msk $0xffff, v23  }
0x290: {  	v29 =	vld.idx.msk [tilespmem:v30+s13+$0x0], $0xffff;
	v27 =	vadd.s32 v5, v36;
	[tilespmem:v26+s15+$0x0] =	vst.idx.msk $0xffff, v25  }
0x291: {  	v20 =	vadd.s32 v2, v16;
	v30 =	vadd.s32 v2, v17;
	v28 =	vadd.s32 v5, v12;
	v2 =	vld [tilespmem:$0x1FED0]  }
0x292: {  	v18 =	vld.idx.msk [tilespmem:v19+s13+$0x0], $0xffff  }
0x293: {  	v31 =	vld.idx.msk [tilespmem:v39+s13+$0x0], $0xffff  }
0x294: {  	v22 =	vld.idx.msk [tilespmem:v22+s13+$0x0], $0xffff;
	v44 =	vadd.s32 v52, v9  }
0x295: {  	v53 =	vadd.s32 v52, v6;
	v24 =	vld.idx.msk [tilespmem:v27+s13+$0x0], $0xffff  }
0x296: {  	v26 =	vld.idx.msk [tilespmem:v28+s13+$0x0], $0xffff;
	[tilespmem:v20+s15+$0x0] =	vst.idx.msk $0xffff, v29;
	v25 =	vadd.s32 v2, v37  }
0x297: {  	v19 =	vadd.s32 v5, v13;
	v21 =	vadd.s32 v5, v14;
	v5 =	vld [tilespmem:$0x1FEE0];
	v27 =	vadd.s32 v2, v10  }
0x298: {  	[tilespmem:v30+s15+$0x0] =	vst.idx.msk $0xffff, v18  }
0x299: {  	v49 =	vadd.s32 v50, v55;
	[tilespmem:v44+s15+$0x0] =	vst.idx.msk $0xffff, v31  }
0x29a: {  	[tilespmem:v53+s15+$0x0] =	vst.idx.msk $0xffff, v22  }
0x29b: {  	v23 =	vadd.s32 v50, v8;
	v44 =	vld [tilespmem:$0x1FE20];
	[tilespmem:v25+s15+$0x0] =	vst.idx.msk $0xffff, v24  }
0x29c: {  	v19 =	vld.idx.msk [tilespmem:v19+s13+$0x0], $0xffff;
	v20 =	vadd.s32 v5, v36;
	[tilespmem:v27+s15+$0x0] =	vst.idx.msk $0xffff, v26  }
0x29d: {  	v18 =	vadd.s32 v2, v16;
	v28 =	vadd.s32 v5, v12;
	v63 =	vld [tilespmem:$0x1FEC0]  }
0x29e: {  	v31 =	vld.idx.msk [tilespmem:v49+s13+$0x0], $0xffff  }
0x29f: {  	v21 =	vld.idx.msk [tilespmem:v21+s13+$0x0], $0xffff;
	v30 =	vadd.s32 v2, v17  }
0x2a0: {  	v54 =	vadd.s32 v52, v61;
	v23 =	vld.idx.msk [tilespmem:v23+s13+$0x0], $0xffff  }
0x2a1: {  	v58 =	vadd.s32 v52, v11;
	v20 =	vld.idx.msk [tilespmem:v20+s13+$0x0], $0xffff  }
0x2a2: {  	v26 =	vld.idx.msk [tilespmem:v28+s13+$0x0], $0xffff;
	[tilespmem:v18+s15+$0x0] =	vst.idx.msk $0xffff, v19;
	v25 =	vadd.s32 v63, v37  }
0x2a3: {  	v29 =	vadd.s32 v5, v13;
	v49 =	vld [tilespmem:$0x1FF10];
	v27 =	vadd.s32 v63, v10  }
0x2a4: {  	[tilespmem:v30+s15+$0x0] =	vst.idx.msk $0xffff, v21  }
0x2a5: {  	v56 =	vadd.s32 v44, v41;
	[tilespmem:v54+s15+$0x0] =	vst.idx.msk $0xffff, v31  }
0x2a6: {  	v22 =	vadd.s32 v5, v14;
	v5 =	vld [tilespmem:$0x1FE30];
	[tilespmem:v58+s15+$0x0] =	vst.idx.msk $0xffff, v23  }
0x2a7: {  	v24 =	vadd.s32 v44, v4;
	[tilespmem:v25+s15+$0x0] =	vst.idx.msk $0xffff, v20  }
0x2a8: {  	v28 =	vld.idx.msk [tilespmem:v29+s13+$0x0], $0xffff;
	v18 =	vadd.s32 v49, v36;
	[tilespmem:v27+s15+$0x0] =	vst.idx.msk $0xffff, v26  }
0x2a9: {  	v21 =	vadd.s32 v63, v16;
	v19 =	vadd.s32 v49, v12;
	v53 =	vld [tilespmem:$0x1FF20]  }
0x2aa: {  	v31 =	vld.idx.msk [tilespmem:v56+s13+$0x0], $0xffff  }
0x2ab: {  	v22 =	vld.idx.msk [tilespmem:v22+s13+$0x0], $0xffff;
	v30 =	vadd.s32 v63, v17;
	v29 =	vadd.s32 v49, v13  }
0x2ac: {  	v38 =	vadd.s32 v44, v55;
	v24 =	vld.idx.msk [tilespmem:v24+s13+$0x0], $0xffff;
	v60 =	vadd.s32 v5, v9  }
0x2ad: {  	v23 =	vadd.s32 v49, v14;
	v39 =	vadd.s32 v5, v6;
	v18 =	vld.idx.msk [tilespmem:v18+s13+$0x0], $0xffff  }
0x2ae: {  	v19 =	vld.idx.msk [tilespmem:v19+s13+$0x0], $0xffff;
	[tilespmem:v21+s15+$0x0] =	vst.idx.msk $0xffff, v28;
	v25 =	vadd.s32 v53, v37  }
0x2af: {  	v56 =	vld [tilespmem:$0x1FF40];
	v26 =	vadd.s32 v53, v10  }
0x2b0: {  	v28 =	vld.idx.msk [tilespmem:v29+s13+$0x0], $0xffff;
	[tilespmem:v30+s15+$0x0] =	vst.idx.msk $0xffff, v22  }
0x2b1: {  	[tilespmem:v60+s15+$0x0] =	vst.idx.msk $0xffff, v31;
	v31 =	vld.idx.msk [tilespmem:v38+s13+$0x0], $0xffff;
	v22 =	vadd.s32 v53, v16  }
0x2b2: {  	[tilespmem:v39+s15+$0x0] =	vst.idx.msk $0xffff, v24;
	v23 =	vld.idx.msk [tilespmem:v23+s13+$0x0], $0xffff;
	v30 =	vadd.s32 v53, v17  }
0x2b3: {  	v35 =	vmov v37;
	v32 =	vadd.s32 v5, v61;
	v20 =	vadd.s32 v44, v8;
	v37 =	vld [tilespmem:$0x1FE40];
	[tilespmem:v25+s15+$0x0] =	vst.idx.msk $0xffff, v18  }
0x2b4: {  	[tilespmem:v26+s15+$0x0] =	vst.idx.msk $0xffff, v19  }
0x2b5: {  	v21 =	vadd.s32 v56, v36;
	v58 =	vld [tilespmem:$0x1FF50]  }
0x2b6: {  	v27 =	vadd.s32 v56, v12;
	[tilespmem:v22+s15+$0x0] =	vst.idx.msk $0xffff, v28  }
0x2b7: {  	v29 =	vadd.s32 v56, v13;
	v60 =	vld [tilespmem:$0x1FEA0];
	[tilespmem:v30+s15+$0x0] =	vst.idx.msk $0xffff, v23  }
0x2b8: {  	v20 =	vld.idx.msk [tilespmem:v20+s13+$0x0], $0xffff;
	v24 =	vadd.s32 v56, v14;
	[tilespmem:v32+s15+$0x0] =	vst.idx.msk $0xffff, v31  }
0x2b9: {  	v54 =	vadd.s32 v5, v11;
	v40 =	vadd.s32 v37, v41;
	v38 =	vld [tilespmem:$0x1FE50]  }
0x2ba: {  	v18 =	vadd.s32 v37, v4;
	v19 =	vld.idx.msk [tilespmem:v21+s13+$0x0], $0xffff;
	v21 =	vadd.s32 v58, v35  }
0x2bb: {  	v25 =	vld.idx.msk [tilespmem:v27+s13+$0x0], $0xffff;
	v26 =	vadd.s32 v58, v10  }
0x2bc: {  	v28 =	vld.idx.msk [tilespmem:v29+s13+$0x0], $0xffff;
	v23 =	vadd.s32 v58, v16  }
0x2bd: {  	v24 =	vld.idx.msk [tilespmem:v24+s13+$0x0], $0xffff;
	v30 =	vadd.s32 v58, v17  }
0x2be: {  	[tilespmem:v54+s15+$0x0] =	vst.idx.msk $0xffff, v20;
	v31 =	vld.idx.msk [tilespmem:v40+s13+$0x0], $0xffff;
	v40 =	vadd.s32 v38, v9  }
0x2bf: {  	v18 =	vld.idx.msk [tilespmem:v18+s13+$0x0], $0xffff;
	v39 =	vadd.s32 v38, v6;
	[tilespmem:v21+s15+$0x0] =	vst.idx.msk $0xffff, v19  }
0x2c0: {  	[tilespmem:v26+s15+$0x0] =	vst.idx.msk $0xffff, v25  }
0x2c1: {  	v22 =	vadd.s32 v60, v36;
	[tilespmem:v23+s15+$0x0] =	vst.idx.msk $0xffff, v28  }
0x2c2: {  	v27 =	vadd.s32 v60, v12;
	v2 =	vld [tilespmem:$0x1FEB0];
	[tilespmem:v30+s15+$0x0] =	vst.idx.msk $0xffff, v24  }
0x2c3: {  	v29 =	vadd.s32 v60, v13;
	[tilespmem:v40+s15+$0x0] =	vst.idx.msk $0xffff, v31  }
0x2c4: {  	v20 =	vadd.s32 v60, v14;
	[tilespmem:v39+s15+$0x0] =	vst.idx.msk $0xffff, v18  }
0x2c5: {  	v54 =	vadd.s32 v37, v55;
	v39 =	vld [tilespmem:$0x1FE60]  }
0x2c6: {  	v19 =	vadd.s32 v37, v8;
	v21 =	vld.idx.msk [tilespmem:v22+s13+$0x0], $0xffff;
	v22 =	vadd.s32 v3, v35  }
0x2c7: {  	v26 =	vadd.s32 v3, v10;
	v25 =	vld.idx.msk [tilespmem:v27+s13+$0x0], $0xffff;
	v23 =	vadd.s32 v2, v36  }
0x2c8: {  	v28 =	vld.idx.msk [tilespmem:v29+s13+$0x0], $0xffff;
	v24 =	vadd.s32 v3, v16;
	v27 =	vadd.s32 v2, v12  }
0x2c9: {  	v30 =	vadd.s32 v3, v17;
	v20 =	vld.idx.msk [tilespmem:v20+s13+$0x0], $0xffff  }
0x2ca: {  	v32 =	vadd.s32 v38, v61;
	v31 =	vld.idx.msk [tilespmem:v54+s13+$0x0], $0xffff;
	v40 =	vadd.s32 v39, v41  }
0x2cb: {  	v54 =	vadd.s32 v38, v11;
	v19 =	vld.idx.msk [tilespmem:v19+s13+$0x0], $0xffff;
	[tilespmem:v22+s15+$0x0] =	vst.idx.msk $0xffff, v21  }
0x2cc: {  	[tilespmem:v26+s15+$0x0] =	vst.idx.msk $0xffff, v25;
	v22 =	vld.idx.msk [tilespmem:v23+s13+$0x0], $0xffff;
	v23 =	vadd.s32 v45, v35  }
0x2cd: {  	v26 =	vadd.s32 v45, v10;
	[tilespmem:v24+s15+$0x0] =	vst.idx.msk $0xffff, v28;
	v25 =	vld.idx.msk [tilespmem:v27+s13+$0x0], $0xffff  }
0x2ce: {  	[tilespmem:v30+s15+$0x0] =	vst.idx.msk $0xffff, v20  }
0x2cf: {  	v29 =	vadd.s32 v2, v13;
	[tilespmem:v32+s15+$0x0] =	vst.idx.msk $0xffff, v31;
	v31 =	vld.idx.msk [tilespmem:v40+s13+$0x0], $0xffff  }
0x2d0: {  	v18 =	vadd.s32 v2, v14;
	v40 =	vld [tilespmem:$0x1FE70];
	[tilespmem:v54+s15+$0x0] =	vst.idx.msk $0xffff, v19  }
0x2d1: {  	[tilespmem:v23+s15+$0x0] =	vst.idx.msk $0xffff, v22  }
0x2d2: {  	v21 =	vadd.s32 v39, v4;
	[tilespmem:v26+s15+$0x0] =	vst.idx.msk $0xffff, v25  }
0x2d3: {  	v24 =	vadd.s32 v7, v36;
	v2 =	vld [tilespmem:$0x1FD00]  }
0x2d4: {  	v28 =	vadd.s32 v45, v16;
	v27 =	vadd.s32 v7, v12;
	v29 =	vld.idx.msk [tilespmem:v29+s13+$0x0], $0xffff  }
0x2d5: {  	v20 =	vadd.s32 v7, v13;
	v30 =	vadd.s32 v45, v17;
	v18 =	vld.idx.msk [tilespmem:v18+s13+$0x0], $0xffff  }
0x2d6: {  	v19 =	vadd.s32 v7, v14;
	v32 =	vadd.s32 v40, v9  }
0x2d7: {  	v33 =	vadd.s32 v39, v55;
	v21 =	vld.idx.msk [tilespmem:v21+s13+$0x0], $0xffff;
	v54 =	vadd.s32 v40, v6  }
0x2d8: {  	v23 =	vld.idx.msk [tilespmem:v24+s13+$0x0], $0xffff;
	v24 =	vadd.s32 v2, v35  }
0x2d9: {  	v26 =	vld.idx.msk [tilespmem:v27+s13+$0x0], $0xffff;
	[tilespmem:v28+s15+$0x0] =	vst.idx.msk $0xffff, v29;
	v25 =	vadd.s32 v2, v10  }
0x2da: {  	[tilespmem:v30+s15+$0x0] =	vst.idx.msk $0xffff, v18;
	v20 =	vld.idx.msk [tilespmem:v20+s13+$0x0], $0xffff;
	v29 =	vadd.s32 v2, v16  }
0x2db: {  	v19 =	vld.idx.msk [tilespmem:v19+s13+$0x0], $0xffff;
	v30 =	vadd.s32 v2, v17;
	[tilespmem:v32+s15+$0x0] =	vst.idx.msk $0xffff, v31  }
0x2dc: {  	v22 =	vadd.s32 v39, v8;
	v31 =	vld.idx.msk [tilespmem:v33+s13+$0x0], $0xffff;
	v32 =	vadd.s32 v40, v61;
	[tilespmem:v54+s15+$0x0] =	vst.idx.msk $0xffff, v21  }
0x2dd: {  	v7 =	vld [tilespmem:$0x1FD30];
	[tilespmem:v24+s15+$0x0] =	vst.idx.msk $0xffff, v23  }
0x2de: {  	v27 =	vadd.s32 v15, v36;
	[tilespmem:v25+s15+$0x0] =	vst.idx.msk $0xffff, v26  }
0x2df: {  	v28 =	vadd.s32 v15, v12;
	[tilespmem:v29+s15+$0x0] =	vst.idx.msk $0xffff, v20  }
0x2e0: {  	v18 =	vadd.s32 v15, v13;
	[tilespmem:v30+s15+$0x0] =	vst.idx.msk $0xffff, v19  }
0x2e1: {  	v22 =	vld.idx.msk [tilespmem:v22+s13+$0x0], $0xffff;
	v21 =	vadd.s32 v15, v14;
	[tilespmem:v32+s15+$0x0] =	vst.idx.msk $0xffff, v31  }
0x2e2: {  	v54 =	vadd.s32 v40, v11;
	v33 =	vadd.s32 v7, v41;
	v15 =	vld [tilespmem:$0x1FD40]  }
0x2e3: {  	v25 =	vadd.s32 v59, v35;
	v24 =	vld.idx.msk [tilespmem:v27+s13+$0x0], $0xffff;
	v23 =	vadd.s32 v7, v4  }
0x2e4: {  	v26 =	vld.idx.msk [tilespmem:v28+s13+$0x0], $0xffff;
	v27 =	vadd.s32 v59, v10  }
0x2e5: {  	v19 =	vadd.s32 v59, v16;
	v18 =	vld.idx.msk [tilespmem:v18+s13+$0x0], $0xffff  }
0x2e6: {  	v30 =	vadd.s32 v59, v17;
	v21 =	vld.idx.msk [tilespmem:v21+s13+$0x0], $0xffff  }
0x2e7: {  	[tilespmem:v54+s15+$0x0] =	vst.idx.msk $0xffff, v22;
	v31 =	vld.idx.msk [tilespmem:v33+s13+$0x0], $0xffff;
	v32 =	vadd.s32 v15, v9  }
0x2e8: {  	[tilespmem:v25+s15+$0x0] =	vst.idx.msk $0xffff, v24;
	v23 =	vld.idx.msk [tilespmem:v23+s13+$0x0], $0xffff;
	v59 =	vadd.s32 v15, v6  }
0x2e9: {  	[tilespmem:v27+s15+$0x0] =	vst.idx.msk $0xffff, v26  }
0x2ea: {  	v20 =	vadd.s32 v62, v36;
	[tilespmem:v19+s15+$0x0] =	vst.idx.msk $0xffff, v18  }
0x2eb: {  	v28 =	vadd.s32 v62, v12;
	[tilespmem:v30+s15+$0x0] =	vst.idx.msk $0xffff, v21  }
0x2ec: {  	v29 =	vadd.s32 v62, v13;
	[tilespmem:v32+s15+$0x0] =	vst.idx.msk $0xffff, v31  }
0x2ed: {  	v22 =	vadd.s32 v62, v14;
	[tilespmem:v59+s15+$0x0] =	vst.idx.msk $0xffff, v23  }
0x2ee: {  	v54 =	vadd.s32 v7, v55;
	v59 =	vld [tilespmem:$0x1FD50]  }
0x2ef: {  	v25 =	vadd.s32 v1, v35;
	v20 =	vld.idx.msk [tilespmem:v20+s13+$0x0], $0xffff  }
0x2f0: {  	v27 =	vadd.s32 v1, v10;
	v26 =	vld.idx.msk [tilespmem:v28+s13+$0x0], $0xffff  }
0x2f1: {  	v21 =	vadd.s32 v1, v16;
	v28 =	vld.idx.msk [tilespmem:v29+s13+$0x0], $0xffff  }
0x2f2: {  	v24 =	vadd.s32 v7, v8;
	v30 =	vadd.s32 v1, v17;
	v22 =	vld.idx.msk [tilespmem:v22+s13+$0x0], $0xffff  }
0x2f3: {  	v31 =	vld.idx.msk [tilespmem:v54+s13+$0x0], $0xffff;
	v32 =	vadd.s32 v15, v61;
	v54 =	vadd.s32 v59, v41  }
0x2f4: {  	[tilespmem:v25+s15+$0x0] =	vst.idx.msk $0xffff, v20  }
0x2f5: {  	v18 =	vadd.s32 v50, v36;
	[tilespmem:v27+s15+$0x0] =	vst.idx.msk $0xffff, v26  }
0x2f6: {  	v19 =	vadd.s32 v50, v12;
	[tilespmem:v21+s15+$0x0] =	vst.idx.msk $0xffff, v28  }
0x2f7: {  	v29 =	vadd.s32 v50, v13;
	v24 =	vld.idx.msk [tilespmem:v24+s13+$0x0], $0xffff;
	[tilespmem:v30+s15+$0x0] =	vst.idx.msk $0xffff, v22  }
0x2f8: {  	v23 =	vadd.s32 v50, v14;
	[tilespmem:v32+s15+$0x0] =	vst.idx.msk $0xffff, v31;
	v31 =	vld.idx.msk [tilespmem:v54+s13+$0x0], $0xffff  }
0x2f9: {  	v34 =	vadd.s32 v15, v11;
	v54 =	vld [tilespmem:$0x1FD60]  }
0x2fa: {  	v25 =	vadd.s32 v52, v35;
	v18 =	vld.idx.msk [tilespmem:v18+s13+$0x0], $0xffff;
	v20 =	vadd.s32 v59, v4  }
0x2fb: {  	v26 =	vadd.s32 v52, v10;
	v19 =	vld.idx.msk [tilespmem:v19+s13+$0x0], $0xffff  }
0x2fc: {  	v22 =	vadd.s32 v52, v16;
	v28 =	vld.idx.msk [tilespmem:v29+s13+$0x0], $0xffff  }
0x2fd: {  	v30 =	vadd.s32 v52, v17;
	v23 =	vld.idx.msk [tilespmem:v23+s13+$0x0], $0xffff  }
0x2fe: {  	[tilespmem:v34+s15+$0x0] =	vst.idx.msk $0xffff, v24;
	v32 =	vadd.s32 v54, v9  }
0x2ff: {  	v21 =	vadd.s32 v44, v36;
	v20 =	vld.idx.msk [tilespmem:v20+s13+$0x0], $0xffff;
	[tilespmem:v25+s15+$0x0] =	vst.idx.msk $0xffff, v18;
	v34 =	vadd.s32 v54, v6  }
0x300: {  	[tilespmem:v26+s15+$0x0] =	vst.idx.msk $0xffff, v19  }
0x301: {  	[tilespmem:v22+s15+$0x0] =	vst.idx.msk $0xffff, v28  }
0x302: {  	v27 =	vadd.s32 v44, v12;
	[tilespmem:v30+s15+$0x0] =	vst.idx.msk $0xffff, v23  }
0x303: {  	v29 =	vadd.s32 v44, v13;
	v33 =	vadd.s32 v59, v55;
	[tilespmem:v32+s15+$0x0] =	vst.idx.msk $0xffff, v31  }
0x304: {  	v24 =	vadd.s32 v44, v14;
	v26 =	vadd.s32 v5, v10;
	v19 =	vld.idx.msk [tilespmem:v21+s13+$0x0], $0xffff;
	[tilespmem:v34+s15+$0x0] =	vst.idx.msk $0xffff, v20  }
0x305: {  	v23 =	vadd.s32 v5, v16;
	v30 =	vadd.s32 v5, v17;
	v21 =	vadd.s32 v5, v35;
	v5 =	vld [tilespmem:$0x1FD70];
	_ =	sdelay $0x1  }
0x306: {  	v25 =	vld.idx.msk [tilespmem:v27+s13+$0x0], $0xffff  }
0x307: {  	v18 =	vadd.s32 v59, v8;
	v28 =	vld.idx.msk [tilespmem:v29+s13+$0x0], $0xffff  }
0x308: {  	v22 =	vadd.s32 v37, v36;
	v27 =	vadd.s32 v37, v12;
	v29 =	vadd.s32 v37, v13;
	v24 =	vld.idx.msk [tilespmem:v24+s13+$0x0], $0xffff  }
0x309: {  	v31 =	vld.idx.msk [tilespmem:v33+s13+$0x0], $0xffff;
	v32 =	vadd.s32 v54, v61;
	v20 =	vadd.s32 v37, v14;
	v37 =	vadd.s32 v5, v41  }
0x30a: {  	[tilespmem:v21+s15+$0x0] =	vst.idx.msk $0xffff, v19  }
0x30b: {  	[tilespmem:v26+s15+$0x0] =	vst.idx.msk $0xffff, v25  }
0x30c: {  	[tilespmem:v23+s15+$0x0] =	vst.idx.msk $0xffff, v28  }
0x30d: {  	v18 =	vld.idx.msk [tilespmem:v18+s13+$0x0], $0xffff;
	[tilespmem:v30+s15+$0x0] =	vst.idx.msk $0xffff, v24  }
0x30e: {  	[tilespmem:v32+s15+$0x0] =	vst.idx.msk $0xffff, v31;
	v31 =	vld.idx.msk [tilespmem:v37+s13+$0x0], $0xffff  }
0x30f: {  	v34 =	vadd.s32 v54, v11;
	v37 =	vld [tilespmem:$0x1FD80]  }
0x310: {  	v21 =	vld.idx.msk [tilespmem:v22+s13+$0x0], $0xffff;
	v22 =	vadd.s32 v38, v35;
	v19 =	vadd.s32 v5, v4  }
0x311: {  	v26 =	vadd.s32 v38, v10;
	v23 =	vadd.s32 v39, v36;
	v25 =	vld.idx.msk [tilespmem:v27+s13+$0x0], $0xffff  }
0x312: {  	v24 =	vadd.s32 v38, v16;
	v27 =	vadd.s32 v39, v12;
	v28 =	vld.idx.msk [tilespmem:v29+s13+$0x0], $0xffff  }
0x313: {  	v30 =	vadd.s32 v38, v17;
	v29 =	vadd.s32 v39, v13;
	v20 =	vld.idx.msk [tilespmem:v20+s13+$0x0], $0xffff  }
0x314: {  	[tilespmem:v34+s15+$0x0] =	vst.idx.msk $0xffff, v18;
	v18 =	vadd.s32 v39, v14;
	v32 =	vadd.s32 v37, v9  }
0x315: {  	v38 =	vadd.s32 v5, v55;
	v19 =	vld.idx.msk [tilespmem:v19+s13+$0x0], $0xffff;
	[tilespmem:v22+s15+$0x0] =	vst.idx.msk $0xffff, v21;
	v39 =	vadd.s32 v37, v6  }
0x316: {  	[tilespmem:v26+s15+$0x0] =	vst.idx.msk $0xffff, v25;
	v22 =	vld.idx.msk [tilespmem:v23+s13+$0x0], $0xffff;
	v23 =	vadd.s32 v40, v35  }
0x317: {  	v26 =	vadd.s32 v40, v10;
	[tilespmem:v24+s15+$0x0] =	vst.idx.msk $0xffff, v28;
	v25 =	vld.idx.msk [tilespmem:v27+s13+$0x0], $0xffff  }
0x318: {  	v21 =	vadd.s32 v5, v8;
	[tilespmem:v30+s15+$0x0] =	vst.idx.msk $0xffff, v20;
	v20 =	vadd.s32 v40, v16;
	v28 =	vld.idx.msk [tilespmem:v29+s13+$0x0], $0xffff  }
0x319: {  	v24 =	vadd.s32 v7, v36;
	v30 =	vadd.s32 v40, v17;
	v18 =	vld.idx.msk [tilespmem:v18+s13+$0x0], $0xffff;
	[tilespmem:v32+s15+$0x0] =	vst.idx.msk $0xffff, v31  }
0x31a: {  	v27 =	vadd.s32 v7, v12;
	v40 =	vadd.s32 v37, v61;
	v31 =	vld.idx.msk [tilespmem:v38+s13+$0x0], $0xffff;
	[tilespmem:v39+s15+$0x0] =	vst.idx.msk $0xffff, v19  }
0x31b: {  	v29 =	vadd.s32 v7, v13;
	v19 =	vadd.s32 v7, v14;
	v7 =	vld [tilespmem:$0x1FDA0];
	[tilespmem:v23+s15+$0x0] =	vst.idx.msk $0xffff, v22  }
0x31c: {  	[tilespmem:v26+s15+$0x0] =	vst.idx.msk $0xffff, v25  }
0x31d: {  	[tilespmem:v20+s15+$0x0] =	vst.idx.msk $0xffff, v28  }
0x31e: {  	v21 =	vld.idx.msk [tilespmem:v21+s13+$0x0], $0xffff;
	v39 =	vadd.s32 v37, v11;
	[tilespmem:v30+s15+$0x0] =	vst.idx.msk $0xffff, v18  }
0x31f: {  	v26 =	vadd.s32 v15, v10;
	v18 =	vadd.s32 v15, v16;
	v23 =	vld.idx.msk [tilespmem:v24+s13+$0x0], $0xffff;
	[tilespmem:v40+s15+$0x0] =	vst.idx.msk $0xffff, v31  }
0x320: {  	v30 =	vadd.s32 v15, v17;
	v24 =	vadd.s32 v15, v35;
	v38 =	vadd.s32 v7, v41;
	v15 =	vld [tilespmem:$0x1FDB0]  }
0x321: {  	v22 =	vadd.s32 v7, v4  }
0x322: {  	v20 =	vadd.s32 v59, v36;
	v25 =	vld.idx.msk [tilespmem:v27+s13+$0x0], $0xffff  }
0x323: {  	v27 =	vadd.s32 v59, v12;
	v28 =	vld.idx.msk [tilespmem:v29+s13+$0x0], $0xffff  }
0x324: {  	v29 =	vadd.s32 v59, v13;
	v19 =	vld.idx.msk [tilespmem:v19+s13+$0x0], $0xffff  }
0x325: {  	[tilespmem:v39+s15+$0x0] =	vst.idx.msk $0xffff, v21;
	v21 =	vadd.s32 v59, v14;
	v31 =	vld.idx.msk [tilespmem:v38+s13+$0x0], $0xffff;
	v40 =	vadd.s32 v15, v9  }
0x326: {  	v59 =	vadd.s32 v7, v55;
	[tilespmem:v24+s15+$0x0] =	vst.idx.msk $0xffff, v23;
	v22 =	vld.idx.msk [tilespmem:v22+s13+$0x0], $0xffff;
	v38 =	vadd.s32 v15, v6  }
0x327: {  	[tilespmem:v26+s15+$0x0] =	vst.idx.msk $0xffff, v25;
	v24 =	vadd.s32 v54, v35;
	v20 =	vld.idx.msk [tilespmem:v20+s13+$0x0], $0xffff  }
0x328: {  	v26 =	vadd.s32 v54, v10;
	[tilespmem:v18+s15+$0x0] =	vst.idx.msk $0xffff, v28;
	v25 =	vld.idx.msk [tilespmem:v27+s13+$0x0], $0xffff  }
0x329: {  	v28 =	vld.idx.msk [tilespmem:v29+s13+$0x0], $0xffff;
	[tilespmem:v30+s15+$0x0] =	vst.idx.msk $0xffff, v19;
	v19 =	vadd.s32 v54, v16  }
0x32a: {  	v30 =	vadd.s32 v54, v17;
	v21 =	vld.idx.msk [tilespmem:v21+s13+$0x0], $0xffff;
	[tilespmem:v40+s15+$0x0] =	vst.idx.msk $0xffff, v31  }
0x32b: {  	v23 =	vadd.s32 v7, v8;
	v39 =	vld.idx.msk [tilespmem:v59+s13+$0x0], $0xffff;
	v31 =	vadd.s32 v15, v61;
	[tilespmem:v38+s15+$0x0] =	vst.idx.msk $0xffff, v22  }
0x32c: {  	v34 =	vld [tilespmem:$0x1FB40];
	[tilespmem:v24+s15+$0x0] =	vst.idx.msk $0xffff, v20  }
0x32d: {  	v18 =	vadd.s32 v5, v36;
	[tilespmem:v26+s15+$0x0] =	vst.idx.msk $0xffff, v25  }
0x32e: {  	v27 =	vadd.s32 v5, v12;
	[tilespmem:v19+s15+$0x0] =	vst.idx.msk $0xffff, v28  }
0x32f: {  	v29 =	vadd.s32 v5, v13;
	[tilespmem:v30+s15+$0x0] =	vst.idx.msk $0xffff, v21  }
0x330: {  	v23 =	vld.idx.msk [tilespmem:v23+s13+$0x0], $0xffff;
	v22 =	vadd.s32 v5, v14;
	[tilespmem:v31+s15+$0x0] =	vst.idx.msk $0xffff, v39  }
0x331: {  	v40 =	vadd.s32 v15, v11;
	v4 =	vadd.s32 v34, v4;
	v30 =	vld [tilespmem:$0x1FB50]  }
0x332: {  	v20 =	vadd.s32 v37, v35;
	v18 =	vld.idx.msk [tilespmem:v18+s13+$0x0], $0xffff;
	v5 =	vadd.s32 v34, v41  }
0x333: {  	v25 =	vadd.s32 v37, v10;
	v19 =	vadd.s32 v7, v36;
	v24 =	vld.idx.msk [tilespmem:v27+s13+$0x0], $0xffff  }
0x334: {  	v26 =	vadd.s32 v7, v12;
	v21 =	vadd.s32 v37, v16;
	v27 =	vld.idx.msk [tilespmem:v29+s13+$0x0], $0xffff  }
0x335: {  	v28 =	vadd.s32 v7, v13;
	v29 =	vadd.s32 v37, v17;
	v22 =	vld.idx.msk [tilespmem:v22+s13+$0x0], $0xffff  }
0x336: {  	[tilespmem:v40+s15+$0x0] =	vst.idx.msk $0xffff, v23;
	v23 =	vadd.s32 v7, v14;
	v4 =	vld.idx.msk [tilespmem:v4+s13+$0x0], $0xffff;
	v6 =	vadd.s32 v30, v6  }
0x337: {  	v7 =	vadd.s32 v34, v55;
	[tilespmem:v20+s15+$0x0] =	vst.idx.msk $0xffff, v18;
	v5 =	vld.idx.msk [tilespmem:v5+s13+$0x0], $0xffff;
	v9 =	vadd.s32 v30, v9  }
0x338: {  	v8 =	vadd.s32 v34, v8;
	[tilespmem:v25+s15+$0x0] =	vst.idx.msk $0xffff, v24;
	v18 =	vld.idx.msk [tilespmem:v19+s13+$0x0], $0xffff;
	v19 =	vadd.s32 v15, v35  }
0x339: {  	v24 =	vadd.s32 v15, v10;
	[tilespmem:v21+s15+$0x0] =	vst.idx.msk $0xffff, v27;
	v21 =	vadd.s32 v34, v36;
	v20 =	vld.idx.msk [tilespmem:v26+s13+$0x0], $0xffff  }
0x33a: {  	v12 =	vadd.s32 v34, v12;
	v25 =	vadd.s32 v15, v16;
	v26 =	vld.idx.msk [tilespmem:v28+s13+$0x0], $0xffff;
	[tilespmem:v29+s15+$0x0] =	vst.idx.msk $0xffff, v22  }
0x33b: {  	[tilespmem:v6+s15+$0x0] =	vst.idx.msk $0xffff, v4;
	v4 =	vadd.s32 v34, v13;
	v6 =	vld.idx.msk [tilespmem:v23+s13+$0x0], $0xffff;
	v13 =	vadd.s32 v15, v17  }
0x33c: {  	v22 =	vadd.s32 v30, v61;
	v7 =	vld.idx.msk [tilespmem:v7+s13+$0x0], $0xffff;
	[tilespmem:v9+s15+$0x0] =	vst.idx.msk $0xffff, v5;
	v5 =	vadd.s32 v34, v14  }
0x33d: {  	v8 =	vld.idx.msk [tilespmem:v8+s13+$0x0], $0xffff;
	[tilespmem:v19+s15+$0x0] =	vst.idx.msk $0xffff, v18;
	v9 =	vadd.s32 v30, v11  }
0x33e: {  	[tilespmem:v24+s15+$0x0] =	vst.idx.msk $0xffff, v20;
	v11 =	vld.idx.msk [tilespmem:v21+s13+$0x0], $0xffff;
	v14 =	vadd.s32 v30, v35  }
0x33f: {  	[tilespmem:v25+s15+$0x0] =	vst.idx.msk $0xffff, v26;
	v12 =	vld.idx.msk [tilespmem:v12+s13+$0x0], $0xffff;
	v15 =	vadd.s32 v30, v10  }
0x340: {  	v16 =	vadd.s32 v30, v16;
	v4 =	vld.idx.msk [tilespmem:v4+s13+$0x0], $0xffff;
	[tilespmem:v13+s15+$0x0] =	vst.idx.msk $0xffff, v6  }
0x341: {  	[tilespmem:v22+s15+$0x0] =	vst.idx.msk $0xffff, v7;
	v6 =	vadd.s32 v30, v17;
	v5 =	vld.idx.msk [tilespmem:v5+s13+$0x0], $0xffff  }
0x342: {  	s8 =	sshll.u32 s31, $0xD;
	s1 =	sshll.u32 s31, $0xA;
	[tilespmem:v9+s15+$0x0] =	vst.idx.msk $0xffff, v8  }
0x343: {  	s1 =	sand.u32 $0x1F800, s1;
	s0 =	sand.u32 $0x7FF00000, s8;
	[tilespmem:v14+s15+$0x0] =	vst.idx.msk $0xffff, v11  }
0x344: {  	s0 =	sor.u32 s1, s0;
	[tilespmem:v15+s15+$0x0] =	vst.idx.msk $0xffff, v12  }
0x345: {  	s30 =	sshrl.u32 s0, $0x3;
	[tilespmem:v16+s15+$0x0] =	vst.idx.msk $0xffff, v4  }
0x346: {  	s0 =	simm.s32 $0x0;
	s8 =	sadd.s32 s2, s30;
	[tilespmem:v6+s15+$0x0] =	vst.idx.msk $0xffff, v5  }
0x347: {  	[hbm4b:s8+s0] =	stream.linear.scatter [tilespmem:s15], [sflag:$0x5], $0x400, $0x38;
	[tilespmem:$0x8100] =	vst v63  }
0x348: {  	s1 =	sadd.s32 s30, s10;
	s8 =	simm.s32 $0x4500;
	v61 =	vld [tilespmem:$0x1FC20]  }
0x349: {  	[hbm4b:s1+s0] =	stream.linear.scatter [tilespmem:s8], [sflag:$0x5], $0x400, $0x38;
	[tilespmem:$0x8100] =	vst v63  }
0x34a: {  	s1 =	sadd.s32 s30, s11;
	s8 =	simm.s32 $0x4900  }
0x34b: {  	v1 =	vlaneseq.u32;
	[hbm4b:s1+s0] =	stream.linear.scatter [tilespmem:s8], [sflag:$0x5], $0x400, $0x38;
	[tilespmem:$0x8100] =	vst v63  }
0x34c: {  	v4 =	vadd.s32 s0, v1;
	s1 =	sadd.s32 s30, s12;
	s8 =	simm.s32 $0x4D00  }
0x34d: {  	vm0 =	vlt.u32 v4, $0x10;
	v5 =	vadd.s32 s0, v61;
	[hbm4b:s1+s0] =	stream.linear.scatter [tilespmem:s8], [sflag:$0x5], $0x400, $0x38;
	[tilespmem:$0x8100] =	vst v63  }
0x34e: {  	v5 =	vsel vm0, v4, v5;
	s1 =	sadd.s32 s30, s16;
	s8 =	simm.s32 $0x5100  }
0x34f: {  	v4 =	vshra.s32 v5, $0x1F;
	[hbm4b:s1+s0] =	stream.linear.scatter [tilespmem:s8], [sflag:$0x5], $0x400, $0x38;
	[tilespmem:$0x8100] =	vst v63  }
0x350: {  	v4 =	vshrl.u32 v4, $0x1D;
	s1 =	sadd.s32 s30, s17;
	s8 =	simm.s32 $0x3  }
0x351: {  	v55 =	vld [tilespmem:$0x1FD90];
	v4 =	vadd.s32 v4, v5;
	v6 =	vadd.s32 s8, v1;
	[hbm4b:s1+s0] =	stream.linear.scatter [tilespmem:s18], [sflag:$0x5], $0x400, $0x38  }
0x352: {  	v7 =	vadd.s32 s8, v61;
	s8 =	simm.s32 $0x5900;
	v4 =	vshra.s32 v4, $0x3;
	s1 =	sadd.s32 s30, s20;
	vm0 =	vlt.u32 v6, $0x10  }
0x353: {  	v2 =	vlaneseq.u32;
	v8 =	vshll.u32 v4, $0x3;
	v7 =	vsel vm0, v6, v7;
	[hbm4b:s1+s0] =	stream.linear.scatter [tilespmem:s8], [sflag:$0x5], $0x400, $0x38;
	[tilespmem:$0x8100] =	vst v63  }
0x354: {  	vm1 =	vlt.s32 v5, $0x1;
	vm0 =	vne.s32 v5, v8;
	s1 =	sadd.s32 s30, s21;
	v6 =	vshra.s32 v7, $0x1F;
	s8 =	simm.s32 $0x5D00  }
0x355: {  	v1 =	vimm.s32 $0x0;
	vm0 =	vmand vm1, vm0;
	v6 =	vshrl.u32 v6, $0x1D;
	[hbm4b:s1+s0] =	stream.linear.scatter [tilespmem:s8], [sflag:$0x5], $0x400, $0x38;
	[tilespmem:$0x8100] =	vst v63  }
0x356: {  	v12 =	vadd.s32 v55, v5;
	v9 =	vsel vm0, $0xFFFFFFFF, v1;
	v6 =	vadd.s32 v6, v7;
	_ =	swait.ge [sflag:s23], $0x80  }
0x357: {  	v8 =	vsub.s32 v5, v8;
	v4 =	vadd.s32 v9, v4;
	v9 =	vand.u32 $0xFFFFFFF8, v6;
	[sflag:s23] =	ssyncset.done $0x0  }
0x358: {  	v16 =	vadd.s32 v55, v7;
	vm0 =	vlt.s32 v7, $0x1;
	s1 =	sadd.s32 $0x3, s31;
	s8 =	simm.s32 $0x2;
	vm1 =	vne.s32 v7, v9;
	[sflag:s23] =	ssyncadd.s32 $0xFFFFFF80  }
0x359: {  	v8 =	vshll.u32 v8, $0x7;
	v6 =	vshrl.u32 v6, $0x3;
	v59 =	vld [tilespmem:$0x1FC30];
	vm0 =	vmand vm0, vm1;
	[tilespmem:s13], [sflag:$0x3] =	stream.indirect.gather [hbm4b:s6+s9], $0x40, s0, s9, $0xb8  }
0x35a: {  	s1 =	smin.u32 s1, s7;
	v11 =	vadd.s32 s8, v61;
	v4 =	vshll.u32 v4, $0xA;
	v30 =	vld [tilespmem:$0x1FC40];
	v10 =	vsel vm0, $0xFFFFFFFF, v1;
	_ =	swait.ge [sflag:s24], $0x2000  }
0x35b: {  	v9 =	vsub.s32 v7, v9;
	s1 =	sshll.u32 s1, $0x4;
	v6 =	vadd.s32 v10, v6;
	v10 =	vadd.s32 s8, v2;
	[sflag:s24] =	ssyncset.done $0x0  }
0x35c: {  	v4 =	vadd.s32 v8, v4;
	s1 =	sadd.s32 s5, s1;
	v9 =	vshll.u32 v9, $0x7;
	s8 =	simm.s32 $0x1;
	vm0 =	vlt.u32 v10, $0x10;
	[sflag:s24] =	ssyncadd.s32 $0xFFFFE000  }
0x35d: {  	v6 =	vshll.u32 v6, $0xA;
	v17 =	vadd.s32 s8, v2;
	v11 =	vsel vm0, v10, v11;
	[tilespmem:s9], [sflag:$0x2] =	stream.linear.gather [hbm4b:s1+s0], $0x80, $0x38;
	[tilespmem:$0x8100] =	vst v63  }
0x35e: {  	v19 =	vadd.s32 s8, v61;
	vm0 =	vlt.u32 v17, $0x10;
	v10 =	vshra.s32 v11, $0x1F;
	_ =	swait.ge [sflag:s25], $0x2000  }
0x35f: {  	v18 =	vshrl.u32 v10, $0x1D;
	v10 =	vadd.s32 v9, v6;
	v9 =	vsel vm0, v17, v19;
	[sflag:s25] =	ssyncset.done $0x0  }
0x360: {  	v8 =	vor.u32 v2, v4;
	v6 =	vadd.s32 v18, v11;
	v19 =	vshra.s32 v9, $0x1F;
	[sflag:s25] =	ssyncadd.s32 $0xFFFFE000  }
0x361: {  	v13 =	vadd.s32 v59, v5;
	v18 =	vand.u32 $0xFFFFFFF8, v6;
	v19 =	vshrl.u32 v19, $0x1D;
	v12 =	vld.idx.msk [tilespmem:v12+s14+$0x0], $0xffff  }
0x362: {  	vm0 =	vlt.s32 v11, $0x1;
	vm1 =	vne.s32 v11, v18;
	v19 =	vadd.s32 v19, v9  }
0x363: {  	v1 =	vimm.s32 $0x0;
	vm0 =	vmand vm0, vm1;
	v22 =	vand.u32 $0xFFFFFFF8, v19  }
0x364: {  	v21 =	vsel vm0, $0xFFFFFFFF, v1;
	vm0 =	vlt.s32 v9, $0x1;
	vm1 =	vne.s32 v9, v22  }
0x365: {  	vm0 =	vmand vm0, vm1  }
0x366: {  	v17 =	vor.u32 v2, v10;
	v16 =	vld.idx.msk [tilespmem:v16+s14+$0x0], $0xffff;
	[tilespmem:v8+s28+$0x0] =	vst.idx.msk $0xffff, v12;
	v8 =	vshrl.u32 v19, $0x3;
	v12 =	vsel vm0, $0xFFFFFFFF, v1  }
0x367: {  	v14 =	vor.u32 v30, v4;
	v20 =	vadd.s32 v55, v11;
	v8 =	vadd.s32 v12, v8;
	v12 =	vld.idx.msk [tilespmem:v13+s14+$0x0], $0xffff  }
0x368: {  	v6 =	vshrl.u32 v6, $0x3;
	v39 =	vld [tilespmem:$0x1FC50]  }
0x369: {  	v15 =	vadd.s32 v59, v7;
	v18 =	vsub.s32 v11, v18;
	v6 =	vadd.s32 v21, v6  }
0x36a: {  	v18 =	vshll.u32 v18, $0x7;
	v21 =	vadd.s32 v55, v9;
	v6 =	vshll.u32 v6, $0xA  }
0x36b: {  	v19 =	vsub.s32 v9, v22;
	v6 =	vadd.s32 v18, v6;
	[tilespmem:v17+s28+$0x0] =	vst.idx.msk $0xffff, v16  }
0x36c: {  	v1 =	vlaneseq.u32;
	v13 =	vshll.u32 v19, $0x7;
	v19 =	vld.idx.msk [tilespmem:v20+s14+$0x0], $0xffff;
	v8 =	vshll.u32 v8, $0xA;
	[tilespmem:v14+s28+$0x0] =	vst.idx.msk $0xffff, v12  }
0x36d: {  	v8 =	vadd.s32 v13, v8;
	v13 =	vor.u32 v1, v6;
	v18 =	vadd.s32 v39, v5;
	v38 =	vld [tilespmem:$0x1FC60];
	_ =	sdelay $0x2  }
0x36e: {  	v20 =	vld.idx.msk [tilespmem:v21+s14+$0x0], $0xffff;
	v21 =	vor.u32 v1, v8  }
0x36f: {  	v12 =	vld.idx.msk [tilespmem:v15+s14+$0x0], $0xffff;
	v14 =	vor.u32 v30, v10  }
0x370: {  	v22 =	vadd.s32 v59, v11;
	[tilespmem:v13+s28+$0x0] =	vst.idx.msk $0xffff, v19;
	v15 =	vld.idx.msk [tilespmem:v18+s14+$0x0], $0xffff;
	v16 =	vor.u32 v38, v4  }
0x371: {  	v32 =	vld [tilespmem:$0x1FC70];
	_ =	sdelay $0x1  }
0x372: {  	[tilespmem:v21+s28+$0x0] =	vst.idx.msk $0xffff, v20  }
0x373: {  	v23 =	vadd.s32 v59, v9;
	[tilespmem:v14+s28+$0x0] =	vst.idx.msk $0xffff, v12  }
0x374: {  	v17 =	vadd.s32 v39, v7;
	v18 =	vld.idx.msk [tilespmem:v22+s14+$0x0], $0xffff;
	[tilespmem:v16+s28+$0x0] =	vst.idx.msk $0xffff, v15  }
0x375: {  	v19 =	vor.u32 v30, v6;
	v13 =	vadd.s32 v32, v5;
	v28 =	vld [tilespmem:$0x1FFF0];
	_ =	sdelay $0x2  }
0x376: {  	v21 =	vor.u32 v30, v8;
	v20 =	vld.idx.msk [tilespmem:v23+s14+$0x0], $0xffff  }
0x377: {  	v12 =	vld.idx.msk [tilespmem:v17+s14+$0x0], $0xffff;
	v14 =	vor.u32 v38, v10  }
0x378: {  	[tilespmem:v19+s28+$0x0] =	vst.idx.msk $0xffff, v18;
	v13 =	vld.idx.msk [tilespmem:v13+s14+$0x0], $0xffff;
	v15 =	vor.u32 v28, v4  }
0x379: {  	v31 =	vld [tilespmem:$0x1FC80];
	_ =	sdelay $0x1  }
0x37a: {  	v22 =	vadd.s32 v39, v11;
	[tilespmem:v21+s28+$0x0] =	vst.idx.msk $0xffff, v20  }
0x37b: {  	v23 =	vadd.s32 v39, v9;
	[tilespmem:v14+s28+$0x0] =	vst.idx.msk $0xffff, v12  }
0x37c: {  	v16 =	vadd.s32 v32, v7;
	[tilespmem:v15+s28+$0x0] =	vst.idx.msk $0xffff, v13  }
0x37d: {  	v17 =	vadd.s32 v31, v5;
	v29 =	vld [tilespmem:$0x1FFE0];
	_ =	sdelay $0x1  }
0x37e: {  	v19 =	vor.u32 v38, v6;
	v18 =	vld.idx.msk [tilespmem:v22+s14+$0x0], $0xffff  }
0x37f: {  	v21 =	vor.u32 v38, v8;
	v20 =	vld.idx.msk [tilespmem:v23+s14+$0x0], $0xffff  }
0x380: {  	v12 =	vld.idx.msk [tilespmem:v16+s14+$0x0], $0xffff;
	v13 =	vor.u32 v28, v10  }
0x381: {  	v22 =	vadd.s32 v32, v11;
	v14 =	vld.idx.msk [tilespmem:v17+s14+$0x0], $0xffff;
	v15 =	vor.u32 v29, v4;
	_ =	sdelay $0x1  }
0x382: {  	[tilespmem:v19+s28+$0x0] =	vst.idx.msk $0xffff, v18  }
0x383: {  	v23 =	vadd.s32 v32, v9;
	[tilespmem:v21+s28+$0x0] =	vst.idx.msk $0xffff, v20  }
0x384: {  	v16 =	vadd.s32 v31, v7;
	[tilespmem:v13+s28+$0x0] =	vst.idx.msk $0xffff, v12  }
0x385: {  	v17 =	vadd.s32 v57, v5;
	v19 =	vor.u32 v28, v6;
	v18 =	vld.idx.msk [tilespmem:v22+s14+$0x0], $0xffff;
	[tilespmem:v15+s28+$0x0] =	vst.idx.msk $0xffff, v14  }
0x386: {  	v33 =	vld [tilespmem:$0x1FCA0]  }
0x387: {  	v22 =	vadd.s32 v31, v11  }
0x388: {  	v20 =	vld.idx.msk [tilespmem:v23+s14+$0x0], $0xffff  }
0x389: {  	v21 =	vor.u32 v28, v8;
	v12 =	vld.idx.msk [tilespmem:v16+s14+$0x0], $0xffff  }
0x38a: {  	v13 =	vor.u32 v29, v10;
	v14 =	vld.idx.msk [tilespmem:v17+s14+$0x0], $0xffff;
	[tilespmem:v19+s28+$0x0] =	vst.idx.msk $0xffff, v18  }
0x38b: {  	v34 =	vld [tilespmem:$0x1FCB0];
	v15 =	vor.u32 v33, v4  }
0x38c: {  	v19 =	vor.u32 v29, v6;
	v18 =	vld.idx.msk [tilespmem:v22+s14+$0x0], $0xffff;
	_ =	sdelay $0x1  }
0x38d: {  	[tilespmem:v21+s28+$0x0] =	vst.idx.msk $0xffff, v20  }
0x38e: {  	v23 =	vadd.s32 v31, v9;
	[tilespmem:v13+s28+$0x0] =	vst.idx.msk $0xffff, v12  }
0x38f: {  	v16 =	vadd.s32 v57, v7;
	[tilespmem:v15+s28+$0x0] =	vst.idx.msk $0xffff, v14  }
0x390: {  	v17 =	vadd.s32 v34, v5;
	v40 =	vld [tilespmem:$0x1FCC0];
	[tilespmem:v19+s28+$0x0] =	vst.idx.msk $0xffff, v18  }
0x391: {  	v22 =	vadd.s32 v57, v11;
	v36 =	vld [tilespmem:$0x1FCD0];
	_ =	sdelay $0x1  }
0x392: {  	v21 =	vor.u32 v29, v8;
	v20 =	vld.idx.msk [tilespmem:v23+s14+$0x0], $0xffff  }
0x393: {  	v23 =	vadd.s32 v57, v9;
	v12 =	vld.idx.msk [tilespmem:v16+s14+$0x0], $0xffff;
	v13 =	vor.u32 v33, v10  }
0x394: {  	v16 =	vadd.s32 v34, v7;
	v14 =	vld.idx.msk [tilespmem:v17+s14+$0x0], $0xffff;
	v15 =	vor.u32 v40, v4  }
0x395: {  	v19 =	vor.u32 v33, v6;
	v18 =	vld.idx.msk [tilespmem:v22+s14+$0x0], $0xffff;
	v17 =	vadd.s32 v36, v5;
	_ =	sdelay $0x1  }
0x396: {  	[tilespmem:v21+s28+$0x0] =	vst.idx.msk $0xffff, v20  }
0x397: {  	v21 =	vor.u32 v33, v8;
	v22 =	vadd.s32 v34, v11;
	[tilespmem:v13+s28+$0x0] =	vst.idx.msk $0xffff, v12;
	v20 =	vld.idx.msk [tilespmem:v23+s14+$0x0], $0xffff  }
0x398: {  	v23 =	vadd.s32 v34, v9;
	v12 =	vld.idx.msk [tilespmem:v16+s14+$0x0], $0xffff;
	v13 =	vor.u32 v40, v10;
	[tilespmem:v15+s28+$0x0] =	vst.idx.msk $0xffff, v14  }
0x399: {  	[tilespmem:v19+s28+$0x0] =	vst.idx.msk $0xffff, v18;
	v14 =	vor.u32 v48, v4;
	v15 =	vld.idx.msk [tilespmem:v17+s14+$0x0], $0xffff  }
0x39a: {  	v37 =	vld [tilespmem:$0x1FCE0];
	_ =	sdelay $0x1  }
0x39b: {  	v16 =	vadd.s32 v36, v7;
	v19 =	vor.u32 v40, v6;
	v18 =	vld.idx.msk [tilespmem:v22+s14+$0x0], $0xffff;
	[tilespmem:v21+s28+$0x0] =	vst.idx.msk $0xffff, v20  }
0x39c: {  	v22 =	vadd.s32 v36, v11;
	v21 =	vor.u32 v40, v8;
	[tilespmem:v13+s28+$0x0] =	vst.idx.msk $0xffff, v12;
	v20 =	vld.idx.msk [tilespmem:v23+s14+$0x0], $0xffff  }
0x39d: {  	v23 =	vadd.s32 v36, v9;
	[tilespmem:v14+s28+$0x0] =	vst.idx.msk $0xffff, v15  }
0x39e: {  	v54 =	vmov v57;
	v17 =	vadd.s32 v37, v5;
	v57 =	vld [tilespmem:$0x1FCF0];
	_ =	sdelay $0x1  }
0x39f: {  	v13 =	vor.u32 v48, v10;
	v12 =	vld.idx.msk [tilespmem:v16+s14+$0x0], $0xffff;
	[tilespmem:v19+s28+$0x0] =	vst.idx.msk $0xffff, v18  }
0x3a0: {  	[tilespmem:v21+s28+$0x0] =	vst.idx.msk $0xffff, v20;
	v19 =	vor.u32 v48, v6;
	v18 =	vld.idx.msk [tilespmem:v22+s14+$0x0], $0xffff  }
0x3a1: {  	v21 =	vor.u32 v48, v8;
	v20 =	vld.idx.msk [tilespmem:v23+s14+$0x0], $0xffff  }
0x3a2: {  	v15 =	vld.idx.msk [tilespmem:v17+s14+$0x0], $0xffff;
	v14 =	vadd.s32 v57, v4;
	_ =	sdelay $0x1  }
0x3a3: {  	[tilespmem:v13+s28+$0x0] =	vst.idx.msk $0xffff, v12  }
0x3a4: {  	[tilespmem:v19+s28+$0x0] =	vst.idx.msk $0xffff, v18  }
0x3a5: {  	v16 =	vadd.s32 v37, v7;
	[tilespmem:v21+s28+$0x0] =	vst.idx.msk $0xffff, v20  }
0x3a6: {  	v17 =	vadd.s32 v46, v5;
	[tilespmem:v14+s28+$0x0] =	vst.idx.msk $0xffff, v15  }
0x3a7: {  	v22 =	vadd.s32 v37, v11;
	v1 =	vld [tilespmem:$0x1FFC0];
	_ =	sdelay $0x2  }
0x3a8: {  	v23 =	vadd.s32 v37, v9;
	v12 =	vld.idx.msk [tilespmem:v16+s14+$0x0], $0xffff;
	v13 =	vadd.s32 v57, v10  }
0x3a9: {  	v16 =	vadd.s32 v46, v7;
	v14 =	vadd.s32 v47, v4;
	v15 =	vld.idx.msk [tilespmem:v17+s14+$0x0], $0xffff  }
0x3aa: {  	v19 =	vadd.s32 v57, v6;
	v17 =	vld.idx.msk [tilespmem:v22+s14+$0x0], $0xffff;
	v18 =	vadd.s32 v1, v5  }
0x3ab: {  	v22 =	vadd.s32 v46, v11;
	_ =	sdelay $0x1  }
0x3ac: {  	v21 =	vadd.s32 v57, v8;
	v20 =	vld.idx.msk [tilespmem:v23+s14+$0x0], $0xffff;
	[tilespmem:v13+s28+$0x0] =	vst.idx.msk $0xffff, v12  }
0x3ad: {  	v13 =	vadd.s32 v47, v10;
	v12 =	vld.idx.msk [tilespmem:v16+s14+$0x0], $0xffff;
	[tilespmem:v14+s28+$0x0] =	vst.idx.msk $0xffff, v15  }
0x3ae: {  	v23 =	vadd.s32 v46, v9;
	v16 =	vadd.s32 v43, v4;
	[tilespmem:v19+s28+$0x0] =	vst.idx.msk $0xffff, v17;
	v14 =	vld.idx.msk [tilespmem:v18+s14+$0x0], $0xffff  }
0x3af: {  	v17 =	vld.idx.msk [tilespmem:v22+s14+$0x0], $0xffff;
	v18 =	vadd.s32 v47, v6;
	_ =	sdelay $0x1  }
0x3b0: {  	[tilespmem:v21+s28+$0x0] =	vst.idx.msk $0xffff, v20  }
0x3b1: {  	v15 =	vadd.s32 v1, v7;
	[tilespmem:v13+s28+$0x0] =	vst.idx.msk $0xffff, v12  }
0x3b2: {  	v21 =	vadd.s32 v47, v8;
	v20 =	vld.idx.msk [tilespmem:v23+s14+$0x0], $0xffff;
	v22 =	vadd.s32 v1, v11;
	[tilespmem:v16+s28+$0x0] =	vst.idx.msk $0xffff, v14  }
0x3b3: {  	[tilespmem:v18+s28+$0x0] =	vst.idx.msk $0xffff, v17  }
0x3b4: {  	v19 =	vadd.s32 v42, v5;
	v2 =	vld [tilespmem:$0x1FF90];
	_ =	sdelay $0x1  }
0x3b5: {  	v41 =	vlaneseq.u32;
	s8 =	simm.s32 $0x4;
	v15 =	vld.idx.msk [tilespmem:v15+s14+$0x0], $0xffff  }
0x3b6: {  	v12 =	vadd.s32 s8, v41;
	v14 =	vadd.s32 v43, v10;
	[tilespmem:v21+s28+$0x0] =	vst.idx.msk $0xffff, v20;
	v20 =	vld.idx.msk [tilespmem:v22+s14+$0x0], $0xffff  }
0x3b7: {  	vm0 =	vlt.u32 v12, $0x10;
	v16 =	vadd.s32 s8, v61;
	v22 =	vadd.s32 v43, v6;
	v25 =	vld [tilespmem:$0x1FF60]  }
0x3b8: {  	v12 =	vsel vm0, v12, v16;
	v16 =	vld.idx.msk [tilespmem:v19+s14+$0x0], $0xffff;
	v18 =	vadd.s32 v2, v4;
	_ =	sdelay $0x1  }
0x3b9: {  	v13 =	vadd.s32 v1, v9  }
0x3ba: {  	v17 =	vadd.s32 v42, v7;
	[tilespmem:v14+s28+$0x0] =	vst.idx.msk $0xffff, v15  }
0x3bb: {  	v1 =	vld [tilespmem:$0x1FF30];
	[tilespmem:v22+s28+$0x0] =	vst.idx.msk $0xffff, v20;
	v21 =	vadd.s32 v25, v5  }
0x3bc: {  	v24 =	vadd.s32 v42, v11;
	[tilespmem:v18+s28+$0x0] =	vst.idx.msk $0xffff, v16  }
0x3bd: {  	v23 =	vadd.s32 v43, v8;
	v43 =	vadd.s32 v42, v9;
	v42 =	vld [tilespmem:$0x1FFA0]  }
0x3be: {  	v13 =	vld.idx.msk [tilespmem:v13+s14+$0x0], $0xffff  }
0x3bf: {  	v17 =	vld.idx.msk [tilespmem:v17+s14+$0x0], $0xffff  }
0x3c0: {  	v19 =	vshra.s32 v12, $0x1F;
	v26 =	vadd.s32 v2, v10;
	v18 =	vld.idx.msk [tilespmem:v21+s14+$0x0], $0xffff  }
0x3c1: {  	v19 =	vshrl.u32 v19, $0x1D;
	v22 =	vadd.s32 v2, v6;
	v21 =	vld.idx.msk [tilespmem:v24+s14+$0x0], $0xffff  }
0x3c2: {  	v19 =	vadd.s32 v19, v12;
	v20 =	vadd.s32 v42, v4  }
0x3c3: {  	v15 =	vshra.s32 v19, $0x3  }
0x3c4: {  	v27 =	vshll.u32 v15, $0x3;
	[tilespmem:v23+s28+$0x0] =	vst.idx.msk $0xffff, v13  }
0x3c5: {  	vm0 =	vlt.s32 v12, $0x1;
	vm1 =	vne.s32 v12, v27;
	v16 =	vadd.s32 v25, v7;
	[tilespmem:v26+s28+$0x0] =	vst.idx.msk $0xffff, v17  }
0x3c6: {  	v35 =	vimm.s32 $0x0;
	vm0 =	vmand vm0, vm1;
	v24 =	vadd.s32 v25, v11;
	[tilespmem:v22+s28+$0x0] =	vst.idx.msk $0xffff, v21  }
0x3c7: {  	v19 =	vadd.s32 v55, v12;
	v14 =	vadd.s32 v1, v5;
	v13 =	vsel vm0, $0xFFFFFFFF, v35;
	[tilespmem:v20+s28+$0x0] =	vst.idx.msk $0xffff, v18  }
0x3c8: {  	v23 =	vsub.s32 v12, v27;
	v27 =	vmovc v25;
	v25 =	vadd.s32 v2, v8;
	v13 =	vadd.s32 v13, v15;
	v2 =	vld [tilespmem:$0x1FEF0]  }
0x3c9: {  	v15 =	vld.idx.msk [tilespmem:v43+s14+$0x0], $0xffff;
	v17 =	vshll.u32 v23, $0x7;
	v13 =	vshll.u32 v13, $0xA  }
0x3ca: {  	v13 =	vadd.s32 v17, v13;
	v16 =	vld.idx.msk [tilespmem:v16+s14+$0x0], $0xffff;
	v17 =	vadd.s32 v42, v10  }
0x3cb: {  	v23 =	vadd.s32 v27, v9;
	v27 =	vadd.s32 v42, v6;
	v24 =	vld.idx.msk [tilespmem:v24+s14+$0x0], $0xffff  }
0x3cc: {  	v19 =	vld.idx.msk [tilespmem:v19+s14+$0x0], $0xffff;
	v18 =	vor.u32 v41, v13  }
0x3cd: {  	v14 =	vld.idx.msk [tilespmem:v14+s14+$0x0], $0xffff;
	v22 =	vadd.s32 v2, v4  }
0x3ce: {  	v43 =	vld [tilespmem:$0x1FF00];
	[tilespmem:v25+s28+$0x0] =	vst.idx.msk $0xffff, v15  }
0x3cf: {  	[tilespmem:v17+s28+$0x0] =	vst.idx.msk $0xffff, v16  }
0x3d0: {  	v20 =	vadd.s32 v1, v7;
	[tilespmem:v27+s28+$0x0] =	vst.idx.msk $0xffff, v24  }
0x3d1: {  	v21 =	vadd.s32 v59, v12;
	[tilespmem:v18+s28+$0x0] =	vst.idx.msk $0xffff, v19  }
0x3d2: {  	v15 =	vadd.s32 v1, v11;
	v23 =	vld.idx.msk [tilespmem:v23+s14+$0x0], $0xffff;
	[tilespmem:v22+s28+$0x0] =	vst.idx.msk $0xffff, v14  }
0x3d3: {  	v26 =	vadd.s32 v43, v5;
	v14 =	vor.u32 v30, v13;
	v30 =	vld [tilespmem:$0x1FED0]  }
0x3d4: {  	v25 =	vadd.s32 v42, v8;
	v42 =	vld [tilespmem:$0x1FEE0]  }
0x3d5: {  	v16 =	vadd.s32 v1, v9;
	v17 =	vld.idx.msk [tilespmem:v20+s14+$0x0], $0xffff;
	v18 =	vadd.s32 v2, v10  }
0x3d6: {  	v19 =	vld.idx.msk [tilespmem:v21+s14+$0x0], $0xffff;
	v20 =	vadd.s32 v43, v7  }
0x3d7: {  	v15 =	vld.idx.msk [tilespmem:v15+s14+$0x0], $0xffff;
	v27 =	vadd.s32 v2, v6;
	v22 =	vadd.s32 v39, v12  }
0x3d8: {  	v21 =	vld.idx.msk [tilespmem:v26+s14+$0x0], $0xffff;
	v24 =	vadd.s32 v30, v4  }
0x3d9: {  	[tilespmem:v25+s28+$0x0] =	vst.idx.msk $0xffff, v23;
	v26 =	vadd.s32 v42, v5  }
0x3da: {  	v23 =	vadd.s32 v43, v11;
	[tilespmem:v18+s28+$0x0] =	vst.idx.msk $0xffff, v17;
	v16 =	vld.idx.msk [tilespmem:v16+s14+$0x0], $0xffff  }
0x3db: {  	v25 =	vadd.s32 v2, v8;
	[tilespmem:v14+s28+$0x0] =	vst.idx.msk $0xffff, v19;
	v14 =	vld.idx.msk [tilespmem:v20+s14+$0x0], $0xffff  }
0x3dc: {  	v17 =	vadd.s32 v43, v9;
	[tilespmem:v27+s28+$0x0] =	vst.idx.msk $0xffff, v15;
	v20 =	vor.u32 v38, v13;
	v19 =	vld.idx.msk [tilespmem:v22+s14+$0x0], $0xffff  }
0x3dd: {  	v15 =	vadd.s32 v32, v12;
	v18 =	vadd.s32 v30, v10;
	[tilespmem:v24+s28+$0x0] =	vst.idx.msk $0xffff, v21  }
0x3de: {  	v21 =	vadd.s32 v42, v7;
	v24 =	vadd.s32 v63, v4;
	v22 =	vld.idx.msk [tilespmem:v26+s14+$0x0], $0xffff  }
0x3df: {  	v23 =	vld.idx.msk [tilespmem:v23+s14+$0x0], $0xffff;
	v27 =	vadd.s32 v30, v6;
	v26 =	vadd.s32 v49, v5  }
0x3e0: {  	[tilespmem:v25+s28+$0x0] =	vst.idx.msk $0xffff, v16  }
0x3e1: {  	v16 =	vadd.s32 v42, v11;
	v25 =	vadd.s32 v30, v8;
	v17 =	vld.idx.msk [tilespmem:v17+s14+$0x0], $0xffff;
	[tilespmem:v20+s28+$0x0] =	vst.idx.msk $0xffff, v19  }
0x3e2: {  	[tilespmem:v18+s28+$0x0] =	vst.idx.msk $0xffff, v14;
	v14 =	vadd.s32 v42, v9;
	v20 =	vor.u32 v28, v13;
	v15 =	vld.idx.msk [tilespmem:v15+s14+$0x0], $0xffff  }
0x3e3: {  	v19 =	vadd.s32 v63, v10;
	v18 =	vld.idx.msk [tilespmem:v21+s14+$0x0], $0xffff;
	[tilespmem:v24+s28+$0x0] =	vst.idx.msk $0xffff, v22  }
0x3e4: {  	[tilespmem:v27+s28+$0x0] =	vst.idx.msk $0xffff, v23;
	v23 =	vadd.s32 v53, v4;
	v22 =	vadd.s32 v49, v7;
	v21 =	vld.idx.msk [tilespmem:v26+s14+$0x0], $0xffff  }
0x3e5: {  	v24 =	vadd.s32 v31, v12  }
0x3e6: {  	v16 =	vld.idx.msk [tilespmem:v16+s14+$0x0], $0xffff;
	[tilespmem:v25+s28+$0x0] =	vst.idx.msk $0xffff, v17;
	v25 =	vadd.s32 v56, v5;
	v26 =	vadd.s32 v63, v6  }
0x3e7: {  	v27 =	vadd.s32 v63, v8;
	v28 =	vadd.s32 v49, v11;
	v14 =	vld.idx.msk [tilespmem:v14+s14+$0x0], $0xffff;
	[tilespmem:v20+s28+$0x0] =	vst.idx.msk $0xffff, v15  }
0x3e8: {  	[tilespmem:v19+s28+$0x0] =	vst.idx.msk $0xffff, v18  }
0x3e9: {  	v15 =	vld.idx.msk [tilespmem:v22+s14+$0x0], $0xffff;
	[tilespmem:v23+s28+$0x0] =	vst.idx.msk $0xffff, v21;
	v21 =	vadd.s32 v53, v10  }
0x3ea: {  	v19 =	vadd.s32 v49, v9;
	v22 =	vld.idx.msk [tilespmem:v24+s14+$0x0], $0xffff;
	v23 =	vor.u32 v29, v13  }
0x3eb: {  	[tilespmem:v26+s28+$0x0] =	vst.idx.msk $0xffff, v16;
	v16 =	vld.idx.msk [tilespmem:v25+s14+$0x0], $0xffff  }
0x3ec: {  	[tilespmem:v27+s28+$0x0] =	vst.idx.msk $0xffff, v14;
	v24 =	vadd.s32 v56, v7;
	v14 =	vld.idx.msk [tilespmem:v28+s14+$0x0], $0xffff  }
0x3ed: {  	v26 =	vadd.s32 v58, v4;
	v25 =	vadd.s32 v54, v12;
	v49 =	vld [tilespmem:$0x1FE90]  }
0x3ee: {  	v27 =	vadd.s32 v60, v5;
	v28 =	vadd.s32 v53, v6;
	v43 =	vld [tilespmem:$0x1FE80];
	[tilespmem:v21+s28+$0x0] =	vst.idx.msk $0xffff, v15  }
0x3ef: {  	v31 =	vadd.s32 v56, v11;
	v29 =	vadd.s32 v53, v8;
	v19 =	vld.idx.msk [tilespmem:v19+s14+$0x0], $0xffff;
	[tilespmem:v23+s28+$0x0] =	vst.idx.msk $0xffff, v22  }
0x3f0: {  	v35 =	vadd.s32 v36, v12;
	v1 =	vld [tilespmem:$0x1FEB0]  }
0x3f1: {  	v36 =	vadd.s32 v58, v8;
	v33 =	vor.u32 v33, v13;
	v39 =	vadd.s32 v45, v6;
	v24 =	vld.idx.msk [tilespmem:v24+s14+$0x0], $0xffff  }
0x3f2: {  	v15 =	vadd.s32 v56, v9;
	[tilespmem:v26+s28+$0x0] =	vst.idx.msk $0xffff, v16;
	v16 =	vadd.s32 v58, v10;
	v25 =	vld.idx.msk [tilespmem:v25+s14+$0x0], $0xffff  }
0x3f3: {  	v17 =	vadd.s32 v44, v5;
	v20 =	vadd.s32 v62, v5;
	[tilespmem:v28+s28+$0x0] =	vst.idx.msk $0xffff, v14;
	v27 =	vld.idx.msk [tilespmem:v27+s14+$0x0], $0xffff  }
0x3f4: {  	v18 =	vadd.s32 v50, v5;
	v54 =	vadd.s32 v3, v8;
	[tilespmem:v29+s28+$0x0] =	vst.idx.msk $0xffff, v19;
	v29 =	vld.idx.msk [tilespmem:v31+s14+$0x0], $0xffff  }
0x3f5: {  	v23 =	vadd.s32 v46, v12;
	v46 =	vadd.s32 v3, v4;
	v14 =	vadd.s32 v60, v7;
	v53 =	vld [tilespmem:$0x1FDF0]  }
0x3f6: {  	v28 =	vadd.s32 v34, v12;
	v19 =	vadd.s32 v52, v4;
	v31 =	vadd.s32 v58, v6;
	v52 =	vld [tilespmem:$0x1FD10]  }
0x3f7: {  	v56 =	vadd.s32 v60, v11;
	v30 =	vadd.s32 v49, v5;
	v15 =	vld.idx.msk [tilespmem:v15+s14+$0x0], $0xffff;
	[tilespmem:v16+s28+$0x0] =	vst.idx.msk $0xffff, v24  }
0x3f8: {  	v32 =	vadd.s32 v43, v5;
	v22 =	vadd.s32 v1, v5;
	[tilespmem:v33+s28+$0x0] =	vst.idx.msk $0xffff, v25  }
0x3f9: {  	v26 =	vadd.s32 v37, v12;
	v16 =	vadd.s32 v60, v9;
	v25 =	vadd.s32 v45, v4;
	v2 =	vld [tilespmem:$0x1FD00]  }
0x3fa: {  	v24 =	vadd.s32 v47, v13;
	v60 =	vadd.s32 v3, v10;
	v58 =	vld.idx.msk [tilespmem:v14+s14+$0x0], $0xffff;
	[tilespmem:v46+s28+$0x0] =	vst.idx.msk $0xffff, v27  }
0x3fb: {  	s1 =	simm.s32 $0x7;
	v44 =	vadd.s32 v1, v7;
	v28 =	vld.idx.msk [tilespmem:v28+s14+$0x0], $0xffff;
	v27 =	vor.u32 v40, v13;
	[tilespmem:v31+s28+$0x0] =	vst.idx.msk $0xffff, v29  }
0x3fc: {  	v47 =	vadd.s32 v3, v6;
	v14 =	vadd.s32 s1, v41;
	[tilespmem:v36+s28+$0x0] =	vst.idx.msk $0xffff, v15;
	v15 =	vld.idx.msk [tilespmem:v56+s14+$0x0], $0xffff  }
0x3fd: {  	v41 =	vadd.s32 v45, v8;
	v31 =	vor.u32 v48, v13;
	v29 =	vadd.s32 v57, v13;
	v46 =	vld.idx.msk [tilespmem:v22+s14+$0x0], $0xffff  }
0x3fe: {  	vm0 =	vlt.u32 v14, $0x10;
	v57 =	vadd.s32 v1, v9;
	v56 =	vadd.s32 v1, v11;
	v16 =	vld.idx.msk [tilespmem:v16+s14+$0x0], $0xffff  }
0x3ff: {  	v21 =	vadd.s32 v53, v4;
	v42 =	vadd.s32 v52, v4;
	v22 =	vadd.s32 s1, v61;
	[tilespmem:v60+s28+$0x0] =	vst.idx.msk $0xffff, v58  }
0x400: {  	v1 =	vmov v43;
	v33 =	vadd.s32 v2, v4;
	v14 =	vsel vm0, v14, v22;
	[tilespmem:v27+s28+$0x0] =	vst.idx.msk $0xffff, v28  }
0x401: {  	v22 =	vadd.s32 v50, v7;
	v58 =	vadd.s32 v45, v10;
	v27 =	vshra.s32 v14, $0x1F;
	[tilespmem:v47+s28+$0x0] =	vst.idx.msk $0xffff, v15  }
0x402: {  	v28 =	vld.idx.msk [tilespmem:v44+s14+$0x0], $0xffff;
	vm0 =	vlt.s32 v14, $0x1;
	v37 =	vadd.s32 v59, v14;
	v27 =	vshrl.u32 v27, $0x1D;
	[tilespmem:v25+s28+$0x0] =	vst.idx.msk $0xffff, v46  }
0x403: {  	v3 =	vimm.s32 $0x0;
	v40 =	vadd.s32 v55, v14;
	v27 =	vadd.s32 v27, v14;
	[tilespmem:v54+s28+$0x0] =	vst.idx.msk $0xffff, v16;
	v16 =	vld.idx.msk [tilespmem:v56+s14+$0x0], $0xffff  }
0x404: {  	v15 =	vadd.s32 v43, v7;
	v43 =	vadd.s32 v49, v7;
	v60 =	vand.u32 $0xFFFFFFF8, v27;
	v32 =	vld.idx.msk [tilespmem:v32+s14+$0x0], $0xffff  }
0x405: {  	v25 =	vadd.s32 v62, v7;
	v54 =	vadd.s32 v1, v11;
	v56 =	vld.idx.msk [tilespmem:v35+s14+$0x0], $0xffff;
	vm1 =	vne.s32 v14, v60  }
0x406: {  	v27 =	vshrl.u32 v27, $0x3;
	v38 =	vld.idx.msk [tilespmem:v57+s14+$0x0], $0xffff;
	v57 =	vadd.s32 v1, v9;
	v1 =	vmovc v2;
	vm0 =	vmand vm0, vm1  }
0x407: {  	[tilespmem:v58+s28+$0x0] =	vst.idx.msk $0xffff, v28;
	v58 =	vsub.s32 v14, v60;
	v60 =	vadd.s32 v2, v10;
	v28 =	vsel vm0, $0xFFFFFFFF, v3  }
0x408: {  	v36 =	vadd.s32 v1, v8;
	v27 =	vadd.s32 v28, v27;
	[tilespmem:v39+s28+$0x0] =	vst.idx.msk $0xffff, v16  }
0x409: {  	s8 =	simm.s32 $0x6;
	v2 =	vlaneseq.u32;
	v59 =	vld.idx.msk [tilespmem:v15+s14+$0x0], $0xffff;
	v28 =	vadd.s32 v53, v10;
	v15 =	vshll.u32 v27, $0xA;
	[tilespmem:v33+s28+$0x0] =	vst.idx.msk $0xffff, v32  }
0x40a: {  	v47 =	vmovc v62;
	v27 =	vshll.u32 v58, $0x7;
	v16 =	vadd.s32 s8, v2;
	[tilespmem:v31+s28+$0x0] =	vst.idx.msk $0xffff, v56;
	v31 =	vadd.s32 s8, v61;
	v30 =	vld.idx.msk [tilespmem:v30+s14+$0x0], $0xffff  }
0x40b: {  	v15 =	vadd.s32 v27, v15;
	[tilespmem:v41+s28+$0x0] =	vst.idx.msk $0xffff, v38;
	vm0 =	vlt.u32 v16, $0x10;
	v38 =	vadd.s32 v1, v6  }
0x40c: {  	v35 =	vld.idx.msk [tilespmem:v54+s14+$0x0], $0xffff;
	v33 =	vadd.s32 v49, v11;
	v32 =	vadd.s32 v49, v9;
	v16 =	vsel vm0, v16, v31  }
0x40d: {  	v46 =	vmovc v52;
	v39 =	vld.idx.msk [tilespmem:v26+s14+$0x0], $0xffff;
	v31 =	vadd.s32 v52, v10;
	v41 =	vor.u32 v2, v15;
	v26 =	vshra.s32 v16, $0x1F  }
0x40e: {  	v27 =	vld.idx.msk [tilespmem:v57+s14+$0x0], $0xffff;
	vm0 =	vlt.s32 v16, $0x1;
	[tilespmem:v60+s28+$0x0] =	vst.idx.msk $0xffff, v59;
	v61 =	vshrl.u32 v26, $0x1D;
	v26 =	vadd.s32 v50, v11  }
0x40f: {  	s31 =	simm.s32 $0x8;
	s0 =	simm.s32 $0x5;
	v34 =	vld.idx.msk [tilespmem:v43+s14+$0x0], $0xffff;
	[tilespmem:v42+s28+$0x0] =	vst.idx.msk $0xffff, v30;
	v42 =	vadd.s32 v61, v16;
	v30 =	vadd.s32 v62, v11  }
.LBB2_5:
0x410: {  	v50 =	vld [tilespmem:$0x1FD90]  }
0x411: {  	v55 =	vld [tilespmem:$0x1FC20]  }
0x412: {  	v2 =	vld [tilespmem:$0x1FE00]  }
0x413: {  	v44 =	vshrl.u32 v42, $0x3;
	v52 =	vand.u32 $0xFFFFFFF8, v42;
	v42 =	vld [tilespmem:$0x1FC40]  }
0x414: {  	v3 =	vld [tilespmem:$0x1FC50]  }
0x415: {  	[tilespmem:v38+s28+$0x0] =	vst.idx.msk $0xffff, v35;
	v38 =	vld [tilespmem:$0x1FE10]  }
0x416: {  	[tilespmem:v29+s28+$0x0] =	vst.idx.msk $0xffff, v39;
	v39 =	vld [tilespmem:$0x1FE20]  }
0x417: {  	[tilespmem:v36+s28+$0x0] =	vst.idx.msk $0xffff, v27;
	v33 =	vld.idx.msk [tilespmem:v33+s14+$0x0], $0xffff  }
0x418: {  	v1 =	vlaneseq.u32;
	v32 =	vld.idx.msk [tilespmem:v32+s14+$0x0], $0xffff  }
0x419: {  	v43 =	vadd.s32 s0, v1;
	v54 =	vld.idx.msk [tilespmem:v20+s14+$0x0], $0xffff  }
0x41a: {  	v53 =	vadd.s32 v46, v6;
	vm1 =	vlt.u32 v43, $0x10;
	[tilespmem:v31+s28+$0x0] =	vst.idx.msk $0xffff, v34;
	v49 =	vadd.s32 s0, v55;
	v23 =	vld.idx.msk [tilespmem:v23+s14+$0x0], $0xffff  }
0x41b: {  	v56 =	vadd.s32 v46, v8;
	v34 =	vld.idx.msk [tilespmem:v40+s14+$0x0], $0xffff;
	v27 =	vsel vm1, v43, v49  }
0x41c: {  	v46 =	vimm.s32 $0x0;
	v25 =	vld.idx.msk [tilespmem:v25+s14+$0x0], $0xffff;
	vm1 =	vne.s32 v16, v52;
	v29 =	vshra.s32 v27, $0x1F  }
0x41d: {  	v57 =	vadd.s32 v47, v9;
	v43 =	vld [tilespmem:$0x1FC70];
	vm0 =	vmand vm0, vm1;
	v20 =	vshrl.u32 v29, $0x1D  }
0x41e: {  	v29 =	vsel vm0, $0xFFFFFFFF, v46;
	v31 =	vadd.s32 v20, v27;
	v20 =	vsub.s32 v16, v52;
	v52 =	vld [tilespmem:$0x1FDF0]  }
0x41f: {  	v45 =	vadd.s32 v50, v16;
	v29 =	vadd.s32 v29, v44;
	v44 =	vld [tilespmem:$0x1FC60];
	[tilespmem:v53+s28+$0x0] =	vst.idx.msk $0xffff, v33  }
0x420: {  	v59 =	vadd.s32 v50, v27;
	v29 =	vshll.u32 v29, $0xA;
	v20 =	vshll.u32 v20, $0x7;
	[tilespmem:v56+s28+$0x0] =	vst.idx.msk $0xffff, v32;
	v56 =	vld [tilespmem:$0x1FC30]  }
0x421: {  	v58 =	vand.u32 $0xFFFFFFF8, v31;
	[tilespmem:v21+s28+$0x0] =	vst.idx.msk $0xffff, v54;
	v20 =	vadd.s32 v20, v29;
	v29 =	vld.idx.msk [tilespmem:v30+s14+$0x0], $0xffff  }
0x422: {  	vm0 =	vlt.s32 v27, $0x1;
	[tilespmem:v41+s28+$0x0] =	vst.idx.msk $0xffff, v34;
	vm1 =	vne.s32 v27, v58;
	v21 =	vld.idx.msk [tilespmem:v57+s14+$0x0], $0xffff  }
0x423: {  	v37 =	vld.idx.msk [tilespmem:v37+s14+$0x0], $0xffff;
	vm0 =	vmand vm0, vm1  }
0x424: {  	v30 =	vshrl.u32 v31, $0x3;
	v57 =	vld [tilespmem:$0x1FE30];
	v31 =	vsel vm0, $0xFFFFFFFF, v46;
	v60 =	vadd.s32 v52, v6  }
0x425: {  	v61 =	vsub.s32 v27, v58;
	v49 =	vld.idx.msk [tilespmem:v59+s14+$0x0], $0xffff;
	v30 =	vadd.s32 v31, v30;
	v62 =	vadd.s32 v52, v8  }
0x426: {  	v31 =	vld.idx.msk [tilespmem:v18+s14+$0x0], $0xffff;
	[tilespmem:v24+s28+$0x0] =	vst.idx.msk $0xffff, v23;
	v23 =	vshll.u32 v61, $0x7;
	v18 =	vshll.u32 v30, $0xA;
	v30 =	vadd.s32 v2, v9  }
0x427: {  	[tilespmem:v28+s28+$0x0] =	vst.idx.msk $0xffff, v25;
	v24 =	vld.idx.msk [tilespmem:v45+s14+$0x0], $0xffff;
	v18 =	vadd.s32 v23, v18;
	v23 =	vor.u32 v1, v20  }
0x428: {  	v22 =	vld.idx.msk [tilespmem:v22+s14+$0x0], $0xffff;
	v54 =	vadd.s32 v56, v16;
	v53 =	vor.u32 v1, v18  }
0x429: {  	v28 =	vor.u32 v42, v15;
	v61 =	vld [tilespmem:$0x1FE40];
	v25 =	vadd.s32 v56, v27;
	[tilespmem:v60+s28+$0x0] =	vst.idx.msk $0xffff, v29  }
0x42a: {  	v29 =	vadd.s32 v3, v14;
	[tilespmem:v62+s28+$0x0] =	vst.idx.msk $0xffff, v21;
	v21 =	vld.idx.msk [tilespmem:v26+s14+$0x0], $0xffff;
	v26 =	vadd.s32 v38, v10  }
0x42b: {  	[tilespmem:v19+s28+$0x0] =	vst.idx.msk $0xffff, v31;
	v31 =	vadd.s32 v39, v7;
	v19 =	vld.idx.msk [tilespmem:v30+s14+$0x0], $0xffff;
	v30 =	vadd.s32 v38, v6  }
0x42c: {  	v17 =	vld.idx.msk [tilespmem:v17+s14+$0x0], $0xffff;
	[tilespmem:v23+s28+$0x0] =	vst.idx.msk $0xffff, v24;
	v23 =	vadd.s32 v38, v8;
	v24 =	vadd.s32 v39, v11  }
0x42d: {  	[tilespmem:v53+s28+$0x0] =	vst.idx.msk $0xffff, v49;
	v32 =	vld.idx.msk [tilespmem:v54+s14+$0x0], $0xffff  }
0x42e: {  	v59 =	vadd.s32 v39, v9;
	v58 =	vadd.s32 v57, v4;
	[tilespmem:v28+s28+$0x0] =	vst.idx.msk $0xffff, v37;
	v25 =	vld.idx.msk [tilespmem:v25+s14+$0x0], $0xffff  }
0x42f: {  	v29 =	vld.idx.msk [tilespmem:v29+s14+$0x0], $0xffff;
	[tilespmem:v26+s28+$0x0] =	vst.idx.msk $0xffff, v22  }
0x430: {  	v60 =	vor.u32 v42, v20;
	[tilespmem:v30+s28+$0x0] =	vst.idx.msk $0xffff, v21;
	v21 =	vld.idx.msk [tilespmem:v31+s14+$0x0], $0xffff  }
0x431: {  	v28 =	vadd.s32 v61, v5;
	v62 =	vor.u32 v42, v18;
	[tilespmem:v23+s28+$0x0] =	vst.idx.msk $0xffff, v19;
	v19 =	vld.idx.msk [tilespmem:v24+s14+$0x0], $0xffff  }
0x432: {  	v53 =	vadd.s32 v57, v8;
	v23 =	vadd.s32 v57, v10;
	v24 =	vadd.s32 v57, v6;
	v57 =	vld [tilespmem:$0x1FE50]  }
0x433: {  	v49 =	vadd.s32 v3, v16;
	v54 =	vadd.s32 v61, v11;
	[tilespmem:v58+s28+$0x0] =	vst.idx.msk $0xffff, v17;
	v17 =	vld.idx.msk [tilespmem:v59+s14+$0x0], $0xffff  }
0x434: {  	v26 =	vor.u32 v44, v15;
	v31 =	vadd.s32 v61, v7;
	v59 =	vadd.s32 v61, v9;
	v61 =	vld [tilespmem:$0x1FE60]  }
0x435: {  	v30 =	vadd.s32 v43, v14  }
0x436: {  	v22 =	vadd.s32 v3, v27  }
0x437: {  	v45 =	vld [tilespmem:$0x1FC80];
	[tilespmem:v60+s28+$0x0] =	vst.idx.msk $0xffff, v32  }
0x438: {  	v28 =	vld.idx.msk [tilespmem:v28+s14+$0x0], $0xffff;
	[tilespmem:v62+s28+$0x0] =	vst.idx.msk $0xffff, v25;
	v58 =	vadd.s32 v57, v4  }
0x439: {  	v60 =	vor.u32 v44, v20;
	v25 =	vld.idx.msk [tilespmem:v49+s14+$0x0], $0xffff;
	[tilespmem:v26+s28+$0x0] =	vst.idx.msk $0xffff, v29;
	v26 =	vadd.s32 v61, v5  }
0x43a: {  	v30 =	vld.idx.msk [tilespmem:v30+s14+$0x0], $0xffff;
	[tilespmem:v23+s28+$0x0] =	vst.idx.msk $0xffff, v21  }
0x43b: {  	v22 =	vld.idx.msk [tilespmem:v22+s14+$0x0], $0xffff;
	[tilespmem:v24+s28+$0x0] =	vst.idx.msk $0xffff, v19  }
0x43c: {  	v19 =	vld.idx.msk [tilespmem:v31+s14+$0x0], $0xffff;
	[tilespmem:v53+s28+$0x0] =	vst.idx.msk $0xffff, v17  }
0x43d: {  	v62 =	vadd.s32 v43, v16;
	v29 =	vor.u32 v44, v18;
	v17 =	vld.idx.msk [tilespmem:v54+s14+$0x0], $0xffff;
	[tilespmem:v58+s28+$0x0] =	vst.idx.msk $0xffff, v28  }
0x43e: {  	v21 =	vadd.s32 v43, v27;
	v23 =	vor.u32 v0, v15;
	[tilespmem:v60+s28+$0x0] =	vst.idx.msk $0xffff, v25;
	v25 =	vld.idx.msk [tilespmem:v26+s14+$0x0], $0xffff  }
0x43f: {  	v49 =	vadd.s32 v57, v6;
	v31 =	vadd.s32 v57, v10;
	v26 =	vadd.s32 v57, v8;
	v57 =	vld [tilespmem:$0x1FE70]  }
0x440: {  	v60 =	vld [tilespmem:$0x1FD30]  }
0x441: {  	v54 =	vadd.s32 v61, v11;
	v28 =	vld.idx.msk [tilespmem:v59+s14+$0x0], $0xffff  }
0x442: {  	v40 =	vld [tilespmem:$0x1FCB0]  }
0x443: {  	v24 =	vadd.s32 v45, v14;
	[tilespmem:v29+s28+$0x0] =	vst.idx.msk $0xffff, v22;
	v22 =	vld.idx.msk [tilespmem:v62+s14+$0x0], $0xffff  }
0x444: {  	v58 =	vadd.s32 v61, v9;
	[tilespmem:v23+s28+$0x0] =	vst.idx.msk $0xffff, v30;
	v21 =	vld.idx.msk [tilespmem:v21+s14+$0x0], $0xffff;
	v29 =	vadd.s32 v57, v4  }
0x445: {  	[tilespmem:v49+s28+$0x0] =	vst.idx.msk $0xffff, v17;
	v49 =	vld [tilespmem:$0x1FC90]  }
0x446: {  	v59 =	vor.u32 v0, v20;
	v23 =	vadd.s32 v60, v5;
	[tilespmem:v26+s28+$0x0] =	vst.idx.msk $0xffff, v28;
	v26 =	vld.idx.msk [tilespmem:v54+s14+$0x0], $0xffff  }
0x447: {  	v53 =	vadd.s32 v61, v7;
	v30 =	vor.u32 v0, v18;
	v54 =	vld [tilespmem:$0x1FD40]  }
0x448: {  	v61 =	vadd.s32 v45, v16;
	v24 =	vld.idx.msk [tilespmem:v24+s14+$0x0], $0xffff;
	[tilespmem:v31+s28+$0x0] =	vst.idx.msk $0xffff, v19  }
0x449: {  	v19 =	vadd.s32 v45, v27;
	v31 =	vor.u32 v51, v15;
	[tilespmem:v29+s28+$0x0] =	vst.idx.msk $0xffff, v25;
	v25 =	vld.idx.msk [tilespmem:v58+s14+$0x0], $0xffff  }
0x44a: {  	v62 =	vadd.s32 v49, v14;
	v29 =	vadd.s32 v57, v6;
	v58 =	vld [tilespmem:$0x1FD50]  }
0x44b: {  	[tilespmem:v59+s28+$0x0] =	vst.idx.msk $0xffff, v22;
	v22 =	vld.idx.msk [tilespmem:v23+s14+$0x0], $0xffff;
	v23 =	vadd.s32 v57, v8  }
0x44c: {  	v17 =	vld.idx.msk [tilespmem:v53+s14+$0x0], $0xffff;
	v34 =	vadd.s32 v60, v11;
	[tilespmem:v30+s28+$0x0] =	vst.idx.msk $0xffff, v21;
	v30 =	vadd.s32 v54, v4  }
0x44d: {  	v53 =	vadd.s32 v60, v9;
	v28 =	vadd.s32 v57, v10;
	v21 =	vld.idx.msk [tilespmem:v61+s14+$0x0], $0xffff;
	v57 =	vor.u32 v51, v20  }
0x44e: {  	[tilespmem:v31+s28+$0x0] =	vst.idx.msk $0xffff, v24;
	v31 =	vor.u32 v51, v18;
	v59 =	vadd.s32 v49, v16;
	v19 =	vld.idx.msk [tilespmem:v19+s14+$0x0], $0xffff  }
0x44f: {  	v32 =	vld.idx.msk [tilespmem:v62+s14+$0x0], $0xffff;
	v24 =	vadd.s32 v58, v5;
	[tilespmem:v29+s28+$0x0] =	vst.idx.msk $0xffff, v26  }
0x450: {  	v62 =	vld [tilespmem:$0x1FCA0];
	[tilespmem:v23+s28+$0x0] =	vst.idx.msk $0xffff, v25  }
0x451: {  	v23 =	vld.idx.msk [tilespmem:v34+s14+$0x0], $0xffff;
	[tilespmem:v30+s28+$0x0] =	vst.idx.msk $0xffff, v22  }
0x452: {  	v33 =	vadd.s32 v60, v7;
	[tilespmem:v57+s28+$0x0] =	vst.idx.msk $0xffff, v21;
	v22 =	vld.idx.msk [tilespmem:v53+s14+$0x0], $0xffff  }
0x453: {  	[tilespmem:v31+s28+$0x0] =	vst.idx.msk $0xffff, v19;
	v19 =	vld.idx.msk [tilespmem:v59+s14+$0x0], $0xffff  }
0x454: {  	v21 =	vld.idx.msk [tilespmem:v24+s14+$0x0], $0xffff  }
0x455: {  	v25 =	vadd.s32 v54, v10;
	v30 =	vadd.s32 v54, v6;
	v24 =	vadd.s32 v54, v8;
	v54 =	vld [tilespmem:$0x1FD60]  }
0x456: {  	[tilespmem:v28+s28+$0x0] =	vst.idx.msk $0xffff, v17;
	v28 =	vor.u32 v62, v15;
	v59 =	vld [tilespmem:$0x1FD70]  }
0x457: {  	v26 =	vld.idx.msk [tilespmem:v33+s14+$0x0], $0xffff;
	v29 =	vadd.s32 v40, v14  }
0x458: {  	v60 =	vld [tilespmem:$0x1FCC0];
	v17 =	vadd.s32 v49, v27  }
0x459: {  	v41 =	vld [tilespmem:$0x1FCD0];
	v33 =	vadd.s32 v58, v7  }
0x45a: {  	v37 =	vld [tilespmem:$0x1FDB0];
	v34 =	vadd.s32 v58, v11;
	v31 =	vadd.s32 v54, v4  }
0x45b: {  	v61 =	vld [tilespmem:$0x1FDA0];
	v53 =	vor.u32 v62, v20;
	[tilespmem:v28+s28+$0x0] =	vst.idx.msk $0xffff, v32;
	v28 =	vadd.s32 v59, v5  }
0x45c: {  	v29 =	vld.idx.msk [tilespmem:v29+s14+$0x0], $0xffff;
	[tilespmem:v25+s28+$0x0] =	vst.idx.msk $0xffff, v26  }
0x45d: {  	v17 =	vld.idx.msk [tilespmem:v17+s14+$0x0], $0xffff;
	v26 =	vor.u32 v60, v15;
	[tilespmem:v30+s28+$0x0] =	vst.idx.msk $0xffff, v23  }
0x45e: {  	v30 =	vadd.s32 v41, v14;
	v23 =	vld.idx.msk [tilespmem:v33+s14+$0x0], $0xffff;
	[tilespmem:v24+s28+$0x0] =	vst.idx.msk $0xffff, v22  }
0x45f: {  	v35 =	vadd.s32 v58, v9;
	v22 =	vld.idx.msk [tilespmem:v34+s14+$0x0], $0xffff;
	[tilespmem:v31+s28+$0x0] =	vst.idx.msk $0xffff, v21  }
0x460: {  	v57 =	vor.u32 v62, v18;
	v58 =	vadd.s32 v40, v16;
	[tilespmem:v53+s28+$0x0] =	vst.idx.msk $0xffff, v19;
	v19 =	vld.idx.msk [tilespmem:v28+s14+$0x0], $0xffff  }
0x461: {  	v24 =	vadd.s32 v54, v10;
	v31 =	vadd.s32 v54, v6;
	v28 =	vadd.s32 v54, v8;
	v54 =	vld [tilespmem:$0x1FD80]  }
0x462: {  	v53 =	vld [tilespmem:$0x1FCE0];
	[tilespmem:v26+s28+$0x0] =	vst.idx.msk $0xffff, v29  }
0x463: {  	v25 =	vadd.s32 v40, v27;
	v30 =	vld.idx.msk [tilespmem:v30+s14+$0x0], $0xffff  }
0x464: {  	v33 =	vadd.s32 v59, v7;
	v21 =	vld.idx.msk [tilespmem:v35+s14+$0x0], $0xffff  }
0x465: {  	v34 =	vadd.s32 v59, v11;
	[tilespmem:v57+s28+$0x0] =	vst.idx.msk $0xffff, v17;
	v17 =	vld.idx.msk [tilespmem:v58+s14+$0x0], $0xffff  }
0x466: {  	v35 =	vadd.s32 v59, v9;
	v57 =	vld [tilespmem:$0x1FCF0];
	v32 =	vadd.s32 v54, v4  }
0x467: {  	v36 =	vor.u32 v60, v20;
	v26 =	vadd.s32 v61, v5;
	v59 =	vld [tilespmem:$0x1FFB0]  }
0x468: {  	v29 =	vor.u32 v60, v18;
	[tilespmem:v24+s28+$0x0] =	vst.idx.msk $0xffff, v23;
	v25 =	vld.idx.msk [tilespmem:v25+s14+$0x0], $0xffff  }
0x469: {  	v23 =	vadd.s32 v41, v27;
	v24 =	vor.u32 v48, v15;
	[tilespmem:v31+s28+$0x0] =	vst.idx.msk $0xffff, v22;
	v22 =	vld.idx.msk [tilespmem:v33+s14+$0x0], $0xffff  }
0x46a: {  	v31 =	vadd.s32 v53, v14;
	[tilespmem:v28+s28+$0x0] =	vst.idx.msk $0xffff, v21;
	v21 =	vld.idx.msk [tilespmem:v34+s14+$0x0], $0xffff  }
0x46b: {  	v58 =	vadd.s32 v41, v16;
	v33 =	vadd.s32 v61, v7;
	[tilespmem:v32+s28+$0x0] =	vst.idx.msk $0xffff, v19;
	v19 =	vld.idx.msk [tilespmem:v35+s14+$0x0], $0xffff  }
0x46c: {  	[tilespmem:v36+s28+$0x0] =	vst.idx.msk $0xffff, v17;
	v34 =	vadd.s32 v61, v11;
	v17 =	vld.idx.msk [tilespmem:v26+s14+$0x0], $0xffff;
	v26 =	vadd.s32 v54, v8  }
0x46d: {  	[tilespmem:v29+s28+$0x0] =	vst.idx.msk $0xffff, v25;
	v29 =	vadd.s32 v37, v4;
	v35 =	vadd.s32 v61, v9;
	v61 =	vld [tilespmem:$0x1FB40]  }
0x46e: {  	[tilespmem:v24+s28+$0x0] =	vst.idx.msk $0xffff, v30;
	v24 =	vor.u32 v48, v18;
	v23 =	vld.idx.msk [tilespmem:v23+s14+$0x0], $0xffff  }
0x46f: {  	v28 =	vadd.s32 v54, v10;
	v31 =	vld.idx.msk [tilespmem:v31+s14+$0x0], $0xffff  }
0x470: {  	v32 =	vadd.s32 v54, v6;
	v25 =	vld.idx.msk [tilespmem:v58+s14+$0x0], $0xffff  }
0x471: {  	v30 =	vadd.s32 v53, v16;
	v36 =	vor.u32 v48, v20;
	v58 =	vld [tilespmem:$0x1FB50];
	[tilespmem:v26+s28+$0x0] =	vst.idx.msk $0xffff, v19  }
0x472: {  	v5 =	vadd.s32 v61, v5;
	v7 =	vadd.s32 v61, v7;
	[tilespmem:v29+s28+$0x0] =	vst.idx.msk $0xffff, v17;
	v17 =	vld.idx.msk [tilespmem:v35+s14+$0x0], $0xffff  }
0x473: {  	v11 =	vadd.s32 v61, v11;
	[tilespmem:v24+s28+$0x0] =	vst.idx.msk $0xffff, v23;
	v24 =	vadd.s32 v61, v9;
	v61 =	vld [tilespmem:$0x1FFC0]  }
0x474: {  	[tilespmem:v28+s28+$0x0] =	vst.idx.msk $0xffff, v22;
	v22 =	vadd.s32 v53, v27;
	v28 =	vadd.s32 v57, v15;
	v54 =	vld [tilespmem:$0x1FFD0]  }
0x475: {  	[tilespmem:v32+s28+$0x0] =	vst.idx.msk $0xffff, v21;
	v21 =	vld.idx.msk [tilespmem:v33+s14+$0x0], $0xffff;
	v32 =	vadd.s32 v59, v14;
	v26 =	vadd.s32 v37, v10  }
0x476: {  	v19 =	vld.idx.msk [tilespmem:v34+s14+$0x0], $0xffff;
	v29 =	vadd.s32 v37, v6  }
0x477: {  	v4 =	vadd.s32 v58, v4;
	[tilespmem:v36+s28+$0x0] =	vst.idx.msk $0xffff, v25;
	v25 =	vld.idx.msk [tilespmem:v5+s14+$0x0], $0xffff  }
0x478: {  	v23 =	vld.idx.msk [tilespmem:v30+s14+$0x0], $0xffff;
	v30 =	vadd.s32 v61, v12  }
0x479: {  	[tilespmem:v28+s28+$0x0] =	vst.idx.msk $0xffff, v31;
	v22 =	vld.idx.msk [tilespmem:v22+s14+$0x0], $0xffff  }
0x47a: {  	v5 =	vadd.s32 v37, v8;
	v32 =	vld.idx.msk [tilespmem:v32+s14+$0x0], $0xffff;
	[tilespmem:v26+s28+$0x0] =	vst.idx.msk $0xffff, v21  }
0x47b: {  	v36 =	vadd.s32 v57, v20;
	v9 =	vmov v27;
	v21 =	vadd.s32 v59, v27;
	[tilespmem:v29+s28+$0x0] =	vst.idx.msk $0xffff, v19;
	v27 =	vld [tilespmem:$0x1FF70]  }
0x47c: {  	v28 =	vadd.s32 v57, v18;
	v31 =	vadd.s32 v59, v16;
	v19 =	vld.idx.msk [tilespmem:v7+s14+$0x0], $0xffff;
	[tilespmem:v4+s28+$0x0] =	vst.idx.msk $0xffff, v25  }
0x47d: {  	v4 =	vmov v13;
	v13 =	vld.idx.msk [tilespmem:v30+s14+$0x0], $0xffff  }
0x47e: {  	v26 =	vadd.s32 v54, v15;
	v30 =	vld [tilespmem:$0x1FF80]  }
0x47f: {  	v10 =	vadd.s32 v58, v10;
	v11 =	vld.idx.msk [tilespmem:v11+s14+$0x0], $0xffff;
	[tilespmem:v5+s28+$0x0] =	vst.idx.msk $0xffff, v17  }
0x480: {  	[tilespmem:v36+s28+$0x0] =	vst.idx.msk $0xffff, v23;
	v5 =	vmov v12;
	v17 =	vadd.s32 v58, v6;
	v12 =	vld.idx.msk [tilespmem:v24+s14+$0x0], $0xffff  }
0x481: {  	v23 =	vadd.s32 v58, v8;
	v6 =	vmov v20;
	[tilespmem:v28+s28+$0x0] =	vst.idx.msk $0xffff, v22;
	v22 =	vld.idx.msk [tilespmem:v31+s14+$0x0], $0xffff  }
0x482: {  	v8 =	vmov v18;
	v18 =	vld.idx.msk [tilespmem:v21+s14+$0x0], $0xffff;
	v21 =	vadd.s32 v54, v6  }
0x483: {  	v20 =	vadd.s32 v61, v14;
	[tilespmem:v26+s28+$0x0] =	vst.idx.msk $0xffff, v32;
	v24 =	vadd.s32 v30, v4  }
0x484: {  	v37 =	vld [tilespmem:$0x1FFA0];
	v25 =	vadd.s32 v54, v8;
	v26 =	vadd.s32 v61, v16;
	[tilespmem:v10+s28+$0x0] =	vst.idx.msk $0xffff, v19  }
0x485: {  	v7 =	vmov v14;
	v14 =	vadd.s32 v27, v5;
	v31 =	vld [tilespmem:$0x1FF90];
	[tilespmem:v17+s28+$0x0] =	vst.idx.msk $0xffff, v11  }
0x486: {  	v29 =	vld [tilespmem:$0x1FF60];
	v10 =	vmov v15;
	v15 =	vadd.s32 v61, v9;
	[tilespmem:v23+s28+$0x0] =	vst.idx.msk $0xffff, v12  }
0x487: {  	v58 =	vld [tilespmem:$0x1FF50];
	[tilespmem:v21+s28+$0x0] =	vst.idx.msk $0xffff, v22  }
0x488: {  	v11 =	vmov v16;
	v16 =	vld.idx.msk [tilespmem:v20+s14+$0x0], $0xffff;
	v12 =	vadd.s32 s31, v1;
	[tilespmem:v24+s28+$0x0] =	vst.idx.msk $0xffff, v13;
	v13 =	vadd.s32 v30, v10  }
0x489: {  	v19 =	vadd.s32 s31, v55;
	vm0 =	vlt.u32 v12, $0x10;
	[tilespmem:v25+s28+$0x0] =	vst.idx.msk $0xffff, v18;
	v21 =	vadd.s32 v30, v6;
	v18 =	vld.idx.msk [tilespmem:v26+s14+$0x0], $0xffff  }
0x48a: {  	v17 =	vadd.s32 v27, v7;
	v20 =	vadd.s32 v31, v4;
	v12 =	vsel vm0, v12, v19;
	v14 =	vld.idx.msk [tilespmem:v14+s14+$0x0], $0xffff  }
0x48b: {  	v23 =	vadd.s32 v30, v8;
	v15 =	vld.idx.msk [tilespmem:v15+s14+$0x0], $0xffff;
	v22 =	vshra.s32 v12, $0x1F;
	v24 =	vadd.s32 v27, v11  }
0x48c: {  	v28 =	vld [tilespmem:$0x1FF30];
	v19 =	vadd.s32 v29, v5;
	v22 =	vshrl.u32 v22, $0x1D  }
0x48d: {  	v61 =	vld [tilespmem:$0x1FEA0];
	v25 =	vadd.s32 v27, v9;
	[tilespmem:v13+s28+$0x0] =	vst.idx.msk $0xffff, v16;
	v13 =	vadd.s32 v22, v12  }
0x48e: {  	v30 =	vld [tilespmem:$0x1FEF0];
	[tilespmem:v21+s28+$0x0] =	vst.idx.msk $0xffff, v18;
	v18 =	vadd.s32 v29, v7;
	v13 =	vshra.s32 v13, $0x3  }
0x48f: {  	vm0 =	vlt.s32 v12, $0x1;
	v17 =	vld.idx.msk [tilespmem:v17+s14+$0x0], $0xffff;
	[tilespmem:v20+s28+$0x0] =	vst.idx.msk $0xffff, v14;
	v14 =	vadd.s32 v31, v10;
	v20 =	vshll.u32 v13, $0x3  }
0x490: {  	[tilespmem:v23+s28+$0x0] =	vst.idx.msk $0xffff, v15;
	v15 =	vld.idx.msk [tilespmem:v24+s14+$0x0], $0xffff;
	v24 =	vadd.s32 v31, v6;
	vm1 =	vne.s32 v12, v20  }
0x491: {  	v21 =	vadd.s32 v37, v4;
	v22 =	vadd.s32 v50, v12;
	v19 =	vld.idx.msk [tilespmem:v19+s14+$0x0], $0xffff;
	vm0 =	vmand vm0, vm1  }
0x492: {  	v26 =	vadd.s32 v31, v8;
	v27 =	vadd.s32 v29, v11;
	v23 =	vld.idx.msk [tilespmem:v25+s14+$0x0], $0xffff;
	v25 =	vsel vm0, $0xFFFFFFFF, v46  }
0x493: {  	v16 =	vadd.s32 v28, v5;
	v31 =	vld [tilespmem:$0x1FF00];
	v20 =	vsub.s32 v12, v20;
	v13 =	vadd.s32 v25, v13  }
0x494: {  	v25 =	vadd.s32 v29, v9;
	[tilespmem:v14+s28+$0x0] =	vst.idx.msk $0xffff, v17;
	v14 =	vshll.u32 v20, $0x7;
	v29 =	vld [tilespmem:$0x1FEE0];
	v13 =	vshll.u32 v13, $0xA  }
0x495: {  	[tilespmem:v24+s28+$0x0] =	vst.idx.msk $0xffff, v15;
	v17 =	vld.idx.msk [tilespmem:v18+s14+$0x0], $0xffff;
	v13 =	vadd.s32 v14, v13;
	v14 =	vadd.s32 v37, v10  }
0x496: {  	v15 =	vadd.s32 v28, v7;
	v18 =	vld.idx.msk [tilespmem:v22+s14+$0x0], $0xffff;
	[tilespmem:v21+s28+$0x0] =	vst.idx.msk $0xffff, v19;
	v19 =	vor.u32 v1, v13  }
0x497: {  	v20 =	vadd.s32 v56, v12;
	v22 =	vld.idx.msk [tilespmem:v27+s14+$0x0], $0xffff  }
0x498: {  	[tilespmem:v26+s28+$0x0] =	vst.idx.msk $0xffff, v23;
	v21 =	vadd.s32 v30, v4;
	v16 =	vld.idx.msk [tilespmem:v16+s14+$0x0], $0xffff  }
0x499: {  	v23 =	vadd.s32 v31, v5;
	v24 =	vld.idx.msk [tilespmem:v25+s14+$0x0], $0xffff;
	v25 =	vadd.s32 v37, v6  }
0x49a: {  	v26 =	vadd.s32 v37, v8;
	[tilespmem:v14+s28+$0x0] =	vst.idx.msk $0xffff, v17;
	v17 =	vor.u32 v42, v13;
	v42 =	vld [tilespmem:$0x1FEB0]  }
0x49b: {  	v27 =	vadd.s32 v28, v11;
	[tilespmem:v19+s28+$0x0] =	vst.idx.msk $0xffff, v18;
	v14 =	vld.idx.msk [tilespmem:v15+s14+$0x0], $0xffff  }
0x49c: {  	v28 =	vadd.s32 v28, v9;
	v15 =	vld.idx.msk [tilespmem:v20+s14+$0x0], $0xffff  }
0x49d: {  	[tilespmem:v21+s28+$0x0] =	vst.idx.msk $0xffff, v16;
	v16 =	vadd.s32 v30, v10;
	v20 =	vadd.s32 v3, v12;
	v3 =	vld [tilespmem:$0x1FED0]  }
0x49e: {  	v19 =	vadd.s32 v31, v7;
	v18 =	vld.idx.msk [tilespmem:v23+s14+$0x0], $0xffff;
	[tilespmem:v25+s28+$0x0] =	vst.idx.msk $0xffff, v22  }
0x49f: {  	[tilespmem:v26+s28+$0x0] =	vst.idx.msk $0xffff, v24;
	v25 =	vadd.s32 v30, v6;
	v26 =	vadd.s32 v30, v8;
	v30 =	vld [tilespmem:$0x1FF10]  }
0x4a0: {  	v22 =	vld.idx.msk [tilespmem:v27+s14+$0x0], $0xffff  }
0x4a1: {  	v24 =	vld.idx.msk [tilespmem:v28+s14+$0x0], $0xffff;
	v27 =	vadd.s32 v31, v11  }
0x4a2: {  	v28 =	vadd.s32 v31, v9;
	v31 =	vld [tilespmem:$0x1FF20];
	[tilespmem:v16+s28+$0x0] =	vst.idx.msk $0xffff, v14  }
0x4a3: {  	v21 =	vadd.s32 v3, v4;
	[tilespmem:v17+s28+$0x0] =	vst.idx.msk $0xffff, v15;
	v17 =	vor.u32 v44, v13;
	v44 =	vld [tilespmem:$0x1FDE0]  }
0x4a4: {  	v23 =	vadd.s32 v29, v5;
	v16 =	vadd.s32 v3, v10;
	v14 =	vld.idx.msk [tilespmem:v19+s14+$0x0], $0xffff  }
0x4a5: {  	v15 =	vld.idx.msk [tilespmem:v20+s14+$0x0], $0xffff;
	v19 =	vadd.s32 v29, v7;
	[tilespmem:v25+s28+$0x0] =	vst.idx.msk $0xffff, v22  }
0x4a6: {  	v20 =	vadd.s32 v43, v12;
	[tilespmem:v26+s28+$0x0] =	vst.idx.msk $0xffff, v24;
	v25 =	vadd.s32 v3, v6;
	v22 =	vld.idx.msk [tilespmem:v27+s14+$0x0], $0xffff  }
0x4a7: {  	v26 =	vadd.s32 v3, v8;
	v24 =	vld.idx.msk [tilespmem:v28+s14+$0x0], $0xffff;
	v27 =	vadd.s32 v29, v11  }
0x4a8: {  	v43 =	vld [tilespmem:$0x1FF40];
	v28 =	vadd.s32 v29, v9;
	[tilespmem:v21+s28+$0x0] =	vst.idx.msk $0xffff, v18  }
0x4a9: {  	v21 =	vadd.s32 v63, v4;
	v18 =	vld.idx.msk [tilespmem:v23+s14+$0x0], $0xffff;
	[tilespmem:v16+s28+$0x0] =	vst.idx.msk $0xffff, v14  }
0x4aa: {  	v23 =	vadd.s32 v30, v5;
	[tilespmem:v17+s28+$0x0] =	vst.idx.msk $0xffff, v15;
	v16 =	vadd.s32 v63, v10;
	v14 =	vld.idx.msk [tilespmem:v19+s14+$0x0], $0xffff  }
0x4ab: {  	v17 =	vor.u32 v0, v13;
	v15 =	vld.idx.msk [tilespmem:v20+s14+$0x0], $0xffff;
	v19 =	vadd.s32 v30, v7;
	[tilespmem:v25+s28+$0x0] =	vst.idx.msk $0xffff, v22  }
0x4ac: {  	v20 =	vadd.s32 v45, v12;
	[tilespmem:v26+s28+$0x0] =	vst.idx.msk $0xffff, v24;
	v25 =	vadd.s32 v63, v6;
	v22 =	vld.idx.msk [tilespmem:v27+s14+$0x0], $0xffff  }
0x4ad: {  	v26 =	vadd.s32 v63, v8;
	v24 =	vld.idx.msk [tilespmem:v28+s14+$0x0], $0xffff;
	v27 =	vadd.s32 v30, v11  }
0x4ae: {  	v3 =	vld [tilespmem:$0x1FE90];
	v28 =	vadd.s32 v30, v9;
	[tilespmem:v21+s28+$0x0] =	vst.idx.msk $0xffff, v18  }
0x4af: {  	v21 =	vadd.s32 v31, v4;
	v18 =	vld.idx.msk [tilespmem:v23+s14+$0x0], $0xffff;
	[tilespmem:v16+s28+$0x0] =	vst.idx.msk $0xffff, v14  }
0x4b0: {  	v23 =	vadd.s32 v43, v5;
	[tilespmem:v17+s28+$0x0] =	vst.idx.msk $0xffff, v15;
	v14 =	vld.idx.msk [tilespmem:v19+s14+$0x0], $0xffff  }
0x4b1: {  	v16 =	vadd.s32 v31, v10;
	v15 =	vld.idx.msk [tilespmem:v20+s14+$0x0], $0xffff;
	[tilespmem:v25+s28+$0x0] =	vst.idx.msk $0xffff, v22  }
0x4b2: {  	v19 =	vor.u32 v51, v13;
	v22 =	vadd.s32 v43, v7;
	[tilespmem:v26+s28+$0x0] =	vst.idx.msk $0xffff, v24;
	v24 =	vld.idx.msk [tilespmem:v27+s14+$0x0], $0xffff  }
0x4b3: {  	v35 =	vadd.s32 v58, v8;
	v36 =	vadd.s32 v53, v12;
	v27 =	vld.idx.msk [tilespmem:v28+s14+$0x0], $0xffff;
	v28 =	vadd.s32 v31, v6  }
0x4b4: {  	v53 =	vadd.s32 v58, v6;
	v45 =	vld [tilespmem:$0x1FE80];
	v25 =	vadd.s32 v49, v12;
	[tilespmem:v21+s28+$0x0] =	vst.idx.msk $0xffff, v18  }
0x4b5: {  	v29 =	vadd.s32 v58, v4;
	v49 =	vadd.s32 v43, v11;
	v31 =	vadd.s32 v31, v8;
	v21 =	vld.idx.msk [tilespmem:v23+s14+$0x0], $0xffff  }
0x4b6: {  	v34 =	vadd.s32 v43, v9;
	[tilespmem:v16+s28+$0x0] =	vst.idx.msk $0xffff, v14;
	v23 =	vadd.s32 v59, v12;
	v59 =	vld [tilespmem:$0x1FD10]  }
0x4b7: {  	v30 =	vadd.s32 v3, v5;
	v17 =	vadd.s32 v39, v5;
	[tilespmem:v19+s28+$0x0] =	vst.idx.msk $0xffff, v15;
	v15 =	vld.idx.msk [tilespmem:v22+s14+$0x0], $0xffff  }
0x4b8: {  	v26 =	vadd.s32 v61, v5;
	[tilespmem:v28+s28+$0x0] =	vst.idx.msk $0xffff, v24;
	v28 =	vadd.s32 v40, v12;
	v40 =	vld [tilespmem:$0x1FDD0]  }
0x4b9: {  	v33 =	vadd.s32 v45, v5;
	v20 =	vadd.s32 v47, v5;
	v16 =	vld.idx.msk [tilespmem:v25+s14+$0x0], $0xffff;
	v25 =	vor.u32 v62, v13  }
0x4ba: {  	v18 =	vadd.s32 v2, v5;
	v14 =	vadd.s32 v42, v5;
	[tilespmem:v31+s28+$0x0] =	vst.idx.msk $0xffff, v27;
	v27 =	vld.idx.msk [tilespmem:v49+s14+$0x0], $0xffff  }
0x4bb: {  	v19 =	vadd.s32 v38, v4;
	v22 =	vadd.s32 v58, v10;
	v58 =	vadd.s32 v61, v11;
	v32 =	vld.idx.msk [tilespmem:v34+s14+$0x0], $0xffff  }
0x4bc: {  	v24 =	vadd.s32 v61, v7;
	v31 =	vadd.s32 v41, v12;
	v49 =	vld [tilespmem:$0x1FD00];
	[tilespmem:v29+s28+$0x0] =	vst.idx.msk $0xffff, v21  }
0x4bd: {  	v61 =	vadd.s32 v61, v9;
	v34 =	vor.u32 v48, v13;
	v26 =	vld.idx.msk [tilespmem:v26+s14+$0x0], $0xffff;
	v29 =	vadd.s32 v40, v4  }
0x4be: {  	v21 =	vadd.s32 v52, v4;
	v43 =	vadd.s32 v59, v4;
	[tilespmem:v25+s28+$0x0] =	vst.idx.msk $0xffff, v16  }
0x4bf: {  	v59 =	vadd.s32 v42, v11;
	v25 =	vld.idx.msk [tilespmem:v28+s14+$0x0], $0xffff;
	v28 =	vor.u32 v60, v13;
	[tilespmem:v53+s28+$0x0] =	vst.idx.msk $0xffff, v27  }
0x4c0: {  	[tilespmem:v22+s28+$0x0] =	vst.idx.msk $0xffff, v15;
	v15 =	vadd.s32 v44, v4;
	v53 =	vld.idx.msk [tilespmem:v58+s14+$0x0], $0xffff;
	v58 =	vadd.s32 v40, v6  }
0x4c1: {  	v22 =	vld.idx.msk [tilespmem:v24+s14+$0x0], $0xffff;
	v24 =	vadd.s32 v54, v13;
	v60 =	vadd.s32 v42, v9;
	v16 =	vadd.s32 v49, v4  }
0x4c2: {  	v27 =	vadd.s32 v42, v7;
	[tilespmem:v29+s28+$0x0] =	vst.idx.msk $0xffff, v26;
	v26 =	vadd.s32 v40, v10  }
0x4c3: {  	s1 =	sadd.s32 $0x3, s31;
	[tilespmem:v35+s28+$0x0] =	vst.idx.msk $0xffff, v32;
	v32 =	vadd.s32 v3, v9;
	v29 =	vadd.s32 v57, v13;
	v62 =	vld.idx.msk [tilespmem:v14+s14+$0x0], $0xffff  }
0x4c4: {  	v54 =	vadd.s32 s1, v55;
	v57 =	vld.idx.msk [tilespmem:v61+s14+$0x0], $0xffff;
	v40 =	vadd.s32 v40, v8;
	v14 =	vadd.s32 s1, v1;
	[tilespmem:v28+s28+$0x0] =	vst.idx.msk $0xffff, v25  }
0x4c5: {  	v61 =	vadd.s32 v45, v7;
	vm0 =	vlt.u32 v14, $0x10;
	[tilespmem:v58+s28+$0x0] =	vst.idx.msk $0xffff, v53;
	v53 =	vadd.s32 v3, v7  }
0x4c6: {  	v58 =	vadd.s32 v45, v11;
	v45 =	vadd.s32 v45, v9;
	v14 =	vsel vm0, v14, v54  }
0x4c7: {  	v38 =	vld.idx.msk [tilespmem:v59+s14+$0x0], $0xffff;
	v54 =	vadd.s32 v44, v6;
	v25 =	vshra.s32 v14, $0x1F;
	[tilespmem:v26+s28+$0x0] =	vst.idx.msk $0xffff, v22  }
0x4c8: {  	vm0 =	vlt.s32 v14, $0x1;
	v26 =	vld.idx.msk [tilespmem:v27+s14+$0x0], $0xffff;
	v27 =	vshrl.u32 v25, $0x1D;
	[tilespmem:v15+s28+$0x0] =	vst.idx.msk $0xffff, v62;
	v15 =	vadd.s32 v44, v10  }
0x4c9: {  	v37 =	vadd.s32 v56, v14;
	[tilespmem:v40+s28+$0x0] =	vst.idx.msk $0xffff, v57;
	v27 =	vadd.s32 v27, v14;
	v28 =	vld.idx.msk [tilespmem:v33+s14+$0x0], $0xffff  }
0x4ca: {  	v22 =	vadd.s32 v2, v7;
	v57 =	vadd.s32 v44, v8;
	v35 =	vld.idx.msk [tilespmem:v60+s14+$0x0], $0xffff;
	v62 =	vand.u32 $0xFFFFFFF8, v27  }
0x4cb: {  	v40 =	vadd.s32 v50, v14;
	v25 =	vadd.s32 v47, v7;
	v31 =	vld.idx.msk [tilespmem:v31+s14+$0x0], $0xffff;
	vm1 =	vne.s32 v14, v62  }
0x4cc: {  	v47 =	vld [tilespmem:$0x1FD20];
	v33 =	vadd.s32 v3, v11;
	v27 =	vshrl.u32 v27, $0x3;
	[tilespmem:v54+s28+$0x0] =	vst.idx.msk $0xffff, v38;
	vm0 =	vmand vm0, vm1  }
0x4cd: {  	v38 =	vadd.s32 v49, v6;
	v59 =	vsel vm0, $0xFFFFFFFF, v46;
	[tilespmem:v15+s28+$0x0] =	vst.idx.msk $0xffff, v26;
	v15 =	vsub.s32 v14, v62;
	v46 =	vld [tilespmem:$0x1FD10]  }
0x4ce: {  	s8 =	sadd.s32 $0x2, s31;
	v26 =	vadd.s32 v59, v27;
	v60 =	vld.idx.msk [tilespmem:v61+s14+$0x0], $0xffff;
	[tilespmem:v16+s28+$0x0] =	vst.idx.msk $0xffff, v28;
	v61 =	vadd.s32 v49, v10  }
0x4cf: {  	p0 =	slt.u32 s31, $0xC;
	[tilespmem:v57+s28+$0x0] =	vst.idx.msk $0xffff, v35;
	v15 =	vshll.u32 v15, $0x7;
	v16 =	vadd.s32 s8, v1;
	v26 =	vshll.u32 v26, $0xA;
	v30 =	vld.idx.msk [tilespmem:v30+s14+$0x0], $0xffff  }
.Ltmp1:
0x4d0: {  	[tilespmem:v34+s28+$0x0] =	vst.idx.msk $0xffff, v31;
	vm0 =	vlt.u32 v16, $0x10;
	v15 =	vadd.s32 v15, v26;
	v26 =	vadd.s32 s8, v55;
	(pc) =	sbr.rel @p0 .LBB2_5-.Ltmp1, $4  }
0x4d1: {  	v28 =	vadd.s32 v52, v10;
	v39 =	vld.idx.msk [tilespmem:v36+s14+$0x0], $0xffff;
	v36 =	vadd.s32 v49, v8;
	v16 =	vsel vm0, v16, v26  }
0x4d2: {  	v35 =	vld.idx.msk [tilespmem:v58+s14+$0x0], $0xffff;
	v41 =	vor.u32 v1, v15;
	v26 =	vshra.s32 v16, $0x1F;
	v31 =	vadd.s32 v46, v10  }
0x4d3: {  	v27 =	vld.idx.msk [tilespmem:v45+s14+$0x0], $0xffff;
	vm0 =	vlt.s32 v16, $0x1;
	[tilespmem:v61+s28+$0x0] =	vst.idx.msk $0xffff, v60;
	v62 =	vshrl.u32 v26, $0x1D;
	v26 =	vadd.s32 v2, v11  }
0x4d4: {  	s0 =	sadd.s32 $0x1, s31;
	s31 =	sadd.s32 $0x4, s31;
	v34 =	vld.idx.msk [tilespmem:v53+s14+$0x0], $0xffff;
	v42 =	vadd.s32 v62, v16;
	[tilespmem:v43+s28+$0x0] =	vst.idx.msk $0xffff, v30;
	v30 =	vadd.s32 v47, v11  }
0x4d5: {  	v2 =	vld [tilespmem:$0x1FC20];
	_ =	sdelay $0x2  }
0x4d6: {  	v1 =	vlaneseq.u32  }
0x4d7: {  	v43 =	vadd.s32 s0, v1  }
0x4d8: {  	v61 =	vand.u32 $0xFFFFFFF8, v42;
	vm1 =	vlt.u32 v43, $0x10;
	v44 =	vadd.s32 s0, v2;
	v2 =	vld [tilespmem:$0x1FD90]  }
0x4d9: {  	vm13 =	vne.s32 v16, v61;
	v57 =	vsel vm1, v43, v44  }
0x4da: {  	v48 =	vimm.s32 $0x0;
	vm0 =	vmand vm0, vm13;
	v44 =	vshra.s32 v57, $0x1F  }
0x4db: {  	v62 =	vshrl.u32 v42, $0x3;
	v58 =	vsel vm0, $0xFFFFFFFF, v48;
	v44 =	vshrl.u32 v44, $0x1D  }
0x4dc: {  	v42 =	vadd.s32 v58, v62;
	v44 =	vadd.s32 v44, v57  }
0x4dd: {  	v40 =	vld.idx.msk [tilespmem:v40+s14+$0x0], $0xffff;
	v43 =	vsub.s32 v16, v61;
	v45 =	vadd.s32 v2, v16;
	v60 =	vand.u32 $0xFFFFFFF8, v44  }
0x4de: {  	vm14 =	vlt.s32 v57, $0x1;
	v61 =	vadd.s32 v2, v57;
	v2 =	vld [tilespmem:$0x1FC30];
	vm15 =	vne.s32 v57, v60  }
0x4df: {  	v42 =	vshll.u32 v42, $0xA;
	vm0 =	vmand vm14, vm15  }
0x4e0: {  	v43 =	vshll.u32 v43, $0x7;
	v44 =	vshrl.u32 v44, $0x3;
	v48 =	vsel vm0, $0xFFFFFFFF, v48  }
0x4e1: {  	v49 =	vadd.s32 v43, v42;
	v44 =	vadd.s32 v48, v44;
	v48 =	vld [tilespmem:$0x1FDC0]  }
0x4e2: {  	v53 =	vor.u32 v1, v49;
	[tilespmem:v41+s28+$0x0] =	vst.idx.msk $0xffff, v40;
	v52 =	vld.idx.msk [tilespmem:v45+s14+$0x0], $0xffff  }
0x4e3: {  	v54 =	vmovc v47;
	v47 =	vsub.s32 v57, v60;
	v58 =	vadd.s32 v2, v16;
	v60 =	vadd.s32 v2, v57;
	v2 =	vld [tilespmem:$0x1FC40];
	_ =	sdelay $0x1  }
0x4e4: {  	v50 =	vshll.u32 v47, $0x7;
	v62 =	vshll.u32 v44, $0xA  }
0x4e5: {  	v50 =	vadd.s32 v50, v62  }
0x4e6: {  	v55 =	vld.idx.msk [tilespmem:v61+s14+$0x0], $0xffff;
	v56 =	vor.u32 v1, v50  }
0x4e7: {  	v37 =	vld.idx.msk [tilespmem:v37+s14+$0x0], $0xffff;
	v61 =	vor.u32 v2, v15;
	[tilespmem:v53+s28+$0x0] =	vst.idx.msk $0xffff, v52  }
0x4e8: {  	v3 =	vld [tilespmem:$0x1FC50];
	_ =	sdelay $0x2  }
0x4e9: {  	v52 =	vor.u32 v2, v49;
	v42 =	vld.idx.msk [tilespmem:v58+s14+$0x0], $0xffff;
	[tilespmem:v56+s28+$0x0] =	vst.idx.msk $0xffff, v55  }
0x4ea: {  	[tilespmem:v61+s28+$0x0] =	vst.idx.msk $0xffff, v37  }
0x4eb: {  	v55 =	vor.u32 v2, v50;
	v62 =	vadd.s32 v3, v14;
	v2 =	vld [tilespmem:$0x1FC60]  }
0x4ec: {  	v56 =	vadd.s32 v3, v16;
	_ =	sdelay $0x1  }
0x4ed: {  	v53 =	vld.idx.msk [tilespmem:v60+s14+$0x0], $0xffff;
	[tilespmem:v52+s28+$0x0] =	vst.idx.msk $0xffff, v42  }
0x4ee: {  	v58 =	vadd.s32 v3, v57;
	v3 =	vld [tilespmem:$0x1FC70]  }
0x4ef: {  	v37 =	vld.idx.msk [tilespmem:v62+s14+$0x0], $0xffff;
	v60 =	vor.u32 v2, v15  }
0x4f0: {  	v42 =	vld.idx.msk [tilespmem:v56+s14+$0x0], $0xffff;
	v62 =	vor.u32 v2, v49;
	_ =	sdelay $0x2  }
0x4f1: {  	[tilespmem:v55+s28+$0x0] =	vst.idx.msk $0xffff, v53;
	v61 =	vadd.s32 v3, v14  }
0x4f2: {  	v53 =	vadd.s32 v3, v16;
	[tilespmem:v60+s28+$0x0] =	vst.idx.msk $0xffff, v37  }
0x4f3: {  	[tilespmem:v62+s28+$0x0] =	vst.idx.msk $0xffff, v42  }
0x4f4: {  	v52 =	vor.u32 v2, v50;
	v2 =	vld [tilespmem:$0x1FC80]  }
0x4f5: {  	v44 =	vld.idx.msk [tilespmem:v58+s14+$0x0], $0xffff  }
0x4f6: {  	v56 =	vor.u32 v0, v15;
	v37 =	vld.idx.msk [tilespmem:v61+s14+$0x0], $0xffff  }
0x4f7: {  	v55 =	vadd.s32 v3, v57;
	v60 =	vor.u32 v0, v49;
	v42 =	vld.idx.msk [tilespmem:v53+s14+$0x0], $0xffff;
	_ =	sdelay $0x1  }
0x4f8: {  	v58 =	vadd.s32 v2, v14  }
0x4f9: {  	[tilespmem:v52+s28+$0x0] =	vst.idx.msk $0xffff, v44  }
0x4fa: {  	[tilespmem:v56+s28+$0x0] =	vst.idx.msk $0xffff, v37  }
0x4fb: {  	v44 =	vld.idx.msk [tilespmem:v55+s14+$0x0], $0xffff;
	[tilespmem:v60+s28+$0x0] =	vst.idx.msk $0xffff, v42  }
0x4fc: {  	v61 =	vor.u32 v0, v50;
	v62 =	vadd.s32 v2, v16;
	v52 =	vadd.s32 v2, v57;
	v2 =	vld [tilespmem:$0x1FC90]  }
0x4fd: {  	v53 =	vor.u32 v51, v15;
	v37 =	vld.idx.msk [tilespmem:v58+s14+$0x0], $0xffff;
	_ =	sdelay $0x3  }
0x4fe: {  	[tilespmem:v61+s28+$0x0] =	vst.idx.msk $0xffff, v44  }
0x4ff: {  	v56 =	vor.u32 v51, v49;
	v42 =	vld.idx.msk [tilespmem:v62+s14+$0x0], $0xffff;
	v55 =	vadd.s32 v2, v14;
	[tilespmem:v53+s28+$0x0] =	vst.idx.msk $0xffff, v37  }
0x500: {  	v1 =	vld [tilespmem:$0x1FCA0]  }
0x501: {  	v60 =	vadd.s32 v2, v16;
	_ =	sdelay $0x1  }
0x502: {  	v44 =	vld.idx.msk [tilespmem:v52+s14+$0x0], $0xffff  }
0x503: {  	v58 =	vor.u32 v51, v50;
	v37 =	vld.idx.msk [tilespmem:v55+s14+$0x0], $0xffff;
	[tilespmem:v56+s28+$0x0] =	vst.idx.msk $0xffff, v42  }
0x504: {  	v61 =	vadd.s32 v2, v57;
	v2 =	vld [tilespmem:$0x1FCB0];
	v62 =	vor.u32 v1, v15  }
0x505: {  	v42 =	vld.idx.msk [tilespmem:v60+s14+$0x0], $0xffff;
	v53 =	vor.u32 v1, v49;
	_ =	sdelay $0x2  }
0x506: {  	[tilespmem:v58+s28+$0x0] =	vst.idx.msk $0xffff, v44  }
0x507: {  	[tilespmem:v62+s28+$0x0] =	vst.idx.msk $0xffff, v37  }
0x508: {  	v52 =	vadd.s32 v2, v14;
	v3 =	vld [tilespmem:$0x1FCC0];
	[tilespmem:v53+s28+$0x0] =	vst.idx.msk $0xffff, v42  }
0x509: {  	v56 =	vadd.s32 v2, v16;
	v58 =	vadd.s32 v2, v57;
	v2 =	vld [tilespmem:$0x1FCD0];
	_ =	sdelay $0x2  }
0x50a: {  	v44 =	vld.idx.msk [tilespmem:v61+s14+$0x0], $0xffff;
	v55 =	vor.u32 v1, v50  }
0x50b: {  	v37 =	vld.idx.msk [tilespmem:v52+s14+$0x0], $0xffff;
	v60 =	vor.u32 v3, v15  }
0x50c: {  	v42 =	vld.idx.msk [tilespmem:v56+s14+$0x0], $0xffff;
	v62 =	vor.u32 v3, v49;
	v61 =	vadd.s32 v2, v14;
	_ =	sdelay $0x2  }
0x50d: {  	[tilespmem:v55+s28+$0x0] =	vst.idx.msk $0xffff, v44  }
0x50e: {  	v44 =	vld.idx.msk [tilespmem:v58+s14+$0x0], $0xffff;
	v52 =	vor.u32 v3, v50;
	[tilespmem:v60+s28+$0x0] =	vst.idx.msk $0xffff, v37  }
0x50f: {  	v56 =	vor.u32 v48, v15;
	v53 =	vadd.s32 v2, v16;
	[tilespmem:v62+s28+$0x0] =	vst.idx.msk $0xffff, v42;
	v37 =	vld.idx.msk [tilespmem:v61+s14+$0x0], $0xffff  }
0x510: {  	v1 =	vld [tilespmem:$0x1FCE0];
	_ =	sdelay $0x2  }
0x511: {  	v55 =	vadd.s32 v2, v57;
	[tilespmem:v52+s28+$0x0] =	vst.idx.msk $0xffff, v44  }
0x512: {  	v42 =	vld.idx.msk [tilespmem:v53+s14+$0x0], $0xffff;
	[tilespmem:v56+s28+$0x0] =	vst.idx.msk $0xffff, v37  }
0x513: {  	v60 =	vor.u32 v48, v49;
	v58 =	vadd.s32 v1, v14;
	v3 =	vld [tilespmem:$0x1FCF0];
	_ =	sdelay $0x2  }
0x514: {  	v61 =	vor.u32 v48, v50;
	v44 =	vld.idx.msk [tilespmem:v55+s14+$0x0], $0xffff;
	_ =	sdelay $0x1  }
0x515: {  	[tilespmem:v60+s28+$0x0] =	vst.idx.msk $0xffff, v42;
	v37 =	vld.idx.msk [tilespmem:v58+s14+$0x0], $0xffff;
	v53 =	vadd.s32 v3, v15  }
0x516: {  	v2 =	vld [tilespmem:$0x1FFB0]  }
0x517: {  	v62 =	vadd.s32 v1, v16  }
0x518: {  	v52 =	vadd.s32 v1, v57;
	[tilespmem:v61+s28+$0x0] =	vst.idx.msk $0xffff, v44  }
0x519: {  	[tilespmem:v29+s28+$0x0] =	vst.idx.msk $0xffff, v39  }
0x51a: {  	[tilespmem:v53+s28+$0x0] =	vst.idx.msk $0xffff, v37  }
0x51b: {  	v56 =	vadd.s32 v3, v49;
	v58 =	vadd.s32 v3, v50;
	v55 =	vadd.s32 v2, v14;
	v3 =	vld [tilespmem:$0x1FFD0]  }
0x51c: {  	v42 =	vld.idx.msk [tilespmem:v62+s14+$0x0], $0xffff  }
0x51d: {  	v44 =	vld.idx.msk [tilespmem:v52+s14+$0x0], $0xffff  }
0x51e: {  	v23 =	vld.idx.msk [tilespmem:v23+s14+$0x0], $0xffff  }
0x51f: {  	v60 =	vadd.s32 v2, v16;
	v61 =	vadd.s32 v2, v57;
	v2 =	vld [tilespmem:$0x1FFC0]  }
0x520: {  	v37 =	vld.idx.msk [tilespmem:v55+s14+$0x0], $0xffff;
	v62 =	vadd.s32 v3, v15  }
0x521: {  	[tilespmem:v56+s28+$0x0] =	vst.idx.msk $0xffff, v42  }
0x522: {  	[tilespmem:v58+s28+$0x0] =	vst.idx.msk $0xffff, v44  }
0x523: {  	[tilespmem:v38+s28+$0x0] =	vst.idx.msk $0xffff, v35  }
0x524: {  	[tilespmem:v24+s28+$0x0] =	vst.idx.msk $0xffff, v23;
	v53 =	vld.idx.msk [tilespmem:v60+s14+$0x0], $0xffff  }
0x525: {  	v56 =	vld.idx.msk [tilespmem:v61+s14+$0x0], $0xffff;
	v29 =	vadd.s32 v2, v12;
	v52 =	vadd.s32 v2, v14;
	[tilespmem:v62+s28+$0x0] =	vst.idx.msk $0xffff, v37  }
0x526: {  	v55 =	vadd.s32 v3, v49;
	v60 =	vadd.s32 v2, v16;
	v61 =	vadd.s32 v2, v57;
	v2 =	vld [tilespmem:$0x1FF80];
	_ =	sdelay $0x1  }
0x527: {  	v58 =	vadd.s32 v3, v50;
	_ =	sdelay $0x1  }
0x528: {  	v23 =	vld.idx.msk [tilespmem:v29+s14+$0x0], $0xffff  }
0x529: {  	[tilespmem:v55+s28+$0x0] =	vst.idx.msk $0xffff, v53;
	v37 =	vld.idx.msk [tilespmem:v52+s14+$0x0], $0xffff;
	v24 =	vadd.s32 v2, v13  }
0x52a: {  	v3 =	vld [tilespmem:$0x1FF70];
	v62 =	vadd.s32 v2, v15  }
0x52b: {  	[tilespmem:v58+s28+$0x0] =	vst.idx.msk $0xffff, v56  }
0x52c: {  	[tilespmem:v36+s28+$0x0] =	vst.idx.msk $0xffff, v27  }
0x52d: {  	[tilespmem:v31+s28+$0x0] =	vst.idx.msk $0xffff, v34  }
0x52e: {  	[tilespmem:v24+s28+$0x0] =	vst.idx.msk $0xffff, v23  }
0x52f: {  	v47 =	vld.idx.msk [tilespmem:v60+s14+$0x0], $0xffff;
	v29 =	vadd.s32 v3, v12;
	[tilespmem:v62+s28+$0x0] =	vst.idx.msk $0xffff, v37  }
0x530: {  	v59 =	vmov v46;
	v56 =	vadd.s32 v2, v49;
	v46 =	vadd.s32 v3, v14;
	v53 =	vld [tilespmem:$0x1FF90]  }
0x531: {  	v33 =	vld.idx.msk [tilespmem:v33+s14+$0x0], $0xffff  }
0x532: {  	v27 =	vld.idx.msk [tilespmem:v61+s14+$0x0], $0xffff;
	v58 =	vadd.s32 v2, v50  }
0x533: {  	v31 =	vadd.s32 v59, v6;
	v23 =	vld.idx.msk [tilespmem:v32+s14+$0x0], $0xffff  }
0x534: {  	v24 =	vadd.s32 v59, v8;
	v29 =	vld.idx.msk [tilespmem:v29+s14+$0x0], $0xffff  }
0x535: {  	[tilespmem:v56+s28+$0x0] =	vst.idx.msk $0xffff, v47;
	v38 =	vld.idx.msk [tilespmem:v46+s14+$0x0], $0xffff;
	v62 =	vadd.s32 v53, v13  }
0x536: {  	v60 =	vadd.s32 v3, v16;
	v40 =	vld [tilespmem:$0x1FF60];
	v43 =	vadd.s32 v53, v15  }
0x537: {  	[tilespmem:v58+s28+$0x0] =	vst.idx.msk $0xffff, v27  }
0x538: {  	[tilespmem:v31+s28+$0x0] =	vst.idx.msk $0xffff, v33  }
0x539: {  	v61 =	vadd.s32 v3, v57;
	[tilespmem:v24+s28+$0x0] =	vst.idx.msk $0xffff, v23  }
0x53a: {  	[tilespmem:v62+s28+$0x0] =	vst.idx.msk $0xffff, v29  }
0x53b: {  	v44 =	vld.idx.msk [tilespmem:v60+s14+$0x0], $0xffff;
	v42 =	vadd.s32 v40, v12;
	[tilespmem:v43+s28+$0x0] =	vst.idx.msk $0xffff, v38  }
0x53c: {  	v45 =	vadd.s32 v53, v49;
	v27 =	vadd.s32 v40, v14;
	v52 =	vld [tilespmem:$0x1FFA0]  }
0x53d: {  	v20 =	vld.idx.msk [tilespmem:v20+s14+$0x0], $0xffff  }
0x53e: {  	v31 =	vld.idx.msk [tilespmem:v61+s14+$0x0], $0xffff;
	v46 =	vadd.s32 v53, v50  }
0x53f: {  	v24 =	vld.idx.msk [tilespmem:v25+s14+$0x0], $0xffff  }
0x540: {  	v29 =	vld.idx.msk [tilespmem:v42+s14+$0x0], $0xffff  }
0x541: {  	[tilespmem:v45+s28+$0x0] =	vst.idx.msk $0xffff, v44;
	v27 =	vld.idx.msk [tilespmem:v27+s14+$0x0], $0xffff;
	v56 =	vadd.s32 v52, v13  }
0x542: {  	v23 =	vadd.s32 v40, v57;
	v2 =	vld [tilespmem:$0x1FF30];
	v60 =	vadd.s32 v52, v15  }
0x543: {  	[tilespmem:v46+s28+$0x0] =	vst.idx.msk $0xffff, v31  }
0x544: {  	v47 =	vadd.s32 v40, v16;
	[tilespmem:v21+s28+$0x0] =	vst.idx.msk $0xffff, v20  }
0x545: {  	[tilespmem:v28+s28+$0x0] =	vst.idx.msk $0xffff, v24  }
0x546: {  	v39 =	vld [tilespmem:$0x1FDF0];
	[tilespmem:v56+s28+$0x0] =	vst.idx.msk $0xffff, v29  }
0x547: {  	v25 =	vadd.s32 v54, v9;
	v20 =	vld.idx.msk [tilespmem:v23+s14+$0x0], $0xffff;
	v58 =	vadd.s32 v2, v12;
	[tilespmem:v60+s28+$0x0] =	vst.idx.msk $0xffff, v27  }
0x548: {  	v31 =	vadd.s32 v2, v14;
	v23 =	vadd.s32 v2, v16;
	v28 =	vadd.s32 v2, v57;
	v2 =	vld [tilespmem:$0x1FEF0]  }
0x549: {  	v61 =	vld.idx.msk [tilespmem:v47+s14+$0x0], $0xffff;
	v62 =	vadd.s32 v52, v49  }
0x54a: {  	v21 =	vadd.s32 v52, v50  }
0x54b: {  	v30 =	vld.idx.msk [tilespmem:v30+s14+$0x0], $0xffff;
	v24 =	vadd.s32 v39, v6  }
0x54c: {  	v25 =	vld.idx.msk [tilespmem:v25+s14+$0x0], $0xffff;
	v29 =	vadd.s32 v39, v8  }
0x54d: {  	v27 =	vld.idx.msk [tilespmem:v58+s14+$0x0], $0xffff;
	v37 =	vadd.s32 v2, v13  }
0x54e: {  	[tilespmem:v62+s28+$0x0] =	vst.idx.msk $0xffff, v61;
	v31 =	vld.idx.msk [tilespmem:v31+s14+$0x0], $0xffff;
	v47 =	vadd.s32 v2, v15  }
0x54f: {  	v62 =	vld [tilespmem:$0x1FF00];
	[tilespmem:v21+s28+$0x0] =	vst.idx.msk $0xffff, v20  }
0x550: {  	[tilespmem:v24+s28+$0x0] =	vst.idx.msk $0xffff, v30  }
0x551: {  	v21 =	vld.idx.msk [tilespmem:v23+s14+$0x0], $0xffff;
	[tilespmem:v29+s28+$0x0] =	vst.idx.msk $0xffff, v25;
	v23 =	vadd.s32 v2, v49  }
0x552: {  	v18 =	vld.idx.msk [tilespmem:v18+s14+$0x0], $0xffff;
	[tilespmem:v37+s28+$0x0] =	vst.idx.msk $0xffff, v27  }
0x553: {  	v41 =	vld [tilespmem:$0x1FE10];
	[tilespmem:v47+s28+$0x0] =	vst.idx.msk $0xffff, v31  }
0x554: {  	v38 =	vadd.s32 v62, v12;
	v60 =	vld [tilespmem:$0x1FED0]  }
0x555: {  	v20 =	vadd.s32 v62, v14;
	v46 =	vld [tilespmem:$0x1FE00]  }
0x556: {  	v24 =	vld.idx.msk [tilespmem:v28+s14+$0x0], $0xffff;
	v28 =	vadd.s32 v2, v50;
	[tilespmem:v23+s28+$0x0] =	vst.idx.msk $0xffff, v21  }
0x557: {  	v58 =	vld [tilespmem:$0x1FEE0]  }
0x558: {  	v22 =	vld.idx.msk [tilespmem:v22+s14+$0x0], $0xffff;
	v30 =	vadd.s32 v62, v16;
	v27 =	vadd.s32 v41, v10  }
0x559: {  	v25 =	vadd.s32 v62, v57;
	v31 =	vld.idx.msk [tilespmem:v38+s14+$0x0], $0xffff;
	v55 =	vadd.s32 v60, v13  }
0x55a: {  	v20 =	vld.idx.msk [tilespmem:v20+s14+$0x0], $0xffff;
	v29 =	vadd.s32 v46, v9;
	v23 =	vadd.s32 v60, v15  }
0x55b: {  	[tilespmem:v28+s28+$0x0] =	vst.idx.msk $0xffff, v24  }
0x55c: {  	v26 =	vld.idx.msk [tilespmem:v26+s14+$0x0], $0xffff;
	[tilespmem:v19+s28+$0x0] =	vst.idx.msk $0xffff, v18;
	v21 =	vadd.s32 v58, v12  }
0x55d: {  	v28 =	vld.idx.msk [tilespmem:v30+s14+$0x0], $0xffff;
	v30 =	vadd.s32 v60, v49;
	v24 =	vadd.s32 v58, v14;
	[tilespmem:v27+s28+$0x0] =	vst.idx.msk $0xffff, v22  }
0x55e: {  	v18 =	vld.idx.msk [tilespmem:v25+s14+$0x0], $0xffff;
	v19 =	vadd.s32 v60, v50;
	[tilespmem:v55+s28+$0x0] =	vst.idx.msk $0xffff, v31  }
0x55f: {  	v22 =	vadd.s32 v41, v6;
	v29 =	vld.idx.msk [tilespmem:v29+s14+$0x0], $0xffff;
	[tilespmem:v23+s28+$0x0] =	vst.idx.msk $0xffff, v20  }
0x560: {  	v31 =	vadd.s32 v41, v8;
	v36 =	vld [tilespmem:$0x1FE20]  }
0x561: {  	v23 =	vadd.s32 v63, v13;
	v21 =	vld.idx.msk [tilespmem:v21+s14+$0x0], $0xffff  }
0x562: {  	[tilespmem:v30+s28+$0x0] =	vst.idx.msk $0xffff, v28;
	v24 =	vld.idx.msk [tilespmem:v24+s14+$0x0], $0xffff;
	v30 =	vadd.s32 v63, v15  }
0x563: {  	v1 =	vmov v49;
	v49 =	vld [tilespmem:$0x1FF10];
	[tilespmem:v19+s28+$0x0] =	vst.idx.msk $0xffff, v18  }
0x564: {  	v25 =	vadd.s32 v58, v16;
	[tilespmem:v22+s28+$0x0] =	vst.idx.msk $0xffff, v26  }
0x565: {  	v27 =	vadd.s32 v58, v57;
	[tilespmem:v31+s28+$0x0] =	vst.idx.msk $0xffff, v29  }
0x566: {  	v34 =	vld [tilespmem:$0x1FE30];
	[tilespmem:v23+s28+$0x0] =	vst.idx.msk $0xffff, v21  }
0x567: {  	v20 =	vadd.s32 v36, v7;
	[tilespmem:v30+s28+$0x0] =	vst.idx.msk $0xffff, v24  }
0x568: {  	v28 =	vadd.s32 v49, v12;
	v55 =	vld [tilespmem:$0x1FF20]  }
0x569: {  	v19 =	vld.idx.msk [tilespmem:v25+s14+$0x0], $0xffff;
	v25 =	vadd.s32 v63, v1;
	v18 =	vadd.s32 v49, v14  }
0x56a: {  	v22 =	vld.idx.msk [tilespmem:v27+s14+$0x0], $0xffff;
	v26 =	vadd.s32 v63, v50  }
0x56b: {  	v17 =	vld.idx.msk [tilespmem:v17+s14+$0x0], $0xffff;
	v29 =	vadd.s32 v34, v4  }
0x56c: {  	v20 =	vld.idx.msk [tilespmem:v20+s14+$0x0], $0xffff;
	v23 =	vadd.s32 v34, v10  }
0x56d: {  	v28 =	vld.idx.msk [tilespmem:v28+s14+$0x0], $0xffff;
	v30 =	vadd.s32 v55, v13  }
0x56e: {  	[tilespmem:v25+s28+$0x0] =	vst.idx.msk $0xffff, v19;
	v18 =	vld.idx.msk [tilespmem:v18+s14+$0x0], $0xffff;
	v25 =	vadd.s32 v55, v15  }
0x56f: {  	v44 =	vld [tilespmem:$0x1FF40];
	[tilespmem:v26+s28+$0x0] =	vst.idx.msk $0xffff, v22  }
0x570: {  	v27 =	vadd.s32 v49, v16;
	[tilespmem:v29+s28+$0x0] =	vst.idx.msk $0xffff, v17  }
0x571: {  	v31 =	vadd.s32 v49, v57;
	[tilespmem:v23+s28+$0x0] =	vst.idx.msk $0xffff, v20  }
0x572: {  	v21 =	vadd.s32 v36, v11;
	[tilespmem:v30+s28+$0x0] =	vst.idx.msk $0xffff, v28  }
0x573: {  	v24 =	vadd.s32 v36, v9;
	v33 =	vld [tilespmem:$0x1FE40];
	[tilespmem:v25+s28+$0x0] =	vst.idx.msk $0xffff, v18  }
0x574: {  	v19 =	vadd.s32 v44, v12;
	v43 =	vld [tilespmem:$0x1FF50]  }
0x575: {  	v26 =	vld.idx.msk [tilespmem:v27+s14+$0x0], $0xffff;
	v27 =	vadd.s32 v55, v1;
	v22 =	vadd.s32 v44, v14  }
0x576: {  	v17 =	vld.idx.msk [tilespmem:v31+s14+$0x0], $0xffff;
	v29 =	vadd.s32 v55, v50  }
0x577: {  	v21 =	vld.idx.msk [tilespmem:v21+s14+$0x0], $0xffff;
	v20 =	vadd.s32 v34, v6  }
0x578: {  	v24 =	vld.idx.msk [tilespmem:v24+s14+$0x0], $0xffff;
	v30 =	vadd.s32 v34, v8  }
0x579: {  	v19 =	vld.idx.msk [tilespmem:v19+s14+$0x0], $0xffff;
	v25 =	vadd.s32 v43, v13  }
0x57a: {  	[tilespmem:v27+s28+$0x0] =	vst.idx.msk $0xffff, v26;
	v22 =	vld.idx.msk [tilespmem:v22+s14+$0x0], $0xffff;
	v27 =	vadd.s32 v43, v15  }
0x57b: {  	v2 =	vld [tilespmem:$0x1FEA0];
	[tilespmem:v29+s28+$0x0] =	vst.idx.msk $0xffff, v17  }
0x57c: {  	v31 =	vadd.s32 v44, v16;
	[tilespmem:v20+s28+$0x0] =	vst.idx.msk $0xffff, v21  }
0x57d: {  	v23 =	vadd.s32 v44, v57;
	[tilespmem:v30+s28+$0x0] =	vst.idx.msk $0xffff, v24  }
0x57e: {  	v28 =	vadd.s32 v33, v5;
	v38 =	vld [tilespmem:$0x1FE50];
	[tilespmem:v25+s28+$0x0] =	vst.idx.msk $0xffff, v19  }
0x57f: {  	v18 =	vadd.s32 v33, v7;
	[tilespmem:v27+s28+$0x0] =	vst.idx.msk $0xffff, v22  }
0x580: {  	v26 =	vadd.s32 v2, v12;
	v42 =	vld [tilespmem:$0x1FDD0]  }
0x581: {  	v29 =	vld.idx.msk [tilespmem:v31+s14+$0x0], $0xffff;
	v31 =	vadd.s32 v43, v1;
	v17 =	vadd.s32 v2, v14  }
0x582: {  	v20 =	vld.idx.msk [tilespmem:v23+s14+$0x0], $0xffff;
	v21 =	vadd.s32 v43, v50  }
0x583: {  	v28 =	vld.idx.msk [tilespmem:v28+s14+$0x0], $0xffff;
	v24 =	vadd.s32 v38, v4  }
0x584: {  	v18 =	vld.idx.msk [tilespmem:v18+s14+$0x0], $0xffff;
	v25 =	vadd.s32 v38, v10  }
0x585: {  	v26 =	vld.idx.msk [tilespmem:v26+s14+$0x0], $0xffff;
	v27 =	vadd.s32 v42, v13  }
0x586: {  	[tilespmem:v31+s28+$0x0] =	vst.idx.msk $0xffff, v29;
	v17 =	vld.idx.msk [tilespmem:v17+s14+$0x0], $0xffff;
	v31 =	vadd.s32 v42, v15  }
0x587: {  	v56 =	vld [tilespmem:$0x1FEB0];
	[tilespmem:v21+s28+$0x0] =	vst.idx.msk $0xffff, v20  }
0x588: {  	v23 =	vadd.s32 v2, v16;
	[tilespmem:v24+s28+$0x0] =	vst.idx.msk $0xffff, v28  }
0x589: {  	v30 =	vadd.s32 v2, v57;
	[tilespmem:v25+s28+$0x0] =	vst.idx.msk $0xffff, v18  }
0x58a: {  	v19 =	vadd.s32 v33, v11;
	[tilespmem:v27+s28+$0x0] =	vst.idx.msk $0xffff, v26  }
0x58b: {  	v22 =	vadd.s32 v33, v9;
	v32 =	vld [tilespmem:$0x1FE60];
	[tilespmem:v31+s28+$0x0] =	vst.idx.msk $0xffff, v17  }
0x58c: {  	v29 =	vadd.s32 v56, v12;
	v61 =	vld [tilespmem:$0x1FDE0]  }
0x58d: {  	v21 =	vld.idx.msk [tilespmem:v23+s14+$0x0], $0xffff;
	v23 =	vadd.s32 v42, v1;
	v20 =	vadd.s32 v56, v14  }
0x58e: {  	v24 =	vld.idx.msk [tilespmem:v30+s14+$0x0], $0xffff;
	v28 =	vadd.s32 v42, v50  }
0x58f: {  	v19 =	vld.idx.msk [tilespmem:v19+s14+$0x0], $0xffff;
	v18 =	vadd.s32 v38, v6  }
0x590: {  	v22 =	vld.idx.msk [tilespmem:v22+s14+$0x0], $0xffff;
	v30 =	vadd.s32 v56, v16;
	v27 =	vadd.s32 v38, v8  }
0x591: {  	v29 =	vld.idx.msk [tilespmem:v29+s14+$0x0], $0xffff;
	v31 =	vadd.s32 v61, v13  }
0x592: {  	[tilespmem:v23+s28+$0x0] =	vst.idx.msk $0xffff, v21;
	v20 =	vld.idx.msk [tilespmem:v20+s14+$0x0], $0xffff;
	v23 =	vadd.s32 v61, v15  }
0x593: {  	v37 =	vld [tilespmem:$0x1FE80];
	[tilespmem:v28+s28+$0x0] =	vst.idx.msk $0xffff, v24  }
0x594: {  	v25 =	vadd.s32 v56, v57;
	[tilespmem:v18+s28+$0x0] =	vst.idx.msk $0xffff, v19  }
0x595: {  	v28 =	vld.idx.msk [tilespmem:v30+s14+$0x0], $0xffff;
	[tilespmem:v27+s28+$0x0] =	vst.idx.msk $0xffff, v22;
	v26 =	vadd.s32 v32, v5  }
0x596: {  	v17 =	vadd.s32 v32, v7;
	v45 =	vld [tilespmem:$0x1FE70];
	v30 =	vadd.s32 v61, v1;
	[tilespmem:v31+s28+$0x0] =	vst.idx.msk $0xffff, v29  }
0x597: {  	[tilespmem:v23+s28+$0x0] =	vst.idx.msk $0xffff, v20  }
0x598: {  	v21 =	vadd.s32 v37, v12;
	v2 =	vld [tilespmem:$0x1FD00]  }
0x599: {  	v18 =	vld.idx.msk [tilespmem:v25+s14+$0x0], $0xffff;
	v24 =	vadd.s32 v37, v14  }
0x59a: {  	v19 =	vadd.s32 v61, v50;
	v25 =	vadd.s32 v37, v16;
	v26 =	vld.idx.msk [tilespmem:v26+s14+$0x0], $0xffff  }
0x59b: {  	v27 =	vadd.s32 v37, v57;
	v22 =	vadd.s32 v45, v4;
	v17 =	vld.idx.msk [tilespmem:v17+s14+$0x0], $0xffff;
	[tilespmem:v30+s28+$0x0] =	vst.idx.msk $0xffff, v28  }
0x59c: {  	v29 =	vadd.s32 v32, v11;
	v31 =	vadd.s32 v45, v10;
	v35 =	vld [tilespmem:$0x1FE90]  }
0x59d: {  	v20 =	vadd.s32 v32, v9;
	v21 =	vld.idx.msk [tilespmem:v21+s14+$0x0], $0xffff;
	v23 =	vadd.s32 v2, v13  }
0x59e: {  	v24 =	vld.idx.msk [tilespmem:v24+s14+$0x0], $0xffff;
	v30 =	vadd.s32 v2, v15  }
0x59f: {  	[tilespmem:v19+s28+$0x0] =	vst.idx.msk $0xffff, v18;
	v19 =	vld.idx.msk [tilespmem:v25+s14+$0x0], $0xffff;
	v25 =	vadd.s32 v2, v1  }
0x5a0: {  	[tilespmem:v22+s28+$0x0] =	vst.idx.msk $0xffff, v26;
	v22 =	vld.idx.msk [tilespmem:v27+s14+$0x0], $0xffff;
	v26 =	vadd.s32 v2, v50  }
0x5a1: {  	v29 =	vld.idx.msk [tilespmem:v29+s14+$0x0], $0xffff;
	[tilespmem:v31+s28+$0x0] =	vst.idx.msk $0xffff, v17;
	v17 =	vadd.s32 v45, v6;
	v28 =	vadd.s32 v35, v12  }
0x5a2: {  	v20 =	vld.idx.msk [tilespmem:v20+s14+$0x0], $0xffff;
	v18 =	vadd.s32 v35, v14;
	[tilespmem:v23+s28+$0x0] =	vst.idx.msk $0xffff, v21;
	v23 =	vadd.s32 v45, v8  }
0x5a3: {  	v3 =	vld [tilespmem:$0x1FD30];
	[tilespmem:v30+s28+$0x0] =	vst.idx.msk $0xffff, v24  }
0x5a4: {  	[tilespmem:v25+s28+$0x0] =	vst.idx.msk $0xffff, v19  }
0x5a5: {  	v27 =	vadd.s32 v35, v16;
	[tilespmem:v26+s28+$0x0] =	vst.idx.msk $0xffff, v22  }
0x5a6: {  	v31 =	vadd.s32 v35, v57;
	v30 =	vadd.s32 v59, v13;
	v28 =	vld.idx.msk [tilespmem:v28+s14+$0x0], $0xffff;
	[tilespmem:v17+s28+$0x0] =	vst.idx.msk $0xffff, v29  }
0x5a7: {  	v19 =	vadd.s32 v54, v12;
	v25 =	vadd.s32 v59, v15;
	v18 =	vld.idx.msk [tilespmem:v18+s14+$0x0], $0xffff;
	[tilespmem:v23+s28+$0x0] =	vst.idx.msk $0xffff, v20  }
0x5a8: {  	v21 =	vadd.s32 v3, v5;
	v2 =	vld [tilespmem:$0x1FD40]  }
0x5a9: {  	v24 =	vadd.s32 v3, v7  }
0x5aa: {  	v22 =	vadd.s32 v54, v14;
	v26 =	vld.idx.msk [tilespmem:v27+s14+$0x0], $0xffff;
	v27 =	vadd.s32 v59, v1  }
0x5ab: {  	v17 =	vadd.s32 v54, v16;
	v29 =	vld.idx.msk [tilespmem:v31+s14+$0x0], $0xffff;
	v31 =	vadd.s32 v59, v50;
	[tilespmem:v30+s28+$0x0] =	vst.idx.msk $0xffff, v28  }
0x5ac: {  	[tilespmem:v25+s28+$0x0] =	vst.idx.msk $0xffff, v18;
	v18 =	vadd.s32 v3, v9;
	v25 =	vadd.s32 v39, v13;
	v19 =	vld.idx.msk [tilespmem:v19+s14+$0x0], $0xffff  }
0x5ad: {  	v23 =	vadd.s32 v54, v57;
	v21 =	vld.idx.msk [tilespmem:v21+s14+$0x0], $0xffff;
	v20 =	vadd.s32 v2, v4  }
0x5ae: {  	v28 =	vadd.s32 v3, v11;
	v24 =	vld.idx.msk [tilespmem:v24+s14+$0x0], $0xffff;
	v30 =	vadd.s32 v2, v10  }
0x5af: {  	[tilespmem:v27+s28+$0x0] =	vst.idx.msk $0xffff, v26;
	v27 =	vadd.s32 v39, v15;
	v22 =	vld.idx.msk [tilespmem:v22+s14+$0x0], $0xffff  }
0x5b0: {  	[tilespmem:v31+s28+$0x0] =	vst.idx.msk $0xffff, v29;
	v31 =	vadd.s32 v39, v1;
	v17 =	vld.idx.msk [tilespmem:v17+s14+$0x0], $0xffff  }
0x5b1: {  	[tilespmem:v25+s28+$0x0] =	vst.idx.msk $0xffff, v19;
	v18 =	vld.idx.msk [tilespmem:v18+s14+$0x0], $0xffff;
	v25 =	vadd.s32 v2, v8  }
0x5b2: {  	v26 =	vadd.s32 v46, v12;
	[tilespmem:v20+s28+$0x0] =	vst.idx.msk $0xffff, v21;
	v21 =	vld.idx.msk [tilespmem:v23+s14+$0x0], $0xffff;
	v23 =	vadd.s32 v39, v50  }
0x5b3: {  	v29 =	vadd.s32 v46, v14;
	v28 =	vld.idx.msk [tilespmem:v28+s14+$0x0], $0xffff;
	[tilespmem:v30+s28+$0x0] =	vst.idx.msk $0xffff, v24;
	v24 =	vadd.s32 v2, v6  }
0x5b4: {  	v61 =	vld [tilespmem:$0x1FD50];
	[tilespmem:v27+s28+$0x0] =	vst.idx.msk $0xffff, v22  }
0x5b5: {  	[tilespmem:v31+s28+$0x0] =	vst.idx.msk $0xffff, v17  }
0x5b6: {  	v20 =	vadd.s32 v46, v16;
	[tilespmem:v25+s28+$0x0] =	vst.idx.msk $0xffff, v18  }
0x5b7: {  	v26 =	vld.idx.msk [tilespmem:v26+s14+$0x0], $0xffff;
	v30 =	vadd.s32 v46, v57;
	v27 =	vadd.s32 v41, v13;
	[tilespmem:v23+s28+$0x0] =	vst.idx.msk $0xffff, v21  }
0x5b8: {  	v17 =	vadd.s32 v36, v12;
	v31 =	vadd.s32 v41, v15;
	v29 =	vld.idx.msk [tilespmem:v29+s14+$0x0], $0xffff;
	[tilespmem:v24+s28+$0x0] =	vst.idx.msk $0xffff, v28  }
0x5b9: {  	v19 =	vadd.s32 v61, v5;
	v39 =	vld [tilespmem:$0x1FD60]  }
0x5ba: {  	v22 =	vadd.s32 v61, v7  }
0x5bb: {  	v20 =	vld.idx.msk [tilespmem:v20+s14+$0x0], $0xffff;
	v21 =	vadd.s32 v41, v1;
	v23 =	vadd.s32 v36, v14  }
0x5bc: {  	v28 =	vadd.s32 v41, v50;
	v24 =	vld.idx.msk [tilespmem:v30+s14+$0x0], $0xffff;
	v30 =	vadd.s32 v36, v16;
	[tilespmem:v27+s28+$0x0] =	vst.idx.msk $0xffff, v26  }
0x5bd: {  	[tilespmem:v31+s28+$0x0] =	vst.idx.msk $0xffff, v29;
	v29 =	vadd.s32 v61, v9;
	v17 =	vld.idx.msk [tilespmem:v17+s14+$0x0], $0xffff;
	v31 =	vadd.s32 v34, v13  }
0x5be: {  	v25 =	vadd.s32 v36, v57;
	v19 =	vld.idx.msk [tilespmem:v19+s14+$0x0], $0xffff;
	v18 =	vadd.s32 v39, v4  }
0x5bf: {  	v26 =	vadd.s32 v61, v11;
	v22 =	vld.idx.msk [tilespmem:v22+s14+$0x0], $0xffff;
	v27 =	vadd.s32 v39, v10  }
0x5c0: {  	[tilespmem:v21+s28+$0x0] =	vst.idx.msk $0xffff, v20;
	v21 =	vld.idx.msk [tilespmem:v23+s14+$0x0], $0xffff;
	v23 =	vadd.s32 v34, v15  }
0x5c1: {  	[tilespmem:v28+s28+$0x0] =	vst.idx.msk $0xffff, v24;
	v24 =	vld.idx.msk [tilespmem:v30+s14+$0x0], $0xffff;
	v28 =	vadd.s32 v34, v1  }
0x5c2: {  	[tilespmem:v31+s28+$0x0] =	vst.idx.msk $0xffff, v17;
	v29 =	vld.idx.msk [tilespmem:v29+s14+$0x0], $0xffff;
	v31 =	vadd.s32 v39, v8  }
0x5c3: {  	v20 =	vadd.s32 v33, v12;
	[tilespmem:v18+s28+$0x0] =	vst.idx.msk $0xffff, v19;
	v18 =	vld.idx.msk [tilespmem:v25+s14+$0x0], $0xffff;
	v19 =	vadd.s32 v34, v50  }
0x5c4: {  	v30 =	vadd.s32 v33, v14;
	v26 =	vld.idx.msk [tilespmem:v26+s14+$0x0], $0xffff;
	[tilespmem:v27+s28+$0x0] =	vst.idx.msk $0xffff, v22;
	v22 =	vadd.s32 v39, v6  }
0x5c5: {  	v41 =	vld [tilespmem:$0x1FD70];
	[tilespmem:v23+s28+$0x0] =	vst.idx.msk $0xffff, v21  }
0x5c6: {  	[tilespmem:v28+s28+$0x0] =	vst.idx.msk $0xffff, v24  }
0x5c7: {  	v25 =	vadd.s32 v33, v16;
	[tilespmem:v31+s28+$0x0] =	vst.idx.msk $0xffff, v29  }
0x5c8: {  	v20 =	vld.idx.msk [tilespmem:v20+s14+$0x0], $0xffff;
	v27 =	vadd.s32 v33, v57;
	v23 =	vadd.s32 v38, v13;
	[tilespmem:v19+s28+$0x0] =	vst.idx.msk $0xffff, v18  }
0x5c9: {  	v24 =	vadd.s32 v32, v12;
	v28 =	vld.idx.msk [tilespmem:v30+s14+$0x0], $0xffff;
	v30 =	vadd.s32 v38, v15;
	[tilespmem:v22+s28+$0x0] =	vst.idx.msk $0xffff, v26  }
0x5ca: {  	v17 =	vadd.s32 v41, v5;
	v42 =	vld [tilespmem:$0x1FD80]  }
0x5cb: {  	v21 =	vadd.s32 v41, v7  }
0x5cc: {  	v18 =	vld.idx.msk [tilespmem:v25+s14+$0x0], $0xffff;
	v19 =	vadd.s32 v38, v1;
	v25 =	vadd.s32 v32, v14  }
0x5cd: {  	v26 =	vadd.s32 v38, v50;
	v22 =	vld.idx.msk [tilespmem:v27+s14+$0x0], $0xffff;
	v27 =	vadd.s32 v32, v16;
	[tilespmem:v23+s28+$0x0] =	vst.idx.msk $0xffff, v20  }
0x5ce: {  	[tilespmem:v30+s28+$0x0] =	vst.idx.msk $0xffff, v28;
	v28 =	vadd.s32 v41, v9;
	v24 =	vld.idx.msk [tilespmem:v24+s14+$0x0], $0xffff;
	v30 =	vadd.s32 v45, v13  }
0x5cf: {  	v31 =	vadd.s32 v32, v57;
	v17 =	vld.idx.msk [tilespmem:v17+s14+$0x0], $0xffff;
	v29 =	vadd.s32 v42, v4  }
0x5d0: {  	v20 =	vadd.s32 v41, v11;
	v21 =	vld.idx.msk [tilespmem:v21+s14+$0x0], $0xffff;
	v23 =	vadd.s32 v42, v10  }
0x5d1: {  	[tilespmem:v19+s28+$0x0] =	vst.idx.msk $0xffff, v18;
	v19 =	vld.idx.msk [tilespmem:v25+s14+$0x0], $0xffff;
	v25 =	vadd.s32 v45, v15  }
0x5d2: {  	[tilespmem:v26+s28+$0x0] =	vst.idx.msk $0xffff, v22;
	v22 =	vld.idx.msk [tilespmem:v27+s14+$0x0], $0xffff;
	v26 =	vadd.s32 v45, v1  }
0x5d3: {  	[tilespmem:v30+s28+$0x0] =	vst.idx.msk $0xffff, v24;
	v28 =	vld.idx.msk [tilespmem:v28+s14+$0x0], $0xffff;
	v30 =	vadd.s32 v42, v8  }
0x5d4: {  	v18 =	vadd.s32 v3, v12;
	[tilespmem:v29+s28+$0x0] =	vst.idx.msk $0xffff, v17;
	v17 =	vld.idx.msk [tilespmem:v31+s14+$0x0], $0xffff;
	v29 =	vadd.s32 v45, v50  }
0x5d5: {  	v27 =	vadd.s32 v3, v14;
	v20 =	vld.idx.msk [tilespmem:v20+s14+$0x0], $0xffff;
	[tilespmem:v23+s28+$0x0] =	vst.idx.msk $0xffff, v21;
	v21 =	vadd.s32 v42, v6  }
0x5d6: {  	v31 =	vadd.s32 v3, v16;
	v23 =	vadd.s32 v3, v57;
	v3 =	vld [tilespmem:$0x1FDA0];
	[tilespmem:v25+s28+$0x0] =	vst.idx.msk $0xffff, v19  }
0x5d7: {  	[tilespmem:v26+s28+$0x0] =	vst.idx.msk $0xffff, v22  }
0x5d8: {  	[tilespmem:v30+s28+$0x0] =	vst.idx.msk $0xffff, v28  }
0x5d9: {  	v18 =	vld.idx.msk [tilespmem:v18+s14+$0x0], $0xffff;
	v25 =	vadd.s32 v2, v13;
	[tilespmem:v29+s28+$0x0] =	vst.idx.msk $0xffff, v17  }
0x5da: {  	v22 =	vadd.s32 v61, v12;
	v26 =	vld.idx.msk [tilespmem:v27+s14+$0x0], $0xffff;
	v27 =	vadd.s32 v2, v15;
	[tilespmem:v21+s28+$0x0] =	vst.idx.msk $0xffff, v20  }
0x5db: {  	v29 =	vadd.s32 v2, v1;
	v21 =	vadd.s32 v2, v50;
	v24 =	vadd.s32 v3, v5;
	v2 =	vld [tilespmem:$0x1FDB0]  }
0x5dc: {  	v19 =	vadd.s32 v3, v7  }
0x5dd: {  	v17 =	vld.idx.msk [tilespmem:v31+s14+$0x0], $0xffff;
	v31 =	vadd.s32 v61, v14  }
0x5de: {  	v20 =	vld.idx.msk [tilespmem:v23+s14+$0x0], $0xffff;
	v23 =	vadd.s32 v61, v16;
	[tilespmem:v25+s28+$0x0] =	vst.idx.msk $0xffff, v18  }
0x5df: {  	[tilespmem:v27+s28+$0x0] =	vst.idx.msk $0xffff, v26;
	v26 =	vadd.s32 v3, v9;
	v22 =	vld.idx.msk [tilespmem:v22+s14+$0x0], $0xffff;
	v27 =	vadd.s32 v39, v13  }
0x5e0: {  	v30 =	vadd.s32 v61, v57;
	v24 =	vld.idx.msk [tilespmem:v24+s14+$0x0], $0xffff;
	v28 =	vadd.s32 v2, v4  }
0x5e1: {  	v18 =	vadd.s32 v3, v11;
	v19 =	vld.idx.msk [tilespmem:v19+s14+$0x0], $0xffff;
	v25 =	vadd.s32 v2, v10  }
0x5e2: {  	[tilespmem:v29+s28+$0x0] =	vst.idx.msk $0xffff, v17;
	v29 =	vld.idx.msk [tilespmem:v31+s14+$0x0], $0xffff;
	v31 =	vadd.s32 v39, v15  }
0x5e3: {  	[tilespmem:v21+s28+$0x0] =	vst.idx.msk $0xffff, v20;
	v20 =	vld.idx.msk [tilespmem:v23+s14+$0x0], $0xffff;
	v21 =	vadd.s32 v39, v1  }
0x5e4: {  	v17 =	vadd.s32 v41, v12;
	[tilespmem:v27+s28+$0x0] =	vst.idx.msk $0xffff, v22;
	v22 =	vld.idx.msk [tilespmem:v26+s14+$0x0], $0xffff;
	v26 =	vadd.s32 v2, v8  }
0x5e5: {  	v23 =	vadd.s32 v41, v14;
	[tilespmem:v28+s28+$0x0] =	vst.idx.msk $0xffff, v24;
	v24 =	vld.idx.msk [tilespmem:v30+s14+$0x0], $0xffff;
	v28 =	vadd.s32 v39, v50  }
0x5e6: {  	v18 =	vld.idx.msk [tilespmem:v18+s14+$0x0], $0xffff;
	[tilespmem:v25+s28+$0x0] =	vst.idx.msk $0xffff, v19;
	v19 =	vadd.s32 v2, v6  }
0x5e7: {  	v61 =	vld [tilespmem:$0x1FB40];
	[tilespmem:v31+s28+$0x0] =	vst.idx.msk $0xffff, v29  }
0x5e8: {  	v30 =	vadd.s32 v41, v16;
	[tilespmem:v21+s28+$0x0] =	vst.idx.msk $0xffff, v20  }
0x5e9: {  	v27 =	vadd.s32 v42, v13;
	v17 =	vld.idx.msk [tilespmem:v17+s14+$0x0], $0xffff;
	v25 =	vadd.s32 v41, v57;
	[tilespmem:v26+s28+$0x0] =	vst.idx.msk $0xffff, v22  }
0x5ea: {  	v20 =	vadd.s32 v3, v12;
	v21 =	vld.idx.msk [tilespmem:v23+s14+$0x0], $0xffff;
	v23 =	vadd.s32 v42, v15;
	[tilespmem:v28+s28+$0x0] =	vst.idx.msk $0xffff, v24  }
0x5eb: {  	v29 =	vadd.s32 v3, v14;
	[tilespmem:v19+s28+$0x0] =	vst.idx.msk $0xffff, v18  }
0x5ec: {  	v32 =	vadd.s32 v61, v5;
	v26 =	vld [tilespmem:$0x1FB50]  }
0x5ed: {  	v24 =	vld.idx.msk [tilespmem:v30+s14+$0x0], $0xffff;
	v28 =	vadd.s32 v42, v1;
	v33 =	vadd.s32 v61, v7  }
0x5ee: {  	v19 =	vadd.s32 v42, v50;
	v18 =	vld.idx.msk [tilespmem:v25+s14+$0x0], $0xffff;
	v25 =	vadd.s32 v3, v16;
	[tilespmem:v27+s28+$0x0] =	vst.idx.msk $0xffff, v17  }
0x5ef: {  	v22 =	vadd.s32 v3, v57;
	[tilespmem:v23+s28+$0x0] =	vst.idx.msk $0xffff, v21;
	v17 =	vld.idx.msk [tilespmem:v20+s14+$0x0], $0xffff;
	v20 =	vadd.s32 v2, v13  }
0x5f0: {  	v36 =	vadd.s32 v61, v11;
	v23 =	vadd.s32 v2, v15;
	v21 =	vld.idx.msk [tilespmem:v29+s14+$0x0], $0xffff  }
0x5f1: {  	v39 =	vadd.s32 v61, v9;
	v5 =	vld.idx.msk [tilespmem:v32+s14+$0x0], $0xffff;
	v34 =	vadd.s32 v26, v4  }
0x5f2: {  	v12 =	vadd.s32 v61, v12;
	[tilespmem:v28+s28+$0x0] =	vst.idx.msk $0xffff, v24;
	v7 =	vld.idx.msk [tilespmem:v33+s14+$0x0], $0xffff;
	v38 =	vadd.s32 v26, v10  }
0x5f3: {  	v14 =	vadd.s32 v61, v14;
	[tilespmem:v19+s28+$0x0] =	vst.idx.msk $0xffff, v18;
	v18 =	vld.idx.msk [tilespmem:v25+s14+$0x0], $0xffff;
	v19 =	vadd.s32 v2, v1  }
0x5f4: {  	v42 =	vadd.s32 v2, v50;
	v16 =	vadd.s32 v61, v16;
	v41 =	vld.idx.msk [tilespmem:v22+s14+$0x0], $0xffff;
	[tilespmem:v20+s28+$0x0] =	vst.idx.msk $0xffff, v17  }
0x5f5: {  	v3 =	vadd.s32 v61, v57;
	v45 =	vld.idx.msk [tilespmem:v36+s14+$0x0], $0xffff;
	v46 =	vadd.s32 v26, v6;
	[tilespmem:v23+s28+$0x0] =	vst.idx.msk $0xffff, v21  }
0x5f6: {  	v9 =	vld.idx.msk [tilespmem:v39+s14+$0x0], $0xffff;
	v47 =	vadd.s32 v26, v8;
	[tilespmem:v34+s28+$0x0] =	vst.idx.msk $0xffff, v5  }
0x5f7: {  	v57 =	vadd.s32 v26, v13;
	v54 =	vld.idx.msk [tilespmem:v12+s14+$0x0], $0xffff;
	[tilespmem:v38+s28+$0x0] =	vst.idx.msk $0xffff, v7  }
0x5f8: {  	v13 =	vadd.s32 v26, v15;
	v12 =	vld.idx.msk [tilespmem:v14+s14+$0x0], $0xffff;
	[tilespmem:v19+s28+$0x0] =	vst.idx.msk $0xffff, v18  }
0x5f9: {  	v61 =	vadd.s32 v26, v1;
	[tilespmem:v42+s28+$0x0] =	vst.idx.msk $0xffff, v41;
	v59 =	vld.idx.msk [tilespmem:v16+s14+$0x0], $0xffff  }
0x5fa: {  	v2 =	vadd.s32 v26, v50;
	[tilespmem:v46+s28+$0x0] =	vst.idx.msk $0xffff, v45;
	v3 =	vld.idx.msk [tilespmem:v3+s14+$0x0], $0xffff  }
0x5fb: {  	[tilespmem:v47+s28+$0x0] =	vst.idx.msk $0xffff, v9  }
0x5fc: {  	[tilespmem:v57+s28+$0x0] =	vst.idx.msk $0xffff, v54  }
0x5fd: {  	[tilespmem:v13+s28+$0x0] =	vst.idx.msk $0xffff, v12  }
0x5fe: {  	s0 =	sor.u32 $0x80, s30;
	[tilespmem:v61+s28+$0x0] =	vst.idx.msk $0xffff, v59  }
0x5ff: {  	s1 =	sadd.s32 s2, s0;
	[tilespmem:v2+s28+$0x0] =	vst.idx.msk $0xffff, v3  }
0x600: {  	[hbm4b:s1+s3] =	stream.linear.scatter [tilespmem:s28], [sflag:$0x6], $0x400, $0x38;
	[tilespmem:$0x8100] =	vst v63  }
0x601: {  	s8 =	simm.s32 $0x6500;
	s31 =	sadd.s32 s0, s10  }
0x602: {  	[hbm4b:s31+s3] =	stream.linear.scatter [tilespmem:s8], [sflag:$0x6], $0x400, $0x38;
	[tilespmem:$0x8100] =	vst v63  }
0x603: {  	s30 =	sadd.s32 s0, s11;
	s31 =	simm.s32 $0x6900  }
0x604: {  	[hbm4b:s30+s3] =	stream.linear.scatter [tilespmem:s31], [sflag:$0x6], $0x400, $0x38;
	[tilespmem:$0x8100] =	vst v63  }
0x605: {  	s30 =	sadd.s32 s0, s12;
	s31 =	simm.s32 $0x6D00  }
0x606: {  	[hbm4b:s30+s3] =	stream.linear.scatter [tilespmem:s31], [sflag:$0x6], $0x400, $0x38;
	[tilespmem:$0x8100] =	vst v63  }
0x607: {  	s30 =	sadd.s32 s0, s16;
	s31 =	simm.s32 $0x7100  }
0x608: {  	[hbm4b:s30+s3] =	stream.linear.scatter [tilespmem:s31], [sflag:$0x6], $0x400, $0x38;
	[tilespmem:$0x8100] =	vst v63  }
0x609: {  	s30 =	sadd.s32 s0, s17;
	s31 =	simm.s32 $0x7500  }
0x60a: {  	[hbm4b:s30+s3] =	stream.linear.scatter [tilespmem:s31], [sflag:$0x6], $0x400, $0x38;
	[tilespmem:$0x8100] =	vst v63  }
0x60b: {  	s8 =	sadd.s32 s0, s20;
	s30 =	simm.s32 $0x7900  }
0x60c: {  	[hbm4b:s8+s3] =	stream.linear.scatter [tilespmem:s30], [sflag:$0x6], $0x400, $0x38;
	[tilespmem:$0x8100] =	vst v63  }
0x60d: {  	s0 =	sadd.s32 s0, s21;
	s31 =	simm.s32 $0x7D00  }
0x60e: {  	[hbm4b:s0+s3] =	stream.linear.scatter [tilespmem:s31], [sflag:$0x6], $0x400, $0x38;
	[tilespmem:$0x8100] =	vst v63  }
0x60f: {  	_ =	swait.ge [sflag:s26], $0x80  }
0x610: {  	v46 =	vld [tilespmem:$0x1FFB0]  }
0x611: {  	s29 =	sadd.s32 $0x1, s29;
	v47 =	vld [tilespmem:$0x1FFD0]  }
0x612: {  	p0 =	sne.s32 s29, $0x64;
	v54 =	vld [tilespmem:$0x1FFC0]  }
.Ltmp2:
0x613: {  	v24 =	vld [tilespmem:$0x1FF80];
	(pc) =	sbr.rel @p0 .LBB2_2-.Ltmp2, $4  }
0x614: {  	v29 =	vld [tilespmem:$0x1FF70]  }
0x615: {  	[sflag:s26] =	ssyncset.done $0x0;
	v16 =	vld [tilespmem:$0x1FF30]  }
0x616: {  	v30 =	vmov v56;
	v15 =	vmov v52;
	v26 =	vmov v37;
	v17 =	vld [tilespmem:$0x1FEF0];
	[sflag:s26] =	ssyncadd.s32 $0xFFFFFF80  }
0x617: {  	v25 =	vmovc v35;
	v20 =	vmovc v63;
	v63 =	vmov v49;
	v18 =	vmov v43;
	v59 =	vmov v53;
	v31 =	vld [tilespmem:$0x1FEA0];
	[tilespmem:s14], [sflag:$0x4] =	stream.indirect.gather [hbm4b:s6+s9], $0x40, s9, s9, $0xb8  }
0x618: {  	_ =	swait.ge [sflag:s19], $0x2000  }
0x619: {  	[sflag:s19] =	ssyncset.done $0x0  }
0x61a: {  	[sflag:s19] =	ssyncadd.s32 $0xFFFFE000  }
0x61b: {  	_ =	swait.ge [sflag:s24], $0x2000  }
0x61c: {  	[sflag:s24] =	ssyncset.done $0x0  }
0x61d: {  	[sflag:s24] =	ssyncadd.s32 $0xFFFFE000  }
0x61e: {  	_ =	swait.ge [sflag:s22], $0x2000  }
0x61f: {  	[sflag:s22] =	ssyncset.done $0x0  }
0x620: {  	[sflag:s22] =	ssyncadd.s32 $0xFFFFE000  }
0x621: {  	_ =	swait.ge [sflag:s25], $0x2000  }
0x622: {  	s1 =	rddreg [dreg:$0x16]  }
0x623: {  	s0 =	rddreg [dreg:$0x15];
	s1 =	sadd.s32 $0x1, s1  }
0x624: {  	p0 =	sne.s32 s1, s0  }
.Ltmp3:
0x625: {  	_ = 	snop;
	(pc) =	sbr.rel @p0 .LBB2_1-.Ltmp3, $3  }
0x626: {  	_ =	sdelay $0x1  }
0x627: {  	[sflag:s25] =	ssyncset.done $0x0  }
0x628: {  	[sflag:s25] =	ssyncadd.s32 $0xFFFFE000  }
0x629: {  	_ =	sfence.sel $0x180000  }
0x62a: {  	[bflag:$0x0] =	sbarrier.arrive $0xFFFF  }
0x62b: {  	_ =	strace $0x90000047  }
0x62c: {  	s0 =	stileid.u32;
	[bflag:$0x2] =	sbarrier.arrive $0xFFFF  }
0x62d: {  	p0 =	sne.s32 s0, $0x0;
	s0 =	rddreg [dreg:$0x2]  }
0x62e: {  	s0 =	sadd.s32 @!p0 $0x100000, s0  }
0x62f: {  	[sflag:s0] =	ssyncadd.tile.s32 @!p0 $0x1;
	_ =	shalt  }
.Lfunc_end2:
_tile_overlayer_lowered:
.L_overlay_start_2:
0x630: {  	(tag) =	ssettag $0x2  }
0x631: {  	s0 =	rddreg [dreg:$0x0];
	s2 =	stileid.u32  }
0x632: {  	s1 =	rddreg [dreg:$0x1];
	p0 =	sne.s32 s2, $0x0  }
0x633: {  	s3 =	rddreg [dreg:$0x2];
	[bflag:$0x3] =	sbarrier.arrive $0xFFFF;
	s2 =	simm.s32 @!p0 $0x1C07  }
0x634: {  	[timem:s3], [sflag:s2] =	dma.local @!p0 [hbm:s0], s1  }
0x635: {  	s0 =	simm.s32 @!p0 $0x7  }
0x636: {  	_ =	swait.ge @!p0 [sflag:s0], s1  }
0x637: {  	s1 =	ssub.s32 @!p0 $0x0, s1;
	[sflag:s0] =	ssyncset.done @!p0 $0x0  }
0x638: {  	[sflag:s0] =	ssyncadd.s32 @!p0 s1  }
0x639: {  	[bflag:$0x3] =	sbarrier.arrive $0xFFFF  }
0x63a: {  	_ =	shalt  }

</sc_bundles>
